<compile_context>
chip_gen: v7x
topology: tpu7x:2x2x1
jax: 0.10.2.dev20260603
libtpu: 0.0.44.dev20260713+nightly
codegen_flags: <defaults>
</compile_context>

<pallas_src>
import functools

import jax
import jax.numpy as jnp
from jax import lax
from jax.experimental import pallas as pl
from jax.experimental.pallas import tpu as pltpu
from jax.experimental.pallas import tpu_sc as plsc

N = 10000
E = 320000
D = 128
NW = 32
CHUNK = 128
CPW = 80
EPW = CHUNK * CPW
E_PAD = NW * EPW
NROWS = N + 112
ZROWS = NROWS // 16
NDUMMY = 112

_mesh = plsc.VectorSubcoreMesh(core_axis_name="c", subcore_axis_name="s")


@functools.partial(
    pl.kernel,
    out_type=(
        jax.ShapeDtypeStruct((2, NROWS, 16), jnp.float32),
        jax.ShapeDtypeStruct((2, NROWS, 16), jnp.float32),
    ),
    mesh=_mesh,
    scratch_types=[
        pltpu.VMEM((CPW, CHUNK), jnp.int32),
        pltpu.VMEM((CPW, CHUNK), jnp.int32),
        pltpu.VMEM((CHUNK, 16), jnp.float32),
        pltpu.VMEM_SHARED((NROWS, 16), jnp.float32),
        pltpu.VMEM_SHARED((NROWS, 16), jnp.float32),
        pltpu.SemaphoreType.DMA,
        pltpu.SemaphoreType.DMA,
        pltpu.SemaphoreType.DMA,
        pltpu.SemaphoreType.DMA,
    ],
)
def _deg_pass(srcb_hbm, dstb_hbm, degs_hbm, degd_hbm,
              src_v, dst_v, ones_v, degs_sh, degd_sh,
              sem_a, sem_b, sem_c, sem_d):
    c = lax.axis_index("c")
    s = lax.axis_index("s")
    w = c * 16 + s

    vzero = jnp.zeros((16,), jnp.float32)
    vone = jnp.ones((16,), jnp.float32)

    def fill(i, _):
        ones_v[i, pl.ds(0, 16)] = vzero
        return 0

    lax.fori_loop(0, CHUNK, fill, 0)

    zb = s * ZROWS
    for tgt in (degs_sh, degd_sh):
        for k in range(4):
            pltpu.sync_copy(ones_v, tgt.at[pl.ds(zb + k * 128, 128)])
        pltpu.sync_copy(ones_v.at[pl.ds(0, ZROWS - 512)],
                        tgt.at[pl.ds(zb + 512, ZROWS - 512)])

    def refill(i, _):
        ones_v[i, pl.ds(0, 16)] = vone
        return 0

    lax.fori_loop(0, CHUNK, refill, 0)

    pltpu.sync_copy(srcb_hbm.at[w], src_v)
    pltpu.sync_copy(dstb_hbm.at[w], dst_v)
    plsc.subcore_barrier()

    def chunk(t, _):
        j0 = 2 * t
        d1 = pltpu.async_copy(ones_v, degs_sh.at[src_v.at[j0]], sem_a, add=True)
        d2 = pltpu.async_copy(ones_v, degd_sh.at[dst_v.at[j0]], sem_b, add=True)
        d3 = pltpu.async_copy(ones_v, degs_sh.at[src_v.at[j0 + 1]], sem_c, add=True)
        d4 = pltpu.async_copy(ones_v, degd_sh.at[dst_v.at[j0 + 1]], sem_d, add=True)
        d1.wait()
        d2.wait()
        d3.wait()
        d4.wait()
        return 0

    lax.fori_loop(0, CPW // 2, chunk, 0)
    plsc.subcore_barrier()

    pltpu.sync_copy(degs_sh.at[pl.ds(zb, ZROWS)], degs_hbm.at[c, pl.ds(zb, ZROWS)])
    pltpu.sync_copy(degd_sh.at[pl.ds(zb, ZROWS)], degd_hbm.at[c, pl.ds(zb, ZROWS)])


@functools.partial(
    pl.kernel,
    out_type=jax.ShapeDtypeStruct((2, NROWS, D), jnp.float32),
    mesh=_mesh,
    scratch_types=[
        pltpu.VMEM((CPW // 2, CHUNK), jnp.int32),
        pltpu.VMEM((CPW // 2, CHUNK), jnp.int32),
        pltpu.VMEM((CHUNK, D), jnp.float32),
        pltpu.VMEM((CHUNK, D), jnp.float32),
        pltpu.VMEM_SHARED((NROWS, D), jnp.float32),
        pltpu.SemaphoreType.DMA,
        pltpu.SemaphoreType.DMA,
        pltpu.SemaphoreType.DMA,
        pltpu.SemaphoreType.DMA,
    ],
)
def _edge_pass(hh_hbm, srcb_hbm, dstb_hbm, out_hbm,
               src_v, dst_v, rows_a, rows_b, agg_sh,
               sem_a, sem_b, sem_sa, sem_sb):
    c = lax.axis_index("c")
    s = lax.axis_index("s")
    w = c * 16 + s

    hcpw = CPW // 2
    npair = hcpw // 2

    ia = pltpu.async_copy(srcb_hbm.at[w, pl.ds(0, hcpw)], src_v, sem_sa)
    ib = pltpu.async_copy(dstb_hbm.at[w, pl.ds(0, hcpw)], dst_v, sem_sb)

    vzero = jnp.zeros((16,), jnp.float32)

    def zrow(i, _):
        for k in range(8):
            rows_a[i, pl.ds(k * 16, 16)] = vzero
        return 0

    lax.fori_loop(0, CHUNK, zrow, 0)

    zb = s * ZROWS
    for k in range(4):
        pltpu.sync_copy(rows_a, agg_sh.at[pl.ds(zb + k * 128, 128)])
    pltpu.sync_copy(rows_a.at[pl.ds(0, ZROWS - 512)],
                    agg_sh.at[pl.ds(zb + 512, ZROWS - 512)])

    ia.wait()
    ib.wait()
    pltpu.async_copy(hh_hbm.at[src_v.at[0]], rows_a, sem_a)
    pltpu.async_copy(hh_hbm.at[src_v.at[1]], rows_b, sem_b)
    plsc.subcore_barrier()


    def pair(t, _):
        j0 = 2 * t
        pltpu.make_async_copy(hh_hbm.at[src_v.at[j0]], rows_a, sem_a).wait()
        sa = pltpu.async_copy(rows_a, agg_sh.at[dst_v.at[j0]], sem_sa, add=True)
        pltpu.make_async_copy(hh_hbm.at[src_v.at[j0 + 1]], rows_b, sem_b).wait()
        sb = pltpu.async_copy(rows_b, agg_sh.at[dst_v.at[j0 + 1]], sem_sb, add=True)
        sa.wait()
        pltpu.async_copy(hh_hbm.at[src_v.at[j0 + 2]], rows_a, sem_a)
        sb.wait()
        pltpu.async_copy(hh_hbm.at[src_v.at[j0 + 3]], rows_b, sem_b)
        return 0

    for half in range(2):
        if half == 1:
            pltpu.sync_copy(srcb_hbm.at[w, pl.ds(hcpw, hcpw)], src_v)
            pltpu.sync_copy(dstb_hbm.at[w, pl.ds(hcpw, hcpw)], dst_v)
            pltpu.async_copy(hh_hbm.at[src_v.at[0]], rows_a, sem_a)
            pltpu.async_copy(hh_hbm.at[src_v.at[1]], rows_b, sem_b)
        lax.fori_loop(0, npair - 1, pair, 0)
        jl = hcpw - 2
        pltpu.make_async_copy(hh_hbm.at[src_v.at[jl]], rows_a, sem_a).wait()
        pltpu.sync_copy(rows_a, agg_sh.at[dst_v.at[jl]], add=True)
        pltpu.make_async_copy(hh_hbm.at[src_v.at[jl + 1]], rows_b, sem_b).wait()
        pltpu.sync_copy(rows_b, agg_sh.at[dst_v.at[jl + 1]], add=True)

    plsc.subcore_barrier()

    pltpu.sync_copy(agg_sh.at[pl.ds(zb, ZROWS)], out_hbm.at[c, pl.ds(zb, ZROWS)])


_BLK = 1000
_GRID = N // _BLK


def _col0_norm(dref):
    d = dref[0, :, 0:1] + dref[1, :, 0:1] + 1.0
    return lax.rsqrt(d)


def _scale_body(x_ref, ds_ref, o_ref):
    o_ref[...] = x_ref[...] * _col0_norm(ds_ref)


def _layer_body(p_ref, hh_ref, dd_ref, ds_ref, w_ref, b_ref, o_ref):
    agg = (p_ref[0] + p_ref[1] + hh_ref[...]) * _col0_norm(dd_ref)
    h = jnp.dot(agg, w_ref[...], preferred_element_type=jnp.float32) + b_ref[...]
    h = jnp.maximum(h, 0.0)
    o_ref[...] = h * _col0_norm(ds_ref)


def _final_body(p_ref, hh_ref, dd_ref, wg_ref, bg_ref,
                w1_ref, b1_ref, w2_ref, b2_ref, w3_ref, b3_ref,
                prob_ref, g_ref):
    agg = (p_ref[0] + p_ref[1] + hh_ref[...]) * _col0_norm(dd_ref)
    z = jnp.dot(agg, wg_ref[...], preferred_element_type=jnp.float32) + bg_ref[...]
    g = jax.nn.sigmoid(z) + 1e-8
    g_ref[...] = g
    x = jnp.maximum(jnp.dot(g, w1_ref[...], preferred_element_type=jnp.float32)
                    + b1_ref[...], 0.0)
    x = jnp.maximum(jnp.dot(x, w2_ref[...], preferred_element_type=jnp.float32)
                    + b2_ref[...], 0.0)
    lg = jnp.dot(x, w3_ref[...], preferred_element_type=jnp.float32) + b3_ref[...]
    m = jnp.max(lg, axis=-1, keepdims=True)
    e = jnp.exp(lg - m)
    prob_ref[...] = e / jnp.sum(e, axis=-1, keepdims=True)


def _rows_spec(width):
    return pl.BlockSpec((_BLK, width), lambda i: (i, 0))


def _deg_spec():
    return pl.BlockSpec((2, _BLK, 16), lambda i: (0, i, 0))


def _parts_spec():
    return pl.BlockSpec((2, _BLK, D), lambda i: (0, i, 0))


def _w_spec(r, k):
    return pl.BlockSpec((r, k), lambda i: (0, 0))


def _tc_scale(x, degs):
    return pl.pallas_call(
        _scale_body,
        grid=(_GRID,),
        in_specs=[_rows_spec(D), _deg_spec()],
        out_specs=_rows_spec(D),
        out_shape=jax.ShapeDtypeStruct((N, D), jnp.float32),
    )(x, degs)


def _tc_layer(parts, hh, degd, degs, w, b):
    return pl.pallas_call(
        _layer_body,
        grid=(_GRID,),
        in_specs=[_parts_spec(), _rows_spec(D), _deg_spec(), _deg_spec(),
                  _w_spec(D, D), _w_spec(1, D)],
        out_specs=_rows_spec(D),
        out_shape=jax.ShapeDtypeStruct((N, D), jnp.float32),
    )(parts, hh, degd, degs, w, b)


def _tc_final(parts, hh, degd, wg, bg, w1, b1, w2, b2, w3, b3):
    return pl.pallas_call(
        _final_body,
        grid=(_GRID,),
        in_specs=[_parts_spec(), _rows_spec(D), _deg_spec(),
                  _w_spec(D, D), _w_spec(1, D),
                  _w_spec(D, 256), _w_spec(1, 256),
                  _w_spec(256, 256), _w_spec(1, 256),
                  _w_spec(256, 16), _w_spec(1, 16)],
        out_specs=[_rows_spec(16), _rows_spec(D)],
        out_shape=[jax.ShapeDtypeStruct((N, 16), jnp.float32),
                   jax.ShapeDtypeStruct((N, D), jnp.float32)],
    )(parts, hh, degd, wg, bg, w1, b1, w2, b2, w3, b3)


def kernel(actor_input, edge_index, W_g1, b_g1, W_g2, b_g2, W_g3, b_g3,
           W_f1, b_f1, W_f2, b_f2, W_f3, b_f3):
    src = edge_index[0].astype(jnp.int32)
    dst = edge_index[1].astype(jnp.int32)

    npad = E_PAD - E
    pad = jnp.arange(npad, dtype=jnp.int32)
    src_edge_b = jnp.concatenate([src, pad % N]).reshape(NW, CPW, CHUNK)
    src_deg_b = jnp.concatenate([src, N + pad % NDUMMY]).reshape(NW, CPW, CHUNK)
    dst_b = jnp.concatenate([dst, N + pad % NDUMMY]).reshape(NW, CPW, CHUNK)

    degs, degd = _deg_pass(src_deg_b, dst_b)

    hh1 = _tc_scale(actor_input.astype(jnp.float32), degs)
    p1 = _edge_pass(hh1, src_edge_b, dst_b)
    hh2 = _tc_layer(p1, hh1, degd, degs, W_g1, b_g1.reshape(1, -1))
    p2 = _edge_pass(hh2, src_edge_b, dst_b)
    hh3 = _tc_layer(p2, hh2, degd, degs, W_g2, b_g2.reshape(1, -1))
    p3 = _edge_pass(hh3, src_edge_b, dst_b)
    prob, gnn_output = _tc_final(p3, hh3, degd, W_g3, b_g3.reshape(1, -1),
                                 W_f1, b_f1.reshape(1, -1),
                                 W_f2, b_f2.reshape(1, -1),
                                 W_f3, b_f3.reshape(1, -1))
    return (prob, gnn_output)

# --- scband reference (transcript-rebuilt; emitter-appended) ---
"""Pipeline reference for scband-gnn-mlp-actor-46729244180499 (READ-ONLY COPY).

The authoritative reference and input builder live on the scoring server;
editing this copy changes nothing except your own understanding.
"""

import jax, jax.numpy as jnp
import numpy as np

N_NODES = 10000
N_EDGES = 320000
D_FEAT = 128
N_HIDDEN = 128
EMBED_DIM = 128
MLP_HIDDEN = 256
ACTION_DIM = 16


def graph_conv(h, src, dst, W, b, n):
    # DGL GraphConv with norm='both': out = D_in^{-1/2} A D_out^{-1/2} h W + b
    deg_out = jnp.zeros((n,), jnp.float32).at[src].add(1.0)
    deg_in = jnp.zeros((n,), jnp.float32).at[dst].add(1.0)
    norm_src = jnp.where(deg_out > 0, jax.lax.rsqrt(deg_out), 0.0)
    norm_dst = jnp.where(deg_in > 0, jax.lax.rsqrt(deg_in), 0.0)
    hh = h * norm_src[:, None]
    msgs = hh[src]
    agg = jnp.zeros((n, h.shape[1]), h.dtype).at[dst].add(msgs)
    agg = agg * norm_dst[:, None]
    return agg @ W + b


def setup_inputs(seed: int = 0) -> dict:
    key = jax.random.key(seed)
    ks = jax.random.split(key, 16)
    actor_input = jax.random.normal(ks[0], (N_NODES, D_FEAT), jnp.float32)
    edge_index = jax.random.randint(ks[1], (2, N_EDGES), 0, N_NODES, jnp.int32)
    s = 1.0 / np.sqrt(D_FEAT)
    W_g1 = jax.random.normal(ks[2], (D_FEAT, N_HIDDEN), jnp.float32) * s
    b_g1 = jnp.zeros((N_HIDDEN,), jnp.float32)
    sh = 1.0 / np.sqrt(N_HIDDEN)
    W_g2 = jax.random.normal(ks[3], (N_HIDDEN, N_HIDDEN), jnp.float32) * sh
    b_g2 = jnp.zeros((N_HIDDEN,), jnp.float32)
    W_g3 = jax.random.normal(ks[4], (N_HIDDEN, EMBED_DIM), jnp.float32) * sh
    b_g3 = jnp.zeros((EMBED_DIM,), jnp.float32)
    se = 1.0 / np.sqrt(EMBED_DIM)
    W_f1 = jax.random.normal(ks[5], (EMBED_DIM, MLP_HIDDEN), jnp.float32) * se
    b_f1 = jnp.zeros((MLP_HIDDEN,), jnp.float32)
    sm = 1.0 / np.sqrt(MLP_HIDDEN)
    W_f2 = jax.random.normal(ks[6], (MLP_HIDDEN, MLP_HIDDEN), jnp.float32) * sm
    b_f2 = jnp.zeros((MLP_HIDDEN,), jnp.float32)
    W_f3 = jax.random.normal(ks[7], (MLP_HIDDEN, ACTION_DIM), jnp.float32) * sm * 0.01
    b_f3 = jnp.zeros((ACTION_DIM,), jnp.float32)
    return {"actor_input": actor_input, "edge_index": edge_index,
            "W_g1": W_g1, "b_g1": b_g1, "W_g2": W_g2, "b_g2": b_g2,
            "W_g3": W_g3, "b_g3": b_g3, "W_f1": W_f1, "b_f1": b_f1,
            "W_f2": W_f2, "b_f2": b_f2, "W_f3": W_f3, "b_f3": b_f3}


def reference(actor_input, edge_index, W_g1, b_g1, W_g2, b_g2, W_g3, b_g3,
              W_f1, b_f1, W_f2, b_f2, W_f3, b_f3):
    n = N_NODES
    # dgl.add_self_loop
    loops = jnp.arange(n, dtype=edge_index.dtype)
    src = jnp.concatenate([edge_index[0], loops])
    dst = jnp.concatenate([edge_index[1], loops])
    h = actor_input.astype(jnp.float32)
    # GCN: layer 1 (relu), layer 2 (relu), layer 3 (positive_safe_sigmoid)
    h = jax.nn.relu(graph_conv(h, src, dst, W_g1, b_g1, n))
    h = jax.nn.relu(graph_conv(h, src, dst, W_g2, b_g2, n))
    h = jax.nn.sigmoid(graph_conv(h, src, dst, W_g3, b_g3, n)) + 1e-08
    gnn_output = h
    # Actor_MLP (use_relu=1)
    x = jax.nn.relu(gnn_output @ W_f1 + b_f1)
    x = jax.nn.relu(x @ W_f2 + b_f2)
    prob = jax.nn.softmax(x @ W_f3 + b_f3, axis=-1)
    return (prob, gnn_output)

if __name__ == "__main__":
    import jax
    _d = setup_inputs()
    print(jax.jit(kernel)(*tuple(_d.values())))

</pallas_src>

<mosaic_0001>
#map = affine_map<(d0, d1) -> (0, 0, 0)>
module attributes {stable_mosaic.version = 14 : i64} {
  func.func @_deg_pass(%arg0: i32, %arg1: i32, %arg2: memref<32x80x128xi32, #tpu.memory_space<hbm>>, %arg3: memref<32x80x128xi32, #tpu.memory_space<hbm>>, %arg4: memref<2x10112x16xf32, #tpu.memory_space<hbm>>, %arg5: memref<2x10112x16xf32, #tpu.memory_space<hbm>>, %arg6: memref<80x128xi32, #tpu.memory_space<vmem>>, %arg7: memref<80x128xi32, #tpu.memory_space<vmem>>, %arg8: memref<128x16xf32, #tpu.memory_space<vmem>>, %arg9: memref<10112x16xf32, #tpu.memory_space<vmem_shared>>, %arg10: memref<10112x16xf32, #tpu.memory_space<vmem_shared>>, %arg11: memref<!tpu.dma_semaphore, #tpu.memory_space<semaphore_mem>>, %arg12: memref<!tpu.dma_semaphore, #tpu.memory_space<semaphore_mem>>, %arg13: memref<!tpu.dma_semaphore, #tpu.memory_space<semaphore_mem>>, %arg14: memref<!tpu.dma_semaphore, #tpu.memory_space<semaphore_mem>>) attributes {dimension_semantics = [#tpu.dimension_semantics<core_parallel>, #tpu.dimension_semantics<subcore_parallel>], iteration_bounds = array<i64: 2, 16>, scalar_prefetch = 0 : i64, scratch_operands = 9 : i64, tpu.core_type = #tpu.core_type<sc_vector_subcore>, window_params = [{transform_indices = #map}, {transform_indices = #map}, {transform_indices = #map}, {transform_indices = #map}]} {
    %mul3A = arith.constant 16 : i32
    %mul3A_0 = arith.muli %arg0, %mul3A : i32
    %add3A = arith.addi %mul3A_0, %arg1 : i32
    %broadcast_in_dim3A = arith.constant 0.000000e+00 : f32
    %broadcast_in_dim3A_1 = vector.broadcast %broadcast_in_dim3A : f32 to vector<16xf32>
    %broadcast_in_dim3A_2 = arith.constant 1.000000e+00 : f32
    %broadcast_in_dim3A_3 = vector.broadcast %broadcast_in_dim3A_2 : f32 to vector<16xf32>
    %scan3A = arith.constant 0 : i32
    %scan3A_4 = arith.constant 0 : i32
    %scan3A_5 = arith.constant 128 : i32
    %scan3A_6 = arith.addi %scan3A_4, %scan3A_5 : i32
    %scan3A_7 = arith.constant 1 : i32
    %scan3A_8 = scf.for %scan3A_47 = %scan3A_4 to %scan3A_6 step %scan3A_7 iter_args(%scan3A_48 = %scan3A) -> (i32)  : i32 {
      %swap3A = arith.index_cast %scan3A_47 : i32 to index
      %swap3A_49 = arith.constant 0 : index
      %swap3A_50 = tpu.vector_load %arg8[%swap3A, %swap3A_49] {strides = array<i32>} : memref<128x16xf32, #tpu.memory_space<vmem>>, vector<1x16xf32>,
      %swap3A_51 = vector.shape_cast %swap3A_50 : vector<1x16xf32> to vector<16xf32>
      %swap3A_52 = vector.shape_cast %broadcast_in_dim3A_1 : vector<16xf32> to vector<1x16xf32>
      tpu.vector_store %arg8[%swap3A, %swap3A_49], %swap3A_52 {strides = array<i32>} : memref<128x16xf32, #tpu.memory_space<vmem>>, vector<1x16xf32>,
      %scan3A_53 = arith.constant 0 : i32
      scf.yield %scan3A_53 : i32
    }
    %scan3A_9 = arith.constant 128 : i32
    %mul3A_10 = arith.constant 632 : i32
    %mul3A_11 = arith.muli %arg1, %mul3A_10 : i32
    %add3A_12 = arith.constant 0 : i32
    %add3A_13 = arith.addi %mul3A_11, %add3A_12 : i32
    "tpu.region"() ({
      %run_scoped3A = tpu.sem_alloc : memref<!tpu.dma_semaphore, #tpu.memory_space<semaphore_mem>>
      %dma_start3A = arith.constant 0 : i32
      %dma_start3A_47 = tpu.memref_slice %arg9[%add3A_13, %dma_start3A] : memref<10112x16xf32, #tpu.memory_space<vmem_shared>> -> memref<128x16xf32, #tpu.memory_space<vmem_shared>>
      %dma_start3A_48 = arith.constant 0 : i32
      %dma_start3A_49 = tpu.memref_slice %arg9[%add3A_13, %dma_start3A_48] : memref<10112x16xf32, #tpu.memory_space<vmem_shared>> -> memref<128x16xf32, #tpu.memory_space<vmem_shared>>
      tpu.enqueue_dma source(%arg8 : memref<128x16xf32, #tpu.memory_space<vmem>>) target(%dma_start3A_49 : memref<128x16xf32, #tpu.memory_space<vmem_shared>>) target_semaphore(%run_scoped3A : memref<!tpu.dma_semaphore, #tpu.memory_space<semaphore_mem>>)
      %dma_wait3A = arith.constant 0 : i32
      %dma_wait3A_50 = tpu.memref_slice %arg9[%add3A_13, %dma_wait3A] : memref<10112x16xf32, #tpu.memory_space<vmem_shared>> -> memref<128x16xf32, #tpu.memory_space<vmem_shared>>
      %dma_wait3A_51 = arith.constant 0 : i32
      %dma_wait3A_52 = tpu.memref_slice %arg9[%add3A_13, %dma_wait3A_51] : memref<10112x16xf32, #tpu.memory_space<vmem_shared>> -> memref<128x16xf32, #tpu.memory_space<vmem_shared>>
      tpu.wait_dma2 semaphore(%run_scoped3A : memref<!tpu.dma_semaphore, #tpu.memory_space<semaphore_mem>>) src(%arg8 : memref<128x16xf32, #tpu.memory_space<vmem>>) dst(%dma_wait3A_52 : memref<128x16xf32, #tpu.memory_space<vmem_shared>>)
      tpu.yield
    }) : () -> ()
    %add3A_14 = arith.constant 128 : i32
    %add3A_15 = arith.addi %mul3A_11, %add3A_14 : i32
    "tpu.region"() ({
      %run_scoped3A = tpu.sem_alloc : memref<!tpu.dma_semaphore, #tpu.memory_space<semaphore_mem>>
      %dma_start3A = arith.constant 0 : i32
      %dma_start3A_47 = tpu.memref_slice %arg9[%add3A_15, %dma_start3A] : memref<10112x16xf32, #tpu.memory_space<vmem_shared>> -> memref<128x16xf32, #tpu.memory_space<vmem_shared>>
      %dma_start3A_48 = arith.constant 0 : i32
      %dma_start3A_49 = tpu.memref_slice %arg9[%add3A_15, %dma_start3A_48] : memref<10112x16xf32, #tpu.memory_space<vmem_shared>> -> memref<128x16xf32, #tpu.memory_space<vmem_shared>>
      tpu.enqueue_dma source(%arg8 : memref<128x16xf32, #tpu.memory_space<vmem>>) target(%dma_start3A_49 : memref<128x16xf32, #tpu.memory_space<vmem_shared>>) target_semaphore(%run_scoped3A : memref<!tpu.dma_semaphore, #tpu.memory_space<semaphore_mem>>)
      %dma_wait3A = arith.constant 0 : i32
      %dma_wait3A_50 = tpu.memref_slice %arg9[%add3A_15, %dma_wait3A] : memref<10112x16xf32, #tpu.memory_space<vmem_shared>> -> memref<128x16xf32, #tpu.memory_space<vmem_shared>>
      %dma_wait3A_51 = arith.constant 0 : i32
      %dma_wait3A_52 = tpu.memref_slice %arg9[%add3A_15, %dma_wait3A_51] : memref<10112x16xf32, #tpu.memory_space<vmem_shared>> -> memref<128x16xf32, #tpu.memory_space<vmem_shared>>
      tpu.wait_dma2 semaphore(%run_scoped3A : memref<!tpu.dma_semaphore, #tpu.memory_space<semaphore_mem>>) src(%arg8 : memref<128x16xf32, #tpu.memory_space<vmem>>) dst(%dma_wait3A_52 : memref<128x16xf32, #tpu.memory_space<vmem_shared>>)
      tpu.yield
    }) : () -> ()
    %add3A_16 = arith.constant 256 : i32
    %add3A_17 = arith.addi %mul3A_11, %add3A_16 : i32
    "tpu.region"() ({
      %run_scoped3A = tpu.sem_alloc : memref<!tpu.dma_semaphore, #tpu.memory_space<semaphore_mem>>
      %dma_start3A = arith.constant 0 : i32
      %dma_start3A_47 = tpu.memref_slice %arg9[%add3A_17, %dma_start3A] : memref<10112x16xf32, #tpu.memory_space<vmem_shared>> -> memref<128x16xf32, #tpu.memory_space<vmem_shared>>
      %dma_start3A_48 = arith.constant 0 : i32
      %dma_start3A_49 = tpu.memref_slice %arg9[%add3A_17, %dma_start3A_48] : memref<10112x16xf32, #tpu.memory_space<vmem_shared>> -> memref<128x16xf32, #tpu.memory_space<vmem_shared>>
      tpu.enqueue_dma source(%arg8 : memref<128x16xf32, #tpu.memory_space<vmem>>) target(%dma_start3A_49 : memref<128x16xf32, #tpu.memory_space<vmem_shared>>) target_semaphore(%run_scoped3A : memref<!tpu.dma_semaphore, #tpu.memory_space<semaphore_mem>>)
      %dma_wait3A = arith.constant 0 : i32
      %dma_wait3A_50 = tpu.memref_slice %arg9[%add3A_17, %dma_wait3A] : memref<10112x16xf32, #tpu.memory_space<vmem_shared>> -> memref<128x16xf32, #tpu.memory_space<vmem_shared>>
      %dma_wait3A_51 = arith.constant 0 : i32
      %dma_wait3A_52 = tpu.memref_slice %arg9[%add3A_17, %dma_wait3A_51] : memref<10112x16xf32, #tpu.memory_space<vmem_shared>> -> memref<128x16xf32, #tpu.memory_space<vmem_shared>>
      tpu.wait_dma2 semaphore(%run_scoped3A : memref<!tpu.dma_semaphore, #tpu.memory_space<semaphore_mem>>) src(%arg8 : memref<128x16xf32, #tpu.memory_space<vmem>>) dst(%dma_wait3A_52 : memref<128x16xf32, #tpu.memory_space<vmem_shared>>)
      tpu.yield
    }) : () -> ()
    %add3A_18 = arith.constant 384 : i32
    %add3A_19 = arith.addi %mul3A_11, %add3A_18 : i32
    "tpu.region"() ({
      %run_scoped3A = tpu.sem_alloc : memref<!tpu.dma_semaphore, #tpu.memory_space<semaphore_mem>>
      %dma_start3A = arith.constant 0 : i32
      %dma_start3A_47 = tpu.memref_slice %arg9[%add3A_19, %dma_start3A] : memref<10112x16xf32, #tpu.memory_space<vmem_shared>> -> memref<128x16xf32, #tpu.memory_space<vmem_shared>>
      %dma_start3A_48 = arith.constant 0 : i32
      %dma_start3A_49 = tpu.memref_slice %arg9[%add3A_19, %dma_start3A_48] : memref<10112x16xf32, #tpu.memory_space<vmem_shared>> -> memref<128x16xf32, #tpu.memory_space<vmem_shared>>
      tpu.enqueue_dma source(%arg8 : memref<128x16xf32, #tpu.memory_space<vmem>>) target(%dma_start3A_49 : memref<128x16xf32, #tpu.memory_space<vmem_shared>>) target_semaphore(%run_scoped3A : memref<!tpu.dma_semaphore, #tpu.memory_space<semaphore_mem>>)
      %dma_wait3A = arith.constant 0 : i32
      %dma_wait3A_50 = tpu.memref_slice %arg9[%add3A_19, %dma_wait3A] : memref<10112x16xf32, #tpu.memory_space<vmem_shared>> -> memref<128x16xf32, #tpu.memory_space<vmem_shared>>
      %dma_wait3A_51 = arith.constant 0 : i32
      %dma_wait3A_52 = tpu.memref_slice %arg9[%add3A_19, %dma_wait3A_51] : memref<10112x16xf32, #tpu.memory_space<vmem_shared>> -> memref<128x16xf32, #tpu.memory_space<vmem_shared>>
      tpu.wait_dma2 semaphore(%run_scoped3A : memref<!tpu.dma_semaphore, #tpu.memory_space<semaphore_mem>>) src(%arg8 : memref<128x16xf32, #tpu.memory_space<vmem>>) dst(%dma_wait3A_52 : memref<128x16xf32, #tpu.memory_space<vmem_shared>>)
      tpu.yield
    }) : () -> ()
    %add3A_20 = arith.constant 512 : i32
    %add3A_21 = arith.addi %mul3A_11, %add3A_20 : i32
    "tpu.region"() ({
      %run_scoped3A = tpu.sem_alloc : memref<!tpu.dma_semaphore, #tpu.memory_space<semaphore_mem>>
      %dma_start3A = arith.constant 0 : i32
      %dma_start3A_47 = arith.constant 0 : i32
      %dma_start3A_48 = tpu.memref_slice %arg8[%dma_start3A, %dma_start3A_47] : memref<128x16xf32, #tpu.memory_space<vmem>> -> memref<120x16xf32, #tpu.memory_space<vmem>>
      %dma_start3A_49 = arith.constant 0 : i32
      %dma_start3A_50 = tpu.memref_slice %arg9[%add3A_21, %dma_start3A_49] : memref<10112x16xf32, #tpu.memory_space<vmem_shared>> -> memref<120x16xf32, #tpu.memory_space<vmem_shared>>
      %dma_start3A_51 = arith.constant 0 : i32
      %dma_start3A_52 = tpu.memref_slice %arg9[%add3A_21, %dma_start3A_51] : memref<10112x16xf32, #tpu.memory_space<vmem_shared>> -> memref<120x16xf32, #tpu.memory_space<vmem_shared>>
      %dma_start3A_53 = arith.constant 0 : i32
      %dma_start3A_54 = arith.constant 0 : i32
      %dma_start3A_55 = tpu.memref_slice %arg8[%dma_start3A_53, %dma_start3A_54] : memref<128x16xf32, #tpu.memory_space<vmem>> -> memref<120x16xf32, #tpu.memory_space<vmem>>
      tpu.enqueue_dma source(%dma_start3A_55 : memref<120x16xf32, #tpu.memory_space<vmem>>) target(%dma_start3A_52 : memref<120x16xf32, #tpu.memory_space<vmem_shared>>) target_semaphore(%run_scoped3A : memref<!tpu.dma_semaphore, #tpu.memory_space<semaphore_mem>>)
      %dma_wait3A = arith.constant 0 : i32
      %dma_wait3A_56 = arith.constant 0 : i32
      %dma_wait3A_57 = tpu.memref_slice %arg8[%dma_wait3A, %dma_wait3A_56] : memref<128x16xf32, #tpu.memory_space<vmem>> -> memref<120x16xf32, #tpu.memory_space<vmem>>
      %dma_wait3A_58 = arith.constant 0 : i32
      %dma_wait3A_59 = tpu.memref_slice %arg9[%add3A_21, %dma_wait3A_58] : memref<10112x16xf32, #tpu.memory_space<vmem_shared>> -> memref<120x16xf32, #tpu.memory_space<vmem_shared>>
      %dma_wait3A_60 = arith.constant 0 : i32
      %dma_wait3A_61 = tpu.memref_slice %arg9[%add3A_21, %dma_wait3A_60] : memref<10112x16xf32, #tpu.memory_space<vmem_shared>> -> memref<120x16xf32, #tpu.memory_space<vmem_shared>>
      %dma_wait3A_62 = arith.constant 0 : i32
      %dma_wait3A_63 = arith.constant 0 : i32
      %dma_wait3A_64 = tpu.memref_slice %arg8[%dma_wait3A_62, %dma_wait3A_63] : memref<128x16xf32, #tpu.memory_space<vmem>> -> memref<120x16xf32, #tpu.memory_space<vmem>>
      tpu.wait_dma2 semaphore(%run_scoped3A : memref<!tpu.dma_semaphore, #tpu.memory_space<semaphore_mem>>) src(%dma_wait3A_64 : memref<120x16xf32, #tpu.memory_space<vmem>>) dst(%dma_wait3A_61 : memref<120x16xf32, #tpu.memory_space<vmem_shared>>)
      tpu.yield
    }) : () -> ()
    %add3A_22 = arith.constant 0 : i32
    %add3A_23 = arith.addi %mul3A_11, %add3A_22 : i32
    "tpu.region"() ({
      %run_scoped3A = tpu.sem_alloc : memref<!tpu.dma_semaphore, #tpu.memory_space<semaphore_mem>>
      %dma_start3A = arith.constant 0 : i32
      %dma_start3A_47 = tpu.memref_slice %arg10[%add3A_23, %dma_start3A] : memref<10112x16xf32, #tpu.memory_space<vmem_shared>> -> memref<128x16xf32, #tpu.memory_space<vmem_shared>>
      %dma_start3A_48 = arith.constant 0 : i32
      %dma_start3A_49 = tpu.memref_slice %arg10[%add3A_23, %dma_start3A_48] : memref<10112x16xf32, #tpu.memory_space<vmem_shared>> -> memref<128x16xf32, #tpu.memory_space<vmem_shared>>
      tpu.enqueue_dma source(%arg8 : memref<128x16xf32, #tpu.memory_space<vmem>>) target(%dma_start3A_49 : memref<128x16xf32, #tpu.memory_space<vmem_shared>>) target_semaphore(%run_scoped3A : memref<!tpu.dma_semaphore, #tpu.memory_space<semaphore_mem>>)
      %dma_wait3A = arith.constant 0 : i32
      %dma_wait3A_50 = tpu.memref_slice %arg10[%add3A_23, %dma_wait3A] : memref<10112x16xf32, #tpu.memory_space<vmem_shared>> -> memref<128x16xf32, #tpu.memory_space<vmem_shared>>
      %dma_wait3A_51 = arith.constant 0 : i32
      %dma_wait3A_52 = tpu.memref_slice %arg10[%add3A_23, %dma_wait3A_51] : memref<10112x16xf32, #tpu.memory_space<vmem_shared>> -> memref<128x16xf32, #tpu.memory_space<vmem_shared>>
      tpu.wait_dma2 semaphore(%run_scoped3A : memref<!tpu.dma_semaphore, #tpu.memory_space<semaphore_mem>>) src(%arg8 : memref<128x16xf32, #tpu.memory_space<vmem>>) dst(%dma_wait3A_52 : memref<128x16xf32, #tpu.memory_space<vmem_shared>>)
      tpu.yield
    }) : () -> ()
    %add3A_24 = arith.constant 128 : i32
    %add3A_25 = arith.addi %mul3A_11, %add3A_24 : i32
    "tpu.region"() ({
      %run_scoped3A = tpu.sem_alloc : memref<!tpu.dma_semaphore, #tpu.memory_space<semaphore_mem>>
      %dma_start3A = arith.constant 0 : i32
      %dma_start3A_47 = tpu.memref_slice %arg10[%add3A_25, %dma_start3A] : memref<10112x16xf32, #tpu.memory_space<vmem_shared>> -> memref<128x16xf32, #tpu.memory_space<vmem_shared>>
      %dma_start3A_48 = arith.constant 0 : i32
      %dma_start3A_49 = tpu.memref_slice %arg10[%add3A_25, %dma_start3A_48] : memref<10112x16xf32, #tpu.memory_space<vmem_shared>> -> memref<128x16xf32, #tpu.memory_space<vmem_shared>>
      tpu.enqueue_dma source(%arg8 : memref<128x16xf32, #tpu.memory_space<vmem>>) target(%dma_start3A_49 : memref<128x16xf32, #tpu.memory_space<vmem_shared>>) target_semaphore(%run_scoped3A : memref<!tpu.dma_semaphore, #tpu.memory_space<semaphore_mem>>)
      %dma_wait3A = arith.constant 0 : i32
      %dma_wait3A_50 = tpu.memref_slice %arg10[%add3A_25, %dma_wait3A] : memref<10112x16xf32, #tpu.memory_space<vmem_shared>> -> memref<128x16xf32, #tpu.memory_space<vmem_shared>>
      %dma_wait3A_51 = arith.constant 0 : i32
      %dma_wait3A_52 = tpu.memref_slice %arg10[%add3A_25, %dma_wait3A_51] : memref<10112x16xf32, #tpu.memory_space<vmem_shared>> -> memref<128x16xf32, #tpu.memory_space<vmem_shared>>
      tpu.wait_dma2 semaphore(%run_scoped3A : memref<!tpu.dma_semaphore, #tpu.memory_space<semaphore_mem>>) src(%arg8 : memref<128x16xf32, #tpu.memory_space<vmem>>) dst(%dma_wait3A_52 : memref<128x16xf32, #tpu.memory_space<vmem_shared>>)
      tpu.yield
    }) : () -> ()
    %add3A_26 = arith.constant 256 : i32
    %add3A_27 = arith.addi %mul3A_11, %add3A_26 : i32
    "tpu.region"() ({
      %run_scoped3A = tpu.sem_alloc : memref<!tpu.dma_semaphore, #tpu.memory_space<semaphore_mem>>
      %dma_start3A = arith.constant 0 : i32
      %dma_start3A_47 = tpu.memref_slice %arg10[%add3A_27, %dma_start3A] : memref<10112x16xf32, #tpu.memory_space<vmem_shared>> -> memref<128x16xf32, #tpu.memory_space<vmem_shared>>
      %dma_start3A_48 = arith.constant 0 : i32
      %dma_start3A_49 = tpu.memref_slice %arg10[%add3A_27, %dma_start3A_48] : memref<10112x16xf32, #tpu.memory_space<vmem_shared>> -> memref<128x16xf32, #tpu.memory_space<vmem_shared>>
      tpu.enqueue_dma source(%arg8 : memref<128x16xf32, #tpu.memory_space<vmem>>) target(%dma_start3A_49 : memref<128x16xf32, #tpu.memory_space<vmem_shared>>) target_semaphore(%run_scoped3A : memref<!tpu.dma_semaphore, #tpu.memory_space<semaphore_mem>>)
      %dma_wait3A = arith.constant 0 : i32
      %dma_wait3A_50 = tpu.memref_slice %arg10[%add3A_27, %dma_wait3A] : memref<10112x16xf32, #tpu.memory_space<vmem_shared>> -> memref<128x16xf32, #tpu.memory_space<vmem_shared>>
      %dma_wait3A_51 = arith.constant 0 : i32
      %dma_wait3A_52 = tpu.memref_slice %arg10[%add3A_27, %dma_wait3A_51] : memref<10112x16xf32, #tpu.memory_space<vmem_shared>> -> memref<128x16xf32, #tpu.memory_space<vmem_shared>>
      tpu.wait_dma2 semaphore(%run_scoped3A : memref<!tpu.dma_semaphore, #tpu.memory_space<semaphore_mem>>) src(%arg8 : memref<128x16xf32, #tpu.memory_space<vmem>>) dst(%dma_wait3A_52 : memref<128x16xf32, #tpu.memory_space<vmem_shared>>)
      tpu.yield
    }) : () -> ()
    %add3A_28 = arith.constant 384 : i32
    %add3A_29 = arith.addi %mul3A_11, %add3A_28 : i32
    "tpu.region"() ({
      %run_scoped3A = tpu.sem_alloc : memref<!tpu.dma_semaphore, #tpu.memory_space<semaphore_mem>>
      %dma_start3A = arith.constant 0 : i32
      %dma_start3A_47 = tpu.memref_slice %arg10[%add3A_29, %dma_start3A] : memref<10112x16xf32, #tpu.memory_space<vmem_shared>> -> memref<128x16xf32, #tpu.memory_space<vmem_shared>>
      %dma_start3A_48 = arith.constant 0 : i32
      %dma_start3A_49 = tpu.memref_slice %arg10[%add3A_29, %dma_start3A_48] : memref<10112x16xf32, #tpu.memory_space<vmem_shared>> -> memref<128x16xf32, #tpu.memory_space<vmem_shared>>
      tpu.enqueue_dma source(%arg8 : memref<128x16xf32, #tpu.memory_space<vmem>>) target(%dma_start3A_49 : memref<128x16xf32, #tpu.memory_space<vmem_shared>>) target_semaphore(%run_scoped3A : memref<!tpu.dma_semaphore, #tpu.memory_space<semaphore_mem>>)
      %dma_wait3A = arith.constant 0 : i32
      %dma_wait3A_50 = tpu.memref_slice %arg10[%add3A_29, %dma_wait3A] : memref<10112x16xf32, #tpu.memory_space<vmem_shared>> -> memref<128x16xf32, #tpu.memory_space<vmem_shared>>
      %dma_wait3A_51 = arith.constant 0 : i32
      %dma_wait3A_52 = tpu.memref_slice %arg10[%add3A_29, %dma_wait3A_51] : memref<10112x16xf32, #tpu.memory_space<vmem_shared>> -> memref<128x16xf32, #tpu.memory_space<vmem_shared>>
      tpu.wait_dma2 semaphore(%run_scoped3A : memref<!tpu.dma_semaphore, #tpu.memory_space<semaphore_mem>>) src(%arg8 : memref<128x16xf32, #tpu.memory_space<vmem>>) dst(%dma_wait3A_52 : memref<128x16xf32, #tpu.memory_space<vmem_shared>>)
      tpu.yield
    }) : () -> ()
    %add3A_30 = arith.constant 512 : i32
    %add3A_31 = arith.addi %mul3A_11, %add3A_30 : i32
    "tpu.region"() ({
      %run_scoped3A = tpu.sem_alloc : memref<!tpu.dma_semaphore, #tpu.memory_space<semaphore_mem>>
      %dma_start3A = arith.constant 0 : i32
      %dma_start3A_47 = arith.constant 0 : i32
      %dma_start3A_48 = tpu.memref_slice %arg8[%dma_start3A, %dma_start3A_47] : memref<128x16xf32, #tpu.memory_space<vmem>> -> memref<120x16xf32, #tpu.memory_space<vmem>>
      %dma_start3A_49 = arith.constant 0 : i32
      %dma_start3A_50 = tpu.memref_slice %arg10[%add3A_31, %dma_start3A_49] : memref<10112x16xf32, #tpu.memory_space<vmem_shared>> -> memref<120x16xf32, #tpu.memory_space<vmem_shared>>
      %dma_start3A_51 = arith.constant 0 : i32
      %dma_start3A_52 = tpu.memref_slice %arg10[%add3A_31, %dma_start3A_51] : memref<10112x16xf32, #tpu.memory_space<vmem_shared>> -> memref<120x16xf32, #tpu.memory_space<vmem_shared>>
      %dma_start3A_53 = arith.constant 0 : i32
      %dma_start3A_54 = arith.constant 0 : i32
      %dma_start3A_55 = tpu.memref_slice %arg8[%dma_start3A_53, %dma_start3A_54] : memref<128x16xf32, #tpu.memory_space<vmem>> -> memref<120x16xf32, #tpu.memory_space<vmem>>
      tpu.enqueue_dma source(%dma_start3A_55 : memref<120x16xf32, #tpu.memory_space<vmem>>) target(%dma_start3A_52 : memref<120x16xf32, #tpu.memory_space<vmem_shared>>) target_semaphore(%run_scoped3A : memref<!tpu.dma_semaphore, #tpu.memory_space<semaphore_mem>>)
      %dma_wait3A = arith.constant 0 : i32
      %dma_wait3A_56 = arith.constant 0 : i32
      %dma_wait3A_57 = tpu.memref_slice %arg8[%dma_wait3A, %dma_wait3A_56] : memref<128x16xf32, #tpu.memory_space<vmem>> -> memref<120x16xf32, #tpu.memory_space<vmem>>
      %dma_wait3A_58 = arith.constant 0 : i32
      %dma_wait3A_59 = tpu.memref_slice %arg10[%add3A_31, %dma_wait3A_58] : memref<10112x16xf32, #tpu.memory_space<vmem_shared>> -> memref<120x16xf32, #tpu.memory_space<vmem_shared>>
      %dma_wait3A_60 = arith.constant 0 : i32
      %dma_wait3A_61 = tpu.memref_slice %arg10[%add3A_31, %dma_wait3A_60] : memref<10112x16xf32, #tpu.memory_space<vmem_shared>> -> memref<120x16xf32, #tpu.memory_space<vmem_shared>>
      %dma_wait3A_62 = arith.constant 0 : i32
      %dma_wait3A_63 = arith.constant 0 : i32
      %dma_wait3A_64 = tpu.memref_slice %arg8[%dma_wait3A_62, %dma_wait3A_63] : memref<128x16xf32, #tpu.memory_space<vmem>> -> memref<120x16xf32, #tpu.memory_space<vmem>>
      tpu.wait_dma2 semaphore(%run_scoped3A : memref<!tpu.dma_semaphore, #tpu.memory_space<semaphore_mem>>) src(%dma_wait3A_64 : memref<120x16xf32, #tpu.memory_space<vmem>>) dst(%dma_wait3A_61 : memref<120x16xf32, #tpu.memory_space<vmem_shared>>)
      tpu.yield
    }) : () -> ()
    %scan3A_32 = arith.constant 0 : i32
    %scan3A_33 = arith.constant 0 : i32
    %scan3A_34 = arith.constant 128 : i32
    %scan3A_35 = arith.addi %scan3A_33, %scan3A_34 : i32
    %scan3A_36 = arith.constant 1 : i32
    %scan3A_37 = scf.for %scan3A_47 = %scan3A_33 to %scan3A_35 step %scan3A_36 iter_args(%scan3A_48 = %scan3A_32) -> (i32)  : i32 {
      %swap3A = arith.index_cast %scan3A_47 : i32 to index
      %swap3A_49 = arith.constant 0 : index
      %swap3A_50 = tpu.vector_load %arg8[%swap3A, %swap3A_49] {strides = array<i32>} : memref<128x16xf32, #tpu.memory_space<vmem>>, vector<1x16xf32>,
      %swap3A_51 = vector.shape_cast %swap3A_50 : vector<1x16xf32> to vector<16xf32>
      %swap3A_52 = vector.shape_cast %broadcast_in_dim3A_3 : vector<16xf32> to vector<1x16xf32>
      tpu.vector_store %arg8[%swap3A, %swap3A_49], %swap3A_52 {strides = array<i32>} : memref<128x16xf32, #tpu.memory_space<vmem>>, vector<1x16xf32>,
      %scan3A_53 = arith.constant 0 : i32
      scf.yield %scan3A_53 : i32
    }
    %scan3A_38 = arith.constant 128 : i32
    "tpu.region"() ({
      %run_scoped3A = tpu.sem_alloc : memref<!tpu.dma_semaphore, #tpu.memory_space<semaphore_mem>>
      %dma_start3A = arith.constant 0 : i32
      %dma_start3A_47 = arith.constant 0 : i32
      %dma_start3A_48 = tpu.memref_slice %arg2[%add3A, %dma_start3A, %dma_start3A_47] : memref<32x80x128xi32, #tpu.memory_space<hbm>> -> memref<1x80x128xi32, #tpu.memory_space<hbm>>
      %dma_start3A_49 = tpu.memref_squeeze %dma_start3A_48 : memref<1x80x128xi32, #tpu.memory_space<hbm>> -> memref<80x128xi32, #tpu.memory_space<hbm>>
      %dma_start3A_50 = arith.constant 0 : i32
      %dma_start3A_51 = arith.constant 0 : i32
      %dma_start3A_52 = tpu.memref_slice %arg2[%add3A, %dma_start3A_50, %dma_start3A_51] : memref<32x80x128xi32, #tpu.memory_space<hbm>> -> memref<1x80x128xi32, #tpu.memory_space<hbm>>
      %dma_start3A_53 = tpu.memref_squeeze %dma_start3A_52 : memref<1x80x128xi32, #tpu.memory_space<hbm>> -> memref<80x128xi32, #tpu.memory_space<hbm>>
      tpu.enqueue_dma source(%dma_start3A_53 : memref<80x128xi32, #tpu.memory_space<hbm>>) target(%arg6 : memref<80x128xi32, #tpu.memory_space<vmem>>) target_semaphore(%run_scoped3A : memref<!tpu.dma_semaphore, #tpu.memory_space<semaphore_mem>>)
      %dma_wait3A = arith.constant 0 : i32
      %dma_wait3A_54 = arith.constant 0 : i32
      %dma_wait3A_55 = tpu.memref_slice %arg2[%add3A, %dma_wait3A, %dma_wait3A_54] : memref<32x80x128xi32, #tpu.memory_space<hbm>> -> memref<1x80x128xi32, #tpu.memory_space<hbm>>
      %dma_wait3A_56 = tpu.memref_squeeze %dma_wait3A_55 : memref<1x80x128xi32, #tpu.memory_space<hbm>> -> memref<80x128xi32, #tpu.memory_space<hbm>>
      %dma_wait3A_57 = arith.constant 0 : i32
      %dma_wait3A_58 = arith.constant 0 : i32
      %dma_wait3A_59 = tpu.memref_slice %arg2[%add3A, %dma_wait3A_57, %dma_wait3A_58] : memref<32x80x128xi32, #tpu.memory_space<hbm>> -> memref<1x80x128xi32, #tpu.memory_space<hbm>>
      %dma_wait3A_60 = tpu.memref_squeeze %dma_wait3A_59 : memref<1x80x128xi32, #tpu.memory_space<hbm>> -> memref<80x128xi32, #tpu.memory_space<hbm>>
      tpu.wait_dma2 semaphore(%run_scoped3A : memref<!tpu.dma_semaphore, #tpu.memory_space<semaphore_mem>>) src(%dma_wait3A_60 : memref<80x128xi32, #tpu.memory_space<hbm>>) dst(%arg6 : memref<80x128xi32, #tpu.memory_space<vmem>>)
      tpu.yield
    }) : () -> ()
    "tpu.region"() ({
      %run_scoped3A = tpu.sem_alloc : memref<!tpu.dma_semaphore, #tpu.memory_space<semaphore_mem>>
      %dma_start3A = arith.constant 0 : i32
      %dma_start3A_47 = arith.constant 0 : i32
      %dma_start3A_48 = tpu.memref_slice %arg3[%add3A, %dma_start3A, %dma_start3A_47] : memref<32x80x128xi32, #tpu.memory_space<hbm>> -> memref<1x80x128xi32, #tpu.memory_space<hbm>>
      %dma_start3A_49 = tpu.memref_squeeze %dma_start3A_48 : memref<1x80x128xi32, #tpu.memory_space<hbm>> -> memref<80x128xi32, #tpu.memory_space<hbm>>
      %dma_start3A_50 = arith.constant 0 : i32
      %dma_start3A_51 = arith.constant 0 : i32
      %dma_start3A_52 = tpu.memref_slice %arg3[%add3A, %dma_start3A_50, %dma_start3A_51] : memref<32x80x128xi32, #tpu.memory_space<hbm>> -> memref<1x80x128xi32, #tpu.memory_space<hbm>>
      %dma_start3A_53 = tpu.memref_squeeze %dma_start3A_52 : memref<1x80x128xi32, #tpu.memory_space<hbm>> -> memref<80x128xi32, #tpu.memory_space<hbm>>
      tpu.enqueue_dma source(%dma_start3A_53 : memref<80x128xi32, #tpu.memory_space<hbm>>) target(%arg7 : memref<80x128xi32, #tpu.memory_space<vmem>>) target_semaphore(%run_scoped3A : memref<!tpu.dma_semaphore, #tpu.memory_space<semaphore_mem>>)
      %dma_wait3A = arith.constant 0 : i32
      %dma_wait3A_54 = arith.constant 0 : i32
      %dma_wait3A_55 = tpu.memref_slice %arg3[%add3A, %dma_wait3A, %dma_wait3A_54] : memref<32x80x128xi32, #tpu.memory_space<hbm>> -> memref<1x80x128xi32, #tpu.memory_space<hbm>>
      %dma_wait3A_56 = tpu.memref_squeeze %dma_wait3A_55 : memref<1x80x128xi32, #tpu.memory_space<hbm>> -> memref<80x128xi32, #tpu.memory_space<hbm>>
      %dma_wait3A_57 = arith.constant 0 : i32
      %dma_wait3A_58 = arith.constant 0 : i32
      %dma_wait3A_59 = tpu.memref_slice %arg3[%add3A, %dma_wait3A_57, %dma_wait3A_58] : memref<32x80x128xi32, #tpu.memory_space<hbm>> -> memref<1x80x128xi32, #tpu.memory_space<hbm>>
      %dma_wait3A_60 = tpu.memref_squeeze %dma_wait3A_59 : memref<1x80x128xi32, #tpu.memory_space<hbm>> -> memref<80x128xi32, #tpu.memory_space<hbm>>
      tpu.wait_dma2 semaphore(%run_scoped3A : memref<!tpu.dma_semaphore, #tpu.memory_space<semaphore_mem>>) src(%dma_wait3A_60 : memref<80x128xi32, #tpu.memory_space<hbm>>) dst(%arg7 : memref<80x128xi32, #tpu.memory_space<vmem>>)
      tpu.yield
    }) : () -> ()
    %barrier3A = arith.constant 0 : index
    tpu.barrier barrier_id(%barrier3A)
    %scan3A_39 = arith.constant 0 : i32
    %scan3A_40 = arith.constant 0 : i32
    %scan3A_41 = arith.constant 40 : i32
    %scan3A_42 = arith.addi %scan3A_40, %scan3A_41 : i32
    %scan3A_43 = arith.constant 1 : i32
    %scan3A_44 = scf.for %scan3A_47 = %scan3A_40 to %scan3A_42 step %scan3A_43 iter_args(%scan3A_48 = %scan3A_39) -> (i32)  : i32 {
      %mul3A_49 = arith.constant 2 : i32
      %mul3A_50 = arith.muli %mul3A_49, %scan3A_47 : i32
      %dma_start3A = arith.constant 0 : i32
      %dma_start3A_51 = tpu.memref_slice %arg6[%mul3A_50, %dma_start3A] : memref<80x128xi32, #tpu.memory_space<vmem>> -> memref<1x128xi32, #tpu.memory_space<vmem>>
      %dma_start3A_52 = tpu.memref_squeeze %dma_start3A_51 : memref<1x128xi32, #tpu.memory_space<vmem>> -> memref<128xi32, #tpu.memory_space<vmem>>
      %dma_start3A_53 = arith.constant 0 : i32
      %dma_start3A_54 = arith.constant 0 : i32
      %dma_start3A_55 = tpu.memref_slice %arg9[%dma_start3A_53, %dma_start3A_54] : memref<10112x16xf32, #tpu.memory_space<vmem_shared>> -> memref<10112x16xf32, #tpu.memory_space<vmem_shared>>
      tpu.enqueue_indirect_dma source(%arg8 : memref<128x16xf32, #tpu.memory_space<vmem>>) target(%dma_start3A_55 : memref<10112x16xf32, #tpu.memory_space<vmem_shared>>) offsets(%dma_start3A_52 : memref<128xi32, #tpu.memory_space<vmem>>) semaphore(%arg11 : memref<!tpu.dma_semaphore, #tpu.memory_space<semaphore_mem>>) {add = true}
      %dma_start3A_56 = arith.constant 0 : i32
      %dma_start3A_57 = tpu.memref_slice %arg7[%mul3A_50, %dma_start3A_56] : memref<80x128xi32, #tpu.memory_space<vmem>> -> memref<1x128xi32, #tpu.memory_space<vmem>>
      %dma_start3A_58 = tpu.memref_squeeze %dma_start3A_57 : memref<1x128xi32, #tpu.memory_space<vmem>> -> memref<128xi32, #tpu.memory_space<vmem>>
      %dma_start3A_59 = arith.constant 0 : i32
      %dma_start3A_60 = arith.constant 0 : i32
      %dma_start3A_61 = tpu.memref_slice %arg10[%dma_start3A_59, %dma_start3A_60] : memref<10112x16xf32, #tpu.memory_space<vmem_shared>> -> memref<10112x16xf32, #tpu.memory_space<vmem_shared>>
      tpu.enqueue_indirect_dma source(%arg8 : memref<128x16xf32, #tpu.memory_space<vmem>>) target(%dma_start3A_61 : memref<10112x16xf32, #tpu.memory_space<vmem_shared>>) offsets(%dma_start3A_58 : memref<128xi32, #tpu.memory_space<vmem>>) semaphore(%arg12 : memref<!tpu.dma_semaphore, #tpu.memory_space<semaphore_mem>>) {add = true}
      %add3A_62 = arith.constant 1 : i32
      %add3A_63 = arith.addi %mul3A_50, %add3A_62 : i32
      %dma_start3A_64 = arith.constant 0 : i32
      %dma_start3A_65 = tpu.memref_slice %arg6[%add3A_63, %dma_start3A_64] : memref<80x128xi32, #tpu.memory_space<vmem>> -> memref<1x128xi32, #tpu.memory_space<vmem>>
      %dma_start3A_66 = tpu.memref_squeeze %dma_start3A_65 : memref<1x128xi32, #tpu.memory_space<vmem>> -> memref<128xi32, #tpu.memory_space<vmem>>
      %dma_start3A_67 = arith.constant 0 : i32
      %dma_start3A_68 = arith.constant 0 : i32
      %dma_start3A_69 = tpu.memref_slice %arg9[%dma_start3A_67, %dma_start3A_68] : memref<10112x16xf32, #tpu.memory_space<vmem_shared>> -> memref<10112x16xf32, #tpu.memory_space<vmem_shared>>
      tpu.enqueue_indirect_dma source(%arg8 : memref<128x16xf32, #tpu.memory_space<vmem>>) target(%dma_start3A_69 : memref<10112x16xf32, #tpu.memory_space<vmem_shared>>) offsets(%dma_start3A_66 : memref<128xi32, #tpu.memory_space<vmem>>) semaphore(%arg13 : memref<!tpu.dma_semaphore, #tpu.memory_space<semaphore_mem>>) {add = true}
      %add3A_70 = arith.constant 1 : i32
      %add3A_71 = arith.addi %mul3A_50, %add3A_70 : i32
      %dma_start3A_72 = arith.constant 0 : i32
      %dma_start3A_73 = tpu.memref_slice %arg7[%add3A_71, %dma_start3A_72] : memref<80x128xi32, #tpu.memory_space<vmem>> -> memref<1x128xi32, #tpu.memory_space<vmem>>
      %dma_start3A_74 = tpu.memref_squeeze %dma_start3A_73 : memref<1x128xi32, #tpu.memory_space<vmem>> -> memref<128xi32, #tpu.memory_space<vmem>>
      %dma_start3A_75 = arith.constant 0 : i32
      %dma_start3A_76 = arith.constant 0 : i32
      %dma_start3A_77 = tpu.memref_slice %arg10[%dma_start3A_75, %dma_start3A_76] : memref<10112x16xf32, #tpu.memory_space<vmem_shared>> -> memref<10112x16xf32, #tpu.memory_space<vmem_shared>>
      tpu.enqueue_indirect_dma source(%arg8 : memref<128x16xf32, #tpu.memory_space<vmem>>) target(%dma_start3A_77 : memref<10112x16xf32, #tpu.memory_space<vmem_shared>>) offsets(%dma_start3A_74 : memref<128xi32, #tpu.memory_space<vmem>>) semaphore(%arg14 : memref<!tpu.dma_semaphore, #tpu.memory_space<semaphore_mem>>) {add = true}
      %dma_wait3A = arith.constant 0 : i32
      %dma_wait3A_78 = tpu.memref_slice %arg6[%mul3A_50, %dma_wait3A] : memref<80x128xi32, #tpu.memory_space<vmem>> -> memref<1x128xi32, #tpu.memory_space<vmem>>
      %dma_wait3A_79 = tpu.memref_squeeze %dma_wait3A_78 : memref<1x128xi32, #tpu.memory_space<vmem>> -> memref<128xi32, #tpu.memory_space<vmem>>
      %dma_wait3A_80 = arith.constant 0 : i32
      %dma_wait3A_81 = arith.constant 0 : i32
      %dma_wait3A_82 = tpu.memref_slice %arg9[%dma_wait3A_80, %dma_wait3A_81] : memref<10112x16xf32, #tpu.memory_space<vmem_shared>> -> memref<10112x16xf32, #tpu.memory_space<vmem_shared>>
      tpu.wait_indirect_dma semaphore(%arg11 : memref<!tpu.dma_semaphore, #tpu.memory_space<semaphore_mem>>) src(%arg8 : memref<128x16xf32, #tpu.memory_space<vmem>>) dst(%dma_wait3A_82 : memref<10112x16xf32, #tpu.memory_space<vmem_shared>>)
      %dma_wait3A_83 = arith.constant 0 : i32
      %dma_wait3A_84 = tpu.memref_slice %arg7[%mul3A_50, %dma_wait3A_83] : memref<80x128xi32, #tpu.memory_space<vmem>> -> memref<1x128xi32, #tpu.memory_space<vmem>>
      %dma_wait3A_85 = tpu.memref_squeeze %dma_wait3A_84 : memref<1x128xi32, #tpu.memory_space<vmem>> -> memref<128xi32, #tpu.memory_space<vmem>>
      %dma_wait3A_86 = arith.constant 0 : i32
      %dma_wait3A_87 = arith.constant 0 : i32
      %dma_wait3A_88 = tpu.memref_slice %arg10[%dma_wait3A_86, %dma_wait3A_87] : memref<10112x16xf32, #tpu.memory_space<vmem_shared>> -> memref<10112x16xf32, #tpu.memory_space<vmem_shared>>
      tpu.wait_indirect_dma semaphore(%arg12 : memref<!tpu.dma_semaphore, #tpu.memory_space<semaphore_mem>>) src(%arg8 : memref<128x16xf32, #tpu.memory_space<vmem>>) dst(%dma_wait3A_88 : memref<10112x16xf32, #tpu.memory_space<vmem_shared>>)
      %dma_wait3A_89 = arith.constant 0 : i32
      %dma_wait3A_90 = tpu.memref_slice %arg6[%add3A_63, %dma_wait3A_89] : memref<80x128xi32, #tpu.memory_space<vmem>> -> memref<1x128xi32, #tpu.memory_space<vmem>>
      %dma_wait3A_91 = tpu.memref_squeeze %dma_wait3A_90 : memref<1x128xi32, #tpu.memory_space<vmem>> -> memref<128xi32, #tpu.memory_space<vmem>>
      %dma_wait3A_92 = arith.constant 0 : i32
      %dma_wait3A_93 = arith.constant 0 : i32
      %dma_wait3A_94 = tpu.memref_slice %arg9[%dma_wait3A_92, %dma_wait3A_93] : memref<10112x16xf32, #tpu.memory_space<vmem_shared>> -> memref<10112x16xf32, #tpu.memory_space<vmem_shared>>
      tpu.wait_indirect_dma semaphore(%arg13 : memref<!tpu.dma_semaphore, #tpu.memory_space<semaphore_mem>>) src(%arg8 : memref<128x16xf32, #tpu.memory_space<vmem>>) dst(%dma_wait3A_94 : memref<10112x16xf32, #tpu.memory_space<vmem_shared>>)
      %dma_wait3A_95 = arith.constant 0 : i32
      %dma_wait3A_96 = tpu.memref_slice %arg7[%add3A_71, %dma_wait3A_95] : memref<80x128xi32, #tpu.memory_space<vmem>> -> memref<1x128xi32, #tpu.memory_space<vmem>>
      %dma_wait3A_97 = tpu.memref_squeeze %dma_wait3A_96 : memref<1x128xi32, #tpu.memory_space<vmem>> -> memref<128xi32, #tpu.memory_space<vmem>>
      %dma_wait3A_98 = arith.constant 0 : i32
      %dma_wait3A_99 = arith.constant 0 : i32
      %dma_wait3A_100 = tpu.memref_slice %arg10[%dma_wait3A_98, %dma_wait3A_99] : memref<10112x16xf32, #tpu.memory_space<vmem_shared>> -> memref<10112x16xf32, #tpu.memory_space<vmem_shared>>
      tpu.wait_indirect_dma semaphore(%arg14 : memref<!tpu.dma_semaphore, #tpu.memory_space<semaphore_mem>>) src(%arg8 : memref<128x16xf32, #tpu.memory_space<vmem>>) dst(%dma_wait3A_100 : memref<10112x16xf32, #tpu.memory_space<vmem_shared>>)
      %scan3A_101 = arith.constant 0 : i32
      scf.yield %scan3A_101 : i32
    }
    %scan3A_45 = arith.constant 40 : i32
    %barrier3A_46 = arith.constant 0 : index
    tpu.barrier barrier_id(%barrier3A_46)
    "tpu.region"() ({
      %run_scoped3A = tpu.sem_alloc : memref<!tpu.dma_semaphore, #tpu.memory_space<semaphore_mem>>
      %dma_start3A = arith.constant 0 : i32
      %dma_start3A_47 = tpu.memref_slice %arg4[%arg0, %mul3A_11, %dma_start3A] : memref<2x10112x16xf32, #tpu.memory_space<hbm>> -> memref<1x632x16xf32, #tpu.memory_space<hbm>>
      %dma_start3A_48 = tpu.memref_squeeze %dma_start3A_47 : memref<1x632x16xf32, #tpu.memory_space<hbm>> -> memref<632x16xf32, #tpu.memory_space<hbm>>
      %dma_start3A_49 = arith.constant 0 : i32
      %dma_start3A_50 = tpu.memref_slice %arg9[%mul3A_11, %dma_start3A_49] : memref<10112x16xf32, #tpu.memory_space<vmem_shared>> -> memref<632x16xf32, #tpu.memory_space<vmem_shared>>
      tpu.enqueue_dma source(%dma_start3A_50 : memref<632x16xf32, #tpu.memory_space<vmem_shared>>) target(%dma_start3A_48 : memref<632x16xf32, #tpu.memory_space<hbm>>) target_semaphore(%run_scoped3A : memref<!tpu.dma_semaphore, #tpu.memory_space<semaphore_mem>>)
      %dma_wait3A = arith.constant 0 : i32
      %dma_wait3A_51 = tpu.memref_slice %arg4[%arg0, %mul3A_11, %dma_wait3A] : memref<2x10112x16xf32, #tpu.memory_space<hbm>> -> memref<1x632x16xf32, #tpu.memory_space<hbm>>
      %dma_wait3A_52 = tpu.memref_squeeze %dma_wait3A_51 : memref<1x632x16xf32, #tpu.memory_space<hbm>> -> memref<632x16xf32, #tpu.memory_space<hbm>>
      %dma_wait3A_53 = arith.constant 0 : i32
      %dma_wait3A_54 = tpu.memref_slice %arg9[%mul3A_11, %dma_wait3A_53] : memref<10112x16xf32, #tpu.memory_space<vmem_shared>> -> memref<632x16xf32, #tpu.memory_space<vmem_shared>>
      tpu.wait_dma2 semaphore(%run_scoped3A : memref<!tpu.dma_semaphore, #tpu.memory_space<semaphore_mem>>) src(%dma_wait3A_54 : memref<632x16xf32, #tpu.memory_space<vmem_shared>>) dst(%dma_wait3A_52 : memref<632x16xf32, #tpu.memory_space<hbm>>)
      tpu.yield
    }) : () -> ()
    "tpu.region"() ({
      %run_scoped3A = tpu.sem_alloc : memref<!tpu.dma_semaphore, #tpu.memory_space<semaphore_mem>>
      %dma_start3A = arith.constant 0 : i32
      %dma_start3A_47 = tpu.memref_slice %arg5[%arg0, %mul3A_11, %dma_start3A] : memref<2x10112x16xf32, #tpu.memory_space<hbm>> -> memref<1x632x16xf32, #tpu.memory_space<hbm>>
      %dma_start3A_48 = tpu.memref_squeeze %dma_start3A_47 : memref<1x632x16xf32, #tpu.memory_space<hbm>> -> memref<632x16xf32, #tpu.memory_space<hbm>>
      %dma_start3A_49 = arith.constant 0 : i32
      %dma_start3A_50 = tpu.memref_slice %arg10[%mul3A_11, %dma_start3A_49] : memref<10112x16xf32, #tpu.memory_space<vmem_shared>> -> memref<632x16xf32, #tpu.memory_space<vmem_shared>>
      tpu.enqueue_dma source(%dma_start3A_50 : memref<632x16xf32, #tpu.memory_space<vmem_shared>>) target(%dma_start3A_48 : memref<632x16xf32, #tpu.memory_space<hbm>>) target_semaphore(%run_scoped3A : memref<!tpu.dma_semaphore, #tpu.memory_space<semaphore_mem>>)
      %dma_wait3A = arith.constant 0 : i32
      %dma_wait3A_51 = tpu.memref_slice %arg5[%arg0, %mul3A_11, %dma_wait3A] : memref<2x10112x16xf32, #tpu.memory_space<hbm>> -> memref<1x632x16xf32, #tpu.memory_space<hbm>>
      %dma_wait3A_52 = tpu.memref_squeeze %dma_wait3A_51 : memref<1x632x16xf32, #tpu.memory_space<hbm>> -> memref<632x16xf32, #tpu.memory_space<hbm>>
      %dma_wait3A_53 = arith.constant 0 : i32
      %dma_wait3A_54 = tpu.memref_slice %arg10[%mul3A_11, %dma_wait3A_53] : memref<10112x16xf32, #tpu.memory_space<vmem_shared>> -> memref<632x16xf32, #tpu.memory_space<vmem_shared>>
      tpu.wait_dma2 semaphore(%run_scoped3A : memref<!tpu.dma_semaphore, #tpu.memory_space<semaphore_mem>>) src(%dma_wait3A_54 : memref<632x16xf32, #tpu.memory_space<vmem_shared>>) dst(%dma_wait3A_52 : memref<632x16xf32, #tpu.memory_space<hbm>>)
      tpu.yield
    }) : () -> ()
    return
  }
}

#map = affine_map<(d0, d1) -> (0, 0)>
#map1 = affine_map<(d0, d1) -> (0, 0, 0)>
module attributes {stable_mosaic.version = 14 : i64} {
  func.func @_edge_pass(%arg0: i32, %arg1: i32, %arg2: memref<10000x128xf32, #tpu.memory_space<hbm>>, %arg3: memref<32x80x128xi32, #tpu.memory_space<hbm>>, %arg4: memref<32x80x128xi32, #tpu.memory_space<hbm>>, %arg5: memref<2x10112x128xf32, #tpu.memory_space<hbm>>, %arg6: memref<40x128xi32, #tpu.memory_space<vmem>>, %arg7: memref<40x128xi32, #tpu.memory_space<vmem>>, %arg8: memref<128x128xf32, #tpu.memory_space<vmem>>, %arg9: memref<128x128xf32, #tpu.memory_space<vmem>>, %arg10: memref<10112x128xf32, #tpu.memory_space<vmem_shared>>, %arg11: memref<!tpu.dma_semaphore, #tpu.memory_space<semaphore_mem>>, %arg12: memref<!tpu.dma_semaphore, #tpu.memory_space<semaphore_mem>>, %arg13: memref<!tpu.dma_semaphore, #tpu.memory_space<semaphore_mem>>, %arg14: memref<!tpu.dma_semaphore, #tpu.memory_space<semaphore_mem>>) attributes {dimension_semantics = [#tpu.dimension_semantics<core_parallel>, #tpu.dimension_semantics<subcore_parallel>], iteration_bounds = array<i64: 2, 16>, scalar_prefetch = 0 : i64, scratch_operands = 9 : i64, tpu.core_type = #tpu.core_type<sc_vector_subcore>, window_params = [{transform_indices = #map}, {transform_indices = #map1}, {transform_indices = #map1}, {transform_indices = #map1}]} {
    %mul3A = arith.constant 16 : i32
    %mul3A_0 = arith.muli %arg0, %mul3A : i32
    %add3A = arith.addi %mul3A_0, %arg1 : i32
    %dma_start3A = arith.constant 0 : i32
    %dma_start3A_1 = arith.constant 0 : i32
    %dma_start3A_2 = tpu.memref_slice %arg3[%add3A, %dma_start3A, %dma_start3A_1] : memref<32x80x128xi32, #tpu.memory_space<hbm>> -> memref<1x40x128xi32, #tpu.memory_space<hbm>>
    %dma_start3A_3 = tpu.memref_squeeze %dma_start3A_2 : memref<1x40x128xi32, #tpu.memory_space<hbm>> -> memref<40x128xi32, #tpu.memory_space<hbm>>
    %dma_start3A_4 = arith.constant 0 : i32
    %dma_start3A_5 = arith.constant 0 : i32
    %dma_start3A_6 = tpu.memref_slice %arg3[%add3A, %dma_start3A_4, %dma_start3A_5] : memref<32x80x128xi32, #tpu.memory_space<hbm>> -> memref<1x40x128xi32, #tpu.memory_space<hbm>>
    %dma_start3A_7 = tpu.memref_squeeze %dma_start3A_6 : memref<1x40x128xi32, #tpu.memory_space<hbm>> -> memref<40x128xi32, #tpu.memory_space<hbm>>
    tpu.enqueue_dma source(%dma_start3A_7 : memref<40x128xi32, #tpu.memory_space<hbm>>) target(%arg6 : memref<40x128xi32, #tpu.memory_space<vmem>>) target_semaphore(%arg13 : memref<!tpu.dma_semaphore, #tpu.memory_space<semaphore_mem>>)
    %dma_start3A_8 = arith.constant 0 : i32
    %dma_start3A_9 = arith.constant 0 : i32
    %dma_start3A_10 = tpu.memref_slice %arg4[%add3A, %dma_start3A_8, %dma_start3A_9] : memref<32x80x128xi32, #tpu.memory_space<hbm>> -> memref<1x40x128xi32, #tpu.memory_space<hbm>>
    %dma_start3A_11 = tpu.memref_squeeze %dma_start3A_10 : memref<1x40x128xi32, #tpu.memory_space<hbm>> -> memref<40x128xi32, #tpu.memory_space<hbm>>
    %dma_start3A_12 = arith.constant 0 : i32
    %dma_start3A_13 = arith.constant 0 : i32
    %dma_start3A_14 = tpu.memref_slice %arg4[%add3A, %dma_start3A_12, %dma_start3A_13] : memref<32x80x128xi32, #tpu.memory_space<hbm>> -> memref<1x40x128xi32, #tpu.memory_space<hbm>>
    %dma_start3A_15 = tpu.memref_squeeze %dma_start3A_14 : memref<1x40x128xi32, #tpu.memory_space<hbm>> -> memref<40x128xi32, #tpu.memory_space<hbm>>
    tpu.enqueue_dma source(%dma_start3A_15 : memref<40x128xi32, #tpu.memory_space<hbm>>) target(%arg7 : memref<40x128xi32, #tpu.memory_space<vmem>>) target_semaphore(%arg14 : memref<!tpu.dma_semaphore, #tpu.memory_space<semaphore_mem>>)
    %broadcast_in_dim3A = arith.constant 0.000000e+00 : f32
    %broadcast_in_dim3A_16 = vector.broadcast %broadcast_in_dim3A : f32 to vector<16xf32>
    %scan3A = arith.constant 0 : i32
    %scan3A_17 = arith.constant 0 : i32
    %scan3A_18 = arith.constant 128 : i32
    %scan3A_19 = arith.addi %scan3A_17, %scan3A_18 : i32
    %scan3A_20 = arith.constant 1 : i32
    %scan3A_21 = scf.for %scan3A_124 = %scan3A_17 to %scan3A_19 step %scan3A_20 iter_args(%scan3A_125 = %scan3A) -> (i32)  : i32 {
      %swap3A = arith.index_cast %scan3A_124 : i32 to index
      %swap3A_126 = arith.constant 0 : index
      %swap3A_127 = tpu.vector_load %arg8[%swap3A, %swap3A_126] {strides = array<i32>} : memref<128x128xf32, #tpu.memory_space<vmem>>, vector<1x16xf32>,
      %swap3A_128 = vector.shape_cast %swap3A_127 : vector<1x16xf32> to vector<16xf32>
      %swap3A_129 = vector.shape_cast %broadcast_in_dim3A_16 : vector<16xf32> to vector<1x16xf32>
      tpu.vector_store %arg8[%swap3A, %swap3A_126], %swap3A_129 {strides = array<i32>} : memref<128x128xf32, #tpu.memory_space<vmem>>, vector<1x16xf32>,
      %swap3A_130 = arith.index_cast %scan3A_124 : i32 to index
      %swap3A_131 = arith.constant 16 : index
      %swap3A_132 = tpu.vector_load %arg8[%swap3A_130, %swap3A_131] {strides = array<i32>} : memref<128x128xf32, #tpu.memory_space<vmem>>, vector<1x16xf32>,
      %swap3A_133 = vector.shape_cast %swap3A_132 : vector<1x16xf32> to vector<16xf32>
      %swap3A_134 = vector.shape_cast %broadcast_in_dim3A_16 : vector<16xf32> to vector<1x16xf32>
      tpu.vector_store %arg8[%swap3A_130, %swap3A_131], %swap3A_134 {strides = array<i32>} : memref<128x128xf32, #tpu.memory_space<vmem>>, vector<1x16xf32>,
      %swap3A_135 = arith.index_cast %scan3A_124 : i32 to index
      %swap3A_136 = arith.constant 32 : index
      %swap3A_137 = tpu.vector_load %arg8[%swap3A_135, %swap3A_136] {strides = array<i32>} : memref<128x128xf32, #tpu.memory_space<vmem>>, vector<1x16xf32>,
      %swap3A_138 = vector.shape_cast %swap3A_137 : vector<1x16xf32> to vector<16xf32>
      %swap3A_139 = vector.shape_cast %broadcast_in_dim3A_16 : vector<16xf32> to vector<1x16xf32>
      tpu.vector_store %arg8[%swap3A_135, %swap3A_136], %swap3A_139 {strides = array<i32>} : memref<128x128xf32, #tpu.memory_space<vmem>>, vector<1x16xf32>,
      %swap3A_140 = arith.index_cast %scan3A_124 : i32 to index
      %swap3A_141 = arith.constant 48 : index
      %swap3A_142 = tpu.vector_load %arg8[%swap3A_140, %swap3A_141] {strides = array<i32>} : memref<128x128xf32, #tpu.memory_space<vmem>>, vector<1x16xf32>,
      %swap3A_143 = vector.shape_cast %swap3A_142 : vector<1x16xf32> to vector<16xf32>
      %swap3A_144 = vector.shape_cast %broadcast_in_dim3A_16 : vector<16xf32> to vector<1x16xf32>
      tpu.vector_store %arg8[%swap3A_140, %swap3A_141], %swap3A_144 {strides = array<i32>} : memref<128x128xf32, #tpu.memory_space<vmem>>, vector<1x16xf32>,
      %swap3A_145 = arith.index_cast %scan3A_124 : i32 to index
      %swap3A_146 = arith.constant 64 : index
      %swap3A_147 = tpu.vector_load %arg8[%swap3A_145, %swap3A_146] {strides = array<i32>} : memref<128x128xf32, #tpu.memory_space<vmem>>, vector<1x16xf32>,
      %swap3A_148 = vector.shape_cast %swap3A_147 : vector<1x16xf32> to vector<16xf32>
      %swap3A_149 = vector.shape_cast %broadcast_in_dim3A_16 : vector<16xf32> to vector<1x16xf32>
      tpu.vector_store %arg8[%swap3A_145, %swap3A_146], %swap3A_149 {strides = array<i32>} : memref<128x128xf32, #tpu.memory_space<vmem>>, vector<1x16xf32>,
      %swap3A_150 = arith.index_cast %scan3A_124 : i32 to index
      %swap3A_151 = arith.constant 80 : index
      %swap3A_152 = tpu.vector_load %arg8[%swap3A_150, %swap3A_151] {strides = array<i32>} : memref<128x128xf32, #tpu.memory_space<vmem>>, vector<1x16xf32>,
      %swap3A_153 = vector.shape_cast %swap3A_152 : vector<1x16xf32> to vector<16xf32>
      %swap3A_154 = vector.shape_cast %broadcast_in_dim3A_16 : vector<16xf32> to vector<1x16xf32>
      tpu.vector_store %arg8[%swap3A_150, %swap3A_151], %swap3A_154 {strides = array<i32>} : memref<128x128xf32, #tpu.memory_space<vmem>>, vector<1x16xf32>,
      %swap3A_155 = arith.index_cast %scan3A_124 : i32 to index
      %swap3A_156 = arith.constant 96 : index
      %swap3A_157 = tpu.vector_load %arg8[%swap3A_155, %swap3A_156] {strides = array<i32>} : memref<128x128xf32, #tpu.memory_space<vmem>>, vector<1x16xf32>,
      %swap3A_158 = vector.shape_cast %swap3A_157 : vector<1x16xf32> to vector<16xf32>
      %swap3A_159 = vector.shape_cast %broadcast_in_dim3A_16 : vector<16xf32> to vector<1x16xf32>
      tpu.vector_store %arg8[%swap3A_155, %swap3A_156], %swap3A_159 {strides = array<i32>} : memref<128x128xf32, #tpu.memory_space<vmem>>, vector<1x16xf32>,
      %swap3A_160 = arith.index_cast %scan3A_124 : i32 to index
      %swap3A_161 = arith.constant 112 : index
      %swap3A_162 = tpu.vector_load %arg8[%swap3A_160, %swap3A_161] {strides = array<i32>} : memref<128x128xf32, #tpu.memory_space<vmem>>, vector<1x16xf32>,
      %swap3A_163 = vector.shape_cast %swap3A_162 : vector<1x16xf32> to vector<16xf32>
      %swap3A_164 = vector.shape_cast %broadcast_in_dim3A_16 : vector<16xf32> to vector<1x16xf32>
      tpu.vector_store %arg8[%swap3A_160, %swap3A_161], %swap3A_164 {strides = array<i32>} : memref<128x128xf32, #tpu.memory_space<vmem>>, vector<1x16xf32>,
      %scan3A_165 = arith.constant 0 : i32
      scf.yield %scan3A_165 : i32
    }
    %scan3A_22 = arith.constant 128 : i32
    %mul3A_23 = arith.constant 632 : i32
    %mul3A_24 = arith.muli %arg1, %mul3A_23 : i32
    %add3A_25 = arith.constant 0 : i32
    %add3A_26 = arith.addi %mul3A_24, %add3A_25 : i32
    "tpu.region"() ({
      %run_scoped3A_124 = tpu.sem_alloc : memref<!tpu.dma_semaphore, #tpu.memory_space<semaphore_mem>>
      %dma_start3A_125 = arith.constant 0 : i32
      %dma_start3A_126 = tpu.memref_slice %arg10[%add3A_26, %dma_start3A_125] : memref<10112x128xf32, #tpu.memory_space<vmem_shared>> -> memref<128x128xf32, #tpu.memory_space<vmem_shared>>
      %dma_start3A_127 = arith.constant 0 : i32
      %dma_start3A_128 = tpu.memref_slice %arg10[%add3A_26, %dma_start3A_127] : memref<10112x128xf32, #tpu.memory_space<vmem_shared>> -> memref<128x128xf32, #tpu.memory_space<vmem_shared>>
      tpu.enqueue_dma source(%arg8 : memref<128x128xf32, #tpu.memory_space<vmem>>) target(%dma_start3A_128 : memref<128x128xf32, #tpu.memory_space<vmem_shared>>) target_semaphore(%run_scoped3A_124 : memref<!tpu.dma_semaphore, #tpu.memory_space<semaphore_mem>>)
      %dma_wait3A_129 = arith.constant 0 : i32
      %dma_wait3A_130 = tpu.memref_slice %arg10[%add3A_26, %dma_wait3A_129] : memref<10112x128xf32, #tpu.memory_space<vmem_shared>> -> memref<128x128xf32, #tpu.memory_space<vmem_shared>>
      %dma_wait3A_131 = arith.constant 0 : i32
      %dma_wait3A_132 = tpu.memref_slice %arg10[%add3A_26, %dma_wait3A_131] : memref<10112x128xf32, #tpu.memory_space<vmem_shared>> -> memref<128x128xf32, #tpu.memory_space<vmem_shared>>
      tpu.wait_dma2 semaphore(%run_scoped3A_124 : memref<!tpu.dma_semaphore, #tpu.memory_space<semaphore_mem>>) src(%arg8 : memref<128x128xf32, #tpu.memory_space<vmem>>) dst(%dma_wait3A_132 : memref<128x128xf32, #tpu.memory_space<vmem_shared>>)
      tpu.yield
    }) : () -> ()
    %add3A_27 = arith.constant 128 : i32
    %add3A_28 = arith.addi %mul3A_24, %add3A_27 : i32
    "tpu.region"() ({
      %run_scoped3A_124 = tpu.sem_alloc : memref<!tpu.dma_semaphore, #tpu.memory_space<semaphore_mem>>
      %dma_start3A_125 = arith.constant 0 : i32
      %dma_start3A_126 = tpu.memref_slice %arg10[%add3A_28, %dma_start3A_125] : memref<10112x128xf32, #tpu.memory_space<vmem_shared>> -> memref<128x128xf32, #tpu.memory_space<vmem_shared>>
      %dma_start3A_127 = arith.constant 0 : i32
      %dma_start3A_128 = tpu.memref_slice %arg10[%add3A_28, %dma_start3A_127] : memref<10112x128xf32, #tpu.memory_space<vmem_shared>> -> memref<128x128xf32, #tpu.memory_space<vmem_shared>>
      tpu.enqueue_dma source(%arg8 : memref<128x128xf32, #tpu.memory_space<vmem>>) target(%dma_start3A_128 : memref<128x128xf32, #tpu.memory_space<vmem_shared>>) target_semaphore(%run_scoped3A_124 : memref<!tpu.dma_semaphore, #tpu.memory_space<semaphore_mem>>)
      %dma_wait3A_129 = arith.constant 0 : i32
      %dma_wait3A_130 = tpu.memref_slice %arg10[%add3A_28, %dma_wait3A_129] : memref<10112x128xf32, #tpu.memory_space<vmem_shared>> -> memref<128x128xf32, #tpu.memory_space<vmem_shared>>
      %dma_wait3A_131 = arith.constant 0 : i32
      %dma_wait3A_132 = tpu.memref_slice %arg10[%add3A_28, %dma_wait3A_131] : memref<10112x128xf32, #tpu.memory_space<vmem_shared>> -> memref<128x128xf32, #tpu.memory_space<vmem_shared>>
      tpu.wait_dma2 semaphore(%run_scoped3A_124 : memref<!tpu.dma_semaphore, #tpu.memory_space<semaphore_mem>>) src(%arg8 : memref<128x128xf32, #tpu.memory_space<vmem>>) dst(%dma_wait3A_132 : memref<128x128xf32, #tpu.memory_space<vmem_shared>>)
      tpu.yield
    }) : () -> ()
    %add3A_29 = arith.constant 256 : i32
    %add3A_30 = arith.addi %mul3A_24, %add3A_29 : i32
    "tpu.region"() ({
      %run_scoped3A_124 = tpu.sem_alloc : memref<!tpu.dma_semaphore, #tpu.memory_space<semaphore_mem>>
      %dma_start3A_125 = arith.constant 0 : i32
      %dma_start3A_126 = tpu.memref_slice %arg10[%add3A_30, %dma_start3A_125] : memref<10112x128xf32, #tpu.memory_space<vmem_shared>> -> memref<128x128xf32, #tpu.memory_space<vmem_shared>>
      %dma_start3A_127 = arith.constant 0 : i32
      %dma_start3A_128 = tpu.memref_slice %arg10[%add3A_30, %dma_start3A_127] : memref<10112x128xf32, #tpu.memory_space<vmem_shared>> -> memref<128x128xf32, #tpu.memory_space<vmem_shared>>
      tpu.enqueue_dma source(%arg8 : memref<128x128xf32, #tpu.memory_space<vmem>>) target(%dma_start3A_128 : memref<128x128xf32, #tpu.memory_space<vmem_shared>>) target_semaphore(%run_scoped3A_124 : memref<!tpu.dma_semaphore, #tpu.memory_space<semaphore_mem>>)
      %dma_wait3A_129 = arith.constant 0 : i32
      %dma_wait3A_130 = tpu.memref_slice %arg10[%add3A_30, %dma_wait3A_129] : memref<10112x128xf32, #tpu.memory_space<vmem_shared>> -> memref<128x128xf32, #tpu.memory_space<vmem_shared>>
      %dma_wait3A_131 = arith.constant 0 : i32
      %dma_wait3A_132 = tpu.memref_slice %arg10[%add3A_30, %dma_wait3A_131] : memref<10112x128xf32, #tpu.memory_space<vmem_shared>> -> memref<128x128xf32, #tpu.memory_space<vmem_shared>>
      tpu.wait_dma2 semaphore(%run_scoped3A_124 : memref<!tpu.dma_semaphore, #tpu.memory_space<semaphore_mem>>) src(%arg8 : memref<128x128xf32, #tpu.memory_space<vmem>>) dst(%dma_wait3A_132 : memref<128x128xf32, #tpu.memory_space<vmem_shared>>)
      tpu.yield
    }) : () -> ()
    %add3A_31 = arith.constant 384 : i32
    %add3A_32 = arith.addi %mul3A_24, %add3A_31 : i32
    "tpu.region"() ({
      %run_scoped3A_124 = tpu.sem_alloc : memref<!tpu.dma_semaphore, #tpu.memory_space<semaphore_mem>>
      %dma_start3A_125 = arith.constant 0 : i32
      %dma_start3A_126 = tpu.memref_slice %arg10[%add3A_32, %dma_start3A_125] : memref<10112x128xf32, #tpu.memory_space<vmem_shared>> -> memref<128x128xf32, #tpu.memory_space<vmem_shared>>
      %dma_start3A_127 = arith.constant 0 : i32
      %dma_start3A_128 = tpu.memref_slice %arg10[%add3A_32, %dma_start3A_127] : memref<10112x128xf32, #tpu.memory_space<vmem_shared>> -> memref<128x128xf32, #tpu.memory_space<vmem_shared>>
      tpu.enqueue_dma source(%arg8 : memref<128x128xf32, #tpu.memory_space<vmem>>) target(%dma_start3A_128 : memref<128x128xf32, #tpu.memory_space<vmem_shared>>) target_semaphore(%run_scoped3A_124 : memref<!tpu.dma_semaphore, #tpu.memory_space<semaphore_mem>>)
      %dma_wait3A_129 = arith.constant 0 : i32
      %dma_wait3A_130 = tpu.memref_slice %arg10[%add3A_32, %dma_wait3A_129] : memref<10112x128xf32, #tpu.memory_space<vmem_shared>> -> memref<128x128xf32, #tpu.memory_space<vmem_shared>>
      %dma_wait3A_131 = arith.constant 0 : i32
      %dma_wait3A_132 = tpu.memref_slice %arg10[%add3A_32, %dma_wait3A_131] : memref<10112x128xf32, #tpu.memory_space<vmem_shared>> -> memref<128x128xf32, #tpu.memory_space<vmem_shared>>
      tpu.wait_dma2 semaphore(%run_scoped3A_124 : memref<!tpu.dma_semaphore, #tpu.memory_space<semaphore_mem>>) src(%arg8 : memref<128x128xf32, #tpu.memory_space<vmem>>) dst(%dma_wait3A_132 : memref<128x128xf32, #tpu.memory_space<vmem_shared>>)
      tpu.yield
    }) : () -> ()
    %add3A_33 = arith.constant 512 : i32
    %add3A_34 = arith.addi %mul3A_24, %add3A_33 : i32
    "tpu.region"() ({
      %run_scoped3A_124 = tpu.sem_alloc : memref<!tpu.dma_semaphore, #tpu.memory_space<semaphore_mem>>
      %dma_start3A_125 = arith.constant 0 : i32
      %dma_start3A_126 = arith.constant 0 : i32
      %dma_start3A_127 = tpu.memref_slice %arg8[%dma_start3A_125, %dma_start3A_126] : memref<128x128xf32, #tpu.memory_space<vmem>> -> memref<120x128xf32, #tpu.memory_space<vmem>>
      %dma_start3A_128 = arith.constant 0 : i32
      %dma_start3A_129 = tpu.memref_slice %arg10[%add3A_34, %dma_start3A_128] : memref<10112x128xf32, #tpu.memory_space<vmem_shared>> -> memref<120x128xf32, #tpu.memory_space<vmem_shared>>
      %dma_start3A_130 = arith.constant 0 : i32
      %dma_start3A_131 = tpu.memref_slice %arg10[%add3A_34, %dma_start3A_130] : memref<10112x128xf32, #tpu.memory_space<vmem_shared>> -> memref<120x128xf32, #tpu.memory_space<vmem_shared>>
      %dma_start3A_132 = arith.constant 0 : i32
      %dma_start3A_133 = arith.constant 0 : i32
      %dma_start3A_134 = tpu.memref_slice %arg8[%dma_start3A_132, %dma_start3A_133] : memref<128x128xf32, #tpu.memory_space<vmem>> -> memref<120x128xf32, #tpu.memory_space<vmem>>
      tpu.enqueue_dma source(%dma_start3A_134 : memref<120x128xf32, #tpu.memory_space<vmem>>) target(%dma_start3A_131 : memref<120x128xf32, #tpu.memory_space<vmem_shared>>) target_semaphore(%run_scoped3A_124 : memref<!tpu.dma_semaphore, #tpu.memory_space<semaphore_mem>>)
      %dma_wait3A_135 = arith.constant 0 : i32
      %dma_wait3A_136 = arith.constant 0 : i32
      %dma_wait3A_137 = tpu.memref_slice %arg8[%dma_wait3A_135, %dma_wait3A_136] : memref<128x128xf32, #tpu.memory_space<vmem>> -> memref<120x128xf32, #tpu.memory_space<vmem>>
      %dma_wait3A_138 = arith.constant 0 : i32
      %dma_wait3A_139 = tpu.memref_slice %arg10[%add3A_34, %dma_wait3A_138] : memref<10112x128xf32, #tpu.memory_space<vmem_shared>> -> memref<120x128xf32, #tpu.memory_space<vmem_shared>>
      %dma_wait3A_140 = arith.constant 0 : i32
      %dma_wait3A_141 = tpu.memref_slice %arg10[%add3A_34, %dma_wait3A_140] : memref<10112x128xf32, #tpu.memory_space<vmem_shared>> -> memref<120x128xf32, #tpu.memory_space<vmem_shared>>
      %dma_wait3A_142 = arith.constant 0 : i32
      %dma_wait3A_143 = arith.constant 0 : i32
      %dma_wait3A_144 = tpu.memref_slice %arg8[%dma_wait3A_142, %dma_wait3A_143] : memref<128x128xf32, #tpu.memory_space<vmem>> -> memref<120x128xf32, #tpu.memory_space<vmem>>
      tpu.wait_dma2 semaphore(%run_scoped3A_124 : memref<!tpu.dma_semaphore, #tpu.memory_space<semaphore_mem>>) src(%dma_wait3A_144 : memref<120x128xf32, #tpu.memory_space<vmem>>) dst(%dma_wait3A_141 : memref<120x128xf32, #tpu.memory_space<vmem_shared>>)
      tpu.yield
    }) : () -> ()
    %dma_wait3A = arith.constant 0 : i32
    %dma_wait3A_35 = arith.constant 0 : i32
    %dma_wait3A_36 = tpu.memref_slice %arg3[%add3A, %dma_wait3A, %dma_wait3A_35] : memref<32x80x128xi32, #tpu.memory_space<hbm>> -> memref<1x40x128xi32, #tpu.memory_space<hbm>>
    %dma_wait3A_37 = tpu.memref_squeeze %dma_wait3A_36 : memref<1x40x128xi32, #tpu.memory_space<hbm>> -> memref<40x128xi32, #tpu.memory_space<hbm>>
    %dma_wait3A_38 = arith.constant 0 : i32
    %dma_wait3A_39 = arith.constant 0 : i32
    %dma_wait3A_40 = tpu.memref_slice %arg3[%add3A, %dma_wait3A_38, %dma_wait3A_39] : memref<32x80x128xi32, #tpu.memory_space<hbm>> -> memref<1x40x128xi32, #tpu.memory_space<hbm>>
    %dma_wait3A_41 = tpu.memref_squeeze %dma_wait3A_40 : memref<1x40x128xi32, #tpu.memory_space<hbm>> -> memref<40x128xi32, #tpu.memory_space<hbm>>
    tpu.wait_dma2 semaphore(%arg13 : memref<!tpu.dma_semaphore, #tpu.memory_space<semaphore_mem>>) src(%dma_wait3A_41 : memref<40x128xi32, #tpu.memory_space<hbm>>) dst(%arg6 : memref<40x128xi32, #tpu.memory_space<vmem>>)
    %dma_wait3A_42 = arith.constant 0 : i32
    %dma_wait3A_43 = arith.constant 0 : i32
    %dma_wait3A_44 = tpu.memref_slice %arg4[%add3A, %dma_wait3A_42, %dma_wait3A_43] : memref<32x80x128xi32, #tpu.memory_space<hbm>> -> memref<1x40x128xi32, #tpu.memory_space<hbm>>
    %dma_wait3A_45 = tpu.memref_squeeze %dma_wait3A_44 : memref<1x40x128xi32, #tpu.memory_space<hbm>> -> memref<40x128xi32, #tpu.memory_space<hbm>>
    %dma_wait3A_46 = arith.constant 0 : i32
    %dma_wait3A_47 = arith.constant 0 : i32
    %dma_wait3A_48 = tpu.memref_slice %arg4[%add3A, %dma_wait3A_46, %dma_wait3A_47] : memref<32x80x128xi32, #tpu.memory_space<hbm>> -> memref<1x40x128xi32, #tpu.memory_space<hbm>>
    %dma_wait3A_49 = tpu.memref_squeeze %dma_wait3A_48 : memref<1x40x128xi32, #tpu.memory_space<hbm>> -> memref<40x128xi32, #tpu.memory_space<hbm>>
    tpu.wait_dma2 semaphore(%arg14 : memref<!tpu.dma_semaphore, #tpu.memory_space<semaphore_mem>>) src(%dma_wait3A_49 : memref<40x128xi32, #tpu.memory_space<hbm>>) dst(%arg7 : memref<40x128xi32, #tpu.memory_space<vmem>>)
    %dma_start3A_50 = arith.constant 0 : i32
    %dma_start3A_51 = arith.constant 0 : i32
    %dma_start3A_52 = tpu.memref_slice %arg6[%dma_start3A_50, %dma_start3A_51] : memref<40x128xi32, #tpu.memory_space<vmem>> -> memref<1x128xi32, #tpu.memory_space<vmem>>
    %dma_start3A_53 = tpu.memref_squeeze %dma_start3A_52 : memref<1x128xi32, #tpu.memory_space<vmem>> -> memref<128xi32, #tpu.memory_space<vmem>>
    %dma_start3A_54 = arith.constant 0 : i32
    %dma_start3A_55 = arith.constant 0 : i32
    %dma_start3A_56 = tpu.memref_slice %arg2[%dma_start3A_54, %dma_start3A_55] : memref<10000x128xf32, #tpu.memory_space<hbm>> -> memref<10000x128xf32, #tpu.memory_space<hbm>>
    tpu.enqueue_indirect_dma source(%dma_start3A_56 : memref<10000x128xf32, #tpu.memory_space<hbm>>) target(%arg8 : memref<128x128xf32, #tpu.memory_space<vmem>>) offsets(%dma_start3A_53 : memref<128xi32, #tpu.memory_space<vmem>>) semaphore(%arg11 : memref<!tpu.dma_semaphore, #tpu.memory_space<semaphore_mem>>)
    %dma_start3A_57 = arith.constant 1 : i32
    %dma_start3A_58 = arith.constant 0 : i32
    %dma_start3A_59 = tpu.memref_slice %arg6[%dma_start3A_57, %dma_start3A_58] : memref<40x128xi32, #tpu.memory_space<vmem>> -> memref<1x128xi32, #tpu.memory_space<vmem>>
    %dma_start3A_60 = tpu.memref_squeeze %dma_start3A_59 : memref<1x128xi32, #tpu.memory_space<vmem>> -> memref<128xi32, #tpu.memory_space<vmem>>
    %dma_start3A_61 = arith.constant 0 : i32
    %dma_start3A_62 = arith.constant 0 : i32
    %dma_start3A_63 = tpu.memref_slice %arg2[%dma_start3A_61, %dma_start3A_62] : memref<10000x128xf32, #tpu.memory_space<hbm>> -> memref<10000x128xf32, #tpu.memory_space<hbm>>
    tpu.enqueue_indirect_dma source(%dma_start3A_63 : memref<10000x128xf32, #tpu.memory_space<hbm>>) target(%arg9 : memref<128x128xf32, #tpu.memory_space<vmem>>) offsets(%dma_start3A_60 : memref<128xi32, #tpu.memory_space<vmem>>) semaphore(%arg12 : memref<!tpu.dma_semaphore, #tpu.memory_space<semaphore_mem>>)
    %barrier3A = arith.constant 0 : index
    tpu.barrier barrier_id(%barrier3A)
    %scan3A_64 = arith.constant 0 : i32
    %scan3A_65 = arith.constant 0 : i32
    %scan3A_66 = arith.constant 19 : i32
    %scan3A_67 = arith.addi %scan3A_65, %scan3A_66 : i32
    %scan3A_68 = arith.constant 1 : i32
    %scan3A_69 = scf.for %scan3A_124 = %scan3A_65 to %scan3A_67 step %scan3A_68 iter_args(%scan3A_125 = %scan3A_64) -> (i32)  : i32 {
      %mul3A_126 = arith.constant 2 : i32
      %mul3A_127 = arith.muli %mul3A_126, %scan3A_124 : i32
      %dma_wait3A_128 = arith.constant 0 : i32
      %dma_wait3A_129 = tpu.memref_slice %arg6[%mul3A_127, %dma_wait3A_128] : memref<40x128xi32, #tpu.memory_space<vmem>> -> memref<1x128xi32, #tpu.memory_space<vmem>>
      %dma_wait3A_130 = tpu.memref_squeeze %dma_wait3A_129 : memref<1x128xi32, #tpu.memory_space<vmem>> -> memref<128xi32, #tpu.memory_space<vmem>>
      %dma_wait3A_131 = arith.constant 0 : i32
      %dma_wait3A_132 = arith.constant 0 : i32
      %dma_wait3A_133 = tpu.memref_slice %arg2[%dma_wait3A_131, %dma_wait3A_132] : memref<10000x128xf32, #tpu.memory_space<hbm>> -> memref<10000x128xf32, #tpu.memory_space<hbm>>
      tpu.wait_indirect_dma semaphore(%arg11 : memref<!tpu.dma_semaphore, #tpu.memory_space<semaphore_mem>>) src(%dma_wait3A_133 : memref<10000x128xf32, #tpu.memory_space<hbm>>) dst(%arg8 : memref<128x128xf32, #tpu.memory_space<vmem>>)
      %dma_start3A_134 = arith.constant 0 : i32
      %dma_start3A_135 = tpu.memref_slice %arg7[%mul3A_127, %dma_start3A_134] : memref<40x128xi32, #tpu.memory_space<vmem>> -> memref<1x128xi32, #tpu.memory_space<vmem>>
      %dma_start3A_136 = tpu.memref_squeeze %dma_start3A_135 : memref<1x128xi32, #tpu.memory_space<vmem>> -> memref<128xi32, #tpu.memory_space<vmem>>
      %dma_start3A_137 = arith.constant 0 : i32
      %dma_start3A_138 = arith.constant 0 : i32
      %dma_start3A_139 = tpu.memref_slice %arg10[%dma_start3A_137, %dma_start3A_138] : memref<10112x128xf32, #tpu.memory_space<vmem_shared>> -> memref<10112x128xf32, #tpu.memory_space<vmem_shared>>
      tpu.enqueue_indirect_dma source(%arg8 : memref<128x128xf32, #tpu.memory_space<vmem>>) target(%dma_start3A_139 : memref<10112x128xf32, #tpu.memory_space<vmem_shared>>) offsets(%dma_start3A_136 : memref<128xi32, #tpu.memory_space<vmem>>) semaphore(%arg13 : memref<!tpu.dma_semaphore, #tpu.memory_space<semaphore_mem>>) {add = true}
      %add3A_140 = arith.constant 1 : i32
      %add3A_141 = arith.addi %mul3A_127, %add3A_140 : i32
      %dma_wait3A_142 = arith.constant 0 : i32
      %dma_wait3A_143 = tpu.memref_slice %arg6[%add3A_141, %dma_wait3A_142] : memref<40x128xi32, #tpu.memory_space<vmem>> -> memref<1x128xi32, #tpu.memory_space<vmem>>
      %dma_wait3A_144 = tpu.memref_squeeze %dma_wait3A_143 : memref<1x128xi32, #tpu.memory_space<vmem>> -> memref<128xi32, #tpu.memory_space<vmem>>
      %dma_wait3A_145 = arith.constant 0 : i32
      %dma_wait3A_146 = arith.constant 0 : i32
      %dma_wait3A_147 = tpu.memref_slice %arg2[%dma_wait3A_145, %dma_wait3A_146] : memref<10000x128xf32, #tpu.memory_space<hbm>> -> memref<10000x128xf32, #tpu.memory_space<hbm>>
      tpu.wait_indirect_dma semaphore(%arg12 : memref<!tpu.dma_semaphore, #tpu.memory_space<semaphore_mem>>) src(%dma_wait3A_147 : memref<10000x128xf32, #tpu.memory_space<hbm>>) dst(%arg9 : memref<128x128xf32, #tpu.memory_space<vmem>>)
      %add3A_148 = arith.constant 1 : i32
      %add3A_149 = arith.addi %mul3A_127, %add3A_148 : i32
      %dma_start3A_150 = arith.constant 0 : i32
      %dma_start3A_151 = tpu.memref_slice %arg7[%add3A_149, %dma_start3A_150] : memref<40x128xi32, #tpu.memory_space<vmem>> -> memref<1x128xi32, #tpu.memory_space<vmem>>
      %dma_start3A_152 = tpu.memref_squeeze %dma_start3A_151 : memref<1x128xi32, #tpu.memory_space<vmem>> -> memref<128xi32, #tpu.memory_space<vmem>>
      %dma_start3A_153 = arith.constant 0 : i32
      %dma_start3A_154 = arith.constant 0 : i32
      %dma_start3A_155 = tpu.memref_slice %arg10[%dma_start3A_153, %dma_start3A_154] : memref<10112x128xf32, #tpu.memory_space<vmem_shared>> -> memref<10112x128xf32, #tpu.memory_space<vmem_shared>>
      tpu.enqueue_indirect_dma source(%arg9 : memref<128x128xf32, #tpu.memory_space<vmem>>) target(%dma_start3A_155 : memref<10112x128xf32, #tpu.memory_space<vmem_shared>>) offsets(%dma_start3A_152 : memref<128xi32, #tpu.memory_space<vmem>>) semaphore(%arg14 : memref<!tpu.dma_semaphore, #tpu.memory_space<semaphore_mem>>) {add = true}
      %dma_wait3A_156 = arith.constant 0 : i32
      %dma_wait3A_157 = tpu.memref_slice %arg7[%mul3A_127, %dma_wait3A_156] : memref<40x128xi32, #tpu.memory_space<vmem>> -> memref<1x128xi32, #tpu.memory_space<vmem>>
      %dma_wait3A_158 = tpu.memref_squeeze %dma_wait3A_157 : memref<1x128xi32, #tpu.memory_space<vmem>> -> memref<128xi32, #tpu.memory_space<vmem>>
      %dma_wait3A_159 = arith.constant 0 : i32
      %dma_wait3A_160 = arith.constant 0 : i32
      %dma_wait3A_161 = tpu.memref_slice %arg10[%dma_wait3A_159, %dma_wait3A_160] : memref<10112x128xf32, #tpu.memory_space<vmem_shared>> -> memref<10112x128xf32, #tpu.memory_space<vmem_shared>>
      tpu.wait_indirect_dma semaphore(%arg13 : memref<!tpu.dma_semaphore, #tpu.memory_space<semaphore_mem>>) src(%arg8 : memref<128x128xf32, #tpu.memory_space<vmem>>) dst(%dma_wait3A_161 : memref<10112x128xf32, #tpu.memory_space<vmem_shared>>)
      %add3A_162 = arith.constant 2 : i32
      %add3A_163 = arith.addi %mul3A_127, %add3A_162 : i32
      %dma_start3A_164 = arith.constant 0 : i32
      %dma_start3A_165 = tpu.memref_slice %arg6[%add3A_163, %dma_start3A_164] : memref<40x128xi32, #tpu.memory_space<vmem>> -> memref<1x128xi32, #tpu.memory_space<vmem>>
      %dma_start3A_166 = tpu.memref_squeeze %dma_start3A_165 : memref<1x128xi32, #tpu.memory_space<vmem>> -> memref<128xi32, #tpu.memory_space<vmem>>
      %dma_start3A_167 = arith.constant 0 : i32
      %dma_start3A_168 = arith.constant 0 : i32
      %dma_start3A_169 = tpu.memref_slice %arg2[%dma_start3A_167, %dma_start3A_168] : memref<10000x128xf32, #tpu.memory_space<hbm>> -> memref<10000x128xf32, #tpu.memory_space<hbm>>
      tpu.enqueue_indirect_dma source(%dma_start3A_169 : memref<10000x128xf32, #tpu.memory_space<hbm>>) target(%arg8 : memref<128x128xf32, #tpu.memory_space<vmem>>) offsets(%dma_start3A_166 : memref<128xi32, #tpu.memory_space<vmem>>) semaphore(%arg11 : memref<!tpu.dma_semaphore, #tpu.memory_space<semaphore_mem>>)
      %dma_wait3A_170 = arith.constant 0 : i32
      %dma_wait3A_171 = tpu.memref_slice %arg7[%add3A_149, %dma_wait3A_170] : memref<40x128xi32, #tpu.memory_space<vmem>> -> memref<1x128xi32, #tpu.memory_space<vmem>>
      %dma_wait3A_172 = tpu.memref_squeeze %dma_wait3A_171 : memref<1x128xi32, #tpu.memory_space<vmem>> -> memref<128xi32, #tpu.memory_space<vmem>>
      %dma_wait3A_173 = arith.constant 0 : i32
      %dma_wait3A_174 = arith.constant 0 : i32
      %dma_wait3A_175 = tpu.memref_slice %arg10[%dma_wait3A_173, %dma_wait3A_174] : memref<10112x128xf32, #tpu.memory_space<vmem_shared>> -> memref<10112x128xf32, #tpu.memory_space<vmem_shared>>
      tpu.wait_indirect_dma semaphore(%arg14 : memref<!tpu.dma_semaphore, #tpu.memory_space<semaphore_mem>>) src(%arg9 : memref<128x128xf32, #tpu.memory_space<vmem>>) dst(%dma_wait3A_175 : memref<10112x128xf32, #tpu.memory_space<vmem_shared>>)
      %add3A_176 = arith.constant 3 : i32
      %add3A_177 = arith.addi %mul3A_127, %add3A_176 : i32
      %dma_start3A_178 = arith.constant 0 : i32
      %dma_start3A_179 = tpu.memref_slice %arg6[%add3A_177, %dma_start3A_178] : memref<40x128xi32, #tpu.memory_space<vmem>> -> memref<1x128xi32, #tpu.memory_space<vmem>>
      %dma_start3A_180 = tpu.memref_squeeze %dma_start3A_179 : memref<1x128xi32, #tpu.memory_space<vmem>> -> memref<128xi32, #tpu.memory_space<vmem>>
      %dma_start3A_181 = arith.constant 0 : i32
      %dma_start3A_182 = arith.constant 0 : i32
      %dma_start3A_183 = tpu.memref_slice %arg2[%dma_start3A_181, %dma_start3A_182] : memref<10000x128xf32, #tpu.memory_space<hbm>> -> memref<10000x128xf32, #tpu.memory_space<hbm>>
      tpu.enqueue_indirect_dma source(%dma_start3A_183 : memref<10000x128xf32, #tpu.memory_space<hbm>>) target(%arg9 : memref<128x128xf32, #tpu.memory_space<vmem>>) offsets(%dma_start3A_180 : memref<128xi32, #tpu.memory_space<vmem>>) semaphore(%arg12 : memref<!tpu.dma_semaphore, #tpu.memory_space<semaphore_mem>>)
      %scan3A_184 = arith.constant 0 : i32
      scf.yield %scan3A_184 : i32
    }
    %scan3A_70 = arith.constant 19 : i32
    %dma_wait3A_71 = arith.constant 38 : i32
    %dma_wait3A_72 = arith.constant 0 : i32
    %dma_wait3A_73 = tpu.memref_slice %arg6[%dma_wait3A_71, %dma_wait3A_72] : memref<40x128xi32, #tpu.memory_space<vmem>> -> memref<1x128xi32, #tpu.memory_space<vmem>>
    %dma_wait3A_74 = tpu.memref_squeeze %dma_wait3A_73 : memref<1x128xi32, #tpu.memory_space<vmem>> -> memref<128xi32, #tpu.memory_space<vmem>>
    %dma_wait3A_75 = arith.constant 0 : i32
    %dma_wait3A_76 = arith.constant 0 : i32
    %dma_wait3A_77 = tpu.memref_slice %arg2[%dma_wait3A_75, %dma_wait3A_76] : memref<10000x128xf32, #tpu.memory_space<hbm>> -> memref<10000x128xf32, #tpu.memory_space<hbm>>
    tpu.wait_indirect_dma semaphore(%arg11 : memref<!tpu.dma_semaphore, #tpu.memory_space<semaphore_mem>>) src(%dma_wait3A_77 : memref<10000x128xf32, #tpu.memory_space<hbm>>) dst(%arg8 : memref<128x128xf32, #tpu.memory_space<vmem>>)
    %run_scoped3A = arith.constant 38 : i32
    "tpu.region"() ({
      %run_scoped3A_124 = tpu.sem_alloc : memref<!tpu.dma_semaphore, #tpu.memory_space<semaphore_mem>>
      %dma_start3A_125 = arith.constant 0 : i32
      %dma_start3A_126 = tpu.memref_slice %arg7[%run_scoped3A, %dma_start3A_125] : memref<40x128xi32, #tpu.memory_space<vmem>> -> memref<1x128xi32, #tpu.memory_space<vmem>>
      %dma_start3A_127 = tpu.memref_squeeze %dma_start3A_126 : memref<1x128xi32, #tpu.memory_space<vmem>> -> memref<128xi32, #tpu.memory_space<vmem>>
      %dma_start3A_128 = arith.constant 0 : i32
      %dma_start3A_129 = arith.constant 0 : i32
      %dma_start3A_130 = tpu.memref_slice %arg10[%dma_start3A_128, %dma_start3A_129] : memref<10112x128xf32, #tpu.memory_space<vmem_shared>> -> memref<10112x128xf32, #tpu.memory_space<vmem_shared>>
      tpu.enqueue_indirect_dma source(%arg8 : memref<128x128xf32, #tpu.memory_space<vmem>>) target(%dma_start3A_130 : memref<10112x128xf32, #tpu.memory_space<vmem_shared>>) offsets(%dma_start3A_127 : memref<128xi32, #tpu.memory_space<vmem>>) semaphore(%run_scoped3A_124 : memref<!tpu.dma_semaphore, #tpu.memory_space<semaphore_mem>>) {add = true}
      %dma_wait3A_131 = arith.constant 0 : i32
      %dma_wait3A_132 = tpu.memref_slice %arg7[%run_scoped3A, %dma_wait3A_131] : memref<40x128xi32, #tpu.memory_space<vmem>> -> memref<1x128xi32, #tpu.memory_space<vmem>>
      %dma_wait3A_133 = tpu.memref_squeeze %dma_wait3A_132 : memref<1x128xi32, #tpu.memory_space<vmem>> -> memref<128xi32, #tpu.memory_space<vmem>>
      %dma_wait3A_134 = arith.constant 0 : i32
      %dma_wait3A_135 = arith.constant 0 : i32
      %dma_wait3A_136 = tpu.memref_slice %arg10[%dma_wait3A_134, %dma_wait3A_135] : memref<10112x128xf32, #tpu.memory_space<vmem_shared>> -> memref<10112x128xf32, #tpu.memory_space<vmem_shared>>
      tpu.wait_indirect_dma semaphore(%run_scoped3A_124 : memref<!tpu.dma_semaphore, #tpu.memory_space<semaphore_mem>>) src(%arg8 : memref<128x128xf32, #tpu.memory_space<vmem>>) dst(%dma_wait3A_136 : memref<10112x128xf32, #tpu.memory_space<vmem_shared>>)
      tpu.yield
    }) : () -> ()
    %dma_wait3A_78 = arith.constant 39 : i32
    %dma_wait3A_79 = arith.constant 0 : i32
    %dma_wait3A_80 = tpu.memref_slice %arg6[%dma_wait3A_78, %dma_wait3A_79] : memref<40x128xi32, #tpu.memory_space<vmem>> -> memref<1x128xi32, #tpu.memory_space<vmem>>
    %dma_wait3A_81 = tpu.memref_squeeze %dma_wait3A_80 : memref<1x128xi32, #tpu.memory_space<vmem>> -> memref<128xi32, #tpu.memory_space<vmem>>
    %dma_wait3A_82 = arith.constant 0 : i32
    %dma_wait3A_83 = arith.constant 0 : i32
    %dma_wait3A_84 = tpu.memref_slice %arg2[%dma_wait3A_82, %dma_wait3A_83] : memref<10000x128xf32, #tpu.memory_space<hbm>> -> memref<10000x128xf32, #tpu.memory_space<hbm>>
    tpu.wait_indirect_dma semaphore(%arg12 : memref<!tpu.dma_semaphore, #tpu.memory_space<semaphore_mem>>) src(%dma_wait3A_84 : memref<10000x128xf32, #tpu.memory_space<hbm>>) dst(%arg9 : memref<128x128xf32, #tpu.memory_space<vmem>>)
    %run_scoped3A_85 = arith.constant 39 : i32
    "tpu.region"() ({
      %run_scoped3A_124 = tpu.sem_alloc : memref<!tpu.dma_semaphore, #tpu.memory_space<semaphore_mem>>
      %dma_start3A_125 = arith.constant 0 : i32
      %dma_start3A_126 = tpu.memref_slice %arg7[%run_scoped3A_85, %dma_start3A_125] : memref<40x128xi32, #tpu.memory_space<vmem>> -> memref<1x128xi32, #tpu.memory_space<vmem>>
      %dma_start3A_127 = tpu.memref_squeeze %dma_start3A_126 : memref<1x128xi32, #tpu.memory_space<vmem>> -> memref<128xi32, #tpu.memory_space<vmem>>
      %dma_start3A_128 = arith.constant 0 : i32
      %dma_start3A_129 = arith.constant 0 : i32
      %dma_start3A_130 = tpu.memref_slice %arg10[%dma_start3A_128, %dma_start3A_129] : memref<10112x128xf32, #tpu.memory_space<vmem_shared>> -> memref<10112x128xf32, #tpu.memory_space<vmem_shared>>
      tpu.enqueue_indirect_dma source(%arg9 : memref<128x128xf32, #tpu.memory_space<vmem>>) target(%dma_start3A_130 : memref<10112x128xf32, #tpu.memory_space<vmem_shared>>) offsets(%dma_start3A_127 : memref<128xi32, #tpu.memory_space<vmem>>) semaphore(%run_scoped3A_124 : memref<!tpu.dma_semaphore, #tpu.memory_space<semaphore_mem>>) {add = true}
      %dma_wait3A_131 = arith.constant 0 : i32
      %dma_wait3A_132 = tpu.memref_slice %arg7[%run_scoped3A_85, %dma_wait3A_131] : memref<40x128xi32, #tpu.memory_space<vmem>> -> memref<1x128xi32, #tpu.memory_space<vmem>>
      %dma_wait3A_133 = tpu.memref_squeeze %dma_wait3A_132 : memref<1x128xi32, #tpu.memory_space<vmem>> -> memref<128xi32, #tpu.memory_space<vmem>>
      %dma_wait3A_134 = arith.constant 0 : i32
      %dma_wait3A_135 = arith.constant 0 : i32
      %dma_wait3A_136 = tpu.memref_slice %arg10[%dma_wait3A_134, %dma_wait3A_135] : memref<10112x128xf32, #tpu.memory_space<vmem_shared>> -> memref<10112x128xf32, #tpu.memory_space<vmem_shared>>
      tpu.wait_indirect_dma semaphore(%run_scoped3A_124 : memref<!tpu.dma_semaphore, #tpu.memory_space<semaphore_mem>>) src(%arg9 : memref<128x128xf32, #tpu.memory_space<vmem>>) dst(%dma_wait3A_136 : memref<10112x128xf32, #tpu.memory_space<vmem_shared>>)
      tpu.yield
    }) : () -> ()
    "tpu.region"() ({
      %run_scoped3A_124 = tpu.sem_alloc : memref<!tpu.dma_semaphore, #tpu.memory_space<semaphore_mem>>
      %dma_start3A_125 = arith.constant 40 : i32
      %dma_start3A_126 = arith.constant 0 : i32
      %dma_start3A_127 = tpu.memref_slice %arg3[%add3A, %dma_start3A_125, %dma_start3A_126] : memref<32x80x128xi32, #tpu.memory_space<hbm>> -> memref<1x40x128xi32, #tpu.memory_space<hbm>>
      %dma_start3A_128 = tpu.memref_squeeze %dma_start3A_127 : memref<1x40x128xi32, #tpu.memory_space<hbm>> -> memref<40x128xi32, #tpu.memory_space<hbm>>
      %dma_start3A_129 = arith.constant 40 : i32
      %dma_start3A_130 = arith.constant 0 : i32
      %dma_start3A_131 = tpu.memref_slice %arg3[%add3A, %dma_start3A_129, %dma_start3A_130] : memref<32x80x128xi32, #tpu.memory_space<hbm>> -> memref<1x40x128xi32, #tpu.memory_space<hbm>>
      %dma_start3A_132 = tpu.memref_squeeze %dma_start3A_131 : memref<1x40x128xi32, #tpu.memory_space<hbm>> -> memref<40x128xi32, #tpu.memory_space<hbm>>
      tpu.enqueue_dma source(%dma_start3A_132 : memref<40x128xi32, #tpu.memory_space<hbm>>) target(%arg6 : memref<40x128xi32, #tpu.memory_space<vmem>>) target_semaphore(%run_scoped3A_124 : memref<!tpu.dma_semaphore, #tpu.memory_space<semaphore_mem>>)
      %dma_wait3A_133 = arith.constant 40 : i32
      %dma_wait3A_134 = arith.constant 0 : i32
      %dma_wait3A_135 = tpu.memref_slice %arg3[%add3A, %dma_wait3A_133, %dma_wait3A_134] : memref<32x80x128xi32, #tpu.memory_space<hbm>> -> memref<1x40x128xi32, #tpu.memory_space<hbm>>
      %dma_wait3A_136 = tpu.memref_squeeze %dma_wait3A_135 : memref<1x40x128xi32, #tpu.memory_space<hbm>> -> memref<40x128xi32, #tpu.memory_space<hbm>>
      %dma_wait3A_137 = arith.constant 40 : i32
      %dma_wait3A_138 = arith.constant 0 : i32
      %dma_wait3A_139 = tpu.memref_slice %arg3[%add3A, %dma_wait3A_137, %dma_wait3A_138] : memref<32x80x128xi32, #tpu.memory_space<hbm>> -> memref<1x40x128xi32, #tpu.memory_space<hbm>>
      %dma_wait3A_140 = tpu.memref_squeeze %dma_wait3A_139 : memref<1x40x128xi32, #tpu.memory_space<hbm>> -> memref<40x128xi32, #tpu.memory_space<hbm>>
      tpu.wait_dma2 semaphore(%run_scoped3A_124 : memref<!tpu.dma_semaphore, #tpu.memory_space<semaphore_mem>>) src(%dma_wait3A_140 : memref<40x128xi32, #tpu.memory_space<hbm>>) dst(%arg6 : memref<40x128xi32, #tpu.memory_space<vmem>>)
      tpu.yield
    }) : () -> ()
    "tpu.region"() ({
      %run_scoped3A_124 = tpu.sem_alloc : memref<!tpu.dma_semaphore, #tpu.memory_space<semaphore_mem>>
      %dma_start3A_125 = arith.constant 40 : i32
      %dma_start3A_126 = arith.constant 0 : i32
      %dma_start3A_127 = tpu.memref_slice %arg4[%add3A, %dma_start3A_125, %dma_start3A_126] : memref<32x80x128xi32, #tpu.memory_space<hbm>> -> memref<1x40x128xi32, #tpu.memory_space<hbm>>
      %dma_start3A_128 = tpu.memref_squeeze %dma_start3A_127 : memref<1x40x128xi32, #tpu.memory_space<hbm>> -> memref<40x128xi32, #tpu.memory_space<hbm>>
      %dma_start3A_129 = arith.constant 40 : i32
      %dma_start3A_130 = arith.constant 0 : i32
      %dma_start3A_131 = tpu.memref_slice %arg4[%add3A, %dma_start3A_129, %dma_start3A_130] : memref<32x80x128xi32, #tpu.memory_space<hbm>> -> memref<1x40x128xi32, #tpu.memory_space<hbm>>
      %dma_start3A_132 = tpu.memref_squeeze %dma_start3A_131 : memref<1x40x128xi32, #tpu.memory_space<hbm>> -> memref<40x128xi32, #tpu.memory_space<hbm>>
      tpu.enqueue_dma source(%dma_start3A_132 : memref<40x128xi32, #tpu.memory_space<hbm>>) target(%arg7 : memref<40x128xi32, #tpu.memory_space<vmem>>) target_semaphore(%run_scoped3A_124 : memref<!tpu.dma_semaphore, #tpu.memory_space<semaphore_mem>>)
      %dma_wait3A_133 = arith.constant 40 : i32
      %dma_wait3A_134 = arith.constant 0 : i32
      %dma_wait3A_135 = tpu.memref_slice %arg4[%add3A, %dma_wait3A_133, %dma_wait3A_134] : memref<32x80x128xi32, #tpu.memory_space<hbm>> -> memref<1x40x128xi32, #tpu.memory_space<hbm>>
      %dma_wait3A_136 = tpu.memref_squeeze %dma_wait3A_135 : memref<1x40x128xi32, #tpu.memory_space<hbm>> -> memref<40x128xi32, #tpu.memory_space<hbm>>
      %dma_wait3A_137 = arith.constant 40 : i32
      %dma_wait3A_138 = arith.constant 0 : i32
      %dma_wait3A_139 = tpu.memref_slice %arg4[%add3A, %dma_wait3A_137, %dma_wait3A_138] : memref<32x80x128xi32, #tpu.memory_space<hbm>> -> memref<1x40x128xi32, #tpu.memory_space<hbm>>
      %dma_wait3A_140 = tpu.memref_squeeze %dma_wait3A_139 : memref<1x40x128xi32, #tpu.memory_space<hbm>> -> memref<40x128xi32, #tpu.memory_space<hbm>>
      tpu.wait_dma2 semaphore(%run_scoped3A_124 : memref<!tpu.dma_semaphore, #tpu.memory_space<semaphore_mem>>) src(%dma_wait3A_140 : memref<40x128xi32, #tpu.memory_space<hbm>>) dst(%arg7 : memref<40x128xi32, #tpu.memory_space<vmem>>)
      tpu.yield
    }) : () -> ()
    %dma_start3A_86 = arith.constant 0 : i32
    %dma_start3A_87 = arith.constant 0 : i32
    %dma_start3A_88 = tpu.memref_slice %arg6[%dma_start3A_86, %dma_start3A_87] : memref<40x128xi32, #tpu.memory_space<vmem>> -> memref<1x128xi32, #tpu.memory_space<vmem>>
    %dma_start3A_89 = tpu.memref_squeeze %dma_start3A_88 : memref<1x128xi32, #tpu.memory_space<vmem>> -> memref<128xi32, #tpu.memory_space<vmem>>
    %dma_start3A_90 = arith.constant 0 : i32
    %dma_start3A_91 = arith.constant 0 : i32
    %dma_start3A_92 = tpu.memref_slice %arg2[%dma_start3A_90, %dma_start3A_91] : memref<10000x128xf32, #tpu.memory_space<hbm>> -> memref<10000x128xf32, #tpu.memory_space<hbm>>
    tpu.enqueue_indirect_dma source(%dma_start3A_92 : memref<10000x128xf32, #tpu.memory_space<hbm>>) target(%arg8 : memref<128x128xf32, #tpu.memory_space<vmem>>) offsets(%dma_start3A_89 : memref<128xi32, #tpu.memory_space<vmem>>) semaphore(%arg11 : memref<!tpu.dma_semaphore, #tpu.memory_space<semaphore_mem>>)
    %dma_start3A_93 = arith.constant 1 : i32
    %dma_start3A_94 = arith.constant 0 : i32
    %dma_start3A_95 = tpu.memref_slice %arg6[%dma_start3A_93, %dma_start3A_94] : memref<40x128xi32, #tpu.memory_space<vmem>> -> memref<1x128xi32, #tpu.memory_space<vmem>>
    %dma_start3A_96 = tpu.memref_squeeze %dma_start3A_95 : memref<1x128xi32, #tpu.memory_space<vmem>> -> memref<128xi32, #tpu.memory_space<vmem>>
    %dma_start3A_97 = arith.constant 0 : i32
    %dma_start3A_98 = arith.constant 0 : i32
    %dma_start3A_99 = tpu.memref_slice %arg2[%dma_start3A_97, %dma_start3A_98] : memref<10000x128xf32, #tpu.memory_space<hbm>> -> memref<10000x128xf32, #tpu.memory_space<hbm>>
    tpu.enqueue_indirect_dma source(%dma_start3A_99 : memref<10000x128xf32, #tpu.memory_space<hbm>>) target(%arg9 : memref<128x128xf32, #tpu.memory_space<vmem>>) offsets(%dma_start3A_96 : memref<128xi32, #tpu.memory_space<vmem>>) semaphore(%arg12 : memref<!tpu.dma_semaphore, #tpu.memory_space<semaphore_mem>>)
    %scan3A_100 = arith.constant 0 : i32
    %scan3A_101 = arith.constant 0 : i32
    %scan3A_102 = arith.constant 19 : i32
    %scan3A_103 = arith.addi %scan3A_101, %scan3A_102 : i32
    %scan3A_104 = arith.constant 1 : i32
    %scan3A_105 = scf.for %scan3A_124 = %scan3A_101 to %scan3A_103 step %scan3A_104 iter_args(%scan3A_125 = %scan3A_100) -> (i32)  : i32 {
      %mul3A_126 = arith.constant 2 : i32
      %mul3A_127 = arith.muli %mul3A_126, %scan3A_124 : i32
      %dma_wait3A_128 = arith.constant 0 : i32
      %dma_wait3A_129 = tpu.memref_slice %arg6[%mul3A_127, %dma_wait3A_128] : memref<40x128xi32, #tpu.memory_space<vmem>> -> memref<1x128xi32, #tpu.memory_space<vmem>>
      %dma_wait3A_130 = tpu.memref_squeeze %dma_wait3A_129 : memref<1x128xi32, #tpu.memory_space<vmem>> -> memref<128xi32, #tpu.memory_space<vmem>>
      %dma_wait3A_131 = arith.constant 0 : i32
      %dma_wait3A_132 = arith.constant 0 : i32
      %dma_wait3A_133 = tpu.memref_slice %arg2[%dma_wait3A_131, %dma_wait3A_132] : memref<10000x128xf32, #tpu.memory_space<hbm>> -> memref<10000x128xf32, #tpu.memory_space<hbm>>
      tpu.wait_indirect_dma semaphore(%arg11 : memref<!tpu.dma_semaphore, #tpu.memory_space<semaphore_mem>>) src(%dma_wait3A_133 : memref<10000x128xf32, #tpu.memory_space<hbm>>) dst(%arg8 : memref<128x128xf32, #tpu.memory_space<vmem>>)
      %dma_start3A_134 = arith.constant 0 : i32
      %dma_start3A_135 = tpu.memref_slice %arg7[%mul3A_127, %dma_start3A_134] : memref<40x128xi32, #tpu.memory_space<vmem>> -> memref<1x128xi32, #tpu.memory_space<vmem>>
      %dma_start3A_136 = tpu.memref_squeeze %dma_start3A_135 : memref<1x128xi32, #tpu.memory_space<vmem>> -> memref<128xi32, #tpu.memory_space<vmem>>
      %dma_start3A_137 = arith.constant 0 : i32
      %dma_start3A_138 = arith.constant 0 : i32
      %dma_start3A_139 = tpu.memref_slice %arg10[%dma_start3A_137, %dma_start3A_138] : memref<10112x128xf32, #tpu.memory_space<vmem_shared>> -> memref<10112x128xf32, #tpu.memory_space<vmem_shared>>
      tpu.enqueue_indirect_dma source(%arg8 : memref<128x128xf32, #tpu.memory_space<vmem>>) target(%dma_start3A_139 : memref<10112x128xf32, #tpu.memory_space<vmem_shared>>) offsets(%dma_start3A_136 : memref<128xi32, #tpu.memory_space<vmem>>) semaphore(%arg13 : memref<!tpu.dma_semaphore, #tpu.memory_space<semaphore_mem>>) {add = true}
      %add3A_140 = arith.constant 1 : i32
      %add3A_141 = arith.addi %mul3A_127, %add3A_140 : i32
      %dma_wait3A_142 = arith.constant 0 : i32
      %dma_wait3A_143 = tpu.memref_slice %arg6[%add3A_141, %dma_wait3A_142] : memref<40x128xi32, #tpu.memory_space<vmem>> -> memref<1x128xi32, #tpu.memory_space<vmem>>
      %dma_wait3A_144 = tpu.memref_squeeze %dma_wait3A_143 : memref<1x128xi32, #tpu.memory_space<vmem>> -> memref<128xi32, #tpu.memory_space<vmem>>
      %dma_wait3A_145 = arith.constant 0 : i32
      %dma_wait3A_146 = arith.constant 0 : i32
      %dma_wait3A_147 = tpu.memref_slice %arg2[%dma_wait3A_145, %dma_wait3A_146] : memref<10000x128xf32, #tpu.memory_space<hbm>> -> memref<10000x128xf32, #tpu.memory_space<hbm>>
      tpu.wait_indirect_dma semaphore(%arg12 : memref<!tpu.dma_semaphore, #tpu.memory_space<semaphore_mem>>) src(%dma_wait3A_147 : memref<10000x128xf32, #tpu.memory_space<hbm>>) dst(%arg9 : memref<128x128xf32, #tpu.memory_space<vmem>>)
      %add3A_148 = arith.constant 1 : i32
      %add3A_149 = arith.addi %mul3A_127, %add3A_148 : i32
      %dma_start3A_150 = arith.constant 0 : i32
      %dma_start3A_151 = tpu.memref_slice %arg7[%add3A_149, %dma_start3A_150] : memref<40x128xi32, #tpu.memory_space<vmem>> -> memref<1x128xi32, #tpu.memory_space<vmem>>
      %dma_start3A_152 = tpu.memref_squeeze %dma_start3A_151 : memref<1x128xi32, #tpu.memory_space<vmem>> -> memref<128xi32, #tpu.memory_space<vmem>>
      %dma_start3A_153 = arith.constant 0 : i32
      %dma_start3A_154 = arith.constant 0 : i32
      %dma_start3A_155 = tpu.memref_slice %arg10[%dma_start3A_153, %dma_start3A_154] : memref<10112x128xf32, #tpu.memory_space<vmem_shared>> -> memref<10112x128xf32, #tpu.memory_space<vmem_shared>>
      tpu.enqueue_indirect_dma source(%arg9 : memref<128x128xf32, #tpu.memory_space<vmem>>) target(%dma_start3A_155 : memref<10112x128xf32, #tpu.memory_space<vmem_shared>>) offsets(%dma_start3A_152 : memref<128xi32, #tpu.memory_space<vmem>>) semaphore(%arg14 : memref<!tpu.dma_semaphore, #tpu.memory_space<semaphore_mem>>) {add = true}
      %dma_wait3A_156 = arith.constant 0 : i32
      %dma_wait3A_157 = tpu.memref_slice %arg7[%mul3A_127, %dma_wait3A_156] : memref<40x128xi32, #tpu.memory_space<vmem>> -> memref<1x128xi32, #tpu.memory_space<vmem>>
      %dma_wait3A_158 = tpu.memref_squeeze %dma_wait3A_157 : memref<1x128xi32, #tpu.memory_space<vmem>> -> memref<128xi32, #tpu.memory_space<vmem>>
      %dma_wait3A_159 = arith.constant 0 : i32
      %dma_wait3A_160 = arith.constant 0 : i32
      %dma_wait3A_161 = tpu.memref_slice %arg10[%dma_wait3A_159, %dma_wait3A_160] : memref<10112x128xf32, #tpu.memory_space<vmem_shared>> -> memref<10112x128xf32, #tpu.memory_space<vmem_shared>>
      tpu.wait_indirect_dma semaphore(%arg13 : memref<!tpu.dma_semaphore, #tpu.memory_space<semaphore_mem>>) src(%arg8 : memref<128x128xf32, #tpu.memory_space<vmem>>) dst(%dma_wait3A_161 : memref<10112x128xf32, #tpu.memory_space<vmem_shared>>)
      %add3A_162 = arith.constant 2 : i32
      %add3A_163 = arith.addi %mul3A_127, %add3A_162 : i32
      %dma_start3A_164 = arith.constant 0 : i32
      %dma_start3A_165 = tpu.memref_slice %arg6[%add3A_163, %dma_start3A_164] : memref<40x128xi32, #tpu.memory_space<vmem>> -> memref<1x128xi32, #tpu.memory_space<vmem>>
      %dma_start3A_166 = tpu.memref_squeeze %dma_start3A_165 : memref<1x128xi32, #tpu.memory_space<vmem>> -> memref<128xi32, #tpu.memory_space<vmem>>
      %dma_start3A_167 = arith.constant 0 : i32
      %dma_start3A_168 = arith.constant 0 : i32
      %dma_start3A_169 = tpu.memref_slice %arg2[%dma_start3A_167, %dma_start3A_168] : memref<10000x128xf32, #tpu.memory_space<hbm>> -> memref<10000x128xf32, #tpu.memory_space<hbm>>
      tpu.enqueue_indirect_dma source(%dma_start3A_169 : memref<10000x128xf32, #tpu.memory_space<hbm>>) target(%arg8 : memref<128x128xf32, #tpu.memory_space<vmem>>) offsets(%dma_start3A_166 : memref<128xi32, #tpu.memory_space<vmem>>) semaphore(%arg11 : memref<!tpu.dma_semaphore, #tpu.memory_space<semaphore_mem>>)
      %dma_wait3A_170 = arith.constant 0 : i32
      %dma_wait3A_171 = tpu.memref_slice %arg7[%add3A_149, %dma_wait3A_170] : memref<40x128xi32, #tpu.memory_space<vmem>> -> memref<1x128xi32, #tpu.memory_space<vmem>>
      %dma_wait3A_172 = tpu.memref_squeeze %dma_wait3A_171 : memref<1x128xi32, #tpu.memory_space<vmem>> -> memref<128xi32, #tpu.memory_space<vmem>>
      %dma_wait3A_173 = arith.constant 0 : i32
      %dma_wait3A_174 = arith.constant 0 : i32
      %dma_wait3A_175 = tpu.memref_slice %arg10[%dma_wait3A_173, %dma_wait3A_174] : memref<10112x128xf32, #tpu.memory_space<vmem_shared>> -> memref<10112x128xf32, #tpu.memory_space<vmem_shared>>
      tpu.wait_indirect_dma semaphore(%arg14 : memref<!tpu.dma_semaphore, #tpu.memory_space<semaphore_mem>>) src(%arg9 : memref<128x128xf32, #tpu.memory_space<vmem>>) dst(%dma_wait3A_175 : memref<10112x128xf32, #tpu.memory_space<vmem_shared>>)
      %add3A_176 = arith.constant 3 : i32
      %add3A_177 = arith.addi %mul3A_127, %add3A_176 : i32
      %dma_start3A_178 = arith.constant 0 : i32
      %dma_start3A_179 = tpu.memref_slice %arg6[%add3A_177, %dma_start3A_178] : memref<40x128xi32, #tpu.memory_space<vmem>> -> memref<1x128xi32, #tpu.memory_space<vmem>>
      %dma_start3A_180 = tpu.memref_squeeze %dma_start3A_179 : memref<1x128xi32, #tpu.memory_space<vmem>> -> memref<128xi32, #tpu.memory_space<vmem>>
      %dma_start3A_181 = arith.constant 0 : i32
      %dma_start3A_182 = arith.constant 0 : i32
      %dma_start3A_183 = tpu.memref_slice %arg2[%dma_start3A_181, %dma_start3A_182] : memref<10000x128xf32, #tpu.memory_space<hbm>> -> memref<10000x128xf32, #tpu.memory_space<hbm>>
      tpu.enqueue_indirect_dma source(%dma_start3A_183 : memref<10000x128xf32, #tpu.memory_space<hbm>>) target(%arg9 : memref<128x128xf32, #tpu.memory_space<vmem>>) offsets(%dma_start3A_180 : memref<128xi32, #tpu.memory_space<vmem>>) semaphore(%arg12 : memref<!tpu.dma_semaphore, #tpu.memory_space<semaphore_mem>>)
      %scan3A_184 = arith.constant 0 : i32
      scf.yield %scan3A_184 : i32
    }
    %scan3A_106 = arith.constant 19 : i32
    %dma_wait3A_107 = arith.constant 38 : i32
    %dma_wait3A_108 = arith.constant 0 : i32
    %dma_wait3A_109 = tpu.memref_slice %arg6[%dma_wait3A_107, %dma_wait3A_108] : memref<40x128xi32, #tpu.memory_space<vmem>> -> memref<1x128xi32, #tpu.memory_space<vmem>>
    %dma_wait3A_110 = tpu.memref_squeeze %dma_wait3A_109 : memref<1x128xi32, #tpu.memory_space<vmem>> -> memref<128xi32, #tpu.memory_space<vmem>>
    %dma_wait3A_111 = arith.constant 0 : i32
    %dma_wait3A_112 = arith.constant 0 : i32
    %dma_wait3A_113 = tpu.memref_slice %arg2[%dma_wait3A_111, %dma_wait3A_112] : memref<10000x128xf32, #tpu.memory_space<hbm>> -> memref<10000x128xf32, #tpu.memory_space<hbm>>
    tpu.wait_indirect_dma semaphore(%arg11 : memref<!tpu.dma_semaphore, #tpu.memory_space<semaphore_mem>>) src(%dma_wait3A_113 : memref<10000x128xf32, #tpu.memory_space<hbm>>) dst(%arg8 : memref<128x128xf32, #tpu.memory_space<vmem>>)
    %run_scoped3A_114 = arith.constant 38 : i32
    "tpu.region"() ({
      %run_scoped3A_124 = tpu.sem_alloc : memref<!tpu.dma_semaphore, #tpu.memory_space<semaphore_mem>>
      %dma_start3A_125 = arith.constant 0 : i32
      %dma_start3A_126 = tpu.memref_slice %arg7[%run_scoped3A_114, %dma_start3A_125] : memref<40x128xi32, #tpu.memory_space<vmem>> -> memref<1x128xi32, #tpu.memory_space<vmem>>
      %dma_start3A_127 = tpu.memref_squeeze %dma_start3A_126 : memref<1x128xi32, #tpu.memory_space<vmem>> -> memref<128xi32, #tpu.memory_space<vmem>>
      %dma_start3A_128 = arith.constant 0 : i32
      %dma_start3A_129 = arith.constant 0 : i32
      %dma_start3A_130 = tpu.memref_slice %arg10[%dma_start3A_128, %dma_start3A_129] : memref<10112x128xf32, #tpu.memory_space<vmem_shared>> -> memref<10112x128xf32, #tpu.memory_space<vmem_shared>>
      tpu.enqueue_indirect_dma source(%arg8 : memref<128x128xf32, #tpu.memory_space<vmem>>) target(%dma_start3A_130 : memref<10112x128xf32, #tpu.memory_space<vmem_shared>>) offsets(%dma_start3A_127 : memref<128xi32, #tpu.memory_space<vmem>>) semaphore(%run_scoped3A_124 : memref<!tpu.dma_semaphore, #tpu.memory_space<semaphore_mem>>) {add = true}
      %dma_wait3A_131 = arith.constant 0 : i32
      %dma_wait3A_132 = tpu.memref_slice %arg7[%run_scoped3A_114, %dma_wait3A_131] : memref<40x128xi32, #tpu.memory_space<vmem>> -> memref<1x128xi32, #tpu.memory_space<vmem>>
      %dma_wait3A_133 = tpu.memref_squeeze %dma_wait3A_132 : memref<1x128xi32, #tpu.memory_space<vmem>> -> memref<128xi32, #tpu.memory_space<vmem>>
      %dma_wait3A_134 = arith.constant 0 : i32
      %dma_wait3A_135 = arith.constant 0 : i32
      %dma_wait3A_136 = tpu.memref_slice %arg10[%dma_wait3A_134, %dma_wait3A_135] : memref<10112x128xf32, #tpu.memory_space<vmem_shared>> -> memref<10112x128xf32, #tpu.memory_space<vmem_shared>>
      tpu.wait_indirect_dma semaphore(%run_scoped3A_124 : memref<!tpu.dma_semaphore, #tpu.memory_space<semaphore_mem>>) src(%arg8 : memref<128x128xf32, #tpu.memory_space<vmem>>) dst(%dma_wait3A_136 : memref<10112x128xf32, #tpu.memory_space<vmem_shared>>)
      tpu.yield
    }) : () -> ()
    %dma_wait3A_115 = arith.constant 39 : i32
    %dma_wait3A_116 = arith.constant 0 : i32
    %dma_wait3A_117 = tpu.memref_slice %arg6[%dma_wait3A_115, %dma_wait3A_116] : memref<40x128xi32, #tpu.memory_space<vmem>> -> memref<1x128xi32, #tpu.memory_space<vmem>>
    %dma_wait3A_118 = tpu.memref_squeeze %dma_wait3A_117 : memref<1x128xi32, #tpu.memory_space<vmem>> -> memref<128xi32, #tpu.memory_space<vmem>>
    %dma_wait3A_119 = arith.constant 0 : i32
    %dma_wait3A_120 = arith.constant 0 : i32
    %dma_wait3A_121 = tpu.memref_slice %arg2[%dma_wait3A_119, %dma_wait3A_120] : memref<10000x128xf32, #tpu.memory_space<hbm>> -> memref<10000x128xf32, #tpu.memory_space<hbm>>
    tpu.wait_indirect_dma semaphore(%arg12 : memref<!tpu.dma_semaphore, #tpu.memory_space<semaphore_mem>>) src(%dma_wait3A_121 : memref<10000x128xf32, #tpu.memory_space<hbm>>) dst(%arg9 : memref<128x128xf32, #tpu.memory_space<vmem>>)
    %run_scoped3A_122 = arith.constant 39 : i32
    "tpu.region"() ({
      %run_scoped3A_124 = tpu.sem_alloc : memref<!tpu.dma_semaphore, #tpu.memory_space<semaphore_mem>>
      %dma_start3A_125 = arith.constant 0 : i32
      %dma_start3A_126 = tpu.memref_slice %arg7[%run_scoped3A_122, %dma_start3A_125] : memref<40x128xi32, #tpu.memory_space<vmem>> -> memref<1x128xi32, #tpu.memory_space<vmem>>
      %dma_start3A_127 = tpu.memref_squeeze %dma_start3A_126 : memref<1x128xi32, #tpu.memory_space<vmem>> -> memref<128xi32, #tpu.memory_space<vmem>>
      %dma_start3A_128 = arith.constant 0 : i32
      %dma_start3A_129 = arith.constant 0 : i32
      %dma_start3A_130 = tpu.memref_slice %arg10[%dma_start3A_128, %dma_start3A_129] : memref<10112x128xf32, #tpu.memory_space<vmem_shared>> -> memref<10112x128xf32, #tpu.memory_space<vmem_shared>>
      tpu.enqueue_indirect_dma source(%arg9 : memref<128x128xf32, #tpu.memory_space<vmem>>) target(%dma_start3A_130 : memref<10112x128xf32, #tpu.memory_space<vmem_shared>>) offsets(%dma_start3A_127 : memref<128xi32, #tpu.memory_space<vmem>>) semaphore(%run_scoped3A_124 : memref<!tpu.dma_semaphore, #tpu.memory_space<semaphore_mem>>) {add = true}
      %dma_wait3A_131 = arith.constant 0 : i32
      %dma_wait3A_132 = tpu.memref_slice %arg7[%run_scoped3A_122, %dma_wait3A_131] : memref<40x128xi32, #tpu.memory_space<vmem>> -> memref<1x128xi32, #tpu.memory_space<vmem>>
      %dma_wait3A_133 = tpu.memref_squeeze %dma_wait3A_132 : memref<1x128xi32, #tpu.memory_space<vmem>> -> memref<128xi32, #tpu.memory_space<vmem>>
      %dma_wait3A_134 = arith.constant 0 : i32
      %dma_wait3A_135 = arith.constant 0 : i32
      %dma_wait3A_136 = tpu.memref_slice %arg10[%dma_wait3A_134, %dma_wait3A_135] : memref<10112x128xf32, #tpu.memory_space<vmem_shared>> -> memref<10112x128xf32, #tpu.memory_space<vmem_shared>>
      tpu.wait_indirect_dma semaphore(%run_scoped3A_124 : memref<!tpu.dma_semaphore, #tpu.memory_space<semaphore_mem>>) src(%arg9 : memref<128x128xf32, #tpu.memory_space<vmem>>) dst(%dma_wait3A_136 : memref<10112x128xf32, #tpu.memory_space<vmem_shared>>)
      tpu.yield
    }) : () -> ()
    %barrier3A_123 = arith.constant 0 : index
    tpu.barrier barrier_id(%barrier3A_123)
    "tpu.region"() ({
      %run_scoped3A_124 = tpu.sem_alloc : memref<!tpu.dma_semaphore, #tpu.memory_space<semaphore_mem>>
      %dma_start3A_125 = arith.constant 0 : i32
      %dma_start3A_126 = tpu.memref_slice %arg5[%arg0, %mul3A_24, %dma_start3A_125] : memref<2x10112x128xf32, #tpu.memory_space<hbm>> -> memref<1x632x128xf32, #tpu.memory_space<hbm>>
      %dma_start3A_127 = tpu.memref_squeeze %dma_start3A_126 : memref<1x632x128xf32, #tpu.memory_space<hbm>> -> memref<632x128xf32, #tpu.memory_space<hbm>>
      %dma_start3A_128 = arith.constant 0 : i32
      %dma_start3A_129 = tpu.memref_slice %arg10[%mul3A_24, %dma_start3A_128] : memref<10112x128xf32, #tpu.memory_space<vmem_shared>> -> memref<632x128xf32, #tpu.memory_space<vmem_shared>>
      tpu.enqueue_dma source(%dma_start3A_129 : memref<632x128xf32, #tpu.memory_space<vmem_shared>>) target(%dma_start3A_127 : memref<632x128xf32, #tpu.memory_space<hbm>>) target_semaphore(%run_scoped3A_124 : memref<!tpu.dma_semaphore, #tpu.memory_space<semaphore_mem>>)
      %dma_wait3A_130 = arith.constant 0 : i32
      %dma_wait3A_131 = tpu.memref_slice %arg5[%arg0, %mul3A_24, %dma_wait3A_130] : memref<2x10112x128xf32, #tpu.memory_space<hbm>> -> memref<1x632x128xf32, #tpu.memory_space<hbm>>
      %dma_wait3A_132 = tpu.memref_squeeze %dma_wait3A_131 : memref<1x632x128xf32, #tpu.memory_space<hbm>> -> memref<632x128xf32, #tpu.memory_space<hbm>>
      %dma_wait3A_133 = arith.constant 0 : i32
      %dma_wait3A_134 = tpu.memref_slice %arg10[%mul3A_24, %dma_wait3A_133] : memref<10112x128xf32, #tpu.memory_space<vmem_shared>> -> memref<632x128xf32, #tpu.memory_space<vmem_shared>>
      tpu.wait_dma2 semaphore(%run_scoped3A_124 : memref<!tpu.dma_semaphore, #tpu.memory_space<semaphore_mem>>) src(%dma_wait3A_134 : memref<632x128xf32, #tpu.memory_space<vmem_shared>>) dst(%dma_wait3A_132 : memref<632x128xf32, #tpu.memory_space<hbm>>)
      tpu.yield
    }) : () -> ()
    return
  }
}

#map = affine_map<(d0, d1) -> (0, 0)>
#map1 = affine_map<(d0, d1) -> (0, 0, 0)>
module attributes {stable_mosaic.version = 14 : i64} {
  func.func @_edge_pass(%arg0: i32, %arg1: i32, %arg2: memref<10000x128xf32, #tpu.memory_space<hbm>>, %arg3: memref<32x80x128xi32, #tpu.memory_space<hbm>>, %arg4: memref<32x80x128xi32, #tpu.memory_space<hbm>>, %arg5: memref<2x10112x128xf32, #tpu.memory_space<hbm>>, %arg6: memref<40x128xi32, #tpu.memory_space<vmem>>, %arg7: memref<40x128xi32, #tpu.memory_space<vmem>>, %arg8: memref<128x128xf32, #tpu.memory_space<vmem>>, %arg9: memref<128x128xf32, #tpu.memory_space<vmem>>, %arg10: memref<10112x128xf32, #tpu.memory_space<vmem_shared>>, %arg11: memref<!tpu.dma_semaphore, #tpu.memory_space<semaphore_mem>>, %arg12: memref<!tpu.dma_semaphore, #tpu.memory_space<semaphore_mem>>, %arg13: memref<!tpu.dma_semaphore, #tpu.memory_space<semaphore_mem>>, %arg14: memref<!tpu.dma_semaphore, #tpu.memory_space<semaphore_mem>>) attributes {dimension_semantics = [#tpu.dimension_semantics<core_parallel>, #tpu.dimension_semantics<subcore_parallel>], iteration_bounds = array<i64: 2, 16>, scalar_prefetch = 0 : i64, scratch_operands = 9 : i64, tpu.core_type = #tpu.core_type<sc_vector_subcore>, window_params = [{transform_indices = #map}, {transform_indices = #map1}, {transform_indices = #map1}, {transform_indices = #map1}]} {
    %mul3A = arith.constant 16 : i32
    %mul3A_0 = arith.muli %arg0, %mul3A : i32
    %add3A = arith.addi %mul3A_0, %arg1 : i32
    %dma_start3A = arith.constant 0 : i32
    %dma_start3A_1 = arith.constant 0 : i32
    %dma_start3A_2 = tpu.memref_slice %arg3[%add3A, %dma_start3A, %dma_start3A_1] : memref<32x80x128xi32, #tpu.memory_space<hbm>> -> memref<1x40x128xi32, #tpu.memory_space<hbm>>
    %dma_start3A_3 = tpu.memref_squeeze %dma_start3A_2 : memref<1x40x128xi32, #tpu.memory_space<hbm>> -> memref<40x128xi32, #tpu.memory_space<hbm>>
    %dma_start3A_4 = arith.constant 0 : i32
    %dma_start3A_5 = arith.constant 0 : i32
    %dma_start3A_6 = tpu.memref_slice %arg3[%add3A, %dma_start3A_4, %dma_start3A_5] : memref<32x80x128xi32, #tpu.memory_space<hbm>> -> memref<1x40x128xi32, #tpu.memory_space<hbm>>
    %dma_start3A_7 = tpu.memref_squeeze %dma_start3A_6 : memref<1x40x128xi32, #tpu.memory_space<hbm>> -> memref<40x128xi32, #tpu.memory_space<hbm>>
    tpu.enqueue_dma source(%dma_start3A_7 : memref<40x128xi32, #tpu.memory_space<hbm>>) target(%arg6 : memref<40x128xi32, #tpu.memory_space<vmem>>) target_semaphore(%arg13 : memref<!tpu.dma_semaphore, #tpu.memory_space<semaphore_mem>>)
    %dma_start3A_8 = arith.constant 0 : i32
    %dma_start3A_9 = arith.constant 0 : i32
    %dma_start3A_10 = tpu.memref_slice %arg4[%add3A, %dma_start3A_8, %dma_start3A_9] : memref<32x80x128xi32, #tpu.memory_space<hbm>> -> memref<1x40x128xi32, #tpu.memory_space<hbm>>
    %dma_start3A_11 = tpu.memref_squeeze %dma_start3A_10 : memref<1x40x128xi32, #tpu.memory_space<hbm>> -> memref<40x128xi32, #tpu.memory_space<hbm>>
    %dma_start3A_12 = arith.constant 0 : i32
    %dma_start3A_13 = arith.constant 0 : i32
    %dma_start3A_14 = tpu.memref_slice %arg4[%add3A, %dma_start3A_12, %dma_start3A_13] : memref<32x80x128xi32, #tpu.memory_space<hbm>> -> memref<1x40x128xi32, #tpu.memory_space<hbm>>
    %dma_start3A_15 = tpu.memref_squeeze %dma_start3A_14 : memref<1x40x128xi32, #tpu.memory_space<hbm>> -> memref<40x128xi32, #tpu.memory_space<hbm>>
    tpu.enqueue_dma source(%dma_start3A_15 : memref<40x128xi32, #tpu.memory_space<hbm>>) target(%arg7 : memref<40x128xi32, #tpu.memory_space<vmem>>) target_semaphore(%arg14 : memref<!tpu.dma_semaphore, #tpu.memory_space<semaphore_mem>>)
    %broadcast_in_dim3A = arith.constant 0.000000e+00 : f32
    %broadcast_in_dim3A_16 = vector.broadcast %broadcast_in_dim3A : f32 to vector<16xf32>
    %scan3A = arith.constant 0 : i32
    %scan3A_17 = arith.constant 0 : i32
    %scan3A_18 = arith.constant 128 : i32
    %scan3A_19 = arith.addi %scan3A_17, %scan3A_18 : i32
    %scan3A_20 = arith.constant 1 : i32
    %scan3A_21 = scf.for %scan3A_124 = %scan3A_17 to %scan3A_19 step %scan3A_20 iter_args(%scan3A_125 = %scan3A) -> (i32)  : i32 {
      %swap3A = arith.index_cast %scan3A_124 : i32 to index
      %swap3A_126 = arith.constant 0 : index
      %swap3A_127 = tpu.vector_load %arg8[%swap3A, %swap3A_126] {strides = array<i32>} : memref<128x128xf32, #tpu.memory_space<vmem>>, vector<1x16xf32>,
      %swap3A_128 = vector.shape_cast %swap3A_127 : vector<1x16xf32> to vector<16xf32>
      %swap3A_129 = vector.shape_cast %broadcast_in_dim3A_16 : vector<16xf32> to vector<1x16xf32>
      tpu.vector_store %arg8[%swap3A, %swap3A_126], %swap3A_129 {strides = array<i32>} : memref<128x128xf32, #tpu.memory_space<vmem>>, vector<1x16xf32>,
      %swap3A_130 = arith.index_cast %scan3A_124 : i32 to index
      %swap3A_131 = arith.constant 16 : index
      %swap3A_132 = tpu.vector_load %arg8[%swap3A_130, %swap3A_131] {strides = array<i32>} : memref<128x128xf32, #tpu.memory_space<vmem>>, vector<1x16xf32>,
      %swap3A_133 = vector.shape_cast %swap3A_132 : vector<1x16xf32> to vector<16xf32>
      %swap3A_134 = vector.shape_cast %broadcast_in_dim3A_16 : vector<16xf32> to vector<1x16xf32>
      tpu.vector_store %arg8[%swap3A_130, %swap3A_131], %swap3A_134 {strides = array<i32>} : memref<128x128xf32, #tpu.memory_space<vmem>>, vector<1x16xf32>,
      %swap3A_135 = arith.index_cast %scan3A_124 : i32 to index
      %swap3A_136 = arith.constant 32 : index
      %swap3A_137 = tpu.vector_load %arg8[%swap3A_135, %swap3A_136] {strides = array<i32>} : memref<128x128xf32, #tpu.memory_space<vmem>>, vector<1x16xf32>,
      %swap3A_138 = vector.shape_cast %swap3A_137 : vector<1x16xf32> to vector<16xf32>
      %swap3A_139 = vector.shape_cast %broadcast_in_dim3A_16 : vector<16xf32> to vector<1x16xf32>
      tpu.vector_store %arg8[%swap3A_135, %swap3A_136], %swap3A_139 {strides = array<i32>} : memref<128x128xf32, #tpu.memory_space<vmem>>, vector<1x16xf32>,
      %swap3A_140 = arith.index_cast %scan3A_124 : i32 to index
      %swap3A_141 = arith.constant 48 : index
      %swap3A_142 = tpu.vector_load %arg8[%swap3A_140, %swap3A_141] {strides = array<i32>} : memref<128x128xf32, #tpu.memory_space<vmem>>, vector<1x16xf32>,
      %swap3A_143 = vector.shape_cast %swap3A_142 : vector<1x16xf32> to vector<16xf32>
      %swap3A_144 = vector.shape_cast %broadcast_in_dim3A_16 : vector<16xf32> to vector<1x16xf32>
      tpu.vector_store %arg8[%swap3A_140, %swap3A_141], %swap3A_144 {strides = array<i32>} : memref<128x128xf32, #tpu.memory_space<vmem>>, vector<1x16xf32>,
      %swap3A_145 = arith.index_cast %scan3A_124 : i32 to index
      %swap3A_146 = arith.constant 64 : index
      %swap3A_147 = tpu.vector_load %arg8[%swap3A_145, %swap3A_146] {strides = array<i32>} : memref<128x128xf32, #tpu.memory_space<vmem>>, vector<1x16xf32>,
      %swap3A_148 = vector.shape_cast %swap3A_147 : vector<1x16xf32> to vector<16xf32>
      %swap3A_149 = vector.shape_cast %broadcast_in_dim3A_16 : vector<16xf32> to vector<1x16xf32>
      tpu.vector_store %arg8[%swap3A_145, %swap3A_146], %swap3A_149 {strides = array<i32>} : memref<128x128xf32, #tpu.memory_space<vmem>>, vector<1x16xf32>,
      %swap3A_150 = arith.index_cast %scan3A_124 : i32 to index
      %swap3A_151 = arith.constant 80 : index
      %swap3A_152 = tpu.vector_load %arg8[%swap3A_150, %swap3A_151] {strides = array<i32>} : memref<128x128xf32, #tpu.memory_space<vmem>>, vector<1x16xf32>,
      %swap3A_153 = vector.shape_cast %swap3A_152 : vector<1x16xf32> to vector<16xf32>
      %swap3A_154 = vector.shape_cast %broadcast_in_dim3A_16 : vector<16xf32> to vector<1x16xf32>
      tpu.vector_store %arg8[%swap3A_150, %swap3A_151], %swap3A_154 {strides = array<i32>} : memref<128x128xf32, #tpu.memory_space<vmem>>, vector<1x16xf32>,
      %swap3A_155 = arith.index_cast %scan3A_124 : i32 to index
      %swap3A_156 = arith.constant 96 : index
      %swap3A_157 = tpu.vector_load %arg8[%swap3A_155, %swap3A_156] {strides = array<i32>} : memref<128x128xf32, #tpu.memory_space<vmem>>, vector<1x16xf32>,
      %swap3A_158 = vector.shape_cast %swap3A_157 : vector<1x16xf32> to vector<16xf32>
      %swap3A_159 = vector.shape_cast %broadcast_in_dim3A_16 : vector<16xf32> to vector<1x16xf32>
      tpu.vector_store %arg8[%swap3A_155, %swap3A_156], %swap3A_159 {strides = array<i32>} : memref<128x128xf32, #tpu.memory_space<vmem>>, vector<1x16xf32>,
      %swap3A_160 = arith.index_cast %scan3A_124 : i32 to index
      %swap3A_161 = arith.constant 112 : index
      %swap3A_162 = tpu.vector_load %arg8[%swap3A_160, %swap3A_161] {strides = array<i32>} : memref<128x128xf32, #tpu.memory_space<vmem>>, vector<1x16xf32>,
      %swap3A_163 = vector.shape_cast %swap3A_162 : vector<1x16xf32> to vector<16xf32>
      %swap3A_164 = vector.shape_cast %broadcast_in_dim3A_16 : vector<16xf32> to vector<1x16xf32>
      tpu.vector_store %arg8[%swap3A_160, %swap3A_161], %swap3A_164 {strides = array<i32>} : memref<128x128xf32, #tpu.memory_space<vmem>>, vector<1x16xf32>,
      %scan3A_165 = arith.constant 0 : i32
      scf.yield %scan3A_165 : i32
    }
    %scan3A_22 = arith.constant 128 : i32
    %mul3A_23 = arith.constant 632 : i32
    %mul3A_24 = arith.muli %arg1, %mul3A_23 : i32
    %add3A_25 = arith.constant 0 : i32
    %add3A_26 = arith.addi %mul3A_24, %add3A_25 : i32
    "tpu.region"() ({
      %run_scoped3A_124 = tpu.sem_alloc : memref<!tpu.dma_semaphore, #tpu.memory_space<semaphore_mem>>
      %dma_start3A_125 = arith.constant 0 : i32
      %dma_start3A_126 = tpu.memref_slice %arg10[%add3A_26, %dma_start3A_125] : memref<10112x128xf32, #tpu.memory_space<vmem_shared>> -> memref<128x128xf32, #tpu.memory_space<vmem_shared>>
      %dma_start3A_127 = arith.constant 0 : i32
      %dma_start3A_128 = tpu.memref_slice %arg10[%add3A_26, %dma_start3A_127] : memref<10112x128xf32, #tpu.memory_space<vmem_shared>> -> memref<128x128xf32, #tpu.memory_space<vmem_shared>>
      tpu.enqueue_dma source(%arg8 : memref<128x128xf32, #tpu.memory_space<vmem>>) target(%dma_start3A_128 : memref<128x128xf32, #tpu.memory_space<vmem_shared>>) target_semaphore(%run_scoped3A_124 : memref<!tpu.dma_semaphore, #tpu.memory_space<semaphore_mem>>)
      %dma_wait3A_129 = arith.constant 0 : i32
      %dma_wait3A_130 = tpu.memref_slice %arg10[%add3A_26, %dma_wait3A_129] : memref<10112x128xf32, #tpu.memory_space<vmem_shared>> -> memref<128x128xf32, #tpu.memory_space<vmem_shared>>
      %dma_wait3A_131 = arith.constant 0 : i32
      %dma_wait3A_132 = tpu.memref_slice %arg10[%add3A_26, %dma_wait3A_131] : memref<10112x128xf32, #tpu.memory_space<vmem_shared>> -> memref<128x128xf32, #tpu.memory_space<vmem_shared>>
      tpu.wait_dma2 semaphore(%run_scoped3A_124 : memref<!tpu.dma_semaphore, #tpu.memory_space<semaphore_mem>>) src(%arg8 : memref<128x128xf32, #tpu.memory_space<vmem>>) dst(%dma_wait3A_132 : memref<128x128xf32, #tpu.memory_space<vmem_shared>>)
      tpu.yield
    }) : () -> ()
    %add3A_27 = arith.constant 128 : i32
    %add3A_28 = arith.addi %mul3A_24, %add3A_27 : i32
    "tpu.region"() ({
      %run_scoped3A_124 = tpu.sem_alloc : memref<!tpu.dma_semaphore, #tpu.memory_space<semaphore_mem>>
      %dma_start3A_125 = arith.constant 0 : i32
      %dma_start3A_126 = tpu.memref_slice %arg10[%add3A_28, %dma_start3A_125] : memref<10112x128xf32, #tpu.memory_space<vmem_shared>> -> memref<128x128xf32, #tpu.memory_space<vmem_shared>>
      %dma_start3A_127 = arith.constant 0 : i32
      %dma_start3A_128 = tpu.memref_slice %arg10[%add3A_28, %dma_start3A_127] : memref<10112x128xf32, #tpu.memory_space<vmem_shared>> -> memref<128x128xf32, #tpu.memory_space<vmem_shared>>
      tpu.enqueue_dma source(%arg8 : memref<128x128xf32, #tpu.memory_space<vmem>>) target(%dma_start3A_128 : memref<128x128xf32, #tpu.memory_space<vmem_shared>>) target_semaphore(%run_scoped3A_124 : memref<!tpu.dma_semaphore, #tpu.memory_space<semaphore_mem>>)
      %dma_wait3A_129 = arith.constant 0 : i32
      %dma_wait3A_130 = tpu.memref_slice %arg10[%add3A_28, %dma_wait3A_129] : memref<10112x128xf32, #tpu.memory_space<vmem_shared>> -> memref<128x128xf32, #tpu.memory_space<vmem_shared>>
      %dma_wait3A_131 = arith.constant 0 : i32
      %dma_wait3A_132 = tpu.memref_slice %arg10[%add3A_28, %dma_wait3A_131] : memref<10112x128xf32, #tpu.memory_space<vmem_shared>> -> memref<128x128xf32, #tpu.memory_space<vmem_shared>>
      tpu.wait_dma2 semaphore(%run_scoped3A_124 : memref<!tpu.dma_semaphore, #tpu.memory_space<semaphore_mem>>) src(%arg8 : memref<128x128xf32, #tpu.memory_space<vmem>>) dst(%dma_wait3A_132 : memref<128x128xf32, #tpu.memory_space<vmem_shared>>)
      tpu.yield
    }) : () -> ()
    %add3A_29 = arith.constant 256 : i32
    %add3A_30 = arith.addi %mul3A_24, %add3A_29 : i32
    "tpu.region"() ({
      %run_scoped3A_124 = tpu.sem_alloc : memref<!tpu.dma_semaphore, #tpu.memory_space<semaphore_mem>>
      %dma_start3A_125 = arith.constant 0 : i32
      %dma_start3A_126 = tpu.memref_slice %arg10[%add3A_30, %dma_start3A_125] : memref<10112x128xf32, #tpu.memory_space<vmem_shared>> -> memref<128x128xf32, #tpu.memory_space<vmem_shared>>
      %dma_start3A_127 = arith.constant 0 : i32
      %dma_start3A_128 = tpu.memref_slice %arg10[%add3A_30, %dma_start3A_127] : memref<10112x128xf32, #tpu.memory_space<vmem_shared>> -> memref<128x128xf32, #tpu.memory_space<vmem_shared>>
      tpu.enqueue_dma source(%arg8 : memref<128x128xf32, #tpu.memory_space<vmem>>) target(%dma_start3A_128 : memref<128x128xf32, #tpu.memory_space<vmem_shared>>) target_semaphore(%run_scoped3A_124 : memref<!tpu.dma_semaphore, #tpu.memory_space<semaphore_mem>>)
      %dma_wait3A_129 = arith.constant 0 : i32
      %dma_wait3A_130 = tpu.memref_slice %arg10[%add3A_30, %dma_wait3A_129] : memref<10112x128xf32, #tpu.memory_space<vmem_shared>> -> memref<128x128xf32, #tpu.memory_space<vmem_shared>>
      %dma_wait3A_131 = arith.constant 0 : i32
      %dma_wait3A_132 = tpu.memref_slice %arg10[%add3A_30, %dma_wait3A_131] : memref<10112x128xf32, #tpu.memory_space<vmem_shared>> -> memref<128x128xf32, #tpu.memory_space<vmem_shared>>
      tpu.wait_dma2 semaphore(%run_scoped3A_124 : memref<!tpu.dma_semaphore, #tpu.memory_space<semaphore_mem>>) src(%arg8 : memref<128x128xf32, #tpu.memory_space<vmem>>) dst(%dma_wait3A_132 : memref<128x128xf32, #tpu.memory_space<vmem_shared>>)
      tpu.yield
    }) : () -> ()
    %add3A_31 = arith.constant 384 : i32
    %add3A_32 = arith.addi %mul3A_24, %add3A_31 : i32
    "tpu.region"() ({
      %run_scoped3A_124 = tpu.sem_alloc : memref<!tpu.dma_semaphore, #tpu.memory_space<semaphore_mem>>
      %dma_start3A_125 = arith.constant 0 : i32
      %dma_start3A_126 = tpu.memref_slice %arg10[%add3A_32, %dma_start3A_125] : memref<10112x128xf32, #tpu.memory_space<vmem_shared>> -> memref<128x128xf32, #tpu.memory_space<vmem_shared>>
      %dma_start3A_127 = arith.constant 0 : i32
      %dma_start3A_128 = tpu.memref_slice %arg10[%add3A_32, %dma_start3A_127] : memref<10112x128xf32, #tpu.memory_space<vmem_shared>> -> memref<128x128xf32, #tpu.memory_space<vmem_shared>>
      tpu.enqueue_dma source(%arg8 : memref<128x128xf32, #tpu.memory_space<vmem>>) target(%dma_start3A_128 : memref<128x128xf32, #tpu.memory_space<vmem_shared>>) target_semaphore(%run_scoped3A_124 : memref<!tpu.dma_semaphore, #tpu.memory_space<semaphore_mem>>)
      %dma_wait3A_129 = arith.constant 0 : i32
      %dma_wait3A_130 = tpu.memref_slice %arg10[%add3A_32, %dma_wait3A_129] : memref<10112x128xf32, #tpu.memory_space<vmem_shared>> -> memref<128x128xf32, #tpu.memory_space<vmem_shared>>
      %dma_wait3A_131 = arith.constant 0 : i32
      %dma_wait3A_132 = tpu.memref_slice %arg10[%add3A_32, %dma_wait3A_131] : memref<10112x128xf32, #tpu.memory_space<vmem_shared>> -> memref<128x128xf32, #tpu.memory_space<vmem_shared>>
      tpu.wait_dma2 semaphore(%run_scoped3A_124 : memref<!tpu.dma_semaphore, #tpu.memory_space<semaphore_mem>>) src(%arg8 : memref<128x128xf32, #tpu.memory_space<vmem>>) dst(%dma_wait3A_132 : memref<128x128xf32, #tpu.memory_space<vmem_shared>>)
      tpu.yield
    }) : () -> ()
    %add3A_33 = arith.constant 512 : i32
    %add3A_34 = arith.addi %mul3A_24, %add3A_33 : i32
    "tpu.region"() ({
      %run_scoped3A_124 = tpu.sem_alloc : memref<!tpu.dma_semaphore, #tpu.memory_space<semaphore_mem>>
      %dma_start3A_125 = arith.constant 0 : i32
      %dma_start3A_126 = arith.constant 0 : i32
      %dma_start3A_127 = tpu.memref_slice %arg8[%dma_start3A_125, %dma_start3A_126] : memref<128x128xf32, #tpu.memory_space<vmem>> -> memref<120x128xf32, #tpu.memory_space<vmem>>
      %dma_start3A_128 = arith.constant 0 : i32
      %dma_start3A_129 = tpu.memref_slice %arg10[%add3A_34, %dma_start3A_128] : memref<10112x128xf32, #tpu.memory_space<vmem_shared>> -> memref<120x128xf32, #tpu.memory_space<vmem_shared>>
      %dma_start3A_130 = arith.constant 0 : i32
      %dma_start3A_131 = tpu.memref_slice %arg10[%add3A_34, %dma_start3A_130] : memref<10112x128xf32, #tpu.memory_space<vmem_shared>> -> memref<120x128xf32, #tpu.memory_space<vmem_shared>>
      %dma_start3A_132 = arith.constant 0 : i32
      %dma_start3A_133 = arith.constant 0 : i32
      %dma_start3A_134 = tpu.memref_slice %arg8[%dma_start3A_132, %dma_start3A_133] : memref<128x128xf32, #tpu.memory_space<vmem>> -> memref<120x128xf32, #tpu.memory_space<vmem>>
      tpu.enqueue_dma source(%dma_start3A_134 : memref<120x128xf32, #tpu.memory_space<vmem>>) target(%dma_start3A_131 : memref<120x128xf32, #tpu.memory_space<vmem_shared>>) target_semaphore(%run_scoped3A_124 : memref<!tpu.dma_semaphore, #tpu.memory_space<semaphore_mem>>)
      %dma_wait3A_135 = arith.constant 0 : i32
      %dma_wait3A_136 = arith.constant 0 : i32
      %dma_wait3A_137 = tpu.memref_slice %arg8[%dma_wait3A_135, %dma_wait3A_136] : memref<128x128xf32, #tpu.memory_space<vmem>> -> memref<120x128xf32, #tpu.memory_space<vmem>>
      %dma_wait3A_138 = arith.constant 0 : i32
      %dma_wait3A_139 = tpu.memref_slice %arg10[%add3A_34, %dma_wait3A_138] : memref<10112x128xf32, #tpu.memory_space<vmem_shared>> -> memref<120x128xf32, #tpu.memory_space<vmem_shared>>
      %dma_wait3A_140 = arith.constant 0 : i32
      %dma_wait3A_141 = tpu.memref_slice %arg10[%add3A_34, %dma_wait3A_140] : memref<10112x128xf32, #tpu.memory_space<vmem_shared>> -> memref<120x128xf32, #tpu.memory_space<vmem_shared>>
      %dma_wait3A_142 = arith.constant 0 : i32
      %dma_wait3A_143 = arith.constant 0 : i32
      %dma_wait3A_144 = tpu.memref_slice %arg8[%dma_wait3A_142, %dma_wait3A_143] : memref<128x128xf32, #tpu.memory_space<vmem>> -> memref<120x128xf32, #tpu.memory_space<vmem>>
      tpu.wait_dma2 semaphore(%run_scoped3A_124 : memref<!tpu.dma_semaphore, #tpu.memory_space<semaphore_mem>>) src(%dma_wait3A_144 : memref<120x128xf32, #tpu.memory_space<vmem>>) dst(%dma_wait3A_141 : memref<120x128xf32, #tpu.memory_space<vmem_shared>>)
      tpu.yield
    }) : () -> ()
    %dma_wait3A = arith.constant 0 : i32
    %dma_wait3A_35 = arith.constant 0 : i32
    %dma_wait3A_36 = tpu.memref_slice %arg3[%add3A, %dma_wait3A, %dma_wait3A_35] : memref<32x80x128xi32, #tpu.memory_space<hbm>> -> memref<1x40x128xi32, #tpu.memory_space<hbm>>
    %dma_wait3A_37 = tpu.memref_squeeze %dma_wait3A_36 : memref<1x40x128xi32, #tpu.memory_space<hbm>> -> memref<40x128xi32, #tpu.memory_space<hbm>>
    %dma_wait3A_38 = arith.constant 0 : i32
    %dma_wait3A_39 = arith.constant 0 : i32
    %dma_wait3A_40 = tpu.memref_slice %arg3[%add3A, %dma_wait3A_38, %dma_wait3A_39] : memref<32x80x128xi32, #tpu.memory_space<hbm>> -> memref<1x40x128xi32, #tpu.memory_space<hbm>>
    %dma_wait3A_41 = tpu.memref_squeeze %dma_wait3A_40 : memref<1x40x128xi32, #tpu.memory_space<hbm>> -> memref<40x128xi32, #tpu.memory_space<hbm>>
    tpu.wait_dma2 semaphore(%arg13 : memref<!tpu.dma_semaphore, #tpu.memory_space<semaphore_mem>>) src(%dma_wait3A_41 : memref<40x128xi32, #tpu.memory_space<hbm>>) dst(%arg6 : memref<40x128xi32, #tpu.memory_space<vmem>>)
    %dma_wait3A_42 = arith.constant 0 : i32
    %dma_wait3A_43 = arith.constant 0 : i32
    %dma_wait3A_44 = tpu.memref_slice %arg4[%add3A, %dma_wait3A_42, %dma_wait3A_43] : memref<32x80x128xi32, #tpu.memory_space<hbm>> -> memref<1x40x128xi32, #tpu.memory_space<hbm>>
    %dma_wait3A_45 = tpu.memref_squeeze %dma_wait3A_44 : memref<1x40x128xi32, #tpu.memory_space<hbm>> -> memref<40x128xi32, #tpu.memory_space<hbm>>
    %dma_wait3A_46 = arith.constant 0 : i32
    %dma_wait3A_47 = arith.constant 0 : i32
    %dma_wait3A_48 = tpu.memref_slice %arg4[%add3A, %dma_wait3A_46, %dma_wait3A_47] : memref<32x80x128xi32, #tpu.memory_space<hbm>> -> memref<1x40x128xi32, #tpu.memory_space<hbm>>
    %dma_wait3A_49 = tpu.memref_squeeze %dma_wait3A_48 : memref<1x40x128xi32, #tpu.memory_space<hbm>> -> memref<40x128xi32, #tpu.memory_space<hbm>>
    tpu.wait_dma2 semaphore(%arg14 : memref<!tpu.dma_semaphore, #tpu.memory_space<semaphore_mem>>) src(%dma_wait3A_49 : memref<40x128xi32, #tpu.memory_space<hbm>>) dst(%arg7 : memref<40x128xi32, #tpu.memory_space<vmem>>)
    %dma_start3A_50 = arith.constant 0 : i32
    %dma_start3A_51 = arith.constant 0 : i32
    %dma_start3A_52 = tpu.memref_slice %arg6[%dma_start3A_50, %dma_start3A_51] : memref<40x128xi32, #tpu.memory_space<vmem>> -> memref<1x128xi32, #tpu.memory_space<vmem>>
    %dma_start3A_53 = tpu.memref_squeeze %dma_start3A_52 : memref<1x128xi32, #tpu.memory_space<vmem>> -> memref<128xi32, #tpu.memory_space<vmem>>
    %dma_start3A_54 = arith.constant 0 : i32
    %dma_start3A_55 = arith.constant 0 : i32
    %dma_start3A_56 = tpu.memref_slice %arg2[%dma_start3A_54, %dma_start3A_55] : memref<10000x128xf32, #tpu.memory_space<hbm>> -> memref<10000x128xf32, #tpu.memory_space<hbm>>
    tpu.enqueue_indirect_dma source(%dma_start3A_56 : memref<10000x128xf32, #tpu.memory_space<hbm>>) target(%arg8 : memref<128x128xf32, #tpu.memory_space<vmem>>) offsets(%dma_start3A_53 : memref<128xi32, #tpu.memory_space<vmem>>) semaphore(%arg11 : memref<!tpu.dma_semaphore, #tpu.memory_space<semaphore_mem>>)
    %dma_start3A_57 = arith.constant 1 : i32
    %dma_start3A_58 = arith.constant 0 : i32
    %dma_start3A_59 = tpu.memref_slice %arg6[%dma_start3A_57, %dma_start3A_58] : memref<40x128xi32, #tpu.memory_space<vmem>> -> memref<1x128xi32, #tpu.memory_space<vmem>>
    %dma_start3A_60 = tpu.memref_squeeze %dma_start3A_59 : memref<1x128xi32, #tpu.memory_space<vmem>> -> memref<128xi32, #tpu.memory_space<vmem>>
    %dma_start3A_61 = arith.constant 0 : i32
    %dma_start3A_62 = arith.constant 0 : i32
    %dma_start3A_63 = tpu.memref_slice %arg2[%dma_start3A_61, %dma_start3A_62] : memref<10000x128xf32, #tpu.memory_space<hbm>> -> memref<10000x128xf32, #tpu.memory_space<hbm>>
    tpu.enqueue_indirect_dma source(%dma_start3A_63 : memref<10000x128xf32, #tpu.memory_space<hbm>>) target(%arg9 : memref<128x128xf32, #tpu.memory_space<vmem>>) offsets(%dma_start3A_60 : memref<128xi32, #tpu.memory_space<vmem>>) semaphore(%arg12 : memref<!tpu.dma_semaphore, #tpu.memory_space<semaphore_mem>>)
    %barrier3A = arith.constant 0 : index
    tpu.barrier barrier_id(%barrier3A)
    %scan3A_64 = arith.constant 0 : i32
    %scan3A_65 = arith.constant 0 : i32
    %scan3A_66 = arith.constant 19 : i32
    %scan3A_67 = arith.addi %scan3A_65, %scan3A_66 : i32
    %scan3A_68 = arith.constant 1 : i32
    %scan3A_69 = scf.for %scan3A_124 = %scan3A_65 to %scan3A_67 step %scan3A_68 iter_args(%scan3A_125 = %scan3A_64) -> (i32)  : i32 {
      %mul3A_126 = arith.constant 2 : i32
      %mul3A_127 = arith.muli %mul3A_126, %scan3A_124 : i32
      %dma_wait3A_128 = arith.constant 0 : i32
      %dma_wait3A_129 = tpu.memref_slice %arg6[%mul3A_127, %dma_wait3A_128] : memref<40x128xi32, #tpu.memory_space<vmem>> -> memref<1x128xi32, #tpu.memory_space<vmem>>
      %dma_wait3A_130 = tpu.memref_squeeze %dma_wait3A_129 : memref<1x128xi32, #tpu.memory_space<vmem>> -> memref<128xi32, #tpu.memory_space<vmem>>
      %dma_wait3A_131 = arith.constant 0 : i32
      %dma_wait3A_132 = arith.constant 0 : i32
      %dma_wait3A_133 = tpu.memref_slice %arg2[%dma_wait3A_131, %dma_wait3A_132] : memref<10000x128xf32, #tpu.memory_space<hbm>> -> memref<10000x128xf32, #tpu.memory_space<hbm>>
      tpu.wait_indirect_dma semaphore(%arg11 : memref<!tpu.dma_semaphore, #tpu.memory_space<semaphore_mem>>) src(%dma_wait3A_133 : memref<10000x128xf32, #tpu.memory_space<hbm>>) dst(%arg8 : memref<128x128xf32, #tpu.memory_space<vmem>>)
      %dma_start3A_134 = arith.constant 0 : i32
      %dma_start3A_135 = tpu.memref_slice %arg7[%mul3A_127, %dma_start3A_134] : memref<40x128xi32, #tpu.memory_space<vmem>> -> memref<1x128xi32, #tpu.memory_space<vmem>>
      %dma_start3A_136 = tpu.memref_squeeze %dma_start3A_135 : memref<1x128xi32, #tpu.memory_space<vmem>> -> memref<128xi32, #tpu.memory_space<vmem>>
      %dma_start3A_137 = arith.constant 0 : i32
      %dma_start3A_138 = arith.constant 0 : i32
      %dma_start3A_139 = tpu.memref_slice %arg10[%dma_start3A_137, %dma_start3A_138] : memref<10112x128xf32, #tpu.memory_space<vmem_shared>> -> memref<10112x128xf32, #tpu.memory_space<vmem_shared>>
      tpu.enqueue_indirect_dma source(%arg8 : memref<128x128xf32, #tpu.memory_space<vmem>>) target(%dma_start3A_139 : memref<10112x128xf32, #tpu.memory_space<vmem_shared>>) offsets(%dma_start3A_136 : memref<128xi32, #tpu.memory_space<vmem>>) semaphore(%arg13 : memref<!tpu.dma_semaphore, #tpu.memory_space<semaphore_mem>>) {add = true}
      %add3A_140 = arith.constant 1 : i32
      %add3A_141 = arith.addi %mul3A_127, %add3A_140 : i32
      %dma_wait3A_142 = arith.constant 0 : i32
      %dma_wait3A_143 = tpu.memref_slice %arg6[%add3A_141, %dma_wait3A_142] : memref<40x128xi32, #tpu.memory_space<vmem>> -> memref<1x128xi32, #tpu.memory_space<vmem>>
      %dma_wait3A_144 = tpu.memref_squeeze %dma_wait3A_143 : memref<1x128xi32, #tpu.memory_space<vmem>> -> memref<128xi32, #tpu.memory_space<vmem>>
      %dma_wait3A_145 = arith.constant 0 : i32
      %dma_wait3A_146 = arith.constant 0 : i32
      %dma_wait3A_147 = tpu.memref_slice %arg2[%dma_wait3A_145, %dma_wait3A_146] : memref<10000x128xf32, #tpu.memory_space<hbm>> -> memref<10000x128xf32, #tpu.memory_space<hbm>>
      tpu.wait_indirect_dma semaphore(%arg12 : memref<!tpu.dma_semaphore, #tpu.memory_space<semaphore_mem>>) src(%dma_wait3A_147 : memref<10000x128xf32, #tpu.memory_space<hbm>>) dst(%arg9 : memref<128x128xf32, #tpu.memory_space<vmem>>)
      %add3A_148 = arith.constant 1 : i32
      %add3A_149 = arith.addi %mul3A_127, %add3A_148 : i32
      %dma_start3A_150 = arith.constant 0 : i32
      %dma_start3A_151 = tpu.memref_slice %arg7[%add3A_149, %dma_start3A_150] : memref<40x128xi32, #tpu.memory_space<vmem>> -> memref<1x128xi32, #tpu.memory_space<vmem>>
      %dma_start3A_152 = tpu.memref_squeeze %dma_start3A_151 : memref<1x128xi32, #tpu.memory_space<vmem>> -> memref<128xi32, #tpu.memory_space<vmem>>
      %dma_start3A_153 = arith.constant 0 : i32
      %dma_start3A_154 = arith.constant 0 : i32
      %dma_start3A_155 = tpu.memref_slice %arg10[%dma_start3A_153, %dma_start3A_154] : memref<10112x128xf32, #tpu.memory_space<vmem_shared>> -> memref<10112x128xf32, #tpu.memory_space<vmem_shared>>
      tpu.enqueue_indirect_dma source(%arg9 : memref<128x128xf32, #tpu.memory_space<vmem>>) target(%dma_start3A_155 : memref<10112x128xf32, #tpu.memory_space<vmem_shared>>) offsets(%dma_start3A_152 : memref<128xi32, #tpu.memory_space<vmem>>) semaphore(%arg14 : memref<!tpu.dma_semaphore, #tpu.memory_space<semaphore_mem>>) {add = true}
      %dma_wait3A_156 = arith.constant 0 : i32
      %dma_wait3A_157 = tpu.memref_slice %arg7[%mul3A_127, %dma_wait3A_156] : memref<40x128xi32, #tpu.memory_space<vmem>> -> memref<1x128xi32, #tpu.memory_space<vmem>>
      %dma_wait3A_158 = tpu.memref_squeeze %dma_wait3A_157 : memref<1x128xi32, #tpu.memory_space<vmem>> -> memref<128xi32, #tpu.memory_space<vmem>>
      %dma_wait3A_159 = arith.constant 0 : i32
      %dma_wait3A_160 = arith.constant 0 : i32
      %dma_wait3A_161 = tpu.memref_slice %arg10[%dma_wait3A_159, %dma_wait3A_160] : memref<10112x128xf32, #tpu.memory_space<vmem_shared>> -> memref<10112x128xf32, #tpu.memory_space<vmem_shared>>
      tpu.wait_indirect_dma semaphore(%arg13 : memref<!tpu.dma_semaphore, #tpu.memory_space<semaphore_mem>>) src(%arg8 : memref<128x128xf32, #tpu.memory_space<vmem>>) dst(%dma_wait3A_161 : memref<10112x128xf32, #tpu.memory_space<vmem_shared>>)
      %add3A_162 = arith.constant 2 : i32
      %add3A_163 = arith.addi %mul3A_127, %add3A_162 : i32
      %dma_start3A_164 = arith.constant 0 : i32
      %dma_start3A_165 = tpu.memref_slice %arg6[%add3A_163, %dma_start3A_164] : memref<40x128xi32, #tpu.memory_space<vmem>> -> memref<1x128xi32, #tpu.memory_space<vmem>>
      %dma_start3A_166 = tpu.memref_squeeze %dma_start3A_165 : memref<1x128xi32, #tpu.memory_space<vmem>> -> memref<128xi32, #tpu.memory_space<vmem>>
      %dma_start3A_167 = arith.constant 0 : i32
      %dma_start3A_168 = arith.constant 0 : i32
      %dma_start3A_169 = tpu.memref_slice %arg2[%dma_start3A_167, %dma_start3A_168] : memref<10000x128xf32, #tpu.memory_space<hbm>> -> memref<10000x128xf32, #tpu.memory_space<hbm>>
      tpu.enqueue_indirect_dma source(%dma_start3A_169 : memref<10000x128xf32, #tpu.memory_space<hbm>>) target(%arg8 : memref<128x128xf32, #tpu.memory_space<vmem>>) offsets(%dma_start3A_166 : memref<128xi32, #tpu.memory_space<vmem>>) semaphore(%arg11 : memref<!tpu.dma_semaphore, #tpu.memory_space<semaphore_mem>>)
      %dma_wait3A_170 = arith.constant 0 : i32
      %dma_wait3A_171 = tpu.memref_slice %arg7[%add3A_149, %dma_wait3A_170] : memref<40x128xi32, #tpu.memory_space<vmem>> -> memref<1x128xi32, #tpu.memory_space<vmem>>
      %dma_wait3A_172 = tpu.memref_squeeze %dma_wait3A_171 : memref<1x128xi32, #tpu.memory_space<vmem>> -> memref<128xi32, #tpu.memory_space<vmem>>
      %dma_wait3A_173 = arith.constant 0 : i32
      %dma_wait3A_174 = arith.constant 0 : i32
      %dma_wait3A_175 = tpu.memref_slice %arg10[%dma_wait3A_173, %dma_wait3A_174] : memref<10112x128xf32, #tpu.memory_space<vmem_shared>> -> memref<10112x128xf32, #tpu.memory_space<vmem_shared>>
      tpu.wait_indirect_dma semaphore(%arg14 : memref<!tpu.dma_semaphore, #tpu.memory_space<semaphore_mem>>) src(%arg9 : memref<128x128xf32, #tpu.memory_space<vmem>>) dst(%dma_wait3A_175 : memref<10112x128xf32, #tpu.memory_space<vmem_shared>>)
      %add3A_176 = arith.constant 3 : i32
      %add3A_177 = arith.addi %mul3A_127, %add3A_176 : i32
      %dma_start3A_178 = arith.constant 0 : i32
      %dma_start3A_179 = tpu.memref_slice %arg6[%add3A_177, %dma_start3A_178] : memref<40x128xi32, #tpu.memory_space<vmem>> -> memref<1x128xi32, #tpu.memory_space<vmem>>
      %dma_start3A_180 = tpu.memref_squeeze %dma_start3A_179 : memref<1x128xi32, #tpu.memory_space<vmem>> -> memref<128xi32, #tpu.memory_space<vmem>>
      %dma_start3A_181 = arith.constant 0 : i32
      %dma_start3A_182 = arith.constant 0 : i32
      %dma_start3A_183 = tpu.memref_slice %arg2[%dma_start3A_181, %dma_start3A_182] : memref<10000x128xf32, #tpu.memory_space<hbm>> -> memref<10000x128xf32, #tpu.memory_space<hbm>>
      tpu.enqueue_indirect_dma source(%dma_start3A_183 : memref<10000x128xf32, #tpu.memory_space<hbm>>) target(%arg9 : memref<128x128xf32, #tpu.memory_space<vmem>>) offsets(%dma_start3A_180 : memref<128xi32, #tpu.memory_space<vmem>>) semaphore(%arg12 : memref<!tpu.dma_semaphore, #tpu.memory_space<semaphore_mem>>)
      %scan3A_184 = arith.constant 0 : i32
      scf.yield %scan3A_184 : i32
    }
    %scan3A_70 = arith.constant 19 : i32
    %dma_wait3A_71 = arith.constant 38 : i32
    %dma_wait3A_72 = arith.constant 0 : i32
    %dma_wait3A_73 = tpu.memref_slice %arg6[%dma_wait3A_71, %dma_wait3A_72] : memref<40x128xi32, #tpu.memory_space<vmem>> -> memref<1x128xi32, #tpu.memory_space<vmem>>
    %dma_wait3A_74 = tpu.memref_squeeze %dma_wait3A_73 : memref<1x128xi32, #tpu.memory_space<vmem>> -> memref<128xi32, #tpu.memory_space<vmem>>
    %dma_wait3A_75 = arith.constant 0 : i32
    %dma_wait3A_76 = arith.constant 0 : i32
    %dma_wait3A_77 = tpu.memref_slice %arg2[%dma_wait3A_75, %dma_wait3A_76] : memref<10000x128xf32, #tpu.memory_space<hbm>> -> memref<10000x128xf32, #tpu.memory_space<hbm>>
    tpu.wait_indirect_dma semaphore(%arg11 : memref<!tpu.dma_semaphore, #tpu.memory_space<semaphore_mem>>) src(%dma_wait3A_77 : memref<10000x128xf32, #tpu.memory_space<hbm>>) dst(%arg8 : memref<128x128xf32, #tpu.memory_space<vmem>>)
    %run_scoped3A = arith.constant 38 : i32
    "tpu.region"() ({
      %run_scoped3A_124 = tpu.sem_alloc : memref<!tpu.dma_semaphore, #tpu.memory_space<semaphore_mem>>
      %dma_start3A_125 = arith.constant 0 : i32
      %dma_start3A_126 = tpu.memref_slice %arg7[%run_scoped3A, %dma_start3A_125] : memref<40x128xi32, #tpu.memory_space<vmem>> -> memref<1x128xi32, #tpu.memory_space<vmem>>
      %dma_start3A_127 = tpu.memref_squeeze %dma_start3A_126 : memref<1x128xi32, #tpu.memory_space<vmem>> -> memref<128xi32, #tpu.memory_space<vmem>>
      %dma_start3A_128 = arith.constant 0 : i32
      %dma_start3A_129 = arith.constant 0 : i32
      %dma_start3A_130 = tpu.memref_slice %arg10[%dma_start3A_128, %dma_start3A_129] : memref<10112x128xf32, #tpu.memory_space<vmem_shared>> -> memref<10112x128xf32, #tpu.memory_space<vmem_shared>>
      tpu.enqueue_indirect_dma source(%arg8 : memref<128x128xf32, #tpu.memory_space<vmem>>) target(%dma_start3A_130 : memref<10112x128xf32, #tpu.memory_space<vmem_shared>>) offsets(%dma_start3A_127 : memref<128xi32, #tpu.memory_space<vmem>>) semaphore(%run_scoped3A_124 : memref<!tpu.dma_semaphore, #tpu.memory_space<semaphore_mem>>) {add = true}
      %dma_wait3A_131 = arith.constant 0 : i32
      %dma_wait3A_132 = tpu.memref_slice %arg7[%run_scoped3A, %dma_wait3A_131] : memref<40x128xi32, #tpu.memory_space<vmem>> -> memref<1x128xi32, #tpu.memory_space<vmem>>
      %dma_wait3A_133 = tpu.memref_squeeze %dma_wait3A_132 : memref<1x128xi32, #tpu.memory_space<vmem>> -> memref<128xi32, #tpu.memory_space<vmem>>
      %dma_wait3A_134 = arith.constant 0 : i32
      %dma_wait3A_135 = arith.constant 0 : i32
      %dma_wait3A_136 = tpu.memref_slice %arg10[%dma_wait3A_134, %dma_wait3A_135] : memref<10112x128xf32, #tpu.memory_space<vmem_shared>> -> memref<10112x128xf32, #tpu.memory_space<vmem_shared>>
      tpu.wait_indirect_dma semaphore(%run_scoped3A_124 : memref<!tpu.dma_semaphore, #tpu.memory_space<semaphore_mem>>) src(%arg8 : memref<128x128xf32, #tpu.memory_space<vmem>>) dst(%dma_wait3A_136 : memref<10112x128xf32, #tpu.memory_space<vmem_shared>>)
      tpu.yield
    }) : () -> ()
    %dma_wait3A_78 = arith.constant 39 : i32
    %dma_wait3A_79 = arith.constant 0 : i32
    %dma_wait3A_80 = tpu.memref_slice %arg6[%dma_wait3A_78, %dma_wait3A_79] : memref<40x128xi32, #tpu.memory_space<vmem>> -> memref<1x128xi32, #tpu.memory_space<vmem>>
    %dma_wait3A_81 = tpu.memref_squeeze %dma_wait3A_80 : memref<1x128xi32, #tpu.memory_space<vmem>> -> memref<128xi32, #tpu.memory_space<vmem>>
    %dma_wait3A_82 = arith.constant 0 : i32
    %dma_wait3A_83 = arith.constant 0 : i32
    %dma_wait3A_84 = tpu.memref_slice %arg2[%dma_wait3A_82, %dma_wait3A_83] : memref<10000x128xf32, #tpu.memory_space<hbm>> -> memref<10000x128xf32, #tpu.memory_space<hbm>>
    tpu.wait_indirect_dma semaphore(%arg12 : memref<!tpu.dma_semaphore, #tpu.memory_space<semaphore_mem>>) src(%dma_wait3A_84 : memref<10000x128xf32, #tpu.memory_space<hbm>>) dst(%arg9 : memref<128x128xf32, #tpu.memory_space<vmem>>)
    %run_scoped3A_85 = arith.constant 39 : i32
    "tpu.region"() ({
      %run_scoped3A_124 = tpu.sem_alloc : memref<!tpu.dma_semaphore, #tpu.memory_space<semaphore_mem>>
      %dma_start3A_125 = arith.constant 0 : i32
      %dma_start3A_126 = tpu.memref_slice %arg7[%run_scoped3A_85, %dma_start3A_125] : memref<40x128xi32, #tpu.memory_space<vmem>> -> memref<1x128xi32, #tpu.memory_space<vmem>>
      %dma_start3A_127 = tpu.memref_squeeze %dma_start3A_126 : memref<1x128xi32, #tpu.memory_space<vmem>> -> memref<128xi32, #tpu.memory_space<vmem>>
      %dma_start3A_128 = arith.constant 0 : i32
      %dma_start3A_129 = arith.constant 0 : i32
      %dma_start3A_130 = tpu.memref_slice %arg10[%dma_start3A_128, %dma_start3A_129] : memref<10112x128xf32, #tpu.memory_space<vmem_shared>> -> memref<10112x128xf32, #tpu.memory_space<vmem_shared>>
      tpu.enqueue_indirect_dma source(%arg9 : memref<128x128xf32, #tpu.memory_space<vmem>>) target(%dma_start3A_130 : memref<10112x128xf32, #tpu.memory_space<vmem_shared>>) offsets(%dma_start3A_127 : memref<128xi32, #tpu.memory_space<vmem>>) semaphore(%run_scoped3A_124 : memref<!tpu.dma_semaphore, #tpu.memory_space<semaphore_mem>>) {add = true}
      %dma_wait3A_131 = arith.constant 0 : i32
      %dma_wait3A_132 = tpu.memref_slice %arg7[%run_scoped3A_85, %dma_wait3A_131] : memref<40x128xi32, #tpu.memory_space<vmem>> -> memref<1x128xi32, #tpu.memory_space<vmem>>
      %dma_wait3A_133 = tpu.memref_squeeze %dma_wait3A_132 : memref<1x128xi32, #tpu.memory_space<vmem>> -> memref<128xi32, #tpu.memory_space<vmem>>
      %dma_wait3A_134 = arith.constant 0 : i32
      %dma_wait3A_135 = arith.constant 0 : i32
      %dma_wait3A_136 = tpu.memref_slice %arg10[%dma_wait3A_134, %dma_wait3A_135] : memref<10112x128xf32, #tpu.memory_space<vmem_shared>> -> memref<10112x128xf32, #tpu.memory_space<vmem_shared>>
      tpu.wait_indirect_dma semaphore(%run_scoped3A_124 : memref<!tpu.dma_semaphore, #tpu.memory_space<semaphore_mem>>) src(%arg9 : memref<128x128xf32, #tpu.memory_space<vmem>>) dst(%dma_wait3A_136 : memref<10112x128xf32, #tpu.memory_space<vmem_shared>>)
      tpu.yield
    }) : () -> ()
    "tpu.region"() ({
      %run_scoped3A_124 = tpu.sem_alloc : memref<!tpu.dma_semaphore, #tpu.memory_space<semaphore_mem>>
      %dma_start3A_125 = arith.constant 40 : i32
      %dma_start3A_126 = arith.constant 0 : i32
      %dma_start3A_127 = tpu.memref_slice %arg3[%add3A, %dma_start3A_125, %dma_start3A_126] : memref<32x80x128xi32, #tpu.memory_space<hbm>> -> memref<1x40x128xi32, #tpu.memory_space<hbm>>
      %dma_start3A_128 = tpu.memref_squeeze %dma_start3A_127 : memref<1x40x128xi32, #tpu.memory_space<hbm>> -> memref<40x128xi32, #tpu.memory_space<hbm>>
      %dma_start3A_129 = arith.constant 40 : i32
      %dma_start3A_130 = arith.constant 0 : i32
      %dma_start3A_131 = tpu.memref_slice %arg3[%add3A, %dma_start3A_129, %dma_start3A_130] : memref<32x80x128xi32, #tpu.memory_space<hbm>> -> memref<1x40x128xi32, #tpu.memory_space<hbm>>
      %dma_start3A_132 = tpu.memref_squeeze %dma_start3A_131 : memref<1x40x128xi32, #tpu.memory_space<hbm>> -> memref<40x128xi32, #tpu.memory_space<hbm>>
      tpu.enqueue_dma source(%dma_start3A_132 : memref<40x128xi32, #tpu.memory_space<hbm>>) target(%arg6 : memref<40x128xi32, #tpu.memory_space<vmem>>) target_semaphore(%run_scoped3A_124 : memref<!tpu.dma_semaphore, #tpu.memory_space<semaphore_mem>>)
      %dma_wait3A_133 = arith.constant 40 : i32
      %dma_wait3A_134 = arith.constant 0 : i32
      %dma_wait3A_135 = tpu.memref_slice %arg3[%add3A, %dma_wait3A_133, %dma_wait3A_134] : memref<32x80x128xi32, #tpu.memory_space<hbm>> -> memref<1x40x128xi32, #tpu.memory_space<hbm>>
      %dma_wait3A_136 = tpu.memref_squeeze %dma_wait3A_135 : memref<1x40x128xi32, #tpu.memory_space<hbm>> -> memref<40x128xi32, #tpu.memory_space<hbm>>
      %dma_wait3A_137 = arith.constant 40 : i32
      %dma_wait3A_138 = arith.constant 0 : i32
      %dma_wait3A_139 = tpu.memref_slice %arg3[%add3A, %dma_wait3A_137, %dma_wait3A_138] : memref<32x80x128xi32, #tpu.memory_space<hbm>> -> memref<1x40x128xi32, #tpu.memory_space<hbm>>
      %dma_wait3A_140 = tpu.memref_squeeze %dma_wait3A_139 : memref<1x40x128xi32, #tpu.memory_space<hbm>> -> memref<40x128xi32, #tpu.memory_space<hbm>>
      tpu.wait_dma2 semaphore(%run_scoped3A_124 : memref<!tpu.dma_semaphore, #tpu.memory_space<semaphore_mem>>) src(%dma_wait3A_140 : memref<40x128xi32, #tpu.memory_space<hbm>>) dst(%arg6 : memref<40x128xi32, #tpu.memory_space<vmem>>)
      tpu.yield
    }) : () -> ()
    "tpu.region"() ({
      %run_scoped3A_124 = tpu.sem_alloc : memref<!tpu.dma_semaphore, #tpu.memory_space<semaphore_mem>>
      %dma_start3A_125 = arith.constant 40 : i32
      %dma_start3A_126 = arith.constant 0 : i32
      %dma_start3A_127 = tpu.memref_slice %arg4[%add3A, %dma_start3A_125, %dma_start3A_126] : memref<32x80x128xi32, #tpu.memory_space<hbm>> -> memref<1x40x128xi32, #tpu.memory_space<hbm>>
      %dma_start3A_128 = tpu.memref_squeeze %dma_start3A_127 : memref<1x40x128xi32, #tpu.memory_space<hbm>> -> memref<40x128xi32, #tpu.memory_space<hbm>>
      %dma_start3A_129 = arith.constant 40 : i32
      %dma_start3A_130 = arith.constant 0 : i32
      %dma_start3A_131 = tpu.memref_slice %arg4[%add3A, %dma_start3A_129, %dma_start3A_130] : memref<32x80x128xi32, #tpu.memory_space<hbm>> -> memref<1x40x128xi32, #tpu.memory_space<hbm>>
      %dma_start3A_132 = tpu.memref_squeeze %dma_start3A_131 : memref<1x40x128xi32, #tpu.memory_space<hbm>> -> memref<40x128xi32, #tpu.memory_space<hbm>>
      tpu.enqueue_dma source(%dma_start3A_132 : memref<40x128xi32, #tpu.memory_space<hbm>>) target(%arg7 : memref<40x128xi32, #tpu.memory_space<vmem>>) target_semaphore(%run_scoped3A_124 : memref<!tpu.dma_semaphore, #tpu.memory_space<semaphore_mem>>)
      %dma_wait3A_133 = arith.constant 40 : i32
      %dma_wait3A_134 = arith.constant 0 : i32
      %dma_wait3A_135 = tpu.memref_slice %arg4[%add3A, %dma_wait3A_133, %dma_wait3A_134] : memref<32x80x128xi32, #tpu.memory_space<hbm>> -> memref<1x40x128xi32, #tpu.memory_space<hbm>>
      %dma_wait3A_136 = tpu.memref_squeeze %dma_wait3A_135 : memref<1x40x128xi32, #tpu.memory_space<hbm>> -> memref<40x128xi32, #tpu.memory_space<hbm>>
      %dma_wait3A_137 = arith.constant 40 : i32
      %dma_wait3A_138 = arith.constant 0 : i32
      %dma_wait3A_139 = tpu.memref_slice %arg4[%add3A, %dma_wait3A_137, %dma_wait3A_138] : memref<32x80x128xi32, #tpu.memory_space<hbm>> -> memref<1x40x128xi32, #tpu.memory_space<hbm>>
      %dma_wait3A_140 = tpu.memref_squeeze %dma_wait3A_139 : memref<1x40x128xi32, #tpu.memory_space<hbm>> -> memref<40x128xi32, #tpu.memory_space<hbm>>
      tpu.wait_dma2 semaphore(%run_scoped3A_124 : memref<!tpu.dma_semaphore, #tpu.memory_space<semaphore_mem>>) src(%dma_wait3A_140 : memref<40x128xi32, #tpu.memory_space<hbm>>) dst(%arg7 : memref<40x128xi32, #tpu.memory_space<vmem>>)
      tpu.yield
    }) : () -> ()
    %dma_start3A_86 = arith.constant 0 : i32
    %dma_start3A_87 = arith.constant 0 : i32
    %dma_start3A_88 = tpu.memref_slice %arg6[%dma_start3A_86, %dma_start3A_87] : memref<40x128xi32, #tpu.memory_space<vmem>> -> memref<1x128xi32, #tpu.memory_space<vmem>>
    %dma_start3A_89 = tpu.memref_squeeze %dma_start3A_88 : memref<1x128xi32, #tpu.memory_space<vmem>> -> memref<128xi32, #tpu.memory_space<vmem>>
    %dma_start3A_90 = arith.constant 0 : i32
    %dma_start3A_91 = arith.constant 0 : i32
    %dma_start3A_92 = tpu.memref_slice %arg2[%dma_start3A_90, %dma_start3A_91] : memref<10000x128xf32, #tpu.memory_space<hbm>> -> memref<10000x128xf32, #tpu.memory_space<hbm>>
    tpu.enqueue_indirect_dma source(%dma_start3A_92 : memref<10000x128xf32, #tpu.memory_space<hbm>>) target(%arg8 : memref<128x128xf32, #tpu.memory_space<vmem>>) offsets(%dma_start3A_89 : memref<128xi32, #tpu.memory_space<vmem>>) semaphore(%arg11 : memref<!tpu.dma_semaphore, #tpu.memory_space<semaphore_mem>>)
    %dma_start3A_93 = arith.constant 1 : i32
    %dma_start3A_94 = arith.constant 0 : i32
    %dma_start3A_95 = tpu.memref_slice %arg6[%dma_start3A_93, %dma_start3A_94] : memref<40x128xi32, #tpu.memory_space<vmem>> -> memref<1x128xi32, #tpu.memory_space<vmem>>
    %dma_start3A_96 = tpu.memref_squeeze %dma_start3A_95 : memref<1x128xi32, #tpu.memory_space<vmem>> -> memref<128xi32, #tpu.memory_space<vmem>>
    %dma_start3A_97 = arith.constant 0 : i32
    %dma_start3A_98 = arith.constant 0 : i32
    %dma_start3A_99 = tpu.memref_slice %arg2[%dma_start3A_97, %dma_start3A_98] : memref<10000x128xf32, #tpu.memory_space<hbm>> -> memref<10000x128xf32, #tpu.memory_space<hbm>>
    tpu.enqueue_indirect_dma source(%dma_start3A_99 : memref<10000x128xf32, #tpu.memory_space<hbm>>) target(%arg9 : memref<128x128xf32, #tpu.memory_space<vmem>>) offsets(%dma_start3A_96 : memref<128xi32, #tpu.memory_space<vmem>>) semaphore(%arg12 : memref<!tpu.dma_semaphore, #tpu.memory_space<semaphore_mem>>)
    %scan3A_100 = arith.constant 0 : i32
    %scan3A_101 = arith.constant 0 : i32
    %scan3A_102 = arith.constant 19 : i32
    %scan3A_103 = arith.addi %scan3A_101, %scan3A_102 : i32
    %scan3A_104 = arith.constant 1 : i32
    %scan3A_105 = scf.for %scan3A_124 = %scan3A_101 to %scan3A_103 step %scan3A_104 iter_args(%scan3A_125 = %scan3A_100) -> (i32)  : i32 {
      %mul3A_126 = arith.constant 2 : i32
      %mul3A_127 = arith.muli %mul3A_126, %scan3A_124 : i32
      %dma_wait3A_128 = arith.constant 0 : i32
      %dma_wait3A_129 = tpu.memref_slice %arg6[%mul3A_127, %dma_wait3A_128] : memref<40x128xi32, #tpu.memory_space<vmem>> -> memref<1x128xi32, #tpu.memory_space<vmem>>
      %dma_wait3A_130 = tpu.memref_squeeze %dma_wait3A_129 : memref<1x128xi32, #tpu.memory_space<vmem>> -> memref<128xi32, #tpu.memory_space<vmem>>
      %dma_wait3A_131 = arith.constant 0 : i32
      %dma_wait3A_132 = arith.constant 0 : i32
      %dma_wait3A_133 = tpu.memref_slice %arg2[%dma_wait3A_131, %dma_wait3A_132] : memref<10000x128xf32, #tpu.memory_space<hbm>> -> memref<10000x128xf32, #tpu.memory_space<hbm>>
      tpu.wait_indirect_dma semaphore(%arg11 : memref<!tpu.dma_semaphore, #tpu.memory_space<semaphore_mem>>) src(%dma_wait3A_133 : memref<10000x128xf32, #tpu.memory_space<hbm>>) dst(%arg8 : memref<128x128xf32, #tpu.memory_space<vmem>>)
      %dma_start3A_134 = arith.constant 0 : i32
      %dma_start3A_135 = tpu.memref_slice %arg7[%mul3A_127, %dma_start3A_134] : memref<40x128xi32, #tpu.memory_space<vmem>> -> memref<1x128xi32, #tpu.memory_space<vmem>>
      %dma_start3A_136 = tpu.memref_squeeze %dma_start3A_135 : memref<1x128xi32, #tpu.memory_space<vmem>> -> memref<128xi32, #tpu.memory_space<vmem>>
      %dma_start3A_137 = arith.constant 0 : i32
      %dma_start3A_138 = arith.constant 0 : i32
      %dma_start3A_139 = tpu.memref_slice %arg10[%dma_start3A_137, %dma_start3A_138] : memref<10112x128xf32, #tpu.memory_space<vmem_shared>> -> memref<10112x128xf32, #tpu.memory_space<vmem_shared>>
      tpu.enqueue_indirect_dma source(%arg8 : memref<128x128xf32, #tpu.memory_space<vmem>>) target(%dma_start3A_139 : memref<10112x128xf32, #tpu.memory_space<vmem_shared>>) offsets(%dma_start3A_136 : memref<128xi32, #tpu.memory_space<vmem>>) semaphore(%arg13 : memref<!tpu.dma_semaphore, #tpu.memory_space<semaphore_mem>>) {add = true}
      %add3A_140 = arith.constant 1 : i32
      %add3A_141 = arith.addi %mul3A_127, %add3A_140 : i32
      %dma_wait3A_142 = arith.constant 0 : i32
      %dma_wait3A_143 = tpu.memref_slice %arg6[%add3A_141, %dma_wait3A_142] : memref<40x128xi32, #tpu.memory_space<vmem>> -> memref<1x128xi32, #tpu.memory_space<vmem>>
      %dma_wait3A_144 = tpu.memref_squeeze %dma_wait3A_143 : memref<1x128xi32, #tpu.memory_space<vmem>> -> memref<128xi32, #tpu.memory_space<vmem>>
      %dma_wait3A_145 = arith.constant 0 : i32
      %dma_wait3A_146 = arith.constant 0 : i32
      %dma_wait3A_147 = tpu.memref_slice %arg2[%dma_wait3A_145, %dma_wait3A_146] : memref<10000x128xf32, #tpu.memory_space<hbm>> -> memref<10000x128xf32, #tpu.memory_space<hbm>>
      tpu.wait_indirect_dma semaphore(%arg12 : memref<!tpu.dma_semaphore, #tpu.memory_space<semaphore_mem>>) src(%dma_wait3A_147 : memref<10000x128xf32, #tpu.memory_space<hbm>>) dst(%arg9 : memref<128x128xf32, #tpu.memory_space<vmem>>)
      %add3A_148 = arith.constant 1 : i32
      %add3A_149 = arith.addi %mul3A_127, %add3A_148 : i32
      %dma_start3A_150 = arith.constant 0 : i32
      %dma_start3A_151 = tpu.memref_slice %arg7[%add3A_149, %dma_start3A_150] : memref<40x128xi32, #tpu.memory_space<vmem>> -> memref<1x128xi32, #tpu.memory_space<vmem>>
      %dma_start3A_152 = tpu.memref_squeeze %dma_start3A_151 : memref<1x128xi32, #tpu.memory_space<vmem>> -> memref<128xi32, #tpu.memory_space<vmem>>
      %dma_start3A_153 = arith.constant 0 : i32
      %dma_start3A_154 = arith.constant 0 : i32
      %dma_start3A_155 = tpu.memref_slice %arg10[%dma_start3A_153, %dma_start3A_154] : memref<10112x128xf32, #tpu.memory_space<vmem_shared>> -> memref<10112x128xf32, #tpu.memory_space<vmem_shared>>
      tpu.enqueue_indirect_dma source(%arg9 : memref<128x128xf32, #tpu.memory_space<vmem>>) target(%dma_start3A_155 : memref<10112x128xf32, #tpu.memory_space<vmem_shared>>) offsets(%dma_start3A_152 : memref<128xi32, #tpu.memory_space<vmem>>) semaphore(%arg14 : memref<!tpu.dma_semaphore, #tpu.memory_space<semaphore_mem>>) {add = true}
      %dma_wait3A_156 = arith.constant 0 : i32
      %dma_wait3A_157 = tpu.memref_slice %arg7[%mul3A_127, %dma_wait3A_156] : memref<40x128xi32, #tpu.memory_space<vmem>> -> memref<1x128xi32, #tpu.memory_space<vmem>>
      %dma_wait3A_158 = tpu.memref_squeeze %dma_wait3A_157 : memref<1x128xi32, #tpu.memory_space<vmem>> -> memref<128xi32, #tpu.memory_space<vmem>>
      %dma_wait3A_159 = arith.constant 0 : i32
      %dma_wait3A_160 = arith.constant 0 : i32
      %dma_wait3A_161 = tpu.memref_slice %arg10[%dma_wait3A_159, %dma_wait3A_160] : memref<10112x128xf32, #tpu.memory_space<vmem_shared>> -> memref<10112x128xf32, #tpu.memory_space<vmem_shared>>
      tpu.wait_indirect_dma semaphore(%arg13 : memref<!tpu.dma_semaphore, #tpu.memory_space<semaphore_mem>>) src(%arg8 : memref<128x128xf32, #tpu.memory_space<vmem>>) dst(%dma_wait3A_161 : memref<10112x128xf32, #tpu.memory_space<vmem_shared>>)
      %add3A_162 = arith.constant 2 : i32
      %add3A_163 = arith.addi %mul3A_127, %add3A_162 : i32
      %dma_start3A_164 = arith.constant 0 : i32
      %dma_start3A_165 = tpu.memref_slice %arg6[%add3A_163, %dma_start3A_164] : memref<40x128xi32, #tpu.memory_space<vmem>> -> memref<1x128xi32, #tpu.memory_space<vmem>>
      %dma_start3A_166 = tpu.memref_squeeze %dma_start3A_165 : memref<1x128xi32, #tpu.memory_space<vmem>> -> memref<128xi32, #tpu.memory_space<vmem>>
      %dma_start3A_167 = arith.constant 0 : i32
      %dma_start3A_168 = arith.constant 0 : i32
      %dma_start3A_169 = tpu.memref_slice %arg2[%dma_start3A_167, %dma_start3A_168] : memref<10000x128xf32, #tpu.memory_space<hbm>> -> memref<10000x128xf32, #tpu.memory_space<hbm>>
      tpu.enqueue_indirect_dma source(%dma_start3A_169 : memref<10000x128xf32, #tpu.memory_space<hbm>>) target(%arg8 : memref<128x128xf32, #tpu.memory_space<vmem>>) offsets(%dma_start3A_166 : memref<128xi32, #tpu.memory_space<vmem>>) semaphore(%arg11 : memref<!tpu.dma_semaphore, #tpu.memory_space<semaphore_mem>>)
      %dma_wait3A_170 = arith.constant 0 : i32
      %dma_wait3A_171 = tpu.memref_slice %arg7[%add3A_149, %dma_wait3A_170] : memref<40x128xi32, #tpu.memory_space<vmem>> -> memref<1x128xi32, #tpu.memory_space<vmem>>
      %dma_wait3A_172 = tpu.memref_squeeze %dma_wait3A_171 : memref<1x128xi32, #tpu.memory_space<vmem>> -> memref<128xi32, #tpu.memory_space<vmem>>
      %dma_wait3A_173 = arith.constant 0 : i32
      %dma_wait3A_174 = arith.constant 0 : i32
      %dma_wait3A_175 = tpu.memref_slice %arg10[%dma_wait3A_173, %dma_wait3A_174] : memref<10112x128xf32, #tpu.memory_space<vmem_shared>> -> memref<10112x128xf32, #tpu.memory_space<vmem_shared>>
      tpu.wait_indirect_dma semaphore(%arg14 : memref<!tpu.dma_semaphore, #tpu.memory_space<semaphore_mem>>) src(%arg9 : memref<128x128xf32, #tpu.memory_space<vmem>>) dst(%dma_wait3A_175 : memref<10112x128xf32, #tpu.memory_space<vmem_shared>>)
      %add3A_176 = arith.constant 3 : i32
      %add3A_177 = arith.addi %mul3A_127, %add3A_176 : i32
      %dma_start3A_178 = arith.constant 0 : i32
      %dma_start3A_179 = tpu.memref_slice %arg6[%add3A_177, %dma_start3A_178] : memref<40x128xi32, #tpu.memory_space<vmem>> -> memref<1x128xi32, #tpu.memory_space<vmem>>
      %dma_start3A_180 = tpu.memref_squeeze %dma_start3A_179 : memref<1x128xi32, #tpu.memory_space<vmem>> -> memref<128xi32, #tpu.memory_space<vmem>>
      %dma_start3A_181 = arith.constant 0 : i32
      %dma_start3A_182 = arith.constant 0 : i32
      %dma_start3A_183 = tpu.memref_slice %arg2[%dma_start3A_181, %dma_start3A_182] : memref<10000x128xf32, #tpu.memory_space<hbm>> -> memref<10000x128xf32, #tpu.memory_space<hbm>>
      tpu.enqueue_indirect_dma source(%dma_start3A_183 : memref<10000x128xf32, #tpu.memory_space<hbm>>) target(%arg9 : memref<128x128xf32, #tpu.memory_space<vmem>>) offsets(%dma_start3A_180 : memref<128xi32, #tpu.memory_space<vmem>>) semaphore(%arg12 : memref<!tpu.dma_semaphore, #tpu.memory_space<semaphore_mem>>)
      %scan3A_184 = arith.constant 0 : i32
      scf.yield %scan3A_184 : i32
    }
    %scan3A_106 = arith.constant 19 : i32
    %dma_wait3A_107 = arith.constant 38 : i32
    %dma_wait3A_108 = arith.constant 0 : i32
    %dma_wait3A_109 = tpu.memref_slice %arg6[%dma_wait3A_107, %dma_wait3A_108] : memref<40x128xi32, #tpu.memory_space<vmem>> -> memref<1x128xi32, #tpu.memory_space<vmem>>
    %dma_wait3A_110 = tpu.memref_squeeze %dma_wait3A_109 : memref<1x128xi32, #tpu.memory_space<vmem>> -> memref<128xi32, #tpu.memory_space<vmem>>
    %dma_wait3A_111 = arith.constant 0 : i32
    %dma_wait3A_112 = arith.constant 0 : i32
    %dma_wait3A_113 = tpu.memref_slice %arg2[%dma_wait3A_111, %dma_wait3A_112] : memref<10000x128xf32, #tpu.memory_space<hbm>> -> memref<10000x128xf32, #tpu.memory_space<hbm>>
    tpu.wait_indirect_dma semaphore(%arg11 : memref<!tpu.dma_semaphore, #tpu.memory_space<semaphore_mem>>) src(%dma_wait3A_113 : memref<10000x128xf32, #tpu.memory_space<hbm>>) dst(%arg8 : memref<128x128xf32, #tpu.memory_space<vmem>>)
    %run_scoped3A_114 = arith.constant 38 : i32
    "tpu.region"() ({
      %run_scoped3A_124 = tpu.sem_alloc : memref<!tpu.dma_semaphore, #tpu.memory_space<semaphore_mem>>
      %dma_start3A_125 = arith.constant 0 : i32
      %dma_start3A_126 = tpu.memref_slice %arg7[%run_scoped3A_114, %dma_start3A_125] : memref<40x128xi32, #tpu.memory_space<vmem>> -> memref<1x128xi32, #tpu.memory_space<vmem>>
      %dma_start3A_127 = tpu.memref_squeeze %dma_start3A_126 : memref<1x128xi32, #tpu.memory_space<vmem>> -> memref<128xi32, #tpu.memory_space<vmem>>
      %dma_start3A_128 = arith.constant 0 : i32
      %dma_start3A_129 = arith.constant 0 : i32
      %dma_start3A_130 = tpu.memref_slice %arg10[%dma_start3A_128, %dma_start3A_129] : memref<10112x128xf32, #tpu.memory_space<vmem_shared>> -> memref<10112x128xf32, #tpu.memory_space<vmem_shared>>
      tpu.enqueue_indirect_dma source(%arg8 : memref<128x128xf32, #tpu.memory_space<vmem>>) target(%dma_start3A_130 : memref<10112x128xf32, #tpu.memory_space<vmem_shared>>) offsets(%dma_start3A_127 : memref<128xi32, #tpu.memory_space<vmem>>) semaphore(%run_scoped3A_124 : memref<!tpu.dma_semaphore, #tpu.memory_space<semaphore_mem>>) {add = true}
      %dma_wait3A_131 = arith.constant 0 : i32
      %dma_wait3A_132 = tpu.memref_slice %arg7[%run_scoped3A_114, %dma_wait3A_131] : memref<40x128xi32, #tpu.memory_space<vmem>> -> memref<1x128xi32, #tpu.memory_space<vmem>>
      %dma_wait3A_133 = tpu.memref_squeeze %dma_wait3A_132 : memref<1x128xi32, #tpu.memory_space<vmem>> -> memref<128xi32, #tpu.memory_space<vmem>>
      %dma_wait3A_134 = arith.constant 0 : i32
      %dma_wait3A_135 = arith.constant 0 : i32
      %dma_wait3A_136 = tpu.memref_slice %arg10[%dma_wait3A_134, %dma_wait3A_135] : memref<10112x128xf32, #tpu.memory_space<vmem_shared>> -> memref<10112x128xf32, #tpu.memory_space<vmem_shared>>
      tpu.wait_indirect_dma semaphore(%run_scoped3A_124 : memref<!tpu.dma_semaphore, #tpu.memory_space<semaphore_mem>>) src(%arg8 : memref<128x128xf32, #tpu.memory_space<vmem>>) dst(%dma_wait3A_136 : memref<10112x128xf32, #tpu.memory_space<vmem_shared>>)
      tpu.yield
    }) : () -> ()
    %dma_wait3A_115 = arith.constant 39 : i32
    %dma_wait3A_116 = arith.constant 0 : i32
    %dma_wait3A_117 = tpu.memref_slice %arg6[%dma_wait3A_115, %dma_wait3A_116] : memref<40x128xi32, #tpu.memory_space<vmem>> -> memref<1x128xi32, #tpu.memory_space<vmem>>
    %dma_wait3A_118 = tpu.memref_squeeze %dma_wait3A_117 : memref<1x128xi32, #tpu.memory_space<vmem>> -> memref<128xi32, #tpu.memory_space<vmem>>
    %dma_wait3A_119 = arith.constant 0 : i32
    %dma_wait3A_120 = arith.constant 0 : i32
    %dma_wait3A_121 = tpu.memref_slice %arg2[%dma_wait3A_119, %dma_wait3A_120] : memref<10000x128xf32, #tpu.memory_space<hbm>> -> memref<10000x128xf32, #tpu.memory_space<hbm>>
    tpu.wait_indirect_dma semaphore(%arg12 : memref<!tpu.dma_semaphore, #tpu.memory_space<semaphore_mem>>) src(%dma_wait3A_121 : memref<10000x128xf32, #tpu.memory_space<hbm>>) dst(%arg9 : memref<128x128xf32, #tpu.memory_space<vmem>>)
    %run_scoped3A_122 = arith.constant 39 : i32
    "tpu.region"() ({
      %run_scoped3A_124 = tpu.sem_alloc : memref<!tpu.dma_semaphore, #tpu.memory_space<semaphore_mem>>
      %dma_start3A_125 = arith.constant 0 : i32
      %dma_start3A_126 = tpu.memref_slice %arg7[%run_scoped3A_122, %dma_start3A_125] : memref<40x128xi32, #tpu.memory_space<vmem>> -> memref<1x128xi32, #tpu.memory_space<vmem>>
      %dma_start3A_127 = tpu.memref_squeeze %dma_start3A_126 : memref<1x128xi32, #tpu.memory_space<vmem>> -> memref<128xi32, #tpu.memory_space<vmem>>
      %dma_start3A_128 = arith.constant 0 : i32
      %dma_start3A_129 = arith.constant 0 : i32
      %dma_start3A_130 = tpu.memref_slice %arg10[%dma_start3A_128, %dma_start3A_129] : memref<10112x128xf32, #tpu.memory_space<vmem_shared>> -> memref<10112x128xf32, #tpu.memory_space<vmem_shared>>
      tpu.enqueue_indirect_dma source(%arg9 : memref<128x128xf32, #tpu.memory_space<vmem>>) target(%dma_start3A_130 : memref<10112x128xf32, #tpu.memory_space<vmem_shared>>) offsets(%dma_start3A_127 : memref<128xi32, #tpu.memory_space<vmem>>) semaphore(%run_scoped3A_124 : memref<!tpu.dma_semaphore, #tpu.memory_space<semaphore_mem>>) {add = true}
      %dma_wait3A_131 = arith.constant 0 : i32
      %dma_wait3A_132 = tpu.memref_slice %arg7[%run_scoped3A_122, %dma_wait3A_131] : memref<40x128xi32, #tpu.memory_space<vmem>> -> memref<1x128xi32, #tpu.memory_space<vmem>>
      %dma_wait3A_133 = tpu.memref_squeeze %dma_wait3A_132 : memref<1x128xi32, #tpu.memory_space<vmem>> -> memref<128xi32, #tpu.memory_space<vmem>>
      %dma_wait3A_134 = arith.constant 0 : i32
      %dma_wait3A_135 = arith.constant 0 : i32
      %dma_wait3A_136 = tpu.memref_slice %arg10[%dma_wait3A_134, %dma_wait3A_135] : memref<10112x128xf32, #tpu.memory_space<vmem_shared>> -> memref<10112x128xf32, #tpu.memory_space<vmem_shared>>
      tpu.wait_indirect_dma semaphore(%run_scoped3A_124 : memref<!tpu.dma_semaphore, #tpu.memory_space<semaphore_mem>>) src(%arg9 : memref<128x128xf32, #tpu.memory_space<vmem>>) dst(%dma_wait3A_136 : memref<10112x128xf32, #tpu.memory_space<vmem_shared>>)
      tpu.yield
    }) : () -> ()
    %barrier3A_123 = arith.constant 0 : index
    tpu.barrier barrier_id(%barrier3A_123)
    "tpu.region"() ({
      %run_scoped3A_124 = tpu.sem_alloc : memref<!tpu.dma_semaphore, #tpu.memory_space<semaphore_mem>>
      %dma_start3A_125 = arith.constant 0 : i32
      %dma_start3A_126 = tpu.memref_slice %arg5[%arg0, %mul3A_24, %dma_start3A_125] : memref<2x10112x128xf32, #tpu.memory_space<hbm>> -> memref<1x632x128xf32, #tpu.memory_space<hbm>>
      %dma_start3A_127 = tpu.memref_squeeze %dma_start3A_126 : memref<1x632x128xf32, #tpu.memory_space<hbm>> -> memref<632x128xf32, #tpu.memory_space<hbm>>
      %dma_start3A_128 = arith.constant 0 : i32
      %dma_start3A_129 = tpu.memref_slice %arg10[%mul3A_24, %dma_start3A_128] : memref<10112x128xf32, #tpu.memory_space<vmem_shared>> -> memref<632x128xf32, #tpu.memory_space<vmem_shared>>
      tpu.enqueue_dma source(%dma_start3A_129 : memref<632x128xf32, #tpu.memory_space<vmem_shared>>) target(%dma_start3A_127 : memref<632x128xf32, #tpu.memory_space<hbm>>) target_semaphore(%run_scoped3A_124 : memref<!tpu.dma_semaphore, #tpu.memory_space<semaphore_mem>>)
      %dma_wait3A_130 = arith.constant 0 : i32
      %dma_wait3A_131 = tpu.memref_slice %arg5[%arg0, %mul3A_24, %dma_wait3A_130] : memref<2x10112x128xf32, #tpu.memory_space<hbm>> -> memref<1x632x128xf32, #tpu.memory_space<hbm>>
      %dma_wait3A_132 = tpu.memref_squeeze %dma_wait3A_131 : memref<1x632x128xf32, #tpu.memory_space<hbm>> -> memref<632x128xf32, #tpu.memory_space<hbm>>
      %dma_wait3A_133 = arith.constant 0 : i32
      %dma_wait3A_134 = tpu.memref_slice %arg10[%mul3A_24, %dma_wait3A_133] : memref<10112x128xf32, #tpu.memory_space<vmem_shared>> -> memref<632x128xf32, #tpu.memory_space<vmem_shared>>
      tpu.wait_dma2 semaphore(%run_scoped3A_124 : memref<!tpu.dma_semaphore, #tpu.memory_space<semaphore_mem>>) src(%dma_wait3A_134 : memref<632x128xf32, #tpu.memory_space<vmem_shared>>) dst(%dma_wait3A_132 : memref<632x128xf32, #tpu.memory_space<hbm>>)
      tpu.yield
    }) : () -> ()
    return
  }
}

#map = affine_map<(d0, d1) -> (0, 0)>
#map1 = affine_map<(d0, d1) -> (0, 0, 0)>
module attributes {stable_mosaic.version = 14 : i64} {
  func.func @_edge_pass(%arg0: i32, %arg1: i32, %arg2: memref<10000x128xf32, #tpu.memory_space<hbm>>, %arg3: memref<32x80x128xi32, #tpu.memory_space<hbm>>, %arg4: memref<32x80x128xi32, #tpu.memory_space<hbm>>, %arg5: memref<2x10112x128xf32, #tpu.memory_space<hbm>>, %arg6: memref<40x128xi32, #tpu.memory_space<vmem>>, %arg7: memref<40x128xi32, #tpu.memory_space<vmem>>, %arg8: memref<128x128xf32, #tpu.memory_space<vmem>>, %arg9: memref<128x128xf32, #tpu.memory_space<vmem>>, %arg10: memref<10112x128xf32, #tpu.memory_space<vmem_shared>>, %arg11: memref<!tpu.dma_semaphore, #tpu.memory_space<semaphore_mem>>, %arg12: memref<!tpu.dma_semaphore, #tpu.memory_space<semaphore_mem>>, %arg13: memref<!tpu.dma_semaphore, #tpu.memory_space<semaphore_mem>>, %arg14: memref<!tpu.dma_semaphore, #tpu.memory_space<semaphore_mem>>) attributes {dimension_semantics = [#tpu.dimension_semantics<core_parallel>, #tpu.dimension_semantics<subcore_parallel>], iteration_bounds = array<i64: 2, 16>, scalar_prefetch = 0 : i64, scratch_operands = 9 : i64, tpu.core_type = #tpu.core_type<sc_vector_subcore>, window_params = [{transform_indices = #map}, {transform_indices = #map1}, {transform_indices = #map1}, {transform_indices = #map1}]} {
    %mul3A = arith.constant 16 : i32
    %mul3A_0 = arith.muli %arg0, %mul3A : i32
    %add3A = arith.addi %mul3A_0, %arg1 : i32
    %dma_start3A = arith.constant 0 : i32
    %dma_start3A_1 = arith.constant 0 : i32
    %dma_start3A_2 = tpu.memref_slice %arg3[%add3A, %dma_start3A, %dma_start3A_1] : memref<32x80x128xi32, #tpu.memory_space<hbm>> -> memref<1x40x128xi32, #tpu.memory_space<hbm>>
    %dma_start3A_3 = tpu.memref_squeeze %dma_start3A_2 : memref<1x40x128xi32, #tpu.memory_space<hbm>> -> memref<40x128xi32, #tpu.memory_space<hbm>>
    %dma_start3A_4 = arith.constant 0 : i32
    %dma_start3A_5 = arith.constant 0 : i32
    %dma_start3A_6 = tpu.memref_slice %arg3[%add3A, %dma_start3A_4, %dma_start3A_5] : memref<32x80x128xi32, #tpu.memory_space<hbm>> -> memref<1x40x128xi32, #tpu.memory_space<hbm>>
    %dma_start3A_7 = tpu.memref_squeeze %dma_start3A_6 : memref<1x40x128xi32, #tpu.memory_space<hbm>> -> memref<40x128xi32, #tpu.memory_space<hbm>>
    tpu.enqueue_dma source(%dma_start3A_7 : memref<40x128xi32, #tpu.memory_space<hbm>>) target(%arg6 : memref<40x128xi32, #tpu.memory_space<vmem>>) target_semaphore(%arg13 : memref<!tpu.dma_semaphore, #tpu.memory_space<semaphore_mem>>)
    %dma_start3A_8 = arith.constant 0 : i32
    %dma_start3A_9 = arith.constant 0 : i32
    %dma_start3A_10 = tpu.memref_slice %arg4[%add3A, %dma_start3A_8, %dma_start3A_9] : memref<32x80x128xi32, #tpu.memory_space<hbm>> -> memref<1x40x128xi32, #tpu.memory_space<hbm>>
    %dma_start3A_11 = tpu.memref_squeeze %dma_start3A_10 : memref<1x40x128xi32, #tpu.memory_space<hbm>> -> memref<40x128xi32, #tpu.memory_space<hbm>>
    %dma_start3A_12 = arith.constant 0 : i32
    %dma_start3A_13 = arith.constant 0 : i32
    %dma_start3A_14 = tpu.memref_slice %arg4[%add3A, %dma_start3A_12, %dma_start3A_13] : memref<32x80x128xi32, #tpu.memory_space<hbm>> -> memref<1x40x128xi32, #tpu.memory_space<hbm>>
    %dma_start3A_15 = tpu.memref_squeeze %dma_start3A_14 : memref<1x40x128xi32, #tpu.memory_space<hbm>> -> memref<40x128xi32, #tpu.memory_space<hbm>>
    tpu.enqueue_dma source(%dma_start3A_15 : memref<40x128xi32, #tpu.memory_space<hbm>>) target(%arg7 : memref<40x128xi32, #tpu.memory_space<vmem>>) target_semaphore(%arg14 : memref<!tpu.dma_semaphore, #tpu.memory_space<semaphore_mem>>)
    %broadcast_in_dim3A = arith.constant 0.000000e+00 : f32
    %broadcast_in_dim3A_16 = vector.broadcast %broadcast_in_dim3A : f32 to vector<16xf32>
    %scan3A = arith.constant 0 : i32
    %scan3A_17 = arith.constant 0 : i32
    %scan3A_18 = arith.constant 128 : i32
    %scan3A_19 = arith.addi %scan3A_17, %scan3A_18 : i32
    %scan3A_20 = arith.constant 1 : i32
    %scan3A_21 = scf.for %scan3A_124 = %scan3A_17 to %scan3A_19 step %scan3A_20 iter_args(%scan3A_125 = %scan3A) -> (i32)  : i32 {
      %swap3A = arith.index_cast %scan3A_124 : i32 to index
      %swap3A_126 = arith.constant 0 : index
      %swap3A_127 = tpu.vector_load %arg8[%swap3A, %swap3A_126] {strides = array<i32>} : memref<128x128xf32, #tpu.memory_space<vmem>>, vector<1x16xf32>,
      %swap3A_128 = vector.shape_cast %swap3A_127 : vector<1x16xf32> to vector<16xf32>
      %swap3A_129 = vector.shape_cast %broadcast_in_dim3A_16 : vector<16xf32> to vector<1x16xf32>
      tpu.vector_store %arg8[%swap3A, %swap3A_126], %swap3A_129 {strides = array<i32>} : memref<128x128xf32, #tpu.memory_space<vmem>>, vector<1x16xf32>,
      %swap3A_130 = arith.index_cast %scan3A_124 : i32 to index
      %swap3A_131 = arith.constant 16 : index
      %swap3A_132 = tpu.vector_load %arg8[%swap3A_130, %swap3A_131] {strides = array<i32>} : memref<128x128xf32, #tpu.memory_space<vmem>>, vector<1x16xf32>,
      %swap3A_133 = vector.shape_cast %swap3A_132 : vector<1x16xf32> to vector<16xf32>
      %swap3A_134 = vector.shape_cast %broadcast_in_dim3A_16 : vector<16xf32> to vector<1x16xf32>
      tpu.vector_store %arg8[%swap3A_130, %swap3A_131], %swap3A_134 {strides = array<i32>} : memref<128x128xf32, #tpu.memory_space<vmem>>, vector<1x16xf32>,
      %swap3A_135 = arith.index_cast %scan3A_124 : i32 to index
      %swap3A_136 = arith.constant 32 : index
      %swap3A_137 = tpu.vector_load %arg8[%swap3A_135, %swap3A_136] {strides = array<i32>} : memref<128x128xf32, #tpu.memory_space<vmem>>, vector<1x16xf32>,
      %swap3A_138 = vector.shape_cast %swap3A_137 : vector<1x16xf32> to vector<16xf32>
      %swap3A_139 = vector.shape_cast %broadcast_in_dim3A_16 : vector<16xf32> to vector<1x16xf32>
      tpu.vector_store %arg8[%swap3A_135, %swap3A_136], %swap3A_139 {strides = array<i32>} : memref<128x128xf32, #tpu.memory_space<vmem>>, vector<1x16xf32>,
      %swap3A_140 = arith.index_cast %scan3A_124 : i32 to index
      %swap3A_141 = arith.constant 48 : index
      %swap3A_142 = tpu.vector_load %arg8[%swap3A_140, %swap3A_141] {strides = array<i32>} : memref<128x128xf32, #tpu.memory_space<vmem>>, vector<1x16xf32>,
      %swap3A_143 = vector.shape_cast %swap3A_142 : vector<1x16xf32> to vector<16xf32>
      %swap3A_144 = vector.shape_cast %broadcast_in_dim3A_16 : vector<16xf32> to vector<1x16xf32>
      tpu.vector_store %arg8[%swap3A_140, %swap3A_141], %swap3A_144 {strides = array<i32>} : memref<128x128xf32, #tpu.memory_space<vmem>>, vector<1x16xf32>,
      %swap3A_145 = arith.index_cast %scan3A_124 : i32 to index
      %swap3A_146 = arith.constant 64 : index
      %swap3A_147 = tpu.vector_load %arg8[%swap3A_145, %swap3A_146] {strides = array<i32>} : memref<128x128xf32, #tpu.memory_space<vmem>>, vector<1x16xf32>,
      %swap3A_148 = vector.shape_cast %swap3A_147 : vector<1x16xf32> to vector<16xf32>
      %swap3A_149 = vector.shape_cast %broadcast_in_dim3A_16 : vector<16xf32> to vector<1x16xf32>
      tpu.vector_store %arg8[%swap3A_145, %swap3A_146], %swap3A_149 {strides = array<i32>} : memref<128x128xf32, #tpu.memory_space<vmem>>, vector<1x16xf32>,
      %swap3A_150 = arith.index_cast %scan3A_124 : i32 to index
      %swap3A_151 = arith.constant 80 : index
      %swap3A_152 = tpu.vector_load %arg8[%swap3A_150, %swap3A_151] {strides = array<i32>} : memref<128x128xf32, #tpu.memory_space<vmem>>, vector<1x16xf32>,
      %swap3A_153 = vector.shape_cast %swap3A_152 : vector<1x16xf32> to vector<16xf32>
      %swap3A_154 = vector.shape_cast %broadcast_in_dim3A_16 : vector<16xf32> to vector<1x16xf32>
      tpu.vector_store %arg8[%swap3A_150, %swap3A_151], %swap3A_154 {strides = array<i32>} : memref<128x128xf32, #tpu.memory_space<vmem>>, vector<1x16xf32>,
      %swap3A_155 = arith.index_cast %scan3A_124 : i32 to index
      %swap3A_156 = arith.constant 96 : index
      %swap3A_157 = tpu.vector_load %arg8[%swap3A_155, %swap3A_156] {strides = array<i32>} : memref<128x128xf32, #tpu.memory_space<vmem>>, vector<1x16xf32>,
      %swap3A_158 = vector.shape_cast %swap3A_157 : vector<1x16xf32> to vector<16xf32>
      %swap3A_159 = vector.shape_cast %broadcast_in_dim3A_16 : vector<16xf32> to vector<1x16xf32>
      tpu.vector_store %arg8[%swap3A_155, %swap3A_156], %swap3A_159 {strides = array<i32>} : memref<128x128xf32, #tpu.memory_space<vmem>>, vector<1x16xf32>,
      %swap3A_160 = arith.index_cast %scan3A_124 : i32 to index
      %swap3A_161 = arith.constant 112 : index
      %swap3A_162 = tpu.vector_load %arg8[%swap3A_160, %swap3A_161] {strides = array<i32>} : memref<128x128xf32, #tpu.memory_space<vmem>>, vector<1x16xf32>,
      %swap3A_163 = vector.shape_cast %swap3A_162 : vector<1x16xf32> to vector<16xf32>
      %swap3A_164 = vector.shape_cast %broadcast_in_dim3A_16 : vector<16xf32> to vector<1x16xf32>
      tpu.vector_store %arg8[%swap3A_160, %swap3A_161], %swap3A_164 {strides = array<i32>} : memref<128x128xf32, #tpu.memory_space<vmem>>, vector<1x16xf32>,
      %scan3A_165 = arith.constant 0 : i32
      scf.yield %scan3A_165 : i32
    }
    %scan3A_22 = arith.constant 128 : i32
    %mul3A_23 = arith.constant 632 : i32
    %mul3A_24 = arith.muli %arg1, %mul3A_23 : i32
    %add3A_25 = arith.constant 0 : i32
    %add3A_26 = arith.addi %mul3A_24, %add3A_25 : i32
    "tpu.region"() ({
      %run_scoped3A_124 = tpu.sem_alloc : memref<!tpu.dma_semaphore, #tpu.memory_space<semaphore_mem>>
      %dma_start3A_125 = arith.constant 0 : i32
      %dma_start3A_126 = tpu.memref_slice %arg10[%add3A_26, %dma_start3A_125] : memref<10112x128xf32, #tpu.memory_space<vmem_shared>> -> memref<128x128xf32, #tpu.memory_space<vmem_shared>>
      %dma_start3A_127 = arith.constant 0 : i32
      %dma_start3A_128 = tpu.memref_slice %arg10[%add3A_26, %dma_start3A_127] : memref<10112x128xf32, #tpu.memory_space<vmem_shared>> -> memref<128x128xf32, #tpu.memory_space<vmem_shared>>
      tpu.enqueue_dma source(%arg8 : memref<128x128xf32, #tpu.memory_space<vmem>>) target(%dma_start3A_128 : memref<128x128xf32, #tpu.memory_space<vmem_shared>>) target_semaphore(%run_scoped3A_124 : memref<!tpu.dma_semaphore, #tpu.memory_space<semaphore_mem>>)
      %dma_wait3A_129 = arith.constant 0 : i32
      %dma_wait3A_130 = tpu.memref_slice %arg10[%add3A_26, %dma_wait3A_129] : memref<10112x128xf32, #tpu.memory_space<vmem_shared>> -> memref<128x128xf32, #tpu.memory_space<vmem_shared>>
      %dma_wait3A_131 = arith.constant 0 : i32
      %dma_wait3A_132 = tpu.memref_slice %arg10[%add3A_26, %dma_wait3A_131] : memref<10112x128xf32, #tpu.memory_space<vmem_shared>> -> memref<128x128xf32, #tpu.memory_space<vmem_shared>>
      tpu.wait_dma2 semaphore(%run_scoped3A_124 : memref<!tpu.dma_semaphore, #tpu.memory_space<semaphore_mem>>) src(%arg8 : memref<128x128xf32, #tpu.memory_space<vmem>>) dst(%dma_wait3A_132 : memref<128x128xf32, #tpu.memory_space<vmem_shared>>)
      tpu.yield
    }) : () -> ()
    %add3A_27 = arith.constant 128 : i32
    %add3A_28 = arith.addi %mul3A_24, %add3A_27 : i32
    "tpu.region"() ({
      %run_scoped3A_124 = tpu.sem_alloc : memref<!tpu.dma_semaphore, #tpu.memory_space<semaphore_mem>>
      %dma_start3A_125 = arith.constant 0 : i32
      %dma_start3A_126 = tpu.memref_slice %arg10[%add3A_28, %dma_start3A_125] : memref<10112x128xf32, #tpu.memory_space<vmem_shared>> -> memref<128x128xf32, #tpu.memory_space<vmem_shared>>
      %dma_start3A_127 = arith.constant 0 : i32
      %dma_start3A_128 = tpu.memref_slice %arg10[%add3A_28, %dma_start3A_127] : memref<10112x128xf32, #tpu.memory_space<vmem_shared>> -> memref<128x128xf32, #tpu.memory_space<vmem_shared>>
      tpu.enqueue_dma source(%arg8 : memref<128x128xf32, #tpu.memory_space<vmem>>) target(%dma_start3A_128 : memref<128x128xf32, #tpu.memory_space<vmem_shared>>) target_semaphore(%run_scoped3A_124 : memref<!tpu.dma_semaphore, #tpu.memory_space<semaphore_mem>>)
      %dma_wait3A_129 = arith.constant 0 : i32
      %dma_wait3A_130 = tpu.memref_slice %arg10[%add3A_28, %dma_wait3A_129] : memref<10112x128xf32, #tpu.memory_space<vmem_shared>> -> memref<128x128xf32, #tpu.memory_space<vmem_shared>>
      %dma_wait3A_131 = arith.constant 0 : i32
      %dma_wait3A_132 = tpu.memref_slice %arg10[%add3A_28, %dma_wait3A_131] : memref<10112x128xf32, #tpu.memory_space<vmem_shared>> -> memref<128x128xf32, #tpu.memory_space<vmem_shared>>
      tpu.wait_dma2 semaphore(%run_scoped3A_124 : memref<!tpu.dma_semaphore, #tpu.memory_space<semaphore_mem>>) src(%arg8 : memref<128x128xf32, #tpu.memory_space<vmem>>) dst(%dma_wait3A_132 : memref<128x128xf32, #tpu.memory_space<vmem_shared>>)
      tpu.yield
    }) : () -> ()
    %add3A_29 = arith.constant 256 : i32
    %add3A_30 = arith.addi %mul3A_24, %add3A_29 : i32
    "tpu.region"() ({
      %run_scoped3A_124 = tpu.sem_alloc : memref<!tpu.dma_semaphore, #tpu.memory_space<semaphore_mem>>
      %dma_start3A_125 = arith.constant 0 : i32
      %dma_start3A_126 = tpu.memref_slice %arg10[%add3A_30, %dma_start3A_125] : memref<10112x128xf32, #tpu.memory_space<vmem_shared>> -> memref<128x128xf32, #tpu.memory_space<vmem_shared>>
      %dma_start3A_127 = arith.constant 0 : i32
      %dma_start3A_128 = tpu.memref_slice %arg10[%add3A_30, %dma_start3A_127] : memref<10112x128xf32, #tpu.memory_space<vmem_shared>> -> memref<128x128xf32, #tpu.memory_space<vmem_shared>>
      tpu.enqueue_dma source(%arg8 : memref<128x128xf32, #tpu.memory_space<vmem>>) target(%dma_start3A_128 : memref<128x128xf32, #tpu.memory_space<vmem_shared>>) target_semaphore(%run_scoped3A_124 : memref<!tpu.dma_semaphore, #tpu.memory_space<semaphore_mem>>)
      %dma_wait3A_129 = arith.constant 0 : i32
      %dma_wait3A_130 = tpu.memref_slice %arg10[%add3A_30, %dma_wait3A_129] : memref<10112x128xf32, #tpu.memory_space<vmem_shared>> -> memref<128x128xf32, #tpu.memory_space<vmem_shared>>
      %dma_wait3A_131 = arith.constant 0 : i32
      %dma_wait3A_132 = tpu.memref_slice %arg10[%add3A_30, %dma_wait3A_131] : memref<10112x128xf32, #tpu.memory_space<vmem_shared>> -> memref<128x128xf32, #tpu.memory_space<vmem_shared>>
      tpu.wait_dma2 semaphore(%run_scoped3A_124 : memref<!tpu.dma_semaphore, #tpu.memory_space<semaphore_mem>>) src(%arg8 : memref<128x128xf32, #tpu.memory_space<vmem>>) dst(%dma_wait3A_132 : memref<128x128xf32, #tpu.memory_space<vmem_shared>>)
      tpu.yield
    }) : () -> ()
    %add3A_31 = arith.constant 384 : i32
    %add3A_32 = arith.addi %mul3A_24, %add3A_31 : i32
    "tpu.region"() ({
      %run_scoped3A_124 = tpu.sem_alloc : memref<!tpu.dma_semaphore, #tpu.memory_space<semaphore_mem>>
      %dma_start3A_125 = arith.constant 0 : i32
      %dma_start3A_126 = tpu.memref_slice %arg10[%add3A_32, %dma_start3A_125] : memref<10112x128xf32, #tpu.memory_space<vmem_shared>> -> memref<128x128xf32, #tpu.memory_space<vmem_shared>>
      %dma_start3A_127 = arith.constant 0 : i32
      %dma_start3A_128 = tpu.memref_slice %arg10[%add3A_32, %dma_start3A_127] : memref<10112x128xf32, #tpu.memory_space<vmem_shared>> -> memref<128x128xf32, #tpu.memory_space<vmem_shared>>
      tpu.enqueue_dma source(%arg8 : memref<128x128xf32, #tpu.memory_space<vmem>>) target(%dma_start3A_128 : memref<128x128xf32, #tpu.memory_space<vmem_shared>>) target_semaphore(%run_scoped3A_124 : memref<!tpu.dma_semaphore, #tpu.memory_space<semaphore_mem>>)
      %dma_wait3A_129 = arith.constant 0 : i32
      %dma_wait3A_130 = tpu.memref_slice %arg10[%add3A_32, %dma_wait3A_129] : memref<10112x128xf32, #tpu.memory_space<vmem_shared>> -> memref<128x128xf32, #tpu.memory_space<vmem_shared>>
      %dma_wait3A_131 = arith.constant 0 : i32
      %dma_wait3A_132 = tpu.memref_slice %arg10[%add3A_32, %dma_wait3A_131] : memref<10112x128xf32, #tpu.memory_space<vmem_shared>> -> memref<128x128xf32, #tpu.memory_space<vmem_shared>>
      tpu.wait_dma2 semaphore(%run_scoped3A_124 : memref<!tpu.dma_semaphore, #tpu.memory_space<semaphore_mem>>) src(%arg8 : memref<128x128xf32, #tpu.memory_space<vmem>>) dst(%dma_wait3A_132 : memref<128x128xf32, #tpu.memory_space<vmem_shared>>)
      tpu.yield
    }) : () -> ()
    %add3A_33 = arith.constant 512 : i32
    %add3A_34 = arith.addi %mul3A_24, %add3A_33 : i32
    "tpu.region"() ({
      %run_scoped3A_124 = tpu.sem_alloc : memref<!tpu.dma_semaphore, #tpu.memory_space<semaphore_mem>>
      %dma_start3A_125 = arith.constant 0 : i32
      %dma_start3A_126 = arith.constant 0 : i32
      %dma_start3A_127 = tpu.memref_slice %arg8[%dma_start3A_125, %dma_start3A_126] : memref<128x128xf32, #tpu.memory_space<vmem>> -> memref<120x128xf32, #tpu.memory_space<vmem>>
      %dma_start3A_128 = arith.constant 0 : i32
      %dma_start3A_129 = tpu.memref_slice %arg10[%add3A_34, %dma_start3A_128] : memref<10112x128xf32, #tpu.memory_space<vmem_shared>> -> memref<120x128xf32, #tpu.memory_space<vmem_shared>>
      %dma_start3A_130 = arith.constant 0 : i32
      %dma_start3A_131 = tpu.memref_slice %arg10[%add3A_34, %dma_start3A_130] : memref<10112x128xf32, #tpu.memory_space<vmem_shared>> -> memref<120x128xf32, #tpu.memory_space<vmem_shared>>
      %dma_start3A_132 = arith.constant 0 : i32
      %dma_start3A_133 = arith.constant 0 : i32
      %dma_start3A_134 = tpu.memref_slice %arg8[%dma_start3A_132, %dma_start3A_133] : memref<128x128xf32, #tpu.memory_space<vmem>> -> memref<120x128xf32, #tpu.memory_space<vmem>>
      tpu.enqueue_dma source(%dma_start3A_134 : memref<120x128xf32, #tpu.memory_space<vmem>>) target(%dma_start3A_131 : memref<120x128xf32, #tpu.memory_space<vmem_shared>>) target_semaphore(%run_scoped3A_124 : memref<!tpu.dma_semaphore, #tpu.memory_space<semaphore_mem>>)
      %dma_wait3A_135 = arith.constant 0 : i32
      %dma_wait3A_136 = arith.constant 0 : i32
      %dma_wait3A_137 = tpu.memref_slice %arg8[%dma_wait3A_135, %dma_wait3A_136] : memref<128x128xf32, #tpu.memory_space<vmem>> -> memref<120x128xf32, #tpu.memory_space<vmem>>
      %dma_wait3A_138 = arith.constant 0 : i32
      %dma_wait3A_139 = tpu.memref_slice %arg10[%add3A_34, %dma_wait3A_138] : memref<10112x128xf32, #tpu.memory_space<vmem_shared>> -> memref<120x128xf32, #tpu.memory_space<vmem_shared>>
      %dma_wait3A_140 = arith.constant 0 : i32
      %dma_wait3A_141 = tpu.memref_slice %arg10[%add3A_34, %dma_wait3A_140] : memref<10112x128xf32, #tpu.memory_space<vmem_shared>> -> memref<120x128xf32, #tpu.memory_space<vmem_shared>>
      %dma_wait3A_142 = arith.constant 0 : i32
      %dma_wait3A_143 = arith.constant 0 : i32
      %dma_wait3A_144 = tpu.memref_slice %arg8[%dma_wait3A_142, %dma_wait3A_143] : memref<128x128xf32, #tpu.memory_space<vmem>> -> memref<120x128xf32, #tpu.memory_space<vmem>>
      tpu.wait_dma2 semaphore(%run_scoped3A_124 : memref<!tpu.dma_semaphore, #tpu.memory_space<semaphore_mem>>) src(%dma_wait3A_144 : memref<120x128xf32, #tpu.memory_space<vmem>>) dst(%dma_wait3A_141 : memref<120x128xf32, #tpu.memory_space<vmem_shared>>)
      tpu.yield
    }) : () -> ()
    %dma_wait3A = arith.constant 0 : i32
    %dma_wait3A_35 = arith.constant 0 : i32
    %dma_wait3A_36 = tpu.memref_slice %arg3[%add3A, %dma_wait3A, %dma_wait3A_35] : memref<32x80x128xi32, #tpu.memory_space<hbm>> -> memref<1x40x128xi32, #tpu.memory_space<hbm>>
    %dma_wait3A_37 = tpu.memref_squeeze %dma_wait3A_36 : memref<1x40x128xi32, #tpu.memory_space<hbm>> -> memref<40x128xi32, #tpu.memory_space<hbm>>
    %dma_wait3A_38 = arith.constant 0 : i32
    %dma_wait3A_39 = arith.constant 0 : i32
    %dma_wait3A_40 = tpu.memref_slice %arg3[%add3A, %dma_wait3A_38, %dma_wait3A_39] : memref<32x80x128xi32, #tpu.memory_space<hbm>> -> memref<1x40x128xi32, #tpu.memory_space<hbm>>
    %dma_wait3A_41 = tpu.memref_squeeze %dma_wait3A_40 : memref<1x40x128xi32, #tpu.memory_space<hbm>> -> memref<40x128xi32, #tpu.memory_space<hbm>>
    tpu.wait_dma2 semaphore(%arg13 : memref<!tpu.dma_semaphore, #tpu.memory_space<semaphore_mem>>) src(%dma_wait3A_41 : memref<40x128xi32, #tpu.memory_space<hbm>>) dst(%arg6 : memref<40x128xi32, #tpu.memory_space<vmem>>)
    %dma_wait3A_42 = arith.constant 0 : i32
    %dma_wait3A_43 = arith.constant 0 : i32
    %dma_wait3A_44 = tpu.memref_slice %arg4[%add3A, %dma_wait3A_42, %dma_wait3A_43] : memref<32x80x128xi32, #tpu.memory_space<hbm>> -> memref<1x40x128xi32, #tpu.memory_space<hbm>>
    %dma_wait3A_45 = tpu.memref_squeeze %dma_wait3A_44 : memref<1x40x128xi32, #tpu.memory_space<hbm>> -> memref<40x128xi32, #tpu.memory_space<hbm>>
    %dma_wait3A_46 = arith.constant 0 : i32
    %dma_wait3A_47 = arith.constant 0 : i32
    %dma_wait3A_48 = tpu.memref_slice %arg4[%add3A, %dma_wait3A_46, %dma_wait3A_47] : memref<32x80x128xi32, #tpu.memory_space<hbm>> -> memref<1x40x128xi32, #tpu.memory_space<hbm>>
    %dma_wait3A_49 = tpu.memref_squeeze %dma_wait3A_48 : memref<1x40x128xi32, #tpu.memory_space<hbm>> -> memref<40x128xi32, #tpu.memory_space<hbm>>
    tpu.wait_dma2 semaphore(%arg14 : memref<!tpu.dma_semaphore, #tpu.memory_space<semaphore_mem>>) src(%dma_wait3A_49 : memref<40x128xi32, #tpu.memory_space<hbm>>) dst(%arg7 : memref<40x128xi32, #tpu.memory_space<vmem>>)
    %dma_start3A_50 = arith.constant 0 : i32
    %dma_start3A_51 = arith.constant 0 : i32
    %dma_start3A_52 = tpu.memref_slice %arg6[%dma_start3A_50, %dma_start3A_51] : memref<40x128xi32, #tpu.memory_space<vmem>> -> memref<1x128xi32, #tpu.memory_space<vmem>>
    %dma_start3A_53 = tpu.memref_squeeze %dma_start3A_52 : memref<1x128xi32, #tpu.memory_space<vmem>> -> memref<128xi32, #tpu.memory_space<vmem>>
    %dma_start3A_54 = arith.constant 0 : i32
    %dma_start3A_55 = arith.constant 0 : i32
    %dma_start3A_56 = tpu.memref_slice %arg2[%dma_start3A_54, %dma_start3A_55] : memref<10000x128xf32, #tpu.memory_space<hbm>> -> memref<10000x128xf32, #tpu.memory_space<hbm>>
    tpu.enqueue_indirect_dma source(%dma_start3A_56 : memref<10000x128xf32, #tpu.memory_space<hbm>>) target(%arg8 : memref<128x128xf32, #tpu.memory_space<vmem>>) offsets(%dma_start3A_53 : memref<128xi32, #tpu.memory_space<vmem>>) semaphore(%arg11 : memref<!tpu.dma_semaphore, #tpu.memory_space<semaphore_mem>>)
    %dma_start3A_57 = arith.constant 1 : i32
    %dma_start3A_58 = arith.constant 0 : i32
    %dma_start3A_59 = tpu.memref_slice %arg6[%dma_start3A_57, %dma_start3A_58] : memref<40x128xi32, #tpu.memory_space<vmem>> -> memref<1x128xi32, #tpu.memory_space<vmem>>
    %dma_start3A_60 = tpu.memref_squeeze %dma_start3A_59 : memref<1x128xi32, #tpu.memory_space<vmem>> -> memref<128xi32, #tpu.memory_space<vmem>>
    %dma_start3A_61 = arith.constant 0 : i32
    %dma_start3A_62 = arith.constant 0 : i32
    %dma_start3A_63 = tpu.memref_slice %arg2[%dma_start3A_61, %dma_start3A_62] : memref<10000x128xf32, #tpu.memory_space<hbm>> -> memref<10000x128xf32, #tpu.memory_space<hbm>>
    tpu.enqueue_indirect_dma source(%dma_start3A_63 : memref<10000x128xf32, #tpu.memory_space<hbm>>) target(%arg9 : memref<128x128xf32, #tpu.memory_space<vmem>>) offsets(%dma_start3A_60 : memref<128xi32, #tpu.memory_space<vmem>>) semaphore(%arg12 : memref<!tpu.dma_semaphore, #tpu.memory_space<semaphore_mem>>)
    %barrier3A = arith.constant 0 : index
    tpu.barrier barrier_id(%barrier3A)
    %scan3A_64 = arith.constant 0 : i32
    %scan3A_65 = arith.constant 0 : i32
    %scan3A_66 = arith.constant 19 : i32
    %scan3A_67 = arith.addi %scan3A_65, %scan3A_66 : i32
    %scan3A_68 = arith.constant 1 : i32
    %scan3A_69 = scf.for %scan3A_124 = %scan3A_65 to %scan3A_67 step %scan3A_68 iter_args(%scan3A_125 = %scan3A_64) -> (i32)  : i32 {
      %mul3A_126 = arith.constant 2 : i32
      %mul3A_127 = arith.muli %mul3A_126, %scan3A_124 : i32
      %dma_wait3A_128 = arith.constant 0 : i32
      %dma_wait3A_129 = tpu.memref_slice %arg6[%mul3A_127, %dma_wait3A_128] : memref<40x128xi32, #tpu.memory_space<vmem>> -> memref<1x128xi32, #tpu.memory_space<vmem>>
      %dma_wait3A_130 = tpu.memref_squeeze %dma_wait3A_129 : memref<1x128xi32, #tpu.memory_space<vmem>> -> memref<128xi32, #tpu.memory_space<vmem>>
      %dma_wait3A_131 = arith.constant 0 : i32
      %dma_wait3A_132 = arith.constant 0 : i32
      %dma_wait3A_133 = tpu.memref_slice %arg2[%dma_wait3A_131, %dma_wait3A_132] : memref<10000x128xf32, #tpu.memory_space<hbm>> -> memref<10000x128xf32, #tpu.memory_space<hbm>>
      tpu.wait_indirect_dma semaphore(%arg11 : memref<!tpu.dma_semaphore, #tpu.memory_space<semaphore_mem>>) src(%dma_wait3A_133 : memref<10000x128xf32, #tpu.memory_space<hbm>>) dst(%arg8 : memref<128x128xf32, #tpu.memory_space<vmem>>)
      %dma_start3A_134 = arith.constant 0 : i32
      %dma_start3A_135 = tpu.memref_slice %arg7[%mul3A_127, %dma_start3A_134] : memref<40x128xi32, #tpu.memory_space<vmem>> -> memref<1x128xi32, #tpu.memory_space<vmem>>
      %dma_start3A_136 = tpu.memref_squeeze %dma_start3A_135 : memref<1x128xi32, #tpu.memory_space<vmem>> -> memref<128xi32, #tpu.memory_space<vmem>>
      %dma_start3A_137 = arith.constant 0 : i32
      %dma_start3A_138 = arith.constant 0 : i32
      %dma_start3A_139 = tpu.memref_slice %arg10[%dma_start3A_137, %dma_start3A_138] : memref<10112x128xf32, #tpu.memory_space<vmem_shared>> -> memref<10112x128xf32, #tpu.memory_space<vmem_shared>>
      tpu.enqueue_indirect_dma source(%arg8 : memref<128x128xf32, #tpu.memory_space<vmem>>) target(%dma_start3A_139 : memref<10112x128xf32, #tpu.memory_space<vmem_shared>>) offsets(%dma_start3A_136 : memref<128xi32, #tpu.memory_space<vmem>>) semaphore(%arg13 : memref<!tpu.dma_semaphore, #tpu.memory_space<semaphore_mem>>) {add = true}
      %add3A_140 = arith.constant 1 : i32
      %add3A_141 = arith.addi %mul3A_127, %add3A_140 : i32
      %dma_wait3A_142 = arith.constant 0 : i32
      %dma_wait3A_143 = tpu.memref_slice %arg6[%add3A_141, %dma_wait3A_142] : memref<40x128xi32, #tpu.memory_space<vmem>> -> memref<1x128xi32, #tpu.memory_space<vmem>>
      %dma_wait3A_144 = tpu.memref_squeeze %dma_wait3A_143 : memref<1x128xi32, #tpu.memory_space<vmem>> -> memref<128xi32, #tpu.memory_space<vmem>>
      %dma_wait3A_145 = arith.constant 0 : i32
      %dma_wait3A_146 = arith.constant 0 : i32
      %dma_wait3A_147 = tpu.memref_slice %arg2[%dma_wait3A_145, %dma_wait3A_146] : memref<10000x128xf32, #tpu.memory_space<hbm>> -> memref<10000x128xf32, #tpu.memory_space<hbm>>
      tpu.wait_indirect_dma semaphore(%arg12 : memref<!tpu.dma_semaphore, #tpu.memory_space<semaphore_mem>>) src(%dma_wait3A_147 : memref<10000x128xf32, #tpu.memory_space<hbm>>) dst(%arg9 : memref<128x128xf32, #tpu.memory_space<vmem>>)
      %add3A_148 = arith.constant 1 : i32
      %add3A_149 = arith.addi %mul3A_127, %add3A_148 : i32
      %dma_start3A_150 = arith.constant 0 : i32
      %dma_start3A_151 = tpu.memref_slice %arg7[%add3A_149, %dma_start3A_150] : memref<40x128xi32, #tpu.memory_space<vmem>> -> memref<1x128xi32, #tpu.memory_space<vmem>>
      %dma_start3A_152 = tpu.memref_squeeze %dma_start3A_151 : memref<1x128xi32, #tpu.memory_space<vmem>> -> memref<128xi32, #tpu.memory_space<vmem>>
      %dma_start3A_153 = arith.constant 0 : i32
      %dma_start3A_154 = arith.constant 0 : i32
      %dma_start3A_155 = tpu.memref_slice %arg10[%dma_start3A_153, %dma_start3A_154] : memref<10112x128xf32, #tpu.memory_space<vmem_shared>> -> memref<10112x128xf32, #tpu.memory_space<vmem_shared>>
      tpu.enqueue_indirect_dma source(%arg9 : memref<128x128xf32, #tpu.memory_space<vmem>>) target(%dma_start3A_155 : memref<10112x128xf32, #tpu.memory_space<vmem_shared>>) offsets(%dma_start3A_152 : memref<128xi32, #tpu.memory_space<vmem>>) semaphore(%arg14 : memref<!tpu.dma_semaphore, #tpu.memory_space<semaphore_mem>>) {add = true}
      %dma_wait3A_156 = arith.constant 0 : i32
      %dma_wait3A_157 = tpu.memref_slice %arg7[%mul3A_127, %dma_wait3A_156] : memref<40x128xi32, #tpu.memory_space<vmem>> -> memref<1x128xi32, #tpu.memory_space<vmem>>
      %dma_wait3A_158 = tpu.memref_squeeze %dma_wait3A_157 : memref<1x128xi32, #tpu.memory_space<vmem>> -> memref<128xi32, #tpu.memory_space<vmem>>
      %dma_wait3A_159 = arith.constant 0 : i32
      %dma_wait3A_160 = arith.constant 0 : i32
      %dma_wait3A_161 = tpu.memref_slice %arg10[%dma_wait3A_159, %dma_wait3A_160] : memref<10112x128xf32, #tpu.memory_space<vmem_shared>> -> memref<10112x128xf32, #tpu.memory_space<vmem_shared>>
      tpu.wait_indirect_dma semaphore(%arg13 : memref<!tpu.dma_semaphore, #tpu.memory_space<semaphore_mem>>) src(%arg8 : memref<128x128xf32, #tpu.memory_space<vmem>>) dst(%dma_wait3A_161 : memref<10112x128xf32, #tpu.memory_space<vmem_shared>>)
      %add3A_162 = arith.constant 2 : i32
      %add3A_163 = arith.addi %mul3A_127, %add3A_162 : i32
      %dma_start3A_164 = arith.constant 0 : i32
      %dma_start3A_165 = tpu.memref_slice %arg6[%add3A_163, %dma_start3A_164] : memref<40x128xi32, #tpu.memory_space<vmem>> -> memref<1x128xi32, #tpu.memory_space<vmem>>
      %dma_start3A_166 = tpu.memref_squeeze %dma_start3A_165 : memref<1x128xi32, #tpu.memory_space<vmem>> -> memref<128xi32, #tpu.memory_space<vmem>>
      %dma_start3A_167 = arith.constant 0 : i32
      %dma_start3A_168 = arith.constant 0 : i32
      %dma_start3A_169 = tpu.memref_slice %arg2[%dma_start3A_167, %dma_start3A_168] : memref<10000x128xf32, #tpu.memory_space<hbm>> -> memref<10000x128xf32, #tpu.memory_space<hbm>>
      tpu.enqueue_indirect_dma source(%dma_start3A_169 : memref<10000x128xf32, #tpu.memory_space<hbm>>) target(%arg8 : memref<128x128xf32, #tpu.memory_space<vmem>>) offsets(%dma_start3A_166 : memref<128xi32, #tpu.memory_space<vmem>>) semaphore(%arg11 : memref<!tpu.dma_semaphore, #tpu.memory_space<semaphore_mem>>)
      %dma_wait3A_170 = arith.constant 0 : i32
      %dma_wait3A_171 = tpu.memref_slice %arg7[%add3A_149, %dma_wait3A_170] : memref<40x128xi32, #tpu.memory_space<vmem>> -> memref<1x128xi32, #tpu.memory_space<vmem>>
      %dma_wait3A_172 = tpu.memref_squeeze %dma_wait3A_171 : memref<1x128xi32, #tpu.memory_space<vmem>> -> memref<128xi32, #tpu.memory_space<vmem>>
      %dma_wait3A_173 = arith.constant 0 : i32
      %dma_wait3A_174 = arith.constant 0 : i32
      %dma_wait3A_175 = tpu.memref_slice %arg10[%dma_wait3A_173, %dma_wait3A_174] : memref<10112x128xf32, #tpu.memory_space<vmem_shared>> -> memref<10112x128xf32, #tpu.memory_space<vmem_shared>>
      tpu.wait_indirect_dma semaphore(%arg14 : memref<!tpu.dma_semaphore, #tpu.memory_space<semaphore_mem>>) src(%arg9 : memref<128x128xf32, #tpu.memory_space<vmem>>) dst(%dma_wait3A_175 : memref<10112x128xf32, #tpu.memory_space<vmem_shared>>)
      %add3A_176 = arith.constant 3 : i32
      %add3A_177 = arith.addi %mul3A_127, %add3A_176 : i32
      %dma_start3A_178 = arith.constant 0 : i32
      %dma_start3A_179 = tpu.memref_slice %arg6[%add3A_177, %dma_start3A_178] : memref<40x128xi32, #tpu.memory_space<vmem>> -> memref<1x128xi32, #tpu.memory_space<vmem>>
      %dma_start3A_180 = tpu.memref_squeeze %dma_start3A_179 : memref<1x128xi32, #tpu.memory_space<vmem>> -> memref<128xi32, #tpu.memory_space<vmem>>
      %dma_start3A_181 = arith.constant 0 : i32
      %dma_start3A_182 = arith.constant 0 : i32
      %dma_start3A_183 = tpu.memref_slice %arg2[%dma_start3A_181, %dma_start3A_182] : memref<10000x128xf32, #tpu.memory_space<hbm>> -> memref<10000x128xf32, #tpu.memory_space<hbm>>
      tpu.enqueue_indirect_dma source(%dma_start3A_183 : memref<10000x128xf32, #tpu.memory_space<hbm>>) target(%arg9 : memref<128x128xf32, #tpu.memory_space<vmem>>) offsets(%dma_start3A_180 : memref<128xi32, #tpu.memory_space<vmem>>) semaphore(%arg12 : memref<!tpu.dma_semaphore, #tpu.memory_space<semaphore_mem>>)
      %scan3A_184 = arith.constant 0 : i32
      scf.yield %scan3A_184 : i32
    }
    %scan3A_70 = arith.constant 19 : i32
    %dma_wait3A_71 = arith.constant 38 : i32
    %dma_wait3A_72 = arith.constant 0 : i32
    %dma_wait3A_73 = tpu.memref_slice %arg6[%dma_wait3A_71, %dma_wait3A_72] : memref<40x128xi32, #tpu.memory_space<vmem>> -> memref<1x128xi32, #tpu.memory_space<vmem>>
    %dma_wait3A_74 = tpu.memref_squeeze %dma_wait3A_73 : memref<1x128xi32, #tpu.memory_space<vmem>> -> memref<128xi32, #tpu.memory_space<vmem>>
    %dma_wait3A_75 = arith.constant 0 : i32
    %dma_wait3A_76 = arith.constant 0 : i32
    %dma_wait3A_77 = tpu.memref_slice %arg2[%dma_wait3A_75, %dma_wait3A_76] : memref<10000x128xf32, #tpu.memory_space<hbm>> -> memref<10000x128xf32, #tpu.memory_space<hbm>>
    tpu.wait_indirect_dma semaphore(%arg11 : memref<!tpu.dma_semaphore, #tpu.memory_space<semaphore_mem>>) src(%dma_wait3A_77 : memref<10000x128xf32, #tpu.memory_space<hbm>>) dst(%arg8 : memref<128x128xf32, #tpu.memory_space<vmem>>)
    %run_scoped3A = arith.constant 38 : i32
    "tpu.region"() ({
      %run_scoped3A_124 = tpu.sem_alloc : memref<!tpu.dma_semaphore, #tpu.memory_space<semaphore_mem>>
      %dma_start3A_125 = arith.constant 0 : i32
      %dma_start3A_126 = tpu.memref_slice %arg7[%run_scoped3A, %dma_start3A_125] : memref<40x128xi32, #tpu.memory_space<vmem>> -> memref<1x128xi32, #tpu.memory_space<vmem>>
      %dma_start3A_127 = tpu.memref_squeeze %dma_start3A_126 : memref<1x128xi32, #tpu.memory_space<vmem>> -> memref<128xi32, #tpu.memory_space<vmem>>
      %dma_start3A_128 = arith.constant 0 : i32
      %dma_start3A_129 = arith.constant 0 : i32
      %dma_start3A_130 = tpu.memref_slice %arg10[%dma_start3A_128, %dma_start3A_129] : memref<10112x128xf32, #tpu.memory_space<vmem_shared>> -> memref<10112x128xf32, #tpu.memory_space<vmem_shared>>
      tpu.enqueue_indirect_dma source(%arg8 : memref<128x128xf32, #tpu.memory_space<vmem>>) target(%dma_start3A_130 : memref<10112x128xf32, #tpu.memory_space<vmem_shared>>) offsets(%dma_start3A_127 : memref<128xi32, #tpu.memory_space<vmem>>) semaphore(%run_scoped3A_124 : memref<!tpu.dma_semaphore, #tpu.memory_space<semaphore_mem>>) {add = true}
      %dma_wait3A_131 = arith.constant 0 : i32
      %dma_wait3A_132 = tpu.memref_slice %arg7[%run_scoped3A, %dma_wait3A_131] : memref<40x128xi32, #tpu.memory_space<vmem>> -> memref<1x128xi32, #tpu.memory_space<vmem>>
      %dma_wait3A_133 = tpu.memref_squeeze %dma_wait3A_132 : memref<1x128xi32, #tpu.memory_space<vmem>> -> memref<128xi32, #tpu.memory_space<vmem>>
      %dma_wait3A_134 = arith.constant 0 : i32
      %dma_wait3A_135 = arith.constant 0 : i32
      %dma_wait3A_136 = tpu.memref_slice %arg10[%dma_wait3A_134, %dma_wait3A_135] : memref<10112x128xf32, #tpu.memory_space<vmem_shared>> -> memref<10112x128xf32, #tpu.memory_space<vmem_shared>>
      tpu.wait_indirect_dma semaphore(%run_scoped3A_124 : memref<!tpu.dma_semaphore, #tpu.memory_space<semaphore_mem>>) src(%arg8 : memref<128x128xf32, #tpu.memory_space<vmem>>) dst(%dma_wait3A_136 : memref<10112x128xf32, #tpu.memory_space<vmem_shared>>)
      tpu.yield
    }) : () -> ()
    %dma_wait3A_78 = arith.constant 39 : i32
    %dma_wait3A_79 = arith.constant 0 : i32
    %dma_wait3A_80 = tpu.memref_slice %arg6[%dma_wait3A_78, %dma_wait3A_79] : memref<40x128xi32, #tpu.memory_space<vmem>> -> memref<1x128xi32, #tpu.memory_space<vmem>>
    %dma_wait3A_81 = tpu.memref_squeeze %dma_wait3A_80 : memref<1x128xi32, #tpu.memory_space<vmem>> -> memref<128xi32, #tpu.memory_space<vmem>>
    %dma_wait3A_82 = arith.constant 0 : i32
    %dma_wait3A_83 = arith.constant 0 : i32
    %dma_wait3A_84 = tpu.memref_slice %arg2[%dma_wait3A_82, %dma_wait3A_83] : memref<10000x128xf32, #tpu.memory_space<hbm>> -> memref<10000x128xf32, #tpu.memory_space<hbm>>
    tpu.wait_indirect_dma semaphore(%arg12 : memref<!tpu.dma_semaphore, #tpu.memory_space<semaphore_mem>>) src(%dma_wait3A_84 : memref<10000x128xf32, #tpu.memory_space<hbm>>) dst(%arg9 : memref<128x128xf32, #tpu.memory_space<vmem>>)
    %run_scoped3A_85 = arith.constant 39 : i32
    "tpu.region"() ({
      %run_scoped3A_124 = tpu.sem_alloc : memref<!tpu.dma_semaphore, #tpu.memory_space<semaphore_mem>>
      %dma_start3A_125 = arith.constant 0 : i32
      %dma_start3A_126 = tpu.memref_slice %arg7[%run_scoped3A_85, %dma_start3A_125] : memref<40x128xi32, #tpu.memory_space<vmem>> -> memref<1x128xi32, #tpu.memory_space<vmem>>
      %dma_start3A_127 = tpu.memref_squeeze %dma_start3A_126 : memref<1x128xi32, #tpu.memory_space<vmem>> -> memref<128xi32, #tpu.memory_space<vmem>>
      %dma_start3A_128 = arith.constant 0 : i32
      %dma_start3A_129 = arith.constant 0 : i32
      %dma_start3A_130 = tpu.memref_slice %arg10[%dma_start3A_128, %dma_start3A_129] : memref<10112x128xf32, #tpu.memory_space<vmem_shared>> -> memref<10112x128xf32, #tpu.memory_space<vmem_shared>>
      tpu.enqueue_indirect_dma source(%arg9 : memref<128x128xf32, #tpu.memory_space<vmem>>) target(%dma_start3A_130 : memref<10112x128xf32, #tpu.memory_space<vmem_shared>>) offsets(%dma_start3A_127 : memref<128xi32, #tpu.memory_space<vmem>>) semaphore(%run_scoped3A_124 : memref<!tpu.dma_semaphore, #tpu.memory_space<semaphore_mem>>) {add = true}
      %dma_wait3A_131 = arith.constant 0 : i32
      %dma_wait3A_132 = tpu.memref_slice %arg7[%run_scoped3A_85, %dma_wait3A_131] : memref<40x128xi32, #tpu.memory_space<vmem>> -> memref<1x128xi32, #tpu.memory_space<vmem>>
      %dma_wait3A_133 = tpu.memref_squeeze %dma_wait3A_132 : memref<1x128xi32, #tpu.memory_space<vmem>> -> memref<128xi32, #tpu.memory_space<vmem>>
      %dma_wait3A_134 = arith.constant 0 : i32
      %dma_wait3A_135 = arith.constant 0 : i32
      %dma_wait3A_136 = tpu.memref_slice %arg10[%dma_wait3A_134, %dma_wait3A_135] : memref<10112x128xf32, #tpu.memory_space<vmem_shared>> -> memref<10112x128xf32, #tpu.memory_space<vmem_shared>>
      tpu.wait_indirect_dma semaphore(%run_scoped3A_124 : memref<!tpu.dma_semaphore, #tpu.memory_space<semaphore_mem>>) src(%arg9 : memref<128x128xf32, #tpu.memory_space<vmem>>) dst(%dma_wait3A_136 : memref<10112x128xf32, #tpu.memory_space<vmem_shared>>)
      tpu.yield
    }) : () -> ()
    "tpu.region"() ({
      %run_scoped3A_124 = tpu.sem_alloc : memref<!tpu.dma_semaphore, #tpu.memory_space<semaphore_mem>>
      %dma_start3A_125 = arith.constant 40 : i32
      %dma_start3A_126 = arith.constant 0 : i32
      %dma_start3A_127 = tpu.memref_slice %arg3[%add3A, %dma_start3A_125, %dma_start3A_126] : memref<32x80x128xi32, #tpu.memory_space<hbm>> -> memref<1x40x128xi32, #tpu.memory_space<hbm>>
      %dma_start3A_128 = tpu.memref_squeeze %dma_start3A_127 : memref<1x40x128xi32, #tpu.memory_space<hbm>> -> memref<40x128xi32, #tpu.memory_space<hbm>>
      %dma_start3A_129 = arith.constant 40 : i32
      %dma_start3A_130 = arith.constant 0 : i32
      %dma_start3A_131 = tpu.memref_slice %arg3[%add3A, %dma_start3A_129, %dma_start3A_130] : memref<32x80x128xi32, #tpu.memory_space<hbm>> -> memref<1x40x128xi32, #tpu.memory_space<hbm>>
      %dma_start3A_132 = tpu.memref_squeeze %dma_start3A_131 : memref<1x40x128xi32, #tpu.memory_space<hbm>> -> memref<40x128xi32, #tpu.memory_space<hbm>>
      tpu.enqueue_dma source(%dma_start3A_132 : memref<40x128xi32, #tpu.memory_space<hbm>>) target(%arg6 : memref<40x128xi32, #tpu.memory_space<vmem>>) target_semaphore(%run_scoped3A_124 : memref<!tpu.dma_semaphore, #tpu.memory_space<semaphore_mem>>)
      %dma_wait3A_133 = arith.constant 40 : i32
      %dma_wait3A_134 = arith.constant 0 : i32
      %dma_wait3A_135 = tpu.memref_slice %arg3[%add3A, %dma_wait3A_133, %dma_wait3A_134] : memref<32x80x128xi32, #tpu.memory_space<hbm>> -> memref<1x40x128xi32, #tpu.memory_space<hbm>>
      %dma_wait3A_136 = tpu.memref_squeeze %dma_wait3A_135 : memref<1x40x128xi32, #tpu.memory_space<hbm>> -> memref<40x128xi32, #tpu.memory_space<hbm>>
      %dma_wait3A_137 = arith.constant 40 : i32
      %dma_wait3A_138 = arith.constant 0 : i32
      %dma_wait3A_139 = tpu.memref_slice %arg3[%add3A, %dma_wait3A_137, %dma_wait3A_138] : memref<32x80x128xi32, #tpu.memory_space<hbm>> -> memref<1x40x128xi32, #tpu.memory_space<hbm>>
      %dma_wait3A_140 = tpu.memref_squeeze %dma_wait3A_139 : memref<1x40x128xi32, #tpu.memory_space<hbm>> -> memref<40x128xi32, #tpu.memory_space<hbm>>
      tpu.wait_dma2 semaphore(%run_scoped3A_124 : memref<!tpu.dma_semaphore, #tpu.memory_space<semaphore_mem>>) src(%dma_wait3A_140 : memref<40x128xi32, #tpu.memory_space<hbm>>) dst(%arg6 : memref<40x128xi32, #tpu.memory_space<vmem>>)
      tpu.yield
    }) : () -> ()
    "tpu.region"() ({
      %run_scoped3A_124 = tpu.sem_alloc : memref<!tpu.dma_semaphore, #tpu.memory_space<semaphore_mem>>
      %dma_start3A_125 = arith.constant 40 : i32
      %dma_start3A_126 = arith.constant 0 : i32
      %dma_start3A_127 = tpu.memref_slice %arg4[%add3A, %dma_start3A_125, %dma_start3A_126] : memref<32x80x128xi32, #tpu.memory_space<hbm>> -> memref<1x40x128xi32, #tpu.memory_space<hbm>>
      %dma_start3A_128 = tpu.memref_squeeze %dma_start3A_127 : memref<1x40x128xi32, #tpu.memory_space<hbm>> -> memref<40x128xi32, #tpu.memory_space<hbm>>
      %dma_start3A_129 = arith.constant 40 : i32
      %dma_start3A_130 = arith.constant 0 : i32
      %dma_start3A_131 = tpu.memref_slice %arg4[%add3A, %dma_start3A_129, %dma_start3A_130] : memref<32x80x128xi32, #tpu.memory_space<hbm>> -> memref<1x40x128xi32, #tpu.memory_space<hbm>>
      %dma_start3A_132 = tpu.memref_squeeze %dma_start3A_131 : memref<1x40x128xi32, #tpu.memory_space<hbm>> -> memref<40x128xi32, #tpu.memory_space<hbm>>
      tpu.enqueue_dma source(%dma_start3A_132 : memref<40x128xi32, #tpu.memory_space<hbm>>) target(%arg7 : memref<40x128xi32, #tpu.memory_space<vmem>>) target_semaphore(%run_scoped3A_124 : memref<!tpu.dma_semaphore, #tpu.memory_space<semaphore_mem>>)
      %dma_wait3A_133 = arith.constant 40 : i32
      %dma_wait3A_134 = arith.constant 0 : i32
      %dma_wait3A_135 = tpu.memref_slice %arg4[%add3A, %dma_wait3A_133, %dma_wait3A_134] : memref<32x80x128xi32, #tpu.memory_space<hbm>> -> memref<1x40x128xi32, #tpu.memory_space<hbm>>
      %dma_wait3A_136 = tpu.memref_squeeze %dma_wait3A_135 : memref<1x40x128xi32, #tpu.memory_space<hbm>> -> memref<40x128xi32, #tpu.memory_space<hbm>>
      %dma_wait3A_137 = arith.constant 40 : i32
      %dma_wait3A_138 = arith.constant 0 : i32
      %dma_wait3A_139 = tpu.memref_slice %arg4[%add3A, %dma_wait3A_137, %dma_wait3A_138] : memref<32x80x128xi32, #tpu.memory_space<hbm>> -> memref<1x40x128xi32, #tpu.memory_space<hbm>>
      %dma_wait3A_140 = tpu.memref_squeeze %dma_wait3A_139 : memref<1x40x128xi32, #tpu.memory_space<hbm>> -> memref<40x128xi32, #tpu.memory_space<hbm>>
      tpu.wait_dma2 semaphore(%run_scoped3A_124 : memref<!tpu.dma_semaphore, #tpu.memory_space<semaphore_mem>>) src(%dma_wait3A_140 : memref<40x128xi32, #tpu.memory_space<hbm>>) dst(%arg7 : memref<40x128xi32, #tpu.memory_space<vmem>>)
      tpu.yield
    }) : () -> ()
    %dma_start3A_86 = arith.constant 0 : i32
    %dma_start3A_87 = arith.constant 0 : i32
    %dma_start3A_88 = tpu.memref_slice %arg6[%dma_start3A_86, %dma_start3A_87] : memref<40x128xi32, #tpu.memory_space<vmem>> -> memref<1x128xi32, #tpu.memory_space<vmem>>
    %dma_start3A_89 = tpu.memref_squeeze %dma_start3A_88 : memref<1x128xi32, #tpu.memory_space<vmem>> -> memref<128xi32, #tpu.memory_space<vmem>>
    %dma_start3A_90 = arith.constant 0 : i32
    %dma_start3A_91 = arith.constant 0 : i32
    %dma_start3A_92 = tpu.memref_slice %arg2[%dma_start3A_90, %dma_start3A_91] : memref<10000x128xf32, #tpu.memory_space<hbm>> -> memref<10000x128xf32, #tpu.memory_space<hbm>>
    tpu.enqueue_indirect_dma source(%dma_start3A_92 : memref<10000x128xf32, #tpu.memory_space<hbm>>) target(%arg8 : memref<128x128xf32, #tpu.memory_space<vmem>>) offsets(%dma_start3A_89 : memref<128xi32, #tpu.memory_space<vmem>>) semaphore(%arg11 : memref<!tpu.dma_semaphore, #tpu.memory_space<semaphore_mem>>)
    %dma_start3A_93 = arith.constant 1 : i32
    %dma_start3A_94 = arith.constant 0 : i32
    %dma_start3A_95 = tpu.memref_slice %arg6[%dma_start3A_93, %dma_start3A_94] : memref<40x128xi32, #tpu.memory_space<vmem>> -> memref<1x128xi32, #tpu.memory_space<vmem>>
    %dma_start3A_96 = tpu.memref_squeeze %dma_start3A_95 : memref<1x128xi32, #tpu.memory_space<vmem>> -> memref<128xi32, #tpu.memory_space<vmem>>
    %dma_start3A_97 = arith.constant 0 : i32
    %dma_start3A_98 = arith.constant 0 : i32
    %dma_start3A_99 = tpu.memref_slice %arg2[%dma_start3A_97, %dma_start3A_98] : memref<10000x128xf32, #tpu.memory_space<hbm>> -> memref<10000x128xf32, #tpu.memory_space<hbm>>
    tpu.enqueue_indirect_dma source(%dma_start3A_99 : memref<10000x128xf32, #tpu.memory_space<hbm>>) target(%arg9 : memref<128x128xf32, #tpu.memory_space<vmem>>) offsets(%dma_start3A_96 : memref<128xi32, #tpu.memory_space<vmem>>) semaphore(%arg12 : memref<!tpu.dma_semaphore, #tpu.memory_space<semaphore_mem>>)
    %scan3A_100 = arith.constant 0 : i32
    %scan3A_101 = arith.constant 0 : i32
    %scan3A_102 = arith.constant 19 : i32
    %scan3A_103 = arith.addi %scan3A_101, %scan3A_102 : i32
    %scan3A_104 = arith.constant 1 : i32
    %scan3A_105 = scf.for %scan3A_124 = %scan3A_101 to %scan3A_103 step %scan3A_104 iter_args(%scan3A_125 = %scan3A_100) -> (i32)  : i32 {
      %mul3A_126 = arith.constant 2 : i32
      %mul3A_127 = arith.muli %mul3A_126, %scan3A_124 : i32
      %dma_wait3A_128 = arith.constant 0 : i32
      %dma_wait3A_129 = tpu.memref_slice %arg6[%mul3A_127, %dma_wait3A_128] : memref<40x128xi32, #tpu.memory_space<vmem>> -> memref<1x128xi32, #tpu.memory_space<vmem>>
      %dma_wait3A_130 = tpu.memref_squeeze %dma_wait3A_129 : memref<1x128xi32, #tpu.memory_space<vmem>> -> memref<128xi32, #tpu.memory_space<vmem>>
      %dma_wait3A_131 = arith.constant 0 : i32
      %dma_wait3A_132 = arith.constant 0 : i32
      %dma_wait3A_133 = tpu.memref_slice %arg2[%dma_wait3A_131, %dma_wait3A_132] : memref<10000x128xf32, #tpu.memory_space<hbm>> -> memref<10000x128xf32, #tpu.memory_space<hbm>>
      tpu.wait_indirect_dma semaphore(%arg11 : memref<!tpu.dma_semaphore, #tpu.memory_space<semaphore_mem>>) src(%dma_wait3A_133 : memref<10000x128xf32, #tpu.memory_space<hbm>>) dst(%arg8 : memref<128x128xf32, #tpu.memory_space<vmem>>)
      %dma_start3A_134 = arith.constant 0 : i32
      %dma_start3A_135 = tpu.memref_slice %arg7[%mul3A_127, %dma_start3A_134] : memref<40x128xi32, #tpu.memory_space<vmem>> -> memref<1x128xi32, #tpu.memory_space<vmem>>
      %dma_start3A_136 = tpu.memref_squeeze %dma_start3A_135 : memref<1x128xi32, #tpu.memory_space<vmem>> -> memref<128xi32, #tpu.memory_space<vmem>>
      %dma_start3A_137 = arith.constant 0 : i32
      %dma_start3A_138 = arith.constant 0 : i32
      %dma_start3A_139 = tpu.memref_slice %arg10[%dma_start3A_137, %dma_start3A_138] : memref<10112x128xf32, #tpu.memory_space<vmem_shared>> -> memref<10112x128xf32, #tpu.memory_space<vmem_shared>>
      tpu.enqueue_indirect_dma source(%arg8 : memref<128x128xf32, #tpu.memory_space<vmem>>) target(%dma_start3A_139 : memref<10112x128xf32, #tpu.memory_space<vmem_shared>>) offsets(%dma_start3A_136 : memref<128xi32, #tpu.memory_space<vmem>>) semaphore(%arg13 : memref<!tpu.dma_semaphore, #tpu.memory_space<semaphore_mem>>) {add = true}
      %add3A_140 = arith.constant 1 : i32
      %add3A_141 = arith.addi %mul3A_127, %add3A_140 : i32
      %dma_wait3A_142 = arith.constant 0 : i32
      %dma_wait3A_143 = tpu.memref_slice %arg6[%add3A_141, %dma_wait3A_142] : memref<40x128xi32, #tpu.memory_space<vmem>> -> memref<1x128xi32, #tpu.memory_space<vmem>>
      %dma_wait3A_144 = tpu.memref_squeeze %dma_wait3A_143 : memref<1x128xi32, #tpu.memory_space<vmem>> -> memref<128xi32, #tpu.memory_space<vmem>>
      %dma_wait3A_145 = arith.constant 0 : i32
      %dma_wait3A_146 = arith.constant 0 : i32
      %dma_wait3A_147 = tpu.memref_slice %arg2[%dma_wait3A_145, %dma_wait3A_146] : memref<10000x128xf32, #tpu.memory_space<hbm>> -> memref<10000x128xf32, #tpu.memory_space<hbm>>
      tpu.wait_indirect_dma semaphore(%arg12 : memref<!tpu.dma_semaphore, #tpu.memory_space<semaphore_mem>>) src(%dma_wait3A_147 : memref<10000x128xf32, #tpu.memory_space<hbm>>) dst(%arg9 : memref<128x128xf32, #tpu.memory_space<vmem>>)
      %add3A_148 = arith.constant 1 : i32
      %add3A_149 = arith.addi %mul3A_127, %add3A_148 : i32
      %dma_start3A_150 = arith.constant 0 : i32
      %dma_start3A_151 = tpu.memref_slice %arg7[%add3A_149, %dma_start3A_150] : memref<40x128xi32, #tpu.memory_space<vmem>> -> memref<1x128xi32, #tpu.memory_space<vmem>>
      %dma_start3A_152 = tpu.memref_squeeze %dma_start3A_151 : memref<1x128xi32, #tpu.memory_space<vmem>> -> memref<128xi32, #tpu.memory_space<vmem>>
      %dma_start3A_153 = arith.constant 0 : i32
      %dma_start3A_154 = arith.constant 0 : i32
      %dma_start3A_155 = tpu.memref_slice %arg10[%dma_start3A_153, %dma_start3A_154] : memref<10112x128xf32, #tpu.memory_space<vmem_shared>> -> memref<10112x128xf32, #tpu.memory_space<vmem_shared>>
      tpu.enqueue_indirect_dma source(%arg9 : memref<128x128xf32, #tpu.memory_space<vmem>>) target(%dma_start3A_155 : memref<10112x128xf32, #tpu.memory_space<vmem_shared>>) offsets(%dma_start3A_152 : memref<128xi32, #tpu.memory_space<vmem>>) semaphore(%arg14 : memref<!tpu.dma_semaphore, #tpu.memory_space<semaphore_mem>>) {add = true}
      %dma_wait3A_156 = arith.constant 0 : i32
      %dma_wait3A_157 = tpu.memref_slice %arg7[%mul3A_127, %dma_wait3A_156] : memref<40x128xi32, #tpu.memory_space<vmem>> -> memref<1x128xi32, #tpu.memory_space<vmem>>
      %dma_wait3A_158 = tpu.memref_squeeze %dma_wait3A_157 : memref<1x128xi32, #tpu.memory_space<vmem>> -> memref<128xi32, #tpu.memory_space<vmem>>
      %dma_wait3A_159 = arith.constant 0 : i32
      %dma_wait3A_160 = arith.constant 0 : i32
      %dma_wait3A_161 = tpu.memref_slice %arg10[%dma_wait3A_159, %dma_wait3A_160] : memref<10112x128xf32, #tpu.memory_space<vmem_shared>> -> memref<10112x128xf32, #tpu.memory_space<vmem_shared>>
      tpu.wait_indirect_dma semaphore(%arg13 : memref<!tpu.dma_semaphore, #tpu.memory_space<semaphore_mem>>) src(%arg8 : memref<128x128xf32, #tpu.memory_space<vmem>>) dst(%dma_wait3A_161 : memref<10112x128xf32, #tpu.memory_space<vmem_shared>>)
      %add3A_162 = arith.constant 2 : i32
      %add3A_163 = arith.addi %mul3A_127, %add3A_162 : i32
      %dma_start3A_164 = arith.constant 0 : i32
      %dma_start3A_165 = tpu.memref_slice %arg6[%add3A_163, %dma_start3A_164] : memref<40x128xi32, #tpu.memory_space<vmem>> -> memref<1x128xi32, #tpu.memory_space<vmem>>
      %dma_start3A_166 = tpu.memref_squeeze %dma_start3A_165 : memref<1x128xi32, #tpu.memory_space<vmem>> -> memref<128xi32, #tpu.memory_space<vmem>>
      %dma_start3A_167 = arith.constant 0 : i32
      %dma_start3A_168 = arith.constant 0 : i32
      %dma_start3A_169 = tpu.memref_slice %arg2[%dma_start3A_167, %dma_start3A_168] : memref<10000x128xf32, #tpu.memory_space<hbm>> -> memref<10000x128xf32, #tpu.memory_space<hbm>>
      tpu.enqueue_indirect_dma source(%dma_start3A_169 : memref<10000x128xf32, #tpu.memory_space<hbm>>) target(%arg8 : memref<128x128xf32, #tpu.memory_space<vmem>>) offsets(%dma_start3A_166 : memref<128xi32, #tpu.memory_space<vmem>>) semaphore(%arg11 : memref<!tpu.dma_semaphore, #tpu.memory_space<semaphore_mem>>)
      %dma_wait3A_170 = arith.constant 0 : i32
      %dma_wait3A_171 = tpu.memref_slice %arg7[%add3A_149, %dma_wait3A_170] : memref<40x128xi32, #tpu.memory_space<vmem>> -> memref<1x128xi32, #tpu.memory_space<vmem>>
      %dma_wait3A_172 = tpu.memref_squeeze %dma_wait3A_171 : memref<1x128xi32, #tpu.memory_space<vmem>> -> memref<128xi32, #tpu.memory_space<vmem>>
      %dma_wait3A_173 = arith.constant 0 : i32
      %dma_wait3A_174 = arith.constant 0 : i32
      %dma_wait3A_175 = tpu.memref_slice %arg10[%dma_wait3A_173, %dma_wait3A_174] : memref<10112x128xf32, #tpu.memory_space<vmem_shared>> -> memref<10112x128xf32, #tpu.memory_space<vmem_shared>>
      tpu.wait_indirect_dma semaphore(%arg14 : memref<!tpu.dma_semaphore, #tpu.memory_space<semaphore_mem>>) src(%arg9 : memref<128x128xf32, #tpu.memory_space<vmem>>) dst(%dma_wait3A_175 : memref<10112x128xf32, #tpu.memory_space<vmem_shared>>)
      %add3A_176 = arith.constant 3 : i32
      %add3A_177 = arith.addi %mul3A_127, %add3A_176 : i32
      %dma_start3A_178 = arith.constant 0 : i32
      %dma_start3A_179 = tpu.memref_slice %arg6[%add3A_177, %dma_start3A_178] : memref<40x128xi32, #tpu.memory_space<vmem>> -> memref<1x128xi32, #tpu.memory_space<vmem>>
      %dma_start3A_180 = tpu.memref_squeeze %dma_start3A_179 : memref<1x128xi32, #tpu.memory_space<vmem>> -> memref<128xi32, #tpu.memory_space<vmem>>
      %dma_start3A_181 = arith.constant 0 : i32
      %dma_start3A_182 = arith.constant 0 : i32
      %dma_start3A_183 = tpu.memref_slice %arg2[%dma_start3A_181, %dma_start3A_182] : memref<10000x128xf32, #tpu.memory_space<hbm>> -> memref<10000x128xf32, #tpu.memory_space<hbm>>
      tpu.enqueue_indirect_dma source(%dma_start3A_183 : memref<10000x128xf32, #tpu.memory_space<hbm>>) target(%arg9 : memref<128x128xf32, #tpu.memory_space<vmem>>) offsets(%dma_start3A_180 : memref<128xi32, #tpu.memory_space<vmem>>) semaphore(%arg12 : memref<!tpu.dma_semaphore, #tpu.memory_space<semaphore_mem>>)
      %scan3A_184 = arith.constant 0 : i32
      scf.yield %scan3A_184 : i32
    }
    %scan3A_106 = arith.constant 19 : i32
    %dma_wait3A_107 = arith.constant 38 : i32
    %dma_wait3A_108 = arith.constant 0 : i32
    %dma_wait3A_109 = tpu.memref_slice %arg6[%dma_wait3A_107, %dma_wait3A_108] : memref<40x128xi32, #tpu.memory_space<vmem>> -> memref<1x128xi32, #tpu.memory_space<vmem>>
    %dma_wait3A_110 = tpu.memref_squeeze %dma_wait3A_109 : memref<1x128xi32, #tpu.memory_space<vmem>> -> memref<128xi32, #tpu.memory_space<vmem>>
    %dma_wait3A_111 = arith.constant 0 : i32
    %dma_wait3A_112 = arith.constant 0 : i32
    %dma_wait3A_113 = tpu.memref_slice %arg2[%dma_wait3A_111, %dma_wait3A_112] : memref<10000x128xf32, #tpu.memory_space<hbm>> -> memref<10000x128xf32, #tpu.memory_space<hbm>>
    tpu.wait_indirect_dma semaphore(%arg11 : memref<!tpu.dma_semaphore, #tpu.memory_space<semaphore_mem>>) src(%dma_wait3A_113 : memref<10000x128xf32, #tpu.memory_space<hbm>>) dst(%arg8 : memref<128x128xf32, #tpu.memory_space<vmem>>)
    %run_scoped3A_114 = arith.constant 38 : i32
    "tpu.region"() ({
      %run_scoped3A_124 = tpu.sem_alloc : memref<!tpu.dma_semaphore, #tpu.memory_space<semaphore_mem>>
      %dma_start3A_125 = arith.constant 0 : i32
      %dma_start3A_126 = tpu.memref_slice %arg7[%run_scoped3A_114, %dma_start3A_125] : memref<40x128xi32, #tpu.memory_space<vmem>> -> memref<1x128xi32, #tpu.memory_space<vmem>>
      %dma_start3A_127 = tpu.memref_squeeze %dma_start3A_126 : memref<1x128xi32, #tpu.memory_space<vmem>> -> memref<128xi32, #tpu.memory_space<vmem>>
      %dma_start3A_128 = arith.constant 0 : i32
      %dma_start3A_129 = arith.constant 0 : i32
      %dma_start3A_130 = tpu.memref_slice %arg10[%dma_start3A_128, %dma_start3A_129] : memref<10112x128xf32, #tpu.memory_space<vmem_shared>> -> memref<10112x128xf32, #tpu.memory_space<vmem_shared>>
      tpu.enqueue_indirect_dma source(%arg8 : memref<128x128xf32, #tpu.memory_space<vmem>>) target(%dma_start3A_130 : memref<10112x128xf32, #tpu.memory_space<vmem_shared>>) offsets(%dma_start3A_127 : memref<128xi32, #tpu.memory_space<vmem>>) semaphore(%run_scoped3A_124 : memref<!tpu.dma_semaphore, #tpu.memory_space<semaphore_mem>>) {add = true}
      %dma_wait3A_131 = arith.constant 0 : i32
      %dma_wait3A_132 = tpu.memref_slice %arg7[%run_scoped3A_114, %dma_wait3A_131] : memref<40x128xi32, #tpu.memory_space<vmem>> -> memref<1x128xi32, #tpu.memory_space<vmem>>
      %dma_wait3A_133 = tpu.memref_squeeze %dma_wait3A_132 : memref<1x128xi32, #tpu.memory_space<vmem>> -> memref<128xi32, #tpu.memory_space<vmem>>
      %dma_wait3A_134 = arith.constant 0 : i32
      %dma_wait3A_135 = arith.constant 0 : i32
      %dma_wait3A_136 = tpu.memref_slice %arg10[%dma_wait3A_134, %dma_wait3A_135] : memref<10112x128xf32, #tpu.memory_space<vmem_shared>> -> memref<10112x128xf32, #tpu.memory_space<vmem_shared>>
      tpu.wait_indirect_dma semaphore(%run_scoped3A_124 : memref<!tpu.dma_semaphore, #tpu.memory_space<semaphore_mem>>) src(%arg8 : memref<128x128xf32, #tpu.memory_space<vmem>>) dst(%dma_wait3A_136 : memref<10112x128xf32, #tpu.memory_space<vmem_shared>>)
      tpu.yield
    }) : () -> ()
    %dma_wait3A_115 = arith.constant 39 : i32
    %dma_wait3A_116 = arith.constant 0 : i32
    %dma_wait3A_117 = tpu.memref_slice %arg6[%dma_wait3A_115, %dma_wait3A_116] : memref<40x128xi32, #tpu.memory_space<vmem>> -> memref<1x128xi32, #tpu.memory_space<vmem>>
    %dma_wait3A_118 = tpu.memref_squeeze %dma_wait3A_117 : memref<1x128xi32, #tpu.memory_space<vmem>> -> memref<128xi32, #tpu.memory_space<vmem>>
    %dma_wait3A_119 = arith.constant 0 : i32
    %dma_wait3A_120 = arith.constant 0 : i32
    %dma_wait3A_121 = tpu.memref_slice %arg2[%dma_wait3A_119, %dma_wait3A_120] : memref<10000x128xf32, #tpu.memory_space<hbm>> -> memref<10000x128xf32, #tpu.memory_space<hbm>>
    tpu.wait_indirect_dma semaphore(%arg12 : memref<!tpu.dma_semaphore, #tpu.memory_space<semaphore_mem>>) src(%dma_wait3A_121 : memref<10000x128xf32, #tpu.memory_space<hbm>>) dst(%arg9 : memref<128x128xf32, #tpu.memory_space<vmem>>)
    %run_scoped3A_122 = arith.constant 39 : i32
    "tpu.region"() ({
      %run_scoped3A_124 = tpu.sem_alloc : memref<!tpu.dma_semaphore, #tpu.memory_space<semaphore_mem>>
      %dma_start3A_125 = arith.constant 0 : i32
      %dma_start3A_126 = tpu.memref_slice %arg7[%run_scoped3A_122, %dma_start3A_125] : memref<40x128xi32, #tpu.memory_space<vmem>> -> memref<1x128xi32, #tpu.memory_space<vmem>>
      %dma_start3A_127 = tpu.memref_squeeze %dma_start3A_126 : memref<1x128xi32, #tpu.memory_space<vmem>> -> memref<128xi32, #tpu.memory_space<vmem>>
      %dma_start3A_128 = arith.constant 0 : i32
      %dma_start3A_129 = arith.constant 0 : i32
      %dma_start3A_130 = tpu.memref_slice %arg10[%dma_start3A_128, %dma_start3A_129] : memref<10112x128xf32, #tpu.memory_space<vmem_shared>> -> memref<10112x128xf32, #tpu.memory_space<vmem_shared>>
      tpu.enqueue_indirect_dma source(%arg9 : memref<128x128xf32, #tpu.memory_space<vmem>>) target(%dma_start3A_130 : memref<10112x128xf32, #tpu.memory_space<vmem_shared>>) offsets(%dma_start3A_127 : memref<128xi32, #tpu.memory_space<vmem>>) semaphore(%run_scoped3A_124 : memref<!tpu.dma_semaphore, #tpu.memory_space<semaphore_mem>>) {add = true}
      %dma_wait3A_131 = arith.constant 0 : i32
      %dma_wait3A_132 = tpu.memref_slice %arg7[%run_scoped3A_122, %dma_wait3A_131] : memref<40x128xi32, #tpu.memory_space<vmem>> -> memref<1x128xi32, #tpu.memory_space<vmem>>
      %dma_wait3A_133 = tpu.memref_squeeze %dma_wait3A_132 : memref<1x128xi32, #tpu.memory_space<vmem>> -> memref<128xi32, #tpu.memory_space<vmem>>
      %dma_wait3A_134 = arith.constant 0 : i32
      %dma_wait3A_135 = arith.constant 0 : i32
      %dma_wait3A_136 = tpu.memref_slice %arg10[%dma_wait3A_134, %dma_wait3A_135] : memref<10112x128xf32, #tpu.memory_space<vmem_shared>> -> memref<10112x128xf32, #tpu.memory_space<vmem_shared>>
      tpu.wait_indirect_dma semaphore(%run_scoped3A_124 : memref<!tpu.dma_semaphore, #tpu.memory_space<semaphore_mem>>) src(%arg9 : memref<128x128xf32, #tpu.memory_space<vmem>>) dst(%dma_wait3A_136 : memref<10112x128xf32, #tpu.memory_space<vmem_shared>>)
      tpu.yield
    }) : () -> ()
    %barrier3A_123 = arith.constant 0 : index
    tpu.barrier barrier_id(%barrier3A_123)
    "tpu.region"() ({
      %run_scoped3A_124 = tpu.sem_alloc : memref<!tpu.dma_semaphore, #tpu.memory_space<semaphore_mem>>
      %dma_start3A_125 = arith.constant 0 : i32
      %dma_start3A_126 = tpu.memref_slice %arg5[%arg0, %mul3A_24, %dma_start3A_125] : memref<2x10112x128xf32, #tpu.memory_space<hbm>> -> memref<1x632x128xf32, #tpu.memory_space<hbm>>
      %dma_start3A_127 = tpu.memref_squeeze %dma_start3A_126 : memref<1x632x128xf32, #tpu.memory_space<hbm>> -> memref<632x128xf32, #tpu.memory_space<hbm>>
      %dma_start3A_128 = arith.constant 0 : i32
      %dma_start3A_129 = tpu.memref_slice %arg10[%mul3A_24, %dma_start3A_128] : memref<10112x128xf32, #tpu.memory_space<vmem_shared>> -> memref<632x128xf32, #tpu.memory_space<vmem_shared>>
      tpu.enqueue_dma source(%dma_start3A_129 : memref<632x128xf32, #tpu.memory_space<vmem_shared>>) target(%dma_start3A_127 : memref<632x128xf32, #tpu.memory_space<hbm>>) target_semaphore(%run_scoped3A_124 : memref<!tpu.dma_semaphore, #tpu.memory_space<semaphore_mem>>)
      %dma_wait3A_130 = arith.constant 0 : i32
      %dma_wait3A_131 = tpu.memref_slice %arg5[%arg0, %mul3A_24, %dma_wait3A_130] : memref<2x10112x128xf32, #tpu.memory_space<hbm>> -> memref<1x632x128xf32, #tpu.memory_space<hbm>>
      %dma_wait3A_132 = tpu.memref_squeeze %dma_wait3A_131 : memref<1x632x128xf32, #tpu.memory_space<hbm>> -> memref<632x128xf32, #tpu.memory_space<hbm>>
      %dma_wait3A_133 = arith.constant 0 : i32
      %dma_wait3A_134 = tpu.memref_slice %arg10[%mul3A_24, %dma_wait3A_133] : memref<10112x128xf32, #tpu.memory_space<vmem_shared>> -> memref<632x128xf32, #tpu.memory_space<vmem_shared>>
      tpu.wait_dma2 semaphore(%run_scoped3A_124 : memref<!tpu.dma_semaphore, #tpu.memory_space<semaphore_mem>>) src(%dma_wait3A_134 : memref<632x128xf32, #tpu.memory_space<vmem_shared>>) dst(%dma_wait3A_132 : memref<632x128xf32, #tpu.memory_space<hbm>>)
      tpu.yield
    }) : () -> ()
    return
  }
}

module attributes {stable_mosaic.version = 14 : i64} {
  func.func @_scale_body(%arg0: i32, %arg1: memref<1000x128xf32, #tpu.memory_space<vmem>>, %arg2: memref<2x1000x16xf32, #tpu.memory_space<vmem>>, %arg3: memref<1000x128xf32, #tpu.memory_space<vmem>>) attributes {dimension_semantics = [#tpu.dimension_semantics<arbitrary>], iteration_bounds = array<i64: 10>, scalar_prefetch = 0 : i64, scratch_operands = 0 : i64, tpu.core_type = #tpu.core_type<tc>, window_params = [{transform_indices = @transform_0, window_bounds = array<i64: 1000, 128>}, {transform_indices = @transform_1, window_bounds = array<i64: 2, 1000, 16>}, {transform_indices = @transform_2, window_bounds = array<i64: 1000, 128>}]} {
    %get3A = arith.constant 0 : index
    %get3A_0 = arith.constant 0 : index
    %get3A_1 = vector.load %arg1[%get3A, %get3A_0] : memref<1000x128xf32, #tpu.memory_space<vmem>>, vector<1000x128xf32>
    %get3A_2 = arith.constant 0 : index
    %get3A_3 = arith.constant 0 : index
    %get3A_4 = arith.constant 0 : index
    %get3A_5 = vector.load %arg2[%get3A_2, %get3A_3, %get3A_4] : memref<2x1000x16xf32, #tpu.memory_space<vmem>>, vector<1x1000x1xf32>
    %get3A_6 = vector.shape_cast %get3A_5 : vector<1x1000x1xf32> to vector<1000x1xf32>
    %get3A_7 = arith.constant 1 : index
    %get3A_8 = arith.constant 0 : index
    %get3A_9 = arith.constant 0 : index
    %get3A_10 = vector.load %arg2[%get3A_7, %get3A_8, %get3A_9] : memref<2x1000x16xf32, #tpu.memory_space<vmem>>, vector<1x1000x1xf32>
    %get3A_11 = vector.shape_cast %get3A_10 : vector<1x1000x1xf32> to vector<1000x1xf32>
    %add3A = arith.addf %get3A_6, %get3A_11 : vector<1000x1xf32>
    %add3A_12 = arith.constant 1.000000e+00 : f32
    %add3A_13 = vector.broadcast %add3A_12 : f32 to vector<1000x1xf32>
    %add3A_14 = arith.addf %add3A, %add3A_13 : vector<1000x1xf32>
    %rsqrt3A = math.rsqrt %add3A_14 : vector<1000x1xf32>
    %mul3A = vector.broadcast %rsqrt3A : vector<1000x1xf32> to vector<1000x128xf32>
    %mul3A_15 = arith.mulf %get3A_1, %mul3A : vector<1000x128xf32>
    %swap3A = arith.constant 0 : index
    %swap3A_16 = arith.constant 0 : index
    %swap3A_17 = vector.load %arg3[%swap3A, %swap3A_16] : memref<1000x128xf32, #tpu.memory_space<vmem>>, vector<1000x128xf32>
    tpu.vector_store %arg3[%swap3A, %swap3A_16], %mul3A_15 {strides = array<i32>} : memref<1000x128xf32, #tpu.memory_space<vmem>>, vector<1000x128xf32>,
    return
  }
  func.func @transform_0(%arg0: i32) -> (i32, i32) {
    %c0_i32 = arith.constant 0 : i32
    %c0_i32_0 = arith.constant 0 : i32
    return %arg0, %c0_i32 : i32, i32
  }
  func.func @transform_1(%arg0: i32) -> (i32, i32, i32) {
    %c0_i32 = arith.constant 0 : i32
    %c0_i32_0 = arith.constant 0 : i32
    %c0_i32_1 = arith.constant 0 : i32
    return %c0_i32, %arg0, %c0_i32_0 : i32, i32, i32
  }
  func.func @transform_2(%arg0: i32) -> (i32, i32) {
    %c0_i32 = arith.constant 0 : i32
    %c0_i32_0 = arith.constant 0 : i32
    return %arg0, %c0_i32 : i32, i32
  }
}

module attributes {stable_mosaic.version = 14 : i64} {
  func.func @_layer_body(%arg0: i32, %arg1: memref<2x1000x128xf32, #tpu.memory_space<vmem>>, %arg2: memref<1000x128xf32, #tpu.memory_space<vmem>>, %arg3: memref<2x1000x16xf32, #tpu.memory_space<vmem>>, %arg4: memref<2x1000x16xf32, #tpu.memory_space<vmem>>, %arg5: memref<128x128xf32, #tpu.memory_space<vmem>>, %arg6: memref<1x128xf32, #tpu.memory_space<vmem>>, %arg7: memref<1000x128xf32, #tpu.memory_space<vmem>>) attributes {dimension_semantics = [#tpu.dimension_semantics<arbitrary>], iteration_bounds = array<i64: 10>, scalar_prefetch = 0 : i64, scratch_operands = 0 : i64, tpu.core_type = #tpu.core_type<tc>, window_params = [{transform_indices = @transform_0, window_bounds = array<i64: 2, 1000, 128>}, {transform_indices = @transform_1, window_bounds = array<i64: 1000, 128>}, {transform_indices = @transform_2, window_bounds = array<i64: 2, 1000, 16>}, {transform_indices = @transform_3, window_bounds = array<i64: 2, 1000, 16>}, {pipeline_mode = #tpu.pipeline_mode<synchronous>, transform_indices = @transform_4, window_bounds = array<i64: 128, 128>}, {pipeline_mode = #tpu.pipeline_mode<synchronous>, transform_indices = @transform_5, window_bounds = array<i64: 1, 128>}, {transform_indices = @transform_6, window_bounds = array<i64: 1000, 128>}]} {
    %get3A = arith.constant 0 : index
    %get3A_0 = arith.constant 0 : index
    %get3A_1 = arith.constant 0 : index
    %get3A_2 = vector.load %arg1[%get3A, %get3A_0, %get3A_1] : memref<2x1000x128xf32, #tpu.memory_space<vmem>>, vector<1x1000x128xf32>
    %get3A_3 = vector.shape_cast %get3A_2 : vector<1x1000x128xf32> to vector<1000x128xf32>
    %get3A_4 = arith.constant 1 : index
    %get3A_5 = arith.constant 0 : index
    %get3A_6 = arith.constant 0 : index
    %get3A_7 = vector.load %arg1[%get3A_4, %get3A_5, %get3A_6] : memref<2x1000x128xf32, #tpu.memory_space<vmem>>, vector<1x1000x128xf32>
    %get3A_8 = vector.shape_cast %get3A_7 : vector<1x1000x128xf32> to vector<1000x128xf32>
    %add3A = arith.addf %get3A_3, %get3A_8 : vector<1000x128xf32>
    %get3A_9 = arith.constant 0 : index
    %get3A_10 = arith.constant 0 : index
    %get3A_11 = vector.load %arg2[%get3A_9, %get3A_10] : memref<1000x128xf32, #tpu.memory_space<vmem>>, vector<1000x128xf32>
    %add3A_12 = arith.addf %add3A, %get3A_11 : vector<1000x128xf32>
    %get3A_13 = arith.constant 0 : index
    %get3A_14 = arith.constant 0 : index
    %get3A_15 = arith.constant 0 : index
    %get3A_16 = vector.load %arg3[%get3A_13, %get3A_14, %get3A_15] : memref<2x1000x16xf32, #tpu.memory_space<vmem>>, vector<1x1000x1xf32>
    %get3A_17 = vector.shape_cast %get3A_16 : vector<1x1000x1xf32> to vector<1000x1xf32>
    %get3A_18 = arith.constant 1 : index
    %get3A_19 = arith.constant 0 : index
    %get3A_20 = arith.constant 0 : index
    %get3A_21 = vector.load %arg3[%get3A_18, %get3A_19, %get3A_20] : memref<2x1000x16xf32, #tpu.memory_space<vmem>>, vector<1x1000x1xf32>
    %get3A_22 = vector.shape_cast %get3A_21 : vector<1x1000x1xf32> to vector<1000x1xf32>
    %add3A_23 = arith.addf %get3A_17, %get3A_22 : vector<1000x1xf32>
    %add3A_24 = arith.constant 1.000000e+00 : f32
    %add3A_25 = vector.broadcast %add3A_24 : f32 to vector<1000x1xf32>
    %add3A_26 = arith.addf %add3A_23, %add3A_25 : vector<1000x1xf32>
    %rsqrt3A = math.rsqrt %add3A_26 : vector<1000x1xf32>
    %mul3A = vector.broadcast %rsqrt3A : vector<1000x1xf32> to vector<1000x128xf32>
    %mul3A_27 = arith.mulf %add3A_12, %mul3A : vector<1000x128xf32>
    %get3A_28 = arith.constant 0 : index
    %get3A_29 = arith.constant 0 : index
    %get3A_30 = vector.load %arg5[%get3A_28, %get3A_29] : memref<128x128xf32, #tpu.memory_space<vmem>>, vector<128x128xf32>
    %dot_general3A = arith.constant dense<0.000000e+00> : vector<1000x128xf32>
    %dot_general3A_31 = tpu.matmul %mul3A_27, %get3A_30, %dot_general3A {dimension_numbers = #tpu.dot_dimension_numbers<[1], [0], [0], [1], [0, 0, 1, 1], [], []>, transpose_lhs_hint = false} : vector<1000x128xf32>, vector<128x128xf32>, vector<1000x128xf32> -> vector<1000x128xf32>
    %get3A_32 = arith.constant 0 : index
    %get3A_33 = arith.constant 0 : index
    %get3A_34 = vector.load %arg6[%get3A_32, %get3A_33] : memref<1x128xf32, #tpu.memory_space<vmem>>, vector<1x128xf32>
    %add3A_35 = vector.broadcast %get3A_34 : vector<1x128xf32> to vector<1000x128xf32>
    %add3A_36 = arith.addf %dot_general3A_31, %add3A_35 : vector<1000x128xf32>
    %max3A = arith.constant 0.000000e+00 : f32
    %max3A_37 = vector.broadcast %max3A : f32 to vector<1000x128xf32>
    %max3A_38 = arith.maximumf %add3A_36, %max3A_37 : vector<1000x128xf32>
    %get3A_39 = arith.constant 0 : index
    %get3A_40 = arith.constant 0 : index
    %get3A_41 = arith.constant 0 : index
    %get3A_42 = vector.load %arg4[%get3A_39, %get3A_40, %get3A_41] : memref<2x1000x16xf32, #tpu.memory_space<vmem>>, vector<1x1000x1xf32>
    %get3A_43 = vector.shape_cast %get3A_42 : vector<1x1000x1xf32> to vector<1000x1xf32>
    %get3A_44 = arith.constant 1 : index
    %get3A_45 = arith.constant 0 : index
    %get3A_46 = arith.constant 0 : index
    %get3A_47 = vector.load %arg4[%get3A_44, %get3A_45, %get3A_46] : memref<2x1000x16xf32, #tpu.memory_space<vmem>>, vector<1x1000x1xf32>
    %get3A_48 = vector.shape_cast %get3A_47 : vector<1x1000x1xf32> to vector<1000x1xf32>
    %add3A_49 = arith.addf %get3A_43, %get3A_48 : vector<1000x1xf32>
    %add3A_50 = arith.constant 1.000000e+00 : f32
    %add3A_51 = vector.broadcast %add3A_50 : f32 to vector<1000x1xf32>
    %add3A_52 = arith.addf %add3A_49, %add3A_51 : vector<1000x1xf32>
    %rsqrt3A_53 = math.rsqrt %add3A_52 : vector<1000x1xf32>
    %mul3A_54 = vector.broadcast %rsqrt3A_53 : vector<1000x1xf32> to vector<1000x128xf32>
    %mul3A_55 = arith.mulf %max3A_38, %mul3A_54 : vector<1000x128xf32>
    %swap3A = arith.constant 0 : index
    %swap3A_56 = arith.constant 0 : index
    %swap3A_57 = vector.load %arg7[%swap3A, %swap3A_56] : memref<1000x128xf32, #tpu.memory_space<vmem>>, vector<1000x128xf32>
    tpu.vector_store %arg7[%swap3A, %swap3A_56], %mul3A_55 {strides = array<i32>} : memref<1000x128xf32, #tpu.memory_space<vmem>>, vector<1000x128xf32>,
    return
  }
  func.func @transform_0(%arg0: i32) -> (i32, i32, i32) {
    %c0_i32 = arith.constant 0 : i32
    %c0_i32_0 = arith.constant 0 : i32
    %c0_i32_1 = arith.constant 0 : i32
    return %c0_i32, %arg0, %c0_i32_0 : i32, i32, i32
  }
  func.func @transform_1(%arg0: i32) -> (i32, i32) {
    %c0_i32 = arith.constant 0 : i32
    %c0_i32_0 = arith.constant 0 : i32
    return %arg0, %c0_i32 : i32, i32
  }
  func.func @transform_2(%arg0: i32) -> (i32, i32, i32) {
    %c0_i32 = arith.constant 0 : i32
    %c0_i32_0 = arith.constant 0 : i32
    %c0_i32_1 = arith.constant 0 : i32
    return %c0_i32, %arg0, %c0_i32_0 : i32, i32, i32
  }
  func.func @transform_3(%arg0: i32) -> (i32, i32, i32) {
    %c0_i32 = arith.constant 0 : i32
    %c0_i32_0 = arith.constant 0 : i32
    %c0_i32_1 = arith.constant 0 : i32
    return %c0_i32, %arg0, %c0_i32_0 : i32, i32, i32
  }
  func.func @transform_4(%arg0: i32) -> (i32, i32) {
    %c0_i32 = arith.constant 0 : i32
    %c0_i32_0 = arith.constant 0 : i32
    %c0_i32_1 = arith.constant 0 : i32
    return %c0_i32, %c0_i32_0 : i32, i32
  }
  func.func @transform_5(%arg0: i32) -> (i32, i32) {
    %c0_i32 = arith.constant 0 : i32
    %c0_i32_0 = arith.constant 0 : i32
    %c0_i32_1 = arith.constant 0 : i32
    return %c0_i32, %c0_i32_0 : i32, i32
  }
  func.func @transform_6(%arg0: i32) -> (i32, i32) {
    %c0_i32 = arith.constant 0 : i32
    %c0_i32_0 = arith.constant 0 : i32
    return %arg0, %c0_i32 : i32, i32
  }
}

module attributes {stable_mosaic.version = 14 : i64} {
  func.func @_final_body(%arg0: i32, %arg1: memref<2x1000x128xf32, #tpu.memory_space<vmem>>, %arg2: memref<1000x128xf32, #tpu.memory_space<vmem>>, %arg3: memref<2x1000x16xf32, #tpu.memory_space<vmem>>, %arg4: memref<128x128xf32, #tpu.memory_space<vmem>>, %arg5: memref<1x128xf32, #tpu.memory_space<vmem>>, %arg6: memref<128x256xf32, #tpu.memory_space<vmem>>, %arg7: memref<1x256xf32, #tpu.memory_space<vmem>>, %arg8: memref<256x256xf32, #tpu.memory_space<vmem>>, %arg9: memref<1x256xf32, #tpu.memory_space<vmem>>, %arg10: memref<256x16xf32, #tpu.memory_space<vmem>>, %arg11: memref<1x16xf32, #tpu.memory_space<vmem>>, %arg12: memref<1000x16xf32, #tpu.memory_space<vmem>>, %arg13: memref<1000x128xf32, #tpu.memory_space<vmem>>) attributes {dimension_semantics = [#tpu.dimension_semantics<arbitrary>], iteration_bounds = array<i64: 10>, scalar_prefetch = 0 : i64, scratch_operands = 0 : i64, tpu.core_type = #tpu.core_type<tc>, window_params = [{transform_indices = @transform_0, window_bounds = array<i64: 2, 1000, 128>}, {transform_indices = @transform_1, window_bounds = array<i64: 1000, 128>}, {transform_indices = @transform_2, window_bounds = array<i64: 2, 1000, 16>}, {pipeline_mode = #tpu.pipeline_mode<synchronous>, transform_indices = @transform_3, window_bounds = array<i64: 128, 128>}, {pipeline_mode = #tpu.pipeline_mode<synchronous>, transform_indices = @transform_4, window_bounds = array<i64: 1, 128>}, {pipeline_mode = #tpu.pipeline_mode<synchronous>, transform_indices = @transform_5, window_bounds = array<i64: 128, 256>}, {pipeline_mode = #tpu.pipeline_mode<synchronous>, transform_indices = @transform_6, window_bounds = array<i64: 1, 256>}, {pipeline_mode = #tpu.pipeline_mode<synchronous>, transform_indices = @transform_7, window_bounds = array<i64: 256, 256>}, {pipeline_mode = #tpu.pipeline_mode<synchronous>, transform_indices = @transform_8, window_bounds = array<i64: 1, 256>}, {pipeline_mode = #tpu.pipeline_mode<synchronous>, transform_indices = @transform_9, window_bounds = array<i64: 256, 16>}, {pipeline_mode = #tpu.pipeline_mode<synchronous>, transform_indices = @transform_10, window_bounds = array<i64: 1, 16>}, {transform_indices = @transform_11, window_bounds = array<i64: 1000, 16>}, {transform_indices = @transform_12, window_bounds = array<i64: 1000, 128>}]} {
    %get3A = arith.constant 0 : index
    %get3A_0 = arith.constant 0 : index
    %get3A_1 = arith.constant 0 : index
    %get3A_2 = vector.load %arg1[%get3A, %get3A_0, %get3A_1] : memref<2x1000x128xf32, #tpu.memory_space<vmem>>, vector<1x1000x128xf32>
    %get3A_3 = vector.shape_cast %get3A_2 : vector<1x1000x128xf32> to vector<1000x128xf32>
    %get3A_4 = arith.constant 1 : index
    %get3A_5 = arith.constant 0 : index
    %get3A_6 = arith.constant 0 : index
    %get3A_7 = vector.load %arg1[%get3A_4, %get3A_5, %get3A_6] : memref<2x1000x128xf32, #tpu.memory_space<vmem>>, vector<1x1000x128xf32>
    %get3A_8 = vector.shape_cast %get3A_7 : vector<1x1000x128xf32> to vector<1000x128xf32>
    %add3A = arith.addf %get3A_3, %get3A_8 : vector<1000x128xf32>
    %get3A_9 = arith.constant 0 : index
    %get3A_10 = arith.constant 0 : index
    %get3A_11 = vector.load %arg2[%get3A_9, %get3A_10] : memref<1000x128xf32, #tpu.memory_space<vmem>>, vector<1000x128xf32>
    %add3A_12 = arith.addf %add3A, %get3A_11 : vector<1000x128xf32>
    %get3A_13 = arith.constant 0 : index
    %get3A_14 = arith.constant 0 : index
    %get3A_15 = arith.constant 0 : index
    %get3A_16 = vector.load %arg3[%get3A_13, %get3A_14, %get3A_15] : memref<2x1000x16xf32, #tpu.memory_space<vmem>>, vector<1x1000x1xf32>
    %get3A_17 = vector.shape_cast %get3A_16 : vector<1x1000x1xf32> to vector<1000x1xf32>
    %get3A_18 = arith.constant 1 : index
    %get3A_19 = arith.constant 0 : index
    %get3A_20 = arith.constant 0 : index
    %get3A_21 = vector.load %arg3[%get3A_18, %get3A_19, %get3A_20] : memref<2x1000x16xf32, #tpu.memory_space<vmem>>, vector<1x1000x1xf32>
    %get3A_22 = vector.shape_cast %get3A_21 : vector<1x1000x1xf32> to vector<1000x1xf32>
    %add3A_23 = arith.addf %get3A_17, %get3A_22 : vector<1000x1xf32>
    %add3A_24 = arith.constant 1.000000e+00 : f32
    %add3A_25 = vector.broadcast %add3A_24 : f32 to vector<1000x1xf32>
    %add3A_26 = arith.addf %add3A_23, %add3A_25 : vector<1000x1xf32>
    %rsqrt3A = math.rsqrt %add3A_26 : vector<1000x1xf32>
    %mul3A = vector.broadcast %rsqrt3A : vector<1000x1xf32> to vector<1000x128xf32>
    %mul3A_27 = arith.mulf %add3A_12, %mul3A : vector<1000x128xf32>
    %get3A_28 = arith.constant 0 : index
    %get3A_29 = arith.constant 0 : index
    %get3A_30 = vector.load %arg4[%get3A_28, %get3A_29] : memref<128x128xf32, #tpu.memory_space<vmem>>, vector<128x128xf32>
    %dot_general3A = arith.constant dense<0.000000e+00> : vector<1000x128xf32>
    %dot_general3A_31 = tpu.matmul %mul3A_27, %get3A_30, %dot_general3A {dimension_numbers = #tpu.dot_dimension_numbers<[1], [0], [0], [1], [0, 0, 1, 1], [], []>, transpose_lhs_hint = false} : vector<1000x128xf32>, vector<128x128xf32>, vector<1000x128xf32> -> vector<1000x128xf32>
    %get3A_32 = arith.constant 0 : index
    %get3A_33 = arith.constant 0 : index
    %get3A_34 = vector.load %arg5[%get3A_32, %get3A_33] : memref<1x128xf32, #tpu.memory_space<vmem>>, vector<1x128xf32>
    %add3A_35 = vector.broadcast %get3A_34 : vector<1x128xf32> to vector<1000x128xf32>
    %add3A_36 = arith.addf %dot_general3A_31, %add3A_35 : vector<1000x128xf32>
    %logistic3A = arith.negf %add3A_36 : vector<1000x128xf32>
    %logistic3A_37 = math.exp %logistic3A : vector<1000x128xf32>
    %logistic3A_38 = arith.constant 1.000000e+00 : f32
    %logistic3A_39 = vector.broadcast %logistic3A_38 : f32 to vector<1000x128xf32>
    %logistic3A_40 = arith.addf %logistic3A_39, %logistic3A_37 : vector<1000x128xf32>
    %logistic3A_41 = arith.divf %logistic3A_39, %logistic3A_40 : vector<1000x128xf32>
    %add3A_42 = arith.constant 9.99999993E-9 : f32
    %add3A_43 = vector.broadcast %add3A_42 : f32 to vector<1000x128xf32>
    %add3A_44 = arith.addf %logistic3A_41, %add3A_43 : vector<1000x128xf32>
    %swap3A = arith.constant 0 : index
    %swap3A_45 = arith.constant 0 : index
    %swap3A_46 = vector.load %arg13[%swap3A, %swap3A_45] : memref<1000x128xf32, #tpu.memory_space<vmem>>, vector<1000x128xf32>
    tpu.vector_store %arg13[%swap3A, %swap3A_45], %add3A_44 {strides = array<i32>} : memref<1000x128xf32, #tpu.memory_space<vmem>>, vector<1000x128xf32>,
    %get3A_47 = arith.constant 0 : index
    %get3A_48 = arith.constant 0 : index
    %get3A_49 = vector.load %arg6[%get3A_47, %get3A_48] : memref<128x256xf32, #tpu.memory_space<vmem>>, vector<128x256xf32>
    %dot_general3A_50 = arith.constant dense<0.000000e+00> : vector<1000x256xf32>
    %dot_general3A_51 = tpu.matmul %add3A_44, %get3A_49, %dot_general3A_50 {dimension_numbers = #tpu.dot_dimension_numbers<[1], [0], [0], [1], [0, 0, 1, 1], [], []>, transpose_lhs_hint = false} : vector<1000x128xf32>, vector<128x256xf32>, vector<1000x256xf32> -> vector<1000x256xf32>
    %get3A_52 = arith.constant 0 : index
    %get3A_53 = arith.constant 0 : index
    %get3A_54 = vector.load %arg7[%get3A_52, %get3A_53] : memref<1x256xf32, #tpu.memory_space<vmem>>, vector<1x256xf32>
    %add3A_55 = vector.broadcast %get3A_54 : vector<1x256xf32> to vector<1000x256xf32>
    %add3A_56 = arith.addf %dot_general3A_51, %add3A_55 : vector<1000x256xf32>
    %max3A = arith.constant 0.000000e+00 : f32
    %max3A_57 = vector.broadcast %max3A : f32 to vector<1000x256xf32>
    %max3A_58 = arith.maximumf %add3A_56, %max3A_57 : vector<1000x256xf32>
    %get3A_59 = arith.constant 0 : index
    %get3A_60 = arith.constant 0 : index
    %get3A_61 = vector.load %arg8[%get3A_59, %get3A_60] : memref<256x256xf32, #tpu.memory_space<vmem>>, vector<256x256xf32>
    %dot_general3A_62 = arith.constant dense<0.000000e+00> : vector<1000x256xf32>
    %dot_general3A_63 = tpu.matmul %max3A_58, %get3A_61, %dot_general3A_62 {dimension_numbers = #tpu.dot_dimension_numbers<[1], [0], [0], [1], [0, 0, 1, 1], [], []>, transpose_lhs_hint = false} : vector<1000x256xf32>, vector<256x256xf32>, vector<1000x256xf32> -> vector<1000x256xf32>
    %get3A_64 = arith.constant 0 : index
    %get3A_65 = arith.constant 0 : index
    %get3A_66 = vector.load %arg9[%get3A_64, %get3A_65] : memref<1x256xf32, #tpu.memory_space<vmem>>, vector<1x256xf32>
    %add3A_67 = vector.broadcast %get3A_66 : vector<1x256xf32> to vector<1000x256xf32>
    %add3A_68 = arith.addf %dot_general3A_63, %add3A_67 : vector<1000x256xf32>
    %max3A_69 = arith.constant 0.000000e+00 : f32
    %max3A_70 = vector.broadcast %max3A_69 : f32 to vector<1000x256xf32>
    %max3A_71 = arith.maximumf %add3A_68, %max3A_70 : vector<1000x256xf32>
    %get3A_72 = arith.constant 0 : index
    %get3A_73 = arith.constant 0 : index
    %get3A_74 = vector.load %arg10[%get3A_72, %get3A_73] : memref<256x16xf32, #tpu.memory_space<vmem>>, vector<256x16xf32>
    %dot_general3A_75 = arith.constant dense<0.000000e+00> : vector<1000x16xf32>
    %dot_general3A_76 = tpu.matmul %max3A_71, %get3A_74, %dot_general3A_75 {dimension_numbers = #tpu.dot_dimension_numbers<[1], [0], [0], [1], [0, 0, 1, 1], [], []>, transpose_lhs_hint = false} : vector<1000x256xf32>, vector<256x16xf32>, vector<1000x16xf32> -> vector<1000x16xf32>
    %get3A_77 = arith.constant 0 : index
    %get3A_78 = arith.constant 0 : index
    %get3A_79 = vector.load %arg11[%get3A_77, %get3A_78] : memref<1x16xf32, #tpu.memory_space<vmem>>, vector<1x16xf32>
    %add3A_80 = vector.broadcast %get3A_79 : vector<1x16xf32> to vector<1000x16xf32>
    %add3A_81 = arith.addf %dot_general3A_76, %add3A_80 : vector<1000x16xf32>
    %reduce_max3A = arith.constant dense<0xFF800000> : vector<1000xf32>
    %reduce_max3A_82 = vector.multi_reduction <maximumf>, %add3A_81, %reduce_max3A [1] : vector<1000x16xf32> to vector<1000xf32>
    %broadcast_in_dim3A = vector.shape_cast %reduce_max3A_82 : vector<1000xf32> to vector<1000x1xf32>
    %sub3A = vector.broadcast %broadcast_in_dim3A : vector<1000x1xf32> to vector<1000x16xf32>
    %sub3A_83 = arith.subf %add3A_81, %sub3A : vector<1000x16xf32>
    %exp3A = math.exp %sub3A_83 : vector<1000x16xf32>
    %reduce_sum3A = arith.constant dense<0.000000e+00> : vector<1000xf32>
    %reduce_sum3A_84 = vector.multi_reduction <add>, %exp3A, %reduce_sum3A [1] : vector<1000x16xf32> to vector<1000xf32>
    %broadcast_in_dim3A_85 = vector.shape_cast %reduce_sum3A_84 : vector<1000xf32> to vector<1000x1xf32>
    %div3A = vector.broadcast %broadcast_in_dim3A_85 : vector<1000x1xf32> to vector<1000x16xf32>
    %div3A_86 = arith.divf %exp3A, %div3A : vector<1000x16xf32>
    %swap3A_87 = arith.constant 0 : index
    %swap3A_88 = arith.constant 0 : index
    %swap3A_89 = vector.load %arg12[%swap3A_87, %swap3A_88] : memref<1000x16xf32, #tpu.memory_space<vmem>>, vector<1000x16xf32>
    tpu.vector_store %arg12[%swap3A_87, %swap3A_88], %div3A_86 {strides = array<i32>} : memref<1000x16xf32, #tpu.memory_space<vmem>>, vector<1000x16xf32>,
    return
  }
  func.func @transform_0(%arg0: i32) -> (i32, i32, i32) {
    %c0_i32 = arith.constant 0 : i32
    %c0_i32_0 = arith.constant 0 : i32
    %c0_i32_1 = arith.constant 0 : i32
    return %c0_i32, %arg0, %c0_i32_0 : i32, i32, i32
  }
  func.func @transform_1(%arg0: i32) -> (i32, i32) {
    %c0_i32 = arith.constant 0 : i32
    %c0_i32_0 = arith.constant 0 : i32
    return %arg0, %c0_i32 : i32, i32
  }
  func.func @transform_2(%arg0: i32) -> (i32, i32, i32) {
    %c0_i32 = arith.constant 0 : i32
    %c0_i32_0 = arith.constant 0 : i32
    %c0_i32_1 = arith.constant 0 : i32
    return %c0_i32, %arg0, %c0_i32_0 : i32, i32, i32
  }
  func.func @transform_3(%arg0: i32) -> (i32, i32) {
    %c0_i32 = arith.constant 0 : i32
    %c0_i32_0 = arith.constant 0 : i32
    %c0_i32_1 = arith.constant 0 : i32
    return %c0_i32, %c0_i32_0 : i32, i32
  }
  func.func @transform_4(%arg0: i32) -> (i32, i32) {
    %c0_i32 = arith.constant 0 : i32
    %c0_i32_0 = arith.constant 0 : i32
    %c0_i32_1 = arith.constant 0 : i32
    return %c0_i32, %c0_i32_0 : i32, i32
  }
  func.func @transform_5(%arg0: i32) -> (i32, i32) {
    %c0_i32 = arith.constant 0 : i32
    %c0_i32_0 = arith.constant 0 : i32
    %c0_i32_1 = arith.constant 0 : i32
    return %c0_i32, %c0_i32_0 : i32, i32
  }
  func.func @transform_6(%arg0: i32) -> (i32, i32) {
    %c0_i32 = arith.constant 0 : i32
    %c0_i32_0 = arith.constant 0 : i32
    %c0_i32_1 = arith.constant 0 : i32
    return %c0_i32, %c0_i32_0 : i32, i32
  }
  func.func @transform_7(%arg0: i32) -> (i32, i32) {
    %c0_i32 = arith.constant 0 : i32
    %c0_i32_0 = arith.constant 0 : i32
    %c0_i32_1 = arith.constant 0 : i32
    return %c0_i32, %c0_i32_0 : i32, i32
  }
  func.func @transform_8(%arg0: i32) -> (i32, i32) {
    %c0_i32 = arith.constant 0 : i32
    %c0_i32_0 = arith.constant 0 : i32
    %c0_i32_1 = arith.constant 0 : i32
    return %c0_i32, %c0_i32_0 : i32, i32
  }
  func.func @transform_9(%arg0: i32) -> (i32, i32) {
    %c0_i32 = arith.constant 0 : i32
    %c0_i32_0 = arith.constant 0 : i32
    %c0_i32_1 = arith.constant 0 : i32
    return %c0_i32, %c0_i32_0 : i32, i32
  }
  func.func @transform_10(%arg0: i32) -> (i32, i32) {
    %c0_i32 = arith.constant 0 : i32
    %c0_i32_0 = arith.constant 0 : i32
    %c0_i32_1 = arith.constant 0 : i32
    return %c0_i32, %c0_i32_0 : i32, i32
  }
  func.func @transform_11(%arg0: i32) -> (i32, i32) {
    %c0_i32 = arith.constant 0 : i32
    %c0_i32_0 = arith.constant 0 : i32
    return %arg0, %c0_i32 : i32, i32
  }
  func.func @transform_12(%arg0: i32) -> (i32, i32) {
    %c0_i32 = arith.constant 0 : i32
    %c0_i32_0 = arith.constant 0 : i32
    return %arg0, %c0_i32 : i32, i32
  }
}

</mosaic_0001>

<sc_bundles>
// kernel: kernel.10.cloned.1.call-start
scs
__scs_entry_jumppad:
0x0: {  	(pc) =	sbr.rel $0x88, $3  }
0x1: {  	(tag) =	ssettag $0x0;
	lr =	simm.s32 $0x1  }
0x2: {  	[smem:$0x3F93] =	sst lr;
	_ =	strace $0xD0000000  }
0x3: {  	_ = 	snop  }
0x4: {  	_ = 	snop  }
0x5: {  	_ = 	snop  }
0x6: {  	_ = 	snop  }
0x7: {  	_ = 	snop  }
__scs_overlays_trampoline_lowered:
0x8: {  	[smem:$0x3FA2] =	sst s0  }
0x9: {  	[smem:$0x3FA3] =	sst s1  }
0xa: {  	[smem:$0x3FA4] =	sst s2  }
0xb: {  	[smem:$0x3FA5] =	sst s3  }
0xc: {  	[smem:$0x3FA6] =	sst s4  }
0xd: {  	[smem:$0x3FA7] =	sst s5  }
0xe: {  	[smem:$0x3FA8] =	sst s6  }
0xf: {  	[smem:$0x3FA9] =	sst s7  }
0x10: {  	[smem:$0x3FAA] =	sst s8  }
0x11: {  	[smem:$0x3FAB] =	sst s9;
	s0 =	simm.s32 @!p0 $0x0  }
0x12: {  	s1 =	sld [smem:$0x3F91];
	s0 =	simm.s32 @p0 $0x1  }
0x13: {  	[smem:$0x3FAC] =	sst s0;
	s0 =	simm.s32 @!p1 $0x0  }
0x14: {  	s2 =	sld [smem:$0x3F90];
	s0 =	simm.s32 @p1 $0x1  }
0x15: {  	[smem:$0x3FAD] =	sst s0;
	s0 =	simm.s32 @!p2 $0x0  }
0x16: {  	s3 =	sld [smem:$0x3FDB];
	s0 =	simm.s32 @p2 $0x1  }
0x17: {  	s4 =	simm.s32 $0x1BF5;
	[smem:$0x3FAF] =	sst s0  }
0x18: {  	s0 =	sld [smem:$0x3F92];
	_ =	swait.ge [sflag:s4], $0x0  }
0x19: {  	s7 =	sld [smem:$0x3F93]  }
0x1a: {  	s8 =	sadd.s32 $0xFFFFE003, lr  }
0x1b: {  	s9 =	sadd.s32 $0xFFFFFEF7, lr;
	s5 =	simm.s32 $0xFFFFFFFF;
	p2 =	slt.u32 s8, $0xFFFFF086  }
0x1c: {  	p1 =	slt.u32 s9, $0xF7A;
	s5 =	simm.s32 @!p2 $0x0  }
0x1d: {  	s5 =	simm.s32 @p1 $0x1;
	p0 =	seq.s32 s7, s2  }
0x1e: {  	s7 =	smul.u32 @!p0 $0xF7A, s2;
	p2 =	seq.s32 @!p0 s5, $0x0  }
0x1f: {  	s9 =	smul.u32 $0xF7A, s1;
	s8 =	simm.s32 @!p0 $0x1BF5;
	p2 =	por !p2, p0  }
0x20: {  	[sflag:s8] =	ssyncset.s32 @!p0 $0xFFFFF086;
	s6 =	sadd.s32 @!p0 s3, s7;
	s7 =	simm.s32 @!p0 $0x108  }
0x21: {  	s3 =	sadd.s32 s3, s9;
	s6 =	sadd.s32 @!p0 $0x88, s6;
	s7 =	simm.s32 @p2 $0x1082  }
0x22: {  	[simem:s7], [sflag:s8] =	dma.local @!p0 [hbm:s6], $0xF7A  }
0x23: {  	s9 =	sor.u32 $0xD0000000, s2;
	s6 =	simm.s32 $0x108;
	_ =	swait.ge @!p0 [sflag:s8], $0x0  }
0x24: {  	s3 =	sadd.s32 $0x88, s3;
	s6 =	simm.s32 @!p1 $0x1082;
	[sflag:s4] =	ssyncset.s32 $0xFFFFF086  }
0x25: {  	[simem:s6], [sflag:s4] =	dma.local [hbm:s3], $0xF7A  }
0x26: {  	[smem:$0x3F93] =	sst s1;
	(tag) =	ssettag s2;
	_ =	strace s9  }
0x27: {  	s1 =	sld [smem:$0x3FA3]  }
0x28: {  	s2 =	sld [smem:$0x3FA4]  }
0x29: {  	s4 =	sld [smem:$0x3FA6]  }
0x2a: {  	p0 =	seq.s32 s5, $0x0;
	s5 =	sld [smem:$0x3FA7]  }
0x2b: {  	s6 =	sld [smem:$0x3FA8]  }
0x2c: {  	s7 =	sld [smem:$0x3FA9]  }
0x2d: {  	s3 =	simm.s32 $0x108;
	s8 =	sld [smem:$0x3FAA]  }
0x2e: {  	s3 =	simm.s32 @!p0 $0x1082;
	s9 =	sld [smem:$0x3FAB]  }
0x2f: {  	lr =	sadd.s32 s0, s3;
	s0 =	sld [smem:$0x3FA2]  }
0x30: {  	s3 =	sld [smem:$0x3FA5]  }
0x31: {  	[smem:$0x3FAE] =	sst s10  }
0x32: {  	s10 =	sld [smem:$0x3FAC];
	_ =	sdelay $0x3  }
0x33: {  	p0 =	seq.s32 s10, $0x1;
	s10 =	sld [smem:$0x3FAE];
	_ =	sdelay $0x3  }
0x34: {  	[smem:$0x3FAE] =	sst s10  }
0x35: {  	s10 =	sld [smem:$0x3FAD];
	_ =	sdelay $0x3  }
0x36: {  	p1 =	seq.s32 s10, $0x1;
	s10 =	sld [smem:$0x3FAE];
	_ =	sdelay $0x3  }
0x37: {  	[smem:$0x3FAE] =	sst s10  }
0x38: {  	s10 =	sld [smem:$0x3FAF]  }
0x39: {  	_ = 	snop;
	(pc) =	sbr.ind lr, $3  }
0x3a: {  	_ = 	snop  }
0x3b: {  	_ = 	snop  }
0x3c: {  	p2 =	seq.s32 s10, $0x1;
	s10 =	sld [smem:$0x3FAE]  }
0x3d: {  	_ =	shalt  }
0x3e: {  	_ =	shalt  }
0x3f: {  	_ =	shalt  }
0x40: {  	_ =	shalt  }
0x41: {  	_ =	shalt  }
0x42: {  	_ =	shalt  }
0x43: {  	_ =	shalt  }
0x44: {  	_ =	shalt  }
0x45: {  	_ =	shalt  }
0x46: {  	_ =	shalt  }
0x47: {  	_ =	shalt  }
0x48: {  	_ =	shalt  }
0x49: {  	_ =	shalt  }
0x4a: {  	_ =	shalt  }
0x4b: {  	_ =	shalt  }
0x4c: {  	_ =	shalt  }
0x4d: {  	_ =	shalt  }
0x4e: {  	_ =	shalt  }
0x4f: {  	_ =	shalt  }
0x50: {  	_ =	shalt  }
0x51: {  	_ =	shalt  }
0x52: {  	_ =	shalt  }
0x53: {  	_ =	shalt  }
0x54: {  	_ =	shalt  }
0x55: {  	_ =	shalt  }
0x56: {  	_ =	shalt  }
0x57: {  	_ =	shalt  }
0x58: {  	_ =	shalt  }
0x59: {  	_ =	shalt  }
0x5a: {  	_ =	shalt  }
0x5b: {  	_ =	shalt  }
0x5c: {  	_ =	shalt  }
0x5d: {  	_ =	shalt  }
0x5e: {  	_ =	shalt  }
0x5f: {  	_ =	shalt  }
0x60: {  	_ =	shalt  }
0x61: {  	_ =	shalt  }
0x62: {  	_ =	shalt  }
0x63: {  	_ =	shalt  }
0x64: {  	_ =	shalt  }
0x65: {  	_ =	shalt  }
0x66: {  	_ =	shalt  }
0x67: {  	_ =	shalt  }
0x68: {  	_ =	shalt  }
0x69: {  	_ =	shalt  }
0x6a: {  	_ =	shalt  }
0x6b: {  	_ =	shalt  }
0x6c: {  	_ =	shalt  }
0x6d: {  	_ =	shalt  }
0x6e: {  	_ =	shalt  }
0x6f: {  	_ =	shalt  }
0x70: {  	_ =	shalt  }
0x71: {  	_ =	shalt  }
0x72: {  	_ =	shalt  }
0x73: {  	_ =	shalt  }
0x74: {  	_ =	shalt  }
0x75: {  	_ =	shalt  }
0x76: {  	_ =	shalt  }
0x77: {  	_ =	shalt  }
0x78: {  	_ =	shalt  }
0x79: {  	_ =	shalt  }
0x7a: {  	_ =	shalt  }
0x7b: {  	_ =	shalt  }
0x7c: {  	_ =	shalt  }
0x7d: {  	_ =	shalt  }
0x7e: {  	_ =	shalt  }
0x7f: {  	_ =	shalt  }
0x80: {  	_ =	shalt  }
0x81: {  	_ =	shalt  }
0x82: {  	_ =	shalt  }
0x83: {  	_ =	shalt  }
0x84: {  	_ =	shalt  }
0x85: {  	_ =	shalt  }
0x86: {  	_ =	shalt  }
0x87: {  	_ =	shalt  }
.Lfunc_end0:
.L_simem_size_0:
called_computation_lowered:
.L_overlay_start_0:
0x88: {  	s2 =	sld [smem:$0x3FD9]  }
0x89: {  	s3 =	sld [smem:$0x3FFE];
	_ =	sdelay $0x1  }
0x8a: {  	s1 =	srdreg.scid  }
0x8b: {  	s0 =	sand.u32 $0x1, s1  }
0x8c: {  	s14 =	sshll.u32 s0, $0xA;
	s2 =	sadd.s32 s3, s2  }
0x8d: {  	s2 =	sadd.s32 s2, s14  }
0x8e: {  	[smem:$0x3FBA] =	sst s2  }
0x8f: {  	_ = 	snop  }
0x90: {  	s2 =	sld [smem:$0x3FD0];
	_ =	sdelay $0x2  }
0x91: {  	s15 =	simm.s32 $0xA;
	s4 =	simm.s32 $0x10  }
0x92: {  	[smem:s4], [sflag:s15] =	dma.local [hbm:s2], $0x1  }
0x93: {  	_ =	swait.eq [sflag:s15], $0x1  }
0x94: {  	[sflag:s15] =	ssyncset.done $0x0  }
0x95: {  	[sflag:s15] =	ssyncadd.s32 $0xFFFFFFFF  }
0x96: {  	s16 =	sld [smem:$0x11];
	(tm) =	ssettm $0x1  }
0x97: {  	s17 =	sld [smem:$0x3FFB];
	_ =	sdelay $0x3  }
0x98: {  	_ =	strace s17  }
0x99: {  	s3 =	sld [smem:$0x3FFC];
	_ =	sdelay $0x3  }
0x9a: {  	_ =	strace s3  }
0x9b: {  	s3 =	sld [smem:$0x3FFD];
	_ =	sdelay $0x3  }
0x9c: {  	_ =	strace s3  }
0x9d: {  	_ =	strace $0x8FFFFFFF  }
0x9e: {  	s18 =	sld [smem:$0x3FDB];
	_ =	sdelay $0x1  }
0x9f: {  	s19 =	simm.s32 $_scs_section_size  }
0xa0: {  	s5 =	simm.s32 $_size__tile_overlayer_lowered;
	s6 =	simm.s32 $_tile_overlayer_lowered  }
0xa1: {  	s22 =	simm.s32 $0x1BFF;
	s21 =	sshll.u32 s6, $0x1;
	s3 =	sadd.s32 s19, s18  }
0xa2: {  	s7 =	simm.s32 $0x0;
	s20 =	sshll.u32 s5, $0x1;
	s5 =	sadd.s32 s21, s3  }
0xa3: {  	[timem:s7], [sflag:s22] =	dma.local [hbm:s5], s20  }
0xa4: {  	_ =	swait.ge [sflag:s22], s20  }
0xa5: {  	s4 =	ssub.s32 $0x0, s20;
	[sflag:s22] =	ssyncset.done $0x0  }
0xa6: {  	[sflag:s22] =	ssyncadd.s32 s4;
	_ =	sdelay $0x1  }
0xa7: {  	s23 =	simm.s32 $0x1B8B  }
0xa8: {  	_ =	swait.ge [sflag:s23], $0x1  }
0xa9: {  	[sflag:s23] =	ssyncset.done $0x0  }
0xaa: {  	s25 =	simm.s32 $0x1B8E;
	s24 =	sld [smem:$0x3FFE];
	[sflag:s23] =	ssyncadd.s32 $0xFFFFFFFF  }
0xab: {  	s26 =	simm.s32 $execute0_lowered;
	[smem:$0x3FD2] =	sst s25  }
0xac: {  	s5 =	sshll.u32 s26, $0x1;
	_ =	strace $0x80000046;
	[dreg:$0x1] =	wrdreg $0xFFFFFFFF  }
0xad: {  	s28 =	simm.s32 $_size_execute0_lowered;
	s3 =	sadd.s32 s3, s5;
	[dreg:$0x0] =	wrdreg $0x0  }
0xae: {  	s5 =	sshll.u32 s28, $0x1;
	[dreg:$0x2] =	wrdreg s3  }
0xaf: {  	[dreg:$0x3] =	wrdreg s5  }
0xb0: {  	[dreg:$0x4] =	wrdreg $0xC0  }
0xb1: {  	_ =	task [dreg:s7], $0x5FFFF  }
0xb2: {  	[dreg:$0x1] =	wrdreg $0xFFFFFFFF  }
0xb3: {  	[dreg:$0x0] =	wrdreg $0x60  }
0xb4: {  	[dreg:$0x2] =	wrdreg s16  }
0xb5: {  	[dreg:$0x3] =	wrdreg s24  }
0xb6: {  	[dreg:$0x4] =	wrdreg $0x90000  }
0xb7: {  	[dreg:$0x5] =	wrdreg $0xB7800  }
0xb8: {  	[dreg:$0x6] =	wrdreg $0x9  }
0xb9: {  	_ =	task.clear_ibuf [dreg:s7], $0x7FFFF;
	_ =	strace $0x90000046  }
0xba: {  	s29 =	simm.s32 $0x9;
	_ =	strace $0x80000048  }
0xbb: {  	_ =	swait.ge [sflag:s29], $0x1  }
0xbc: {  	[sflag:s29] =	ssyncadd.s32 $0xFFFFFFFF  }
0xbd: {  	_ =	strace $0x90000048  }
0xbe: {  	_ =	sfence  }
0xbf: {  	s30 =	sld [smem:$0x0];
	_ =	sdelay $0x2  }
0xc0: {  	s31 =	sshll.u32 s1, $0xD;
	s1 =	sshrl.u32 s1, $0x2  }
0xc1: {  	s3 =	sand.u32 $0x4000, s31;
	s1 =	sadd.s32 s1, s30  }
0xc2: {  	s0 =	sor.u32 s3, s0;
	s1 =	sshll.u32 s1, $0x11  }
0xc3: {  	s0 =	sor.u32 s1, s0  }
0xc4: {  	s0 =	sadd.s32 $0x8F2B, s0  }
0xc5: {  	[sflag:s0] =	ssyncadd.remote.s32 $0x1  }
0xc6: {  	_ =	sfence.sel $0xFFFF  }
0xc7: {  	[dreg:$0x0] =	wrdreg $0xFFFFFFFF;
	(pc) =	sbr.abs _section_cstart, $3  }
0xc8: {  	[dreg:$0x1] =	wrdreg $0xFFFFFFFF  }
0xc9: {  	_ =	task.clear_ibuf [dreg:s7], $0x2FFFF;
	_ =	strace $0x9FFFFFFF  }
0xca: {  	(tm) =	ssettm $0x7FFFFFFF  }
0xcb: {  	_ =	shalt  }
tec
execute0_lowered:
.L_overlay_start_1:
0x0: {  	(tag) =	ssettag $0x1  }
0x1: {  	s15 =	rddreg [dreg:$0x0]  }
0x2: {  	s5 =	rddreg [dreg:$0x1]  }
0x3: {  	s2 =	rddreg [dreg:$0x2];
	s0 =	srdreg.scid  }
0x4: {  	s3 =	rddreg [dreg:$0x3];
	s1 =	stileid.u32;
	s4 =	simm.s32 $0x0  }
0x5: {  	s20 =	simm.s32 $0x5000;
	s21 =	simm.s32 $0x5;
	s22 =	simm.s32 $0x2800  }
0x6: {  	s23 =	simm.s32 $0x80;
	s24 =	simm.s32 $0x1;
	s25 =	simm.s32 $0x2  }
0x7: {  	s26 =	simm.s32 $0x3;
	s28 =	simm.s32 $0x4;
	s6 =	sand.u32 $0x1, s0  }
0x8: {  	s10 =	smul.u32 $0x13C00, s1;
	[smem:$0x7FF] =	sst s4;
	s7 =	sshll.u32 s6, $0x4  }
0x9: {  	s8 =	smul.u32 $0x13C000, s6;
	_ =	strace $0x80000047;
	s6 =	ssub.s32 $0x2, s6  }
0xa: {  	s7 =	sor.u32 s1, s7;
	s31 =	sshrl.u32 s6, $0x1;
	s11 =	sadd.s32 $0x4000, s10  }
0xb: {  	s12 =	sadd.s32 $0x8000, s10;
	s13 =	sadd.s32 $0xC000, s10;
	s14 =	sadd.s32 $0x10000, s10  }
0xc: {  	s16 =	smul.u32 $0x500, s7;
	s30 =	sadd.s32 s10, s8;
	s19 =	ssub.s32 s6, s31  }
0xd: {  	s6 =	sadd.s32 s11, s2;
	s8 =	sadd.s32 s13, s2;
	s9 =	sadd.s32 s14, s2  }
0xe: {  	s11 =	sadd.s32 s11, s3;
	s13 =	sadd.s32 s13, s3;
	s14 =	sadd.s32 s14, s3  }
0xf: {  	s7 =	sshrl.u32 s30, $0x3;
	s19 =	smax.u32 s19, $0x1;
	s17 =	sadd.s32 s16, s5  }
0x10: {  	s18 =	sadd.s32 s7, s5;
	s5 =	sadd.s32 s10, s2;
	s7 =	sadd.s32 s12, s2  }
0x11: {  	s10 =	sadd.s32 s10, s3;
	s12 =	sadd.s32 s12, s3;
	s15 =	sadd.s32 s15, s16  }
0x12: {  	v0 =	vimm.f32 $0.0e+00;
	v1 =	vimm.f32 $1.000000000e+00;
	s16 =	sadd.s32 $0xEA00, s17;
	s17 =	sadd.s32 $0x18A00, s18;
	s18 =	sadd.s32 $0x67A00, s18  }
.LBB2_1:
0x13: {  	s29 =	simm.s32 $0x200;
	s30 =	simm.s32 $0x0  }
.LBB2_2:
0x14: {  	p0 =	sne.s32 s29, $0xFE00;
	[tilespmem:s30+$0x5000] =	vst v0;
	s30 =	smov.u32 s29;
	s29 =	sadd.s32 $0x200, s29  }
.Ltmp0:
0x15: {  	(pc) =	sbr.rel @p0 .LBB2_2-.Ltmp0, $2  }
0x16: {  	_ =	sdelay $0x2  }
0x17: {  	s30 =	sshra.s32 s30, $0x2  }
0x18: {  	[tilespmem:s30+$0x5000] =	vst v0  }
0x19: {  	[spmem:s5] =	stream.linear.scatter [tilespmem:s20], [sflag:$0x5], $0x4000, $0x38;
	[tilespmem:$0xDF00] =	vst v63  }
0x1a: {  	_ =	swait.ge [sflag:s21], $0x4000  }
0x1b: {  	[sflag:s21] =	ssyncset.done $0x0  }
0x1c: {  	[sflag:s21] =	ssyncadd.s32 $0xFFFFC000  }
0x1d: {  	[spmem:s6] =	stream.linear.scatter [tilespmem:s20], [sflag:$0x5], $0x4000, $0x38;
	[tilespmem:$0xDF00] =	vst v63  }
0x1e: {  	_ =	swait.ge [sflag:s21], $0x4000  }
0x1f: {  	[sflag:s21] =	ssyncset.done $0x0  }
0x20: {  	[sflag:s21] =	ssyncadd.s32 $0xFFFFC000  }
0x21: {  	[spmem:s7] =	stream.linear.scatter [tilespmem:s20], [sflag:$0x5], $0x4000, $0x38;
	[tilespmem:$0xDF00] =	vst v63  }
0x22: {  	_ =	swait.ge [sflag:s21], $0x4000  }
0x23: {  	[sflag:s21] =	ssyncset.done $0x0  }
0x24: {  	[sflag:s21] =	ssyncadd.s32 $0xFFFFC000  }
0x25: {  	[spmem:s8] =	stream.linear.scatter [tilespmem:s20], [sflag:$0x5], $0x4000, $0x38;
	[tilespmem:$0xDF00] =	vst v63  }
0x26: {  	_ =	swait.ge [sflag:s21], $0x4000  }
0x27: {  	[sflag:s21] =	ssyncset.done $0x0  }
0x28: {  	[sflag:s21] =	ssyncadd.s32 $0xFFFFC000  }
0x29: {  	[spmem:s9] =	stream.linear.scatter [tilespmem:s20], [sflag:$0x5], $0x3C00, $0x38;
	[tilespmem:$0xDF00] =	vst v63  }
0x2a: {  	_ =	swait.ge [sflag:s21], $0x3C00  }
0x2b: {  	[sflag:s21] =	ssyncset.done $0x0  }
0x2c: {  	[sflag:s21] =	ssyncadd.s32 $0xFFFFC400  }
0x2d: {  	[spmem:s10] =	stream.linear.scatter [tilespmem:s20], [sflag:$0x5], $0x4000, $0x38;
	[tilespmem:$0xDF00] =	vst v63  }
0x2e: {  	_ =	swait.ge [sflag:s21], $0x4000  }
0x2f: {  	[sflag:s21] =	ssyncset.done $0x0  }
0x30: {  	[sflag:s21] =	ssyncadd.s32 $0xFFFFC000  }
0x31: {  	[spmem:s11] =	stream.linear.scatter [tilespmem:s20], [sflag:$0x5], $0x4000, $0x38;
	[tilespmem:$0xDF00] =	vst v63  }
0x32: {  	_ =	swait.ge [sflag:s21], $0x4000  }
0x33: {  	[sflag:s21] =	ssyncset.done $0x0  }
0x34: {  	[sflag:s21] =	ssyncadd.s32 $0xFFFFC000  }
0x35: {  	[spmem:s12] =	stream.linear.scatter [tilespmem:s20], [sflag:$0x5], $0x4000, $0x38;
	[tilespmem:$0xDF00] =	vst v63  }
0x36: {  	_ =	swait.ge [sflag:s21], $0x4000  }
0x37: {  	[sflag:s21] =	ssyncset.done $0x0  }
0x38: {  	[sflag:s21] =	ssyncadd.s32 $0xFFFFC000  }
0x39: {  	[spmem:s13] =	stream.linear.scatter [tilespmem:s20], [sflag:$0x5], $0x4000, $0x38;
	[tilespmem:$0xDF00] =	vst v63  }
0x3a: {  	_ =	swait.ge [sflag:s21], $0x4000  }
0x3b: {  	[sflag:s21] =	ssyncset.done $0x0  }
0x3c: {  	[sflag:s21] =	ssyncadd.s32 $0xFFFFC000  }
0x3d: {  	[spmem:s14] =	stream.linear.scatter [tilespmem:s20], [sflag:$0x5], $0x3C00, $0x38;
	[tilespmem:$0xDF00] =	vst v63  }
0x3e: {  	_ =	swait.ge [sflag:s21], $0x3C00  }
0x3f: {  	[sflag:s21] =	ssyncset.done $0x0  }
0x40: {  	s29 =	simm.s32 $0x200;
	s30 =	simm.s32 $0x0;
	[sflag:s21] =	ssyncadd.s32 $0xFFFFC400  }
.LBB2_4:
0x41: {  	p0 =	sne.s32 s29, $0xFE00;
	[tilespmem:s30+$0x5000] =	vst v1;
	s30 =	smov.u32 s29;
	s29 =	sadd.s32 $0x200, s29  }
.Ltmp1:
0x42: {  	(pc) =	sbr.rel @p0 .LBB2_4-.Ltmp1, $2  }
0x43: {  	_ =	sdelay $0x2  }
0x44: {  	s30 =	sshra.s32 s30, $0x2  }
0x45: {  	[tilespmem:s30+$0x5000] =	vst v1;
	s29 =	simm.s32 $0x0  }
0x46: {  	[tilespmem:s29], [sflag:$0x5] =	stream.linear.gather [hbm4b:s15+s29], $0x2800, $0x38;
	[tilespmem:$0xDF00] =	vst v63  }
0x47: {  	_ =	swait.ge [sflag:s21], $0x2800  }
0x48: {  	[sflag:s21] =	ssyncset.done $0x0  }
0x49: {  	[sflag:s21] =	ssyncadd.s32 $0xFFFFD800  }
0x4a: {  	[tilespmem:s22], [sflag:$0x5] =	stream.linear.gather [hbm4b:s16+s29], $0x2800, $0x38;
	[tilespmem:$0xDF00] =	vst v63  }
0x4b: {  	_ =	swait.ge [sflag:s21], $0x2800  }
0x4c: {  	[sflag:s21] =	ssyncset.done $0x0  }
0x4d: {  	[sflag:s21] =	ssyncadd.s32 $0xFFFFD800  }
0x4e: {  	s29 =	simm.s32 $0x0;
	[bflag:$0x0] =	sbarrier.arrive $0xFFFF  }
0x4f: {  	[spmem:s2] =	stream.indirect.scatter.add.f32 [tilespmem:s20], [sflag:$0x1], $0x10, s29, s23, $0xb8;
	[tilespmem:$0xDF00] =	vst v63  }
0x50: {  	s29 =	simm.s32 $0x2800  }
0x51: {  	[spmem:s3] =	stream.indirect.scatter.add.f32 [tilespmem:s20], [sflag:$0x2], $0x10, s29, s23, $0xb8;
	[tilespmem:$0xDF00] =	vst v63  }
0x52: {  	s29 =	simm.s32 $0x80  }
0x53: {  	[spmem:s2] =	stream.indirect.scatter.add.f32 [tilespmem:s20], [sflag:$0x3], $0x10, s29, s23, $0xb8;
	[tilespmem:$0xDF00] =	vst v63  }
0x54: {  	s29 =	simm.s32 $0x2880  }
0x55: {  	[spmem:s3] =	stream.indirect.scatter.add.f32 [tilespmem:s20], [sflag:$0x4], $0x10, s29, s23, $0xb8;
	[tilespmem:$0xDF00] =	vst v63  }
0x56: {  	_ =	swait.ge [sflag:s24], $0x800  }
0x57: {  	[sflag:s24] =	ssyncset.done $0x0  }
0x58: {  	[sflag:s24] =	ssyncadd.s32 $0xFFFFF800  }
0x59: {  	_ =	swait.ge [sflag:s25], $0x800  }
0x5a: {  	[sflag:s25] =	ssyncset.done $0x0  }
0x5b: {  	[sflag:s25] =	ssyncadd.s32 $0xFFFFF800  }
0x5c: {  	_ =	swait.ge [sflag:s26], $0x800  }
0x5d: {  	[sflag:s26] =	ssyncset.done $0x0  }
0x5e: {  	[sflag:s26] =	ssyncadd.s32 $0xFFFFF800  }
0x5f: {  	_ =	swait.ge [sflag:s28], $0x800  }
0x60: {  	s30 =	simm.s32 $0x800;
	s29 =	simm.s32 $0x400;
	[sflag:s28] =	ssyncset.done $0x0  }
.LBB2_6:
0x61: {  	s31 =	sshra.s32 s29, $0x2  }
0x62: {  	[sflag:s28] =	ssyncadd.s32 $0xFFFFF800;
	s29 =	smov.u32 s30;
	s0 =	sadd.s32 $0x400, s30  }
0x63: {  	[spmem:s2] =	stream.indirect.scatter.add.f32 [tilespmem:s20], [sflag:$0x1], $0x10, s31, s23, $0xb8;
	[tilespmem:$0xDF00] =	vst v63  }
0x64: {  	p0 =	sne.s32 s30, $0x9C00;
	s30 =	sadd.s32 $0x2800, s31  }
0x65: {  	[spmem:s3] =	stream.indirect.scatter.add.f32 [tilespmem:s20], [sflag:$0x2], $0x10, s30, s23, $0xb8;
	[tilespmem:$0xDF00] =	vst v63  }
0x66: {  	s30 =	sadd.s32 $0x80, s31  }
0x67: {  	[spmem:s2] =	stream.indirect.scatter.add.f32 [tilespmem:s20], [sflag:$0x3], $0x10, s30, s23, $0xb8;
	[tilespmem:$0xDF00] =	vst v63  }
0x68: {  	s30 =	sadd.s32 $0x2880, s31  }
0x69: {  	[spmem:s3] =	stream.indirect.scatter.add.f32 [tilespmem:s20], [sflag:$0x4], $0x10, s30, s23, $0xb8;
	[tilespmem:$0xDF00] =	vst v63  }
0x6a: {  	_ =	swait.ge [sflag:s24], $0x800  }
0x6b: {  	[sflag:s24] =	ssyncset.done $0x0  }
0x6c: {  	[sflag:s24] =	ssyncadd.s32 $0xFFFFF800  }
0x6d: {  	_ =	swait.ge [sflag:s25], $0x800  }
0x6e: {  	[sflag:s25] =	ssyncset.done $0x0  }
0x6f: {  	[sflag:s25] =	ssyncadd.s32 $0xFFFFF800  }
.Ltmp2:
0x70: {  	_ =	swait.ge [sflag:s26], $0x800;
	(pc) =	sbr.rel @p0 .LBB2_6-.Ltmp2, $4  }
0x71: {  	[sflag:s26] =	ssyncset.done $0x0  }
0x72: {  	[sflag:s26] =	ssyncadd.s32 $0xFFFFF800  }
0x73: {  	_ =	swait.ge [sflag:s28], $0x800  }
0x74: {  	s30 =	smov.u32 s0;
	[sflag:s28] =	ssyncset.done $0x0  }
0x75: {  	s0 =	sshra.s32 s29, $0x2;
	[sflag:s28] =	ssyncadd.s32 $0xFFFFF800  }
0x76: {  	[spmem:s2] =	stream.indirect.scatter.add.f32 [tilespmem:s20], [sflag:$0x1], $0x10, s0, s23, $0xb8;
	[tilespmem:$0xDF00] =	vst v63  }
0x77: {  	s29 =	sadd.s32 $0x2800, s0  }
0x78: {  	[spmem:s3] =	stream.indirect.scatter.add.f32 [tilespmem:s20], [sflag:$0x2], $0x10, s29, s23, $0xb8;
	[tilespmem:$0xDF00] =	vst v63  }
0x79: {  	s31 =	sadd.s32 $0x80, s0  }
0x7a: {  	[spmem:s2] =	stream.indirect.scatter.add.f32 [tilespmem:s20], [sflag:$0x3], $0x10, s31, s23, $0xb8;
	[tilespmem:$0xDF00] =	vst v63  }
0x7b: {  	s0 =	sadd.s32 $0x2880, s0  }
0x7c: {  	[spmem:s3] =	stream.indirect.scatter.add.f32 [tilespmem:s20], [sflag:$0x4], $0x10, s0, s23, $0xb8;
	[tilespmem:$0xDF00] =	vst v63  }
0x7d: {  	_ =	swait.ge [sflag:s24], $0x800  }
0x7e: {  	[sflag:s24] =	ssyncset.done $0x0  }
0x7f: {  	[sflag:s24] =	ssyncadd.s32 $0xFFFFF800  }
0x80: {  	_ =	swait.ge [sflag:s25], $0x800  }
0x81: {  	[sflag:s25] =	ssyncset.done $0x0  }
0x82: {  	[sflag:s25] =	ssyncadd.s32 $0xFFFFF800  }
0x83: {  	_ =	swait.ge [sflag:s26], $0x800  }
0x84: {  	[sflag:s26] =	ssyncset.done $0x0  }
0x85: {  	[sflag:s26] =	ssyncadd.s32 $0xFFFFF800  }
0x86: {  	_ =	swait.ge [sflag:s28], $0x800  }
0x87: {  	[sflag:s28] =	ssyncset.done $0x0  }
0x88: {  	s29 =	sshll.u32 s1, $0x6;
	[sflag:s28] =	ssyncadd.s32 $0xFFFFF800  }
0x89: {  	s30 =	sshrl.u32 s5, $0x3;
	s0 =	sor.u32 $0x1C05, s29;
	[bflag:$0x0] =	sbarrier.arrive $0xFFFF  }
0x8a: {  	[hbm:s17], [sflag:s0] =	dma.local [spmem:s30], $0x2780  }
0x8b: {  	s4 =	sadd.s32 $0x1, s4;
	_ =	swait.ge [sflag:s21], $0x2780  }
0x8c: {  	p0 =	sne.s32 s4, s19;
	[sflag:s21] =	ssyncset.done $0x0  }
.Ltmp3:
0x8d: {  	s31 =	sshrl.u32 s10, $0x3;
	[sflag:s21] =	ssyncadd.s32 $0xFFFFD880;
	(pc) =	sbr.rel @p0 .LBB2_1-.Ltmp3, $4  }
0x8e: {  	[hbm:s18], [sflag:s0] =	dma.local [spmem:s31], $0x2780  }
0x8f: {  	_ =	swait.ge [sflag:s21], $0x2780  }
0x90: {  	[sflag:s21] =	ssyncset.done $0x0  }
0x91: {  	[sflag:s21] =	ssyncadd.s32 $0xFFFFD880  }
0x92: {  	_ =	sfence.sel $0x180000  }
0x93: {  	[bflag:$0x0] =	sbarrier.arrive $0xFFFF  }
0x94: {  	_ =	strace $0x90000047  }
0x95: {  	[bflag:$0x2] =	sbarrier.arrive $0xFFFF  }
0x96: {  	p0 =	sne.s32 s1, $0x0;
	s0 =	rddreg [dreg:$0x4]  }
0x97: {  	s0 =	sadd.s32 @!p0 $0x100000, s0  }
0x98: {  	[sflag:s0] =	ssyncadd.tile.s32 @!p0 $0x1;
	_ =	shalt  }
.Lfunc_end2:
_tile_overlayer_lowered:
.L_overlay_start_2:
0x99: {  	(tag) =	ssettag $0x2  }
0x9a: {  	s0 =	rddreg [dreg:$0x0];
	s2 =	stileid.u32  }
0x9b: {  	s1 =	rddreg [dreg:$0x1];
	p0 =	sne.s32 s2, $0x0  }
0x9c: {  	s3 =	rddreg [dreg:$0x2];
	[bflag:$0x3] =	sbarrier.arrive $0xFFFF;
	s2 =	simm.s32 @!p0 $0x1C05  }
0x9d: {  	[timem:s3], [sflag:s2] =	dma.local @!p0 [hbm:s0], s1  }
0x9e: {  	s0 =	simm.s32 @!p0 $0x5  }
0x9f: {  	_ =	swait.ge @!p0 [sflag:s0], s1  }
0xa0: {  	s1 =	ssub.s32 @!p0 $0x0, s1;
	[sflag:s0] =	ssyncset.done @!p0 $0x0  }
0xa1: {  	[sflag:s0] =	ssyncadd.s32 @!p0 s1  }
0xa2: {  	[bflag:$0x3] =	sbarrier.arrive $0xFFFF  }
0xa3: {  	_ =	shalt  }

// kernel: kernel.13.cloned.1.call-start
scs
__scs_entry_jumppad:
0x0: {  	(pc) =	sbr.rel $0x88, $3  }
0x1: {  	(tag) =	ssettag $0x0;
	lr =	simm.s32 $0x1  }
0x2: {  	[smem:$0x3F93] =	sst lr;
	_ =	strace $0xD0000000  }
0x3: {  	_ = 	snop  }
0x4: {  	_ = 	snop  }
0x5: {  	_ = 	snop  }
0x6: {  	_ = 	snop  }
0x7: {  	_ = 	snop  }
__scs_overlays_trampoline_lowered:
0x8: {  	[smem:$0x3FA2] =	sst s0  }
0x9: {  	[smem:$0x3FA3] =	sst s1  }
0xa: {  	[smem:$0x3FA4] =	sst s2  }
0xb: {  	[smem:$0x3FA5] =	sst s3  }
0xc: {  	[smem:$0x3FA6] =	sst s4  }
0xd: {  	[smem:$0x3FA7] =	sst s5  }
0xe: {  	[smem:$0x3FA8] =	sst s6  }
0xf: {  	[smem:$0x3FA9] =	sst s7  }
0x10: {  	[smem:$0x3FAA] =	sst s8  }
0x11: {  	[smem:$0x3FAB] =	sst s9;
	s0 =	simm.s32 @!p0 $0x0  }
0x12: {  	s1 =	sld [smem:$0x3F91];
	s0 =	simm.s32 @p0 $0x1  }
0x13: {  	[smem:$0x3FAC] =	sst s0;
	s0 =	simm.s32 @!p1 $0x0  }
0x14: {  	s2 =	sld [smem:$0x3F90];
	s0 =	simm.s32 @p1 $0x1  }
0x15: {  	[smem:$0x3FAD] =	sst s0;
	s0 =	simm.s32 @!p2 $0x0  }
0x16: {  	s3 =	sld [smem:$0x3FDB];
	s0 =	simm.s32 @p2 $0x1  }
0x17: {  	s4 =	simm.s32 $0x1BF5;
	[smem:$0x3FAF] =	sst s0  }
0x18: {  	s0 =	sld [smem:$0x3F92];
	_ =	swait.ge [sflag:s4], $0x0  }
0x19: {  	s7 =	sld [smem:$0x3F93]  }
0x1a: {  	s8 =	sadd.s32 $0xFFFFE003, lr  }
0x1b: {  	s9 =	sadd.s32 $0xFFFFFEF7, lr;
	s5 =	simm.s32 $0xFFFFFFFF;
	p2 =	slt.u32 s8, $0xFFFFF086  }
0x1c: {  	p1 =	slt.u32 s9, $0xF7A;
	s5 =	simm.s32 @!p2 $0x0  }
0x1d: {  	s5 =	simm.s32 @p1 $0x1;
	p0 =	seq.s32 s7, s2  }
0x1e: {  	s7 =	smul.u32 @!p0 $0xF7A, s2;
	p2 =	seq.s32 @!p0 s5, $0x0  }
0x1f: {  	s9 =	smul.u32 $0xF7A, s1;
	s8 =	simm.s32 @!p0 $0x1BF5;
	p2 =	por !p2, p0  }
0x20: {  	[sflag:s8] =	ssyncset.s32 @!p0 $0xFFFFF086;
	s6 =	sadd.s32 @!p0 s3, s7;
	s7 =	simm.s32 @!p0 $0x108  }
0x21: {  	s3 =	sadd.s32 s3, s9;
	s6 =	sadd.s32 @!p0 $0x88, s6;
	s7 =	simm.s32 @p2 $0x1082  }
0x22: {  	[simem:s7], [sflag:s8] =	dma.local @!p0 [hbm:s6], $0xF7A  }
0x23: {  	s9 =	sor.u32 $0xD0000000, s2;
	s6 =	simm.s32 $0x108;
	_ =	swait.ge @!p0 [sflag:s8], $0x0  }
0x24: {  	s3 =	sadd.s32 $0x88, s3;
	s6 =	simm.s32 @!p1 $0x1082;
	[sflag:s4] =	ssyncset.s32 $0xFFFFF086  }
0x25: {  	[simem:s6], [sflag:s4] =	dma.local [hbm:s3], $0xF7A  }
0x26: {  	[smem:$0x3F93] =	sst s1;
	(tag) =	ssettag s2;
	_ =	strace s9  }
0x27: {  	s1 =	sld [smem:$0x3FA3]  }
0x28: {  	s2 =	sld [smem:$0x3FA4]  }
0x29: {  	s4 =	sld [smem:$0x3FA6]  }
0x2a: {  	p0 =	seq.s32 s5, $0x0;
	s5 =	sld [smem:$0x3FA7]  }
0x2b: {  	s6 =	sld [smem:$0x3FA8]  }
0x2c: {  	s7 =	sld [smem:$0x3FA9]  }
0x2d: {  	s3 =	simm.s32 $0x108;
	s8 =	sld [smem:$0x3FAA]  }
0x2e: {  	s3 =	simm.s32 @!p0 $0x1082;
	s9 =	sld [smem:$0x3FAB]  }
0x2f: {  	lr =	sadd.s32 s0, s3;
	s0 =	sld [smem:$0x3FA2]  }
0x30: {  	s3 =	sld [smem:$0x3FA5]  }
0x31: {  	[smem:$0x3FAE] =	sst s10  }
0x32: {  	s10 =	sld [smem:$0x3FAC];
	_ =	sdelay $0x3  }
0x33: {  	p0 =	seq.s32 s10, $0x1;
	s10 =	sld [smem:$0x3FAE];
	_ =	sdelay $0x3  }
0x34: {  	[smem:$0x3FAE] =	sst s10  }
0x35: {  	s10 =	sld [smem:$0x3FAD];
	_ =	sdelay $0x3  }
0x36: {  	p1 =	seq.s32 s10, $0x1;
	s10 =	sld [smem:$0x3FAE];
	_ =	sdelay $0x3  }
0x37: {  	[smem:$0x3FAE] =	sst s10  }
0x38: {  	s10 =	sld [smem:$0x3FAF]  }
0x39: {  	_ = 	snop;
	(pc) =	sbr.ind lr, $3  }
0x3a: {  	_ = 	snop  }
0x3b: {  	_ = 	snop  }
0x3c: {  	p2 =	seq.s32 s10, $0x1;
	s10 =	sld [smem:$0x3FAE]  }
0x3d: {  	_ =	shalt  }
0x3e: {  	_ =	shalt  }
0x3f: {  	_ =	shalt  }
0x40: {  	_ =	shalt  }
0x41: {  	_ =	shalt  }
0x42: {  	_ =	shalt  }
0x43: {  	_ =	shalt  }
0x44: {  	_ =	shalt  }
0x45: {  	_ =	shalt  }
0x46: {  	_ =	shalt  }
0x47: {  	_ =	shalt  }
0x48: {  	_ =	shalt  }
0x49: {  	_ =	shalt  }
0x4a: {  	_ =	shalt  }
0x4b: {  	_ =	shalt  }
0x4c: {  	_ =	shalt  }
0x4d: {  	_ =	shalt  }
0x4e: {  	_ =	shalt  }
0x4f: {  	_ =	shalt  }
0x50: {  	_ =	shalt  }
0x51: {  	_ =	shalt  }
0x52: {  	_ =	shalt  }
0x53: {  	_ =	shalt  }
0x54: {  	_ =	shalt  }
0x55: {  	_ =	shalt  }
0x56: {  	_ =	shalt  }
0x57: {  	_ =	shalt  }
0x58: {  	_ =	shalt  }
0x59: {  	_ =	shalt  }
0x5a: {  	_ =	shalt  }
0x5b: {  	_ =	shalt  }
0x5c: {  	_ =	shalt  }
0x5d: {  	_ =	shalt  }
0x5e: {  	_ =	shalt  }
0x5f: {  	_ =	shalt  }
0x60: {  	_ =	shalt  }
0x61: {  	_ =	shalt  }
0x62: {  	_ =	shalt  }
0x63: {  	_ =	shalt  }
0x64: {  	_ =	shalt  }
0x65: {  	_ =	shalt  }
0x66: {  	_ =	shalt  }
0x67: {  	_ =	shalt  }
0x68: {  	_ =	shalt  }
0x69: {  	_ =	shalt  }
0x6a: {  	_ =	shalt  }
0x6b: {  	_ =	shalt  }
0x6c: {  	_ =	shalt  }
0x6d: {  	_ =	shalt  }
0x6e: {  	_ =	shalt  }
0x6f: {  	_ =	shalt  }
0x70: {  	_ =	shalt  }
0x71: {  	_ =	shalt  }
0x72: {  	_ =	shalt  }
0x73: {  	_ =	shalt  }
0x74: {  	_ =	shalt  }
0x75: {  	_ =	shalt  }
0x76: {  	_ =	shalt  }
0x77: {  	_ =	shalt  }
0x78: {  	_ =	shalt  }
0x79: {  	_ =	shalt  }
0x7a: {  	_ =	shalt  }
0x7b: {  	_ =	shalt  }
0x7c: {  	_ =	shalt  }
0x7d: {  	_ =	shalt  }
0x7e: {  	_ =	shalt  }
0x7f: {  	_ =	shalt  }
0x80: {  	_ =	shalt  }
0x81: {  	_ =	shalt  }
0x82: {  	_ =	shalt  }
0x83: {  	_ =	shalt  }
0x84: {  	_ =	shalt  }
0x85: {  	_ =	shalt  }
0x86: {  	_ =	shalt  }
0x87: {  	_ =	shalt  }
.Lfunc_end0:
.L_simem_size_0:
called_computation.1_lowered:
.L_overlay_start_0:
0x88: {  	s2 =	sld [smem:$0x3FD9]  }
0x89: {  	s3 =	sld [smem:$0x3FFE];
	_ =	sdelay $0x1  }
0x8a: {  	s1 =	srdreg.scid  }
0x8b: {  	s0 =	sand.u32 $0x1, s1  }
0x8c: {  	s14 =	sshll.u32 s0, $0xA;
	s2 =	sadd.s32 s3, s2  }
0x8d: {  	s2 =	sadd.s32 s2, s14  }
0x8e: {  	[smem:$0x3FBA] =	sst s2  }
0x8f: {  	_ = 	snop  }
0x90: {  	s2 =	sld [smem:$0x3FD0];
	_ =	sdelay $0x2  }
0x91: {  	s15 =	simm.s32 $0xA;
	s4 =	simm.s32 $0x10  }
0x92: {  	[smem:s4], [sflag:s15] =	dma.local [hbm:s2], $0x1  }
0x93: {  	_ =	swait.eq [sflag:s15], $0x1  }
0x94: {  	[sflag:s15] =	ssyncset.done $0x0  }
0x95: {  	[sflag:s15] =	ssyncadd.s32 $0xFFFFFFFF  }
0x96: {  	s16 =	sld [smem:$0x11];
	(tm) =	ssettm $0x1  }
0x97: {  	s17 =	sld [smem:$0x3FFB];
	_ =	sdelay $0x3  }
0x98: {  	_ =	strace s17  }
0x99: {  	s3 =	sld [smem:$0x3FFC];
	_ =	sdelay $0x3  }
0x9a: {  	_ =	strace s3  }
0x9b: {  	s3 =	sld [smem:$0x3FFD];
	_ =	sdelay $0x3  }
0x9c: {  	_ =	strace s3  }
0x9d: {  	_ =	strace $0x8FFFFFFF  }
0x9e: {  	s18 =	sld [smem:$0x3FDB];
	_ =	sdelay $0x1  }
0x9f: {  	s19 =	simm.s32 $_scs_section_size  }
0xa0: {  	s5 =	simm.s32 $_size__tile_overlayer_lowered;
	s6 =	simm.s32 $_tile_overlayer_lowered  }
0xa1: {  	s22 =	simm.s32 $0x1BFF;
	s21 =	sshll.u32 s6, $0x1;
	s3 =	sadd.s32 s19, s18  }
0xa2: {  	s7 =	simm.s32 $0x0;
	s20 =	sshll.u32 s5, $0x1;
	s5 =	sadd.s32 s21, s3  }
0xa3: {  	[timem:s7], [sflag:s22] =	dma.local [hbm:s5], s20  }
0xa4: {  	_ =	swait.ge [sflag:s22], s20  }
0xa5: {  	s4 =	ssub.s32 $0x0, s20;
	[sflag:s22] =	ssyncset.done $0x0  }
0xa6: {  	[sflag:s22] =	ssyncadd.s32 s4;
	_ =	sdelay $0x1  }
0xa7: {  	s23 =	simm.s32 $0x1B8B  }
0xa8: {  	_ =	swait.ge [sflag:s23], $0x1  }
0xa9: {  	[sflag:s23] =	ssyncset.done $0x0  }
0xaa: {  	s25 =	simm.s32 $0x1B8E;
	s24 =	sld [smem:$0x3FFE];
	[sflag:s23] =	ssyncadd.s32 $0xFFFFFFFF  }
0xab: {  	s26 =	simm.s32 $execute0_lowered;
	[smem:$0x3FD2] =	sst s25  }
0xac: {  	s5 =	sshll.u32 s26, $0x1;
	_ =	strace $0x80000049;
	[dreg:$0x1] =	wrdreg $0xFFFFFFFF  }
0xad: {  	s28 =	simm.s32 $_size_execute0_lowered;
	s3 =	sadd.s32 s3, s5;
	[dreg:$0x0] =	wrdreg $0x0  }
0xae: {  	s5 =	sshll.u32 s28, $0x1;
	[dreg:$0x2] =	wrdreg s3  }
0xaf: {  	[dreg:$0x3] =	wrdreg s5  }
0xb0: {  	[dreg:$0x4] =	wrdreg $0xC0  }
0xb1: {  	_ =	task [dreg:s7], $0x5FFFF  }
0xb2: {  	[dreg:$0x1] =	wrdreg $0xFFFFFFFF  }
0xb3: {  	[dreg:$0x0] =	wrdreg $0x60  }
0xb4: {  	[dreg:$0x2] =	wrdreg s16  }
0xb5: {  	[dreg:$0x3] =	wrdreg s24  }
0xb6: {  	[dreg:$0x4] =	wrdreg $0xA8000  }
0xb7: {  	[dreg:$0x5] =	wrdreg $0x9  }
0xb8: {  	_ =	task.clear_ibuf [dreg:s7], $0x6FFFF;
	_ =	strace $0x90000049  }
0xb9: {  	s29 =	simm.s32 $0x9;
	_ =	strace $0x8000004B  }
0xba: {  	_ =	swait.ge [sflag:s29], $0x1  }
0xbb: {  	[sflag:s29] =	ssyncadd.s32 $0xFFFFFFFF  }
0xbc: {  	_ =	strace $0x9000004B  }
0xbd: {  	_ =	sfence  }
0xbe: {  	s30 =	sld [smem:$0x0];
	_ =	sdelay $0x2  }
0xbf: {  	s31 =	sshll.u32 s1, $0xD;
	s1 =	sshrl.u32 s1, $0x2  }
0xc0: {  	s3 =	sand.u32 $0x4000, s31;
	s1 =	sadd.s32 s1, s30  }
0xc1: {  	s0 =	sor.u32 s3, s0;
	s1 =	sshll.u32 s1, $0x11  }
0xc2: {  	s0 =	sor.u32 s1, s0  }
0xc3: {  	s0 =	sadd.s32 $0x8F2B, s0  }
0xc4: {  	[sflag:s0] =	ssyncadd.remote.s32 $0x1  }
0xc5: {  	_ =	sfence.sel $0xFFFF  }
0xc6: {  	[dreg:$0x0] =	wrdreg $0xFFFFFFFF;
	(pc) =	sbr.abs _section_cstart, $3  }
0xc7: {  	[dreg:$0x1] =	wrdreg $0xFFFFFFFF  }
0xc8: {  	_ =	task.clear_ibuf [dreg:s7], $0x2FFFF;
	_ =	strace $0x9FFFFFFF  }
0xc9: {  	(tm) =	ssettm $0x7FFFFFFF  }
tec
execute0_lowered:
.L_overlay_start_1:
0x0: {  	(tag) =	ssettag $0x1  }
0x1: {  	s1 =	rddreg [dreg:$0x0]  }
0x2: {  	s5 =	rddreg [dreg:$0x1]  }
0x3: {  	s2 =	rddreg [dreg:$0x2]  }
0x4: {  	s3 =	srdreg.scid;
	s0 =	rddreg [dreg:$0x3]  }
0x5: {  	s4 =	simm.s32 $0x0;
	s17 =	simm.s32 $0x2800;
	s18 =	simm.s32 $0x5  }
0x6: {  	s19 =	simm.s32 $0x3;
	s20 =	simm.s32 $0x4;
	s21 =	simm.s32 $0x80  }
0x7: {  	s22 =	simm.s32 $0x6800;
	s23 =	simm.s32 $0x1;
	s24 =	simm.s32 $0x2  }
0x8: {  	s25 =	simm.s32 $0x2700;
	s6 =	sand.u32 $0x1, s3;
	s3 =	stileid.u32  }
0x9: {  	s28 =	simm.s32 $0x0;
	[smem:$0x7FF] =	sst s4;
	s7 =	smul.u32 $0x13C000, s6  }
0xa: {  	s12 =	sadd.s32 $0x4A00, s5;
	s13 =	sadd.s32 $0xEA00, s5;
	s8 =	smul.u32 $0x13C00, s3  }
0xb: {  	s9 =	sshll.u32 s6, $0x4;
	_ =	strace $0x8000004A;
	s6 =	ssub.s32 $0x2, s6  }
0xc: {  	s29 =	smul.u32 $0x4F000, s3;
	s9 =	sor.u32 s3, s9;
	s30 =	sshrl.u32 s6, $0x1  }
0xd: {  	s7 =	sadd.s32 s8, s7;
	s26 =	smul.u32 $0x2800, s9;
	s15 =	ssub.s32 s6, s30  }
0xe: {  	s31 =	sshrl.u32 s29, $0x2;
	s7 =	sshrl.u32 s7, $0x3;
	s15 =	smax.u32 s15, $0x1  }
0xf: {  	s14 =	sadd.s32 s7, s5;
	s10 =	sshrl.u32 s26, $0x3;
	s7 =	sadd.s32 s31, s2  }
0x10: {  	s26 =	simm.s32 $0x2780;
	s5 =	sadd.s32 s12, s10;
	s6 =	sadd.s32 s13, s10  }
0x11: {  	s8 =	sadd.s32 $0x4000, s7;
	s9 =	sadd.s32 $0x8000, s7;
	s16 =	sadd.s32 $0x280, s10  }
0x12: {  	s10 =	sadd.s32 $0xC000, s7;
	s11 =	sadd.s32 $0x10000, s7;
	s14 =	sadd.s32 $0xB6A00, s14  }
0x13: {  	v0 =	vimm.f32 $0.0e+00;
	s12 =	sadd.s32 s12, s16;
	s13 =	sadd.s32 s13, s16;
	s16 =	simm.s32 $0x1400  }
.LBB2_1:
0x14: {  	[tilespmem:s4], [sflag:$0x3] =	stream.linear.gather [hbm4b:s5+s4], $0x1400, $0x38;
	[tilespmem:$0x1E400] =	vst v63  }
0x15: {  	s29 =	simm.s32 $0x0;
	s30 =	simm.s32 $0x200  }
0x16: {  	[tilespmem:s16], [sflag:$0x4] =	stream.linear.gather [hbm4b:s6+s4], $0x1400, $0x38;
	[tilespmem:$0x1E400] =	vst v63  }
.LBB2_2:
0x17: {  	p0 =	sne.s32 s30, $0xFE00;
	[tilespmem:s29+$0x2870] =	vst v0  }
0x18: {  	[tilespmem:s29+$0x2800] =	vst v0  }
0x19: {  	[tilespmem:s29+$0x2810] =	vst v0  }
.Ltmp0:
0x1a: {  	[tilespmem:s29+$0x2820] =	vst v0;
	(pc) =	sbr.rel @p0 .LBB2_2-.Ltmp0, $4  }
0x1b: {  	[tilespmem:s29+$0x2830] =	vst v0  }
0x1c: {  	[tilespmem:s29+$0x2840] =	vst v0  }
0x1d: {  	[tilespmem:s29+$0x2850] =	vst v0  }
0x1e: {  	[tilespmem:s29+$0x2860] =	vst v0;
	s29 =	sshra.s32 s30, $0x2;
	s30 =	sadd.s32 $0x200, s30  }
0x1f: {  	[tilespmem:s29+$0x2870] =	vst v0  }
0x20: {  	[tilespmem:s29+$0x2800] =	vst v0  }
0x21: {  	[tilespmem:s29+$0x2810] =	vst v0  }
0x22: {  	[tilespmem:s29+$0x2820] =	vst v0  }
0x23: {  	[tilespmem:s29+$0x2830] =	vst v0  }
0x24: {  	[tilespmem:s29+$0x2840] =	vst v0  }
0x25: {  	[tilespmem:s29+$0x2850] =	vst v0  }
0x26: {  	[tilespmem:s29+$0x2860] =	vst v0  }
0x27: {  	[spmem:s7] =	stream.linear.scatter [tilespmem:s17], [sflag:$0x5], $0x4000, $0x38;
	[tilespmem:$0x1E400] =	vst v63  }
0x28: {  	_ =	swait.ge [sflag:s18], $0x4000  }
0x29: {  	[sflag:s18] =	ssyncset.done $0x0  }
0x2a: {  	[sflag:s18] =	ssyncadd.s32 $0xFFFFC000  }
0x2b: {  	[spmem:s8] =	stream.linear.scatter [tilespmem:s17], [sflag:$0x5], $0x4000, $0x38;
	[tilespmem:$0x1E400] =	vst v63  }
0x2c: {  	_ =	swait.ge [sflag:s18], $0x4000  }
0x2d: {  	[sflag:s18] =	ssyncset.done $0x0  }
0x2e: {  	[sflag:s18] =	ssyncadd.s32 $0xFFFFC000  }
0x2f: {  	[spmem:s9] =	stream.linear.scatter [tilespmem:s17], [sflag:$0x5], $0x4000, $0x38;
	[tilespmem:$0x1E400] =	vst v63  }
0x30: {  	_ =	swait.ge [sflag:s18], $0x4000  }
0x31: {  	[sflag:s18] =	ssyncset.done $0x0  }
0x32: {  	[sflag:s18] =	ssyncadd.s32 $0xFFFFC000  }
0x33: {  	[spmem:s10] =	stream.linear.scatter [tilespmem:s17], [sflag:$0x5], $0x4000, $0x38;
	[tilespmem:$0x1E400] =	vst v63  }
0x34: {  	_ =	swait.ge [sflag:s18], $0x4000  }
0x35: {  	[sflag:s18] =	ssyncset.done $0x0  }
0x36: {  	[sflag:s18] =	ssyncadd.s32 $0xFFFFC000  }
0x37: {  	[spmem:s11] =	stream.linear.scatter [tilespmem:s17], [sflag:$0x5], $0x3C00, $0x38;
	[tilespmem:$0x1E400] =	vst v63  }
0x38: {  	_ =	swait.ge [sflag:s18], $0x3C00  }
0x39: {  	[sflag:s18] =	ssyncset.done $0x0  }
0x3a: {  	[sflag:s18] =	ssyncadd.s32 $0xFFFFC400  }
0x3b: {  	_ =	swait.ge [sflag:s19], $0x1400  }
0x3c: {  	[sflag:s19] =	ssyncset.done $0x0  }
0x3d: {  	[sflag:s19] =	ssyncadd.s32 $0xFFFFEC00  }
0x3e: {  	_ =	swait.ge [sflag:s20], $0x1400  }
0x3f: {  	[sflag:s20] =	ssyncset.done $0x0  }
0x40: {  	s29 =	simm.s32 $0x0;
	[sflag:s20] =	ssyncadd.s32 $0xFFFFEC00  }
0x41: {  	[tilespmem:s17], [sflag:$0x1] =	stream.indirect.gather [hbm4b:s1+s21], $0x80, s29, s21, $0xb8;
	[tilespmem:$0x1E400] =	vst v63  }
0x42: {  	_ = 	snop  }
0x43: {  	[tilespmem:s22], [sflag:$0x2] =	stream.indirect.gather [hbm4b:s1+s21], $0x80, s21, s21, $0xb8;
	[tilespmem:$0x1E400] =	vst v63  }
0x44: {  	[bflag:$0x0] =	sbarrier.arrive $0xFFFF  }
0x45: {  	_ =	swait.ge [sflag:s23], $0x4000  }
0x46: {  	[sflag:s23] =	ssyncset.done $0x0  }
0x47: {  	s29 =	simm.s32 $0x1400;
	[sflag:s23] =	ssyncadd.s32 $0xFFFFC000  }
0x48: {  	[spmem:s2] =	stream.indirect.scatter.add.f32 [tilespmem:s17], [sflag:$0x3], $0x80, s29, s21, $0xb8;
	[tilespmem:$0x1E400] =	vst v63  }
0x49: {  	_ =	swait.ge [sflag:s24], $0x4000  }
0x4a: {  	[sflag:s24] =	ssyncset.done $0x0  }
0x4b: {  	s29 =	simm.s32 $0x1480;
	[sflag:s24] =	ssyncadd.s32 $0xFFFFC000  }
0x4c: {  	[spmem:s2] =	stream.indirect.scatter.add.f32 [tilespmem:s22], [sflag:$0x4], $0x80, s29, s21, $0xb8;
	[tilespmem:$0x1E400] =	vst v63  }
0x4d: {  	_ =	swait.ge [sflag:s19], $0x4000  }
0x4e: {  	[sflag:s19] =	ssyncset.done $0x0  }
0x4f: {  	s29 =	simm.s32 $0x100;
	[sflag:s19] =	ssyncadd.s32 $0xFFFFC000  }
0x50: {  	[tilespmem:s17], [sflag:$0x1] =	stream.indirect.gather [hbm4b:s1+s21], $0x80, s29, s21, $0xb8;
	[tilespmem:$0x1E400] =	vst v63  }
0x51: {  	_ =	swait.ge [sflag:s20], $0x4000  }
0x52: {  	[sflag:s20] =	ssyncset.done $0x0  }
0x53: {  	s30 =	simm.s32 $0x180;
	s29 =	simm.s32 $0x400;
	[sflag:s20] =	ssyncadd.s32 $0xFFFFC000  }
.LBB2_4:
0x54: {  	[tilespmem:s22], [sflag:$0x2] =	stream.indirect.gather [hbm4b:s1+s21], $0x80, s30, s21, $0xb8;
	[tilespmem:$0x1E400] =	vst v63  }
0x55: {  	s30 =	smov.u32 s29  }
0x56: {  	p0 =	sne.s32 s29, $0x4800;
	s29 =	sadd.s32 $0x400, s29;
	_ =	swait.ge [sflag:s23], $0x4000  }
0x57: {  	s30 =	sshra.s32 s30, $0x2;
	[sflag:s23] =	ssyncset.done $0x0  }
0x58: {  	s31 =	sadd.s32 $0x1400, s30;
	[sflag:s23] =	ssyncadd.s32 $0xFFFFC000  }
0x59: {  	[spmem:s2] =	stream.indirect.scatter.add.f32 [tilespmem:s17], [sflag:$0x3], $0x80, s31, s21, $0xb8;
	[tilespmem:$0x1E400] =	vst v63  }
0x5a: {  	_ =	swait.ge [sflag:s24], $0x4000  }
0x5b: {  	[sflag:s24] =	ssyncset.done $0x0  }
0x5c: {  	s31 =	sadd.s32 $0x1480, s30;
	[sflag:s24] =	ssyncadd.s32 $0xFFFFC000  }
0x5d: {  	[spmem:s2] =	stream.indirect.scatter.add.f32 [tilespmem:s22], [sflag:$0x4], $0x80, s31, s21, $0xb8;
	[tilespmem:$0x1E400] =	vst v63  }
0x5e: {  	_ =	swait.ge [sflag:s19], $0x4000  }
0x5f: {  	[sflag:s19] =	ssyncset.done $0x0  }
.Ltmp1:
0x60: {  	s31 =	sadd.s32 $0x100, s30;
	[sflag:s19] =	ssyncadd.s32 $0xFFFFC000;
	(pc) =	sbr.rel @p0 .LBB2_4-.Ltmp1, $4  }
0x61: {  	[tilespmem:s17], [sflag:$0x1] =	stream.indirect.gather [hbm4b:s1+s21], $0x80, s31, s21, $0xb8;
	[tilespmem:$0x1E400] =	vst v63  }
0x62: {  	_ =	swait.ge [sflag:s20], $0x4000  }
0x63: {  	[sflag:s20] =	ssyncset.done $0x0  }
0x64: {  	s30 =	sadd.s32 $0x180, s30;
	[sflag:s20] =	ssyncadd.s32 $0xFFFFC000  }
0x65: {  	[tilespmem:s22], [sflag:$0x2] =	stream.indirect.gather [hbm4b:s1+s21], $0x80, s30, s21, $0xb8;
	[tilespmem:$0x1E400] =	vst v63  }
0x66: {  	_ =	swait.ge [sflag:s23], $0x4000  }
0x67: {  	[sflag:s23] =	ssyncset.done $0x0  }
0x68: {  	[sflag:s23] =	ssyncadd.s32 $0xFFFFC000  }
0x69: {  	[spmem:s2] =	stream.indirect.scatter.add.f32 [tilespmem:s17], [sflag:$0x5], $0x80, s25, s21, $0xb8;
	[tilespmem:$0x1E400] =	vst v63  }
0x6a: {  	_ =	swait.ge [sflag:s18], $0x4000  }
0x6b: {  	[sflag:s18] =	ssyncset.done $0x0  }
0x6c: {  	[sflag:s18] =	ssyncadd.s32 $0xFFFFC000  }
0x6d: {  	_ =	swait.ge [sflag:s24], $0x4000  }
0x6e: {  	[sflag:s24] =	ssyncset.done $0x0  }
0x6f: {  	[sflag:s24] =	ssyncadd.s32 $0xFFFFC000  }
0x70: {  	[spmem:s2] =	stream.indirect.scatter.add.f32 [tilespmem:s22], [sflag:$0x5], $0x80, s26, s21, $0xb8;
	[tilespmem:$0x1E400] =	vst v63  }
0x71: {  	_ =	swait.ge [sflag:s18], $0x4000  }
0x72: {  	[sflag:s18] =	ssyncset.done $0x0  }
0x73: {  	s29 =	simm.s32 $0x0;
	[sflag:s18] =	ssyncadd.s32 $0xFFFFC000  }
0x74: {  	[tilespmem:s29], [sflag:$0x5] =	stream.linear.gather [hbm4b:s12+s29], $0x1400, $0x38;
	[tilespmem:$0x1E400] =	vst v63  }
0x75: {  	_ =	swait.ge [sflag:s18], $0x1400  }
0x76: {  	[sflag:s18] =	ssyncset.done $0x0  }
0x77: {  	[sflag:s18] =	ssyncadd.s32 $0xFFFFEC00  }
0x78: {  	[tilespmem:s16], [sflag:$0x5] =	stream.linear.gather [hbm4b:s13+s29], $0x1400, $0x38;
	[tilespmem:$0x1E400] =	vst v63  }
0x79: {  	_ =	swait.ge [sflag:s18], $0x1400  }
0x7a: {  	[sflag:s18] =	ssyncset.done $0x0  }
0x7b: {  	[sflag:s18] =	ssyncadd.s32 $0xFFFFEC00  }
0x7c: {  	[tilespmem:s17], [sflag:$0x1] =	stream.indirect.gather [hbm4b:s1+s21], $0x80, s29, s21, $0xb8;
	[tilespmem:$0x1E400] =	vst v63  }
0x7d: {  	_ = 	snop  }
0x7e: {  	[tilespmem:s22], [sflag:$0x2] =	stream.indirect.gather [hbm4b:s1+s21], $0x80, s21, s21, $0xb8;
	[tilespmem:$0x1E400] =	vst v63  }
0x7f: {  	_ =	swait.ge [sflag:s23], $0x4000  }
0x80: {  	[sflag:s23] =	ssyncset.done $0x0  }
0x81: {  	s29 =	simm.s32 $0x1400;
	[sflag:s23] =	ssyncadd.s32 $0xFFFFC000  }
0x82: {  	[spmem:s2] =	stream.indirect.scatter.add.f32 [tilespmem:s17], [sflag:$0x3], $0x80, s29, s21, $0xb8;
	[tilespmem:$0x1E400] =	vst v63  }
0x83: {  	_ =	swait.ge [sflag:s24], $0x4000  }
0x84: {  	[sflag:s24] =	ssyncset.done $0x0  }
0x85: {  	s29 =	simm.s32 $0x1480;
	[sflag:s24] =	ssyncadd.s32 $0xFFFFC000  }
0x86: {  	[spmem:s2] =	stream.indirect.scatter.add.f32 [tilespmem:s22], [sflag:$0x4], $0x80, s29, s21, $0xb8;
	[tilespmem:$0x1E400] =	vst v63  }
0x87: {  	_ =	swait.ge [sflag:s19], $0x4000  }
0x88: {  	[sflag:s19] =	ssyncset.done $0x0  }
0x89: {  	s29 =	simm.s32 $0x100;
	[sflag:s19] =	ssyncadd.s32 $0xFFFFC000  }
0x8a: {  	[tilespmem:s17], [sflag:$0x1] =	stream.indirect.gather [hbm4b:s1+s21], $0x80, s29, s21, $0xb8;
	[tilespmem:$0x1E400] =	vst v63  }
0x8b: {  	_ =	swait.ge [sflag:s20], $0x4000  }
0x8c: {  	[sflag:s20] =	ssyncset.done $0x0  }
0x8d: {  	s30 =	simm.s32 $0x180;
	s29 =	simm.s32 $0x400;
	[sflag:s20] =	ssyncadd.s32 $0xFFFFC000  }
.LBB2_6:
0x8e: {  	[tilespmem:s22], [sflag:$0x2] =	stream.indirect.gather [hbm4b:s1+s21], $0x80, s30, s21, $0xb8;
	[tilespmem:$0x1E400] =	vst v63  }
0x8f: {  	s30 =	smov.u32 s29  }
0x90: {  	p0 =	sne.s32 s29, $0x4800;
	s29 =	sadd.s32 $0x400, s29;
	_ =	swait.ge [sflag:s23], $0x4000  }
0x91: {  	s30 =	sshra.s32 s30, $0x2;
	[sflag:s23] =	ssyncset.done $0x0  }
0x92: {  	s31 =	sadd.s32 $0x1400, s30;
	[sflag:s23] =	ssyncadd.s32 $0xFFFFC000  }
0x93: {  	[spmem:s2] =	stream.indirect.scatter.add.f32 [tilespmem:s17], [sflag:$0x3], $0x80, s31, s21, $0xb8;
	[tilespmem:$0x1E400] =	vst v63  }
0x94: {  	_ =	swait.ge [sflag:s24], $0x4000  }
0x95: {  	[sflag:s24] =	ssyncset.done $0x0  }
0x96: {  	s31 =	sadd.s32 $0x1480, s30;
	[sflag:s24] =	ssyncadd.s32 $0xFFFFC000  }
0x97: {  	[spmem:s2] =	stream.indirect.scatter.add.f32 [tilespmem:s22], [sflag:$0x4], $0x80, s31, s21, $0xb8;
	[tilespmem:$0x1E400] =	vst v63  }
0x98: {  	_ =	swait.ge [sflag:s19], $0x4000  }
0x99: {  	[sflag:s19] =	ssyncset.done $0x0  }
.Ltmp2:
0x9a: {  	s31 =	sadd.s32 $0x100, s30;
	[sflag:s19] =	ssyncadd.s32 $0xFFFFC000;
	(pc) =	sbr.rel @p0 .LBB2_6-.Ltmp2, $4  }
0x9b: {  	[tilespmem:s17], [sflag:$0x1] =	stream.indirect.gather [hbm4b:s1+s21], $0x80, s31, s21, $0xb8;
	[tilespmem:$0x1E400] =	vst v63  }
0x9c: {  	_ =	swait.ge [sflag:s20], $0x4000  }
0x9d: {  	[sflag:s20] =	ssyncset.done $0x0  }
0x9e: {  	s30 =	sadd.s32 $0x180, s30;
	[sflag:s20] =	ssyncadd.s32 $0xFFFFC000  }
0x9f: {  	[tilespmem:s22], [sflag:$0x2] =	stream.indirect.gather [hbm4b:s1+s21], $0x80, s30, s21, $0xb8;
	[tilespmem:$0x1E400] =	vst v63  }
0xa0: {  	_ =	swait.ge [sflag:s23], $0x4000  }
0xa1: {  	[sflag:s23] =	ssyncset.done $0x0  }
0xa2: {  	[sflag:s23] =	ssyncadd.s32 $0xFFFFC000  }
0xa3: {  	[spmem:s2] =	stream.indirect.scatter.add.f32 [tilespmem:s17], [sflag:$0x5], $0x80, s25, s21, $0xb8;
	[tilespmem:$0x1E400] =	vst v63  }
0xa4: {  	_ =	swait.ge [sflag:s18], $0x4000  }
0xa5: {  	[sflag:s18] =	ssyncset.done $0x0  }
0xa6: {  	[sflag:s18] =	ssyncadd.s32 $0xFFFFC000  }
0xa7: {  	_ =	swait.ge [sflag:s24], $0x4000  }
0xa8: {  	[sflag:s24] =	ssyncset.done $0x0  }
0xa9: {  	[sflag:s24] =	ssyncadd.s32 $0xFFFFC000  }
0xaa: {  	[spmem:s2] =	stream.indirect.scatter.add.f32 [tilespmem:s22], [sflag:$0x5], $0x80, s26, s21, $0xb8;
	[tilespmem:$0x1E400] =	vst v63  }
0xab: {  	_ =	swait.ge [sflag:s18], $0x4000  }
0xac: {  	s29 =	sshll.u32 s3, $0x6;
	s28 =	sadd.s32 $0x1, s28;
	[sflag:s18] =	ssyncset.done $0x0  }
0xad: {  	s31 =	sshrl.u32 s7, $0x3;
	p0 =	sne.s32 s28, s15;
	[sflag:s18] =	ssyncadd.s32 $0xFFFFC000  }
.Ltmp3:
0xae: {  	s29 =	sor.u32 $0x1C05, s29;
	[bflag:$0x0] =	sbarrier.arrive $0xFFFF;
	(pc) =	sbr.rel @p0 .LBB2_1-.Ltmp3, $4  }
0xaf: {  	[hbm:s14], [sflag:s29] =	dma.local [spmem:s31], $0x2780  }
0xb0: {  	_ =	swait.ge [sflag:s18], $0x2780  }
0xb1: {  	[sflag:s18] =	ssyncset.done $0x0  }
0xb2: {  	[sflag:s18] =	ssyncadd.s32 $0xFFFFD880  }
0xb3: {  	_ =	sfence.sel $0x180000  }
0xb4: {  	[bflag:$0x0] =	sbarrier.arrive $0xFFFF  }
0xb5: {  	p0 =	sne.s32 s3, $0x0;
	_ =	strace $0x9000004A  }
0xb6: {  	s0 =	sadd.s32 @!p0 $0x100000, s0;
	[bflag:$0x2] =	sbarrier.arrive $0xFFFF  }
0xb7: {  	[sflag:s0] =	ssyncadd.tile.s32 @!p0 $0x1;
	_ =	shalt  }
.Lfunc_end2:
_tile_overlayer_lowered:
.L_overlay_start_2:
0xb8: {  	(tag) =	ssettag $0x2  }
0xb9: {  	s0 =	rddreg [dreg:$0x0];
	s2 =	stileid.u32  }
0xba: {  	s1 =	rddreg [dreg:$0x1];
	p0 =	sne.s32 s2, $0x0  }
0xbb: {  	s3 =	rddreg [dreg:$0x2];
	[bflag:$0x3] =	sbarrier.arrive $0xFFFF;
	s2 =	simm.s32 @!p0 $0x1C05  }
0xbc: {  	[timem:s3], [sflag:s2] =	dma.local @!p0 [hbm:s0], s1  }
0xbd: {  	s0 =	simm.s32 @!p0 $0x5  }
0xbe: {  	_ =	swait.ge @!p0 [sflag:s0], s1  }
0xbf: {  	s1 =	ssub.s32 @!p0 $0x0, s1;
	[sflag:s0] =	ssyncset.done @!p0 $0x0  }
0xc0: {  	[sflag:s0] =	ssyncadd.s32 @!p0 s1  }
0xc1: {  	[bflag:$0x3] =	sbarrier.arrive $0xFFFF  }
0xc2: {  	_ =	shalt  }

// kernel: kernel.16.cloned.1.call-start
scs
__scs_entry_jumppad:
0x0: {  	(pc) =	sbr.rel $0x88, $3  }
0x1: {  	(tag) =	ssettag $0x0;
	lr =	simm.s32 $0x1  }
0x2: {  	[smem:$0x3F93] =	sst lr;
	_ =	strace $0xD0000000  }
0x3: {  	_ = 	snop  }
0x4: {  	_ = 	snop  }
0x5: {  	_ = 	snop  }
0x6: {  	_ = 	snop  }
0x7: {  	_ = 	snop  }
__scs_overlays_trampoline_lowered:
0x8: {  	[smem:$0x3FA2] =	sst s0  }
0x9: {  	[smem:$0x3FA3] =	sst s1  }
0xa: {  	[smem:$0x3FA4] =	sst s2  }
0xb: {  	[smem:$0x3FA5] =	sst s3  }
0xc: {  	[smem:$0x3FA6] =	sst s4  }
0xd: {  	[smem:$0x3FA7] =	sst s5  }
0xe: {  	[smem:$0x3FA8] =	sst s6  }
0xf: {  	[smem:$0x3FA9] =	sst s7  }
0x10: {  	[smem:$0x3FAA] =	sst s8  }
0x11: {  	[smem:$0x3FAB] =	sst s9;
	s0 =	simm.s32 @!p0 $0x0  }
0x12: {  	s1 =	sld [smem:$0x3F91];
	s0 =	simm.s32 @p0 $0x1  }
0x13: {  	[smem:$0x3FAC] =	sst s0;
	s0 =	simm.s32 @!p1 $0x0  }
0x14: {  	s2 =	sld [smem:$0x3F90];
	s0 =	simm.s32 @p1 $0x1  }
0x15: {  	[smem:$0x3FAD] =	sst s0;
	s0 =	simm.s32 @!p2 $0x0  }
0x16: {  	s3 =	sld [smem:$0x3FDB];
	s0 =	simm.s32 @p2 $0x1  }
0x17: {  	s4 =	simm.s32 $0x1BF5;
	[smem:$0x3FAF] =	sst s0  }
0x18: {  	s0 =	sld [smem:$0x3F92];
	_ =	swait.ge [sflag:s4], $0x0  }
0x19: {  	s7 =	sld [smem:$0x3F93]  }
0x1a: {  	s8 =	sadd.s32 $0xFFFFE003, lr  }
0x1b: {  	s9 =	sadd.s32 $0xFFFFFEF7, lr;
	s5 =	simm.s32 $0xFFFFFFFF;
	p2 =	slt.u32 s8, $0xFFFFF086  }
0x1c: {  	p1 =	slt.u32 s9, $0xF7A;
	s5 =	simm.s32 @!p2 $0x0  }
0x1d: {  	s5 =	simm.s32 @p1 $0x1;
	p0 =	seq.s32 s7, s2  }
0x1e: {  	s7 =	smul.u32 @!p0 $0xF7A, s2;
	p2 =	seq.s32 @!p0 s5, $0x0  }
0x1f: {  	s9 =	smul.u32 $0xF7A, s1;
	s8 =	simm.s32 @!p0 $0x1BF5;
	p2 =	por !p2, p0  }
0x20: {  	[sflag:s8] =	ssyncset.s32 @!p0 $0xFFFFF086;
	s6 =	sadd.s32 @!p0 s3, s7;
	s7 =	simm.s32 @!p0 $0x108  }
0x21: {  	s3 =	sadd.s32 s3, s9;
	s6 =	sadd.s32 @!p0 $0x88, s6;
	s7 =	simm.s32 @p2 $0x1082  }
0x22: {  	[simem:s7], [sflag:s8] =	dma.local @!p0 [hbm:s6], $0xF7A  }
0x23: {  	s9 =	sor.u32 $0xD0000000, s2;
	s6 =	simm.s32 $0x108;
	_ =	swait.ge @!p0 [sflag:s8], $0x0  }
0x24: {  	s3 =	sadd.s32 $0x88, s3;
	s6 =	simm.s32 @!p1 $0x1082;
	[sflag:s4] =	ssyncset.s32 $0xFFFFF086  }
0x25: {  	[simem:s6], [sflag:s4] =	dma.local [hbm:s3], $0xF7A  }
0x26: {  	[smem:$0x3F93] =	sst s1;
	(tag) =	ssettag s2;
	_ =	strace s9  }
0x27: {  	s1 =	sld [smem:$0x3FA3]  }
0x28: {  	s2 =	sld [smem:$0x3FA4]  }
0x29: {  	s4 =	sld [smem:$0x3FA6]  }
0x2a: {  	p0 =	seq.s32 s5, $0x0;
	s5 =	sld [smem:$0x3FA7]  }
0x2b: {  	s6 =	sld [smem:$0x3FA8]  }
0x2c: {  	s7 =	sld [smem:$0x3FA9]  }
0x2d: {  	s3 =	simm.s32 $0x108;
	s8 =	sld [smem:$0x3FAA]  }
0x2e: {  	s3 =	simm.s32 @!p0 $0x1082;
	s9 =	sld [smem:$0x3FAB]  }
0x2f: {  	lr =	sadd.s32 s0, s3;
	s0 =	sld [smem:$0x3FA2]  }
0x30: {  	s3 =	sld [smem:$0x3FA5]  }
0x31: {  	[smem:$0x3FAE] =	sst s10  }
0x32: {  	s10 =	sld [smem:$0x3FAC];
	_ =	sdelay $0x3  }
0x33: {  	p0 =	seq.s32 s10, $0x1;
	s10 =	sld [smem:$0x3FAE];
	_ =	sdelay $0x3  }
0x34: {  	[smem:$0x3FAE] =	sst s10  }
0x35: {  	s10 =	sld [smem:$0x3FAD];
	_ =	sdelay $0x3  }
0x36: {  	p1 =	seq.s32 s10, $0x1;
	s10 =	sld [smem:$0x3FAE];
	_ =	sdelay $0x3  }
0x37: {  	[smem:$0x3FAE] =	sst s10  }
0x38: {  	s10 =	sld [smem:$0x3FAF]  }
0x39: {  	_ = 	snop;
	(pc) =	sbr.ind lr, $3  }
0x3a: {  	_ = 	snop  }
0x3b: {  	_ = 	snop  }
0x3c: {  	p2 =	seq.s32 s10, $0x1;
	s10 =	sld [smem:$0x3FAE]  }
0x3d: {  	_ =	shalt  }
0x3e: {  	_ =	shalt  }
0x3f: {  	_ =	shalt  }
0x40: {  	_ =	shalt  }
0x41: {  	_ =	shalt  }
0x42: {  	_ =	shalt  }
0x43: {  	_ =	shalt  }
0x44: {  	_ =	shalt  }
0x45: {  	_ =	shalt  }
0x46: {  	_ =	shalt  }
0x47: {  	_ =	shalt  }
0x48: {  	_ =	shalt  }
0x49: {  	_ =	shalt  }
0x4a: {  	_ =	shalt  }
0x4b: {  	_ =	shalt  }
0x4c: {  	_ =	shalt  }
0x4d: {  	_ =	shalt  }
0x4e: {  	_ =	shalt  }
0x4f: {  	_ =	shalt  }
0x50: {  	_ =	shalt  }
0x51: {  	_ =	shalt  }
0x52: {  	_ =	shalt  }
0x53: {  	_ =	shalt  }
0x54: {  	_ =	shalt  }
0x55: {  	_ =	shalt  }
0x56: {  	_ =	shalt  }
0x57: {  	_ =	shalt  }
0x58: {  	_ =	shalt  }
0x59: {  	_ =	shalt  }
0x5a: {  	_ =	shalt  }
0x5b: {  	_ =	shalt  }
0x5c: {  	_ =	shalt  }
0x5d: {  	_ =	shalt  }
0x5e: {  	_ =	shalt  }
0x5f: {  	_ =	shalt  }
0x60: {  	_ =	shalt  }
0x61: {  	_ =	shalt  }
0x62: {  	_ =	shalt  }
0x63: {  	_ =	shalt  }
0x64: {  	_ =	shalt  }
0x65: {  	_ =	shalt  }
0x66: {  	_ =	shalt  }
0x67: {  	_ =	shalt  }
0x68: {  	_ =	shalt  }
0x69: {  	_ =	shalt  }
0x6a: {  	_ =	shalt  }
0x6b: {  	_ =	shalt  }
0x6c: {  	_ =	shalt  }
0x6d: {  	_ =	shalt  }
0x6e: {  	_ =	shalt  }
0x6f: {  	_ =	shalt  }
0x70: {  	_ =	shalt  }
0x71: {  	_ =	shalt  }
0x72: {  	_ =	shalt  }
0x73: {  	_ =	shalt  }
0x74: {  	_ =	shalt  }
0x75: {  	_ =	shalt  }
0x76: {  	_ =	shalt  }
0x77: {  	_ =	shalt  }
0x78: {  	_ =	shalt  }
0x79: {  	_ =	shalt  }
0x7a: {  	_ =	shalt  }
0x7b: {  	_ =	shalt  }
0x7c: {  	_ =	shalt  }
0x7d: {  	_ =	shalt  }
0x7e: {  	_ =	shalt  }
0x7f: {  	_ =	shalt  }
0x80: {  	_ =	shalt  }
0x81: {  	_ =	shalt  }
0x82: {  	_ =	shalt  }
0x83: {  	_ =	shalt  }
0x84: {  	_ =	shalt  }
0x85: {  	_ =	shalt  }
0x86: {  	_ =	shalt  }
0x87: {  	_ =	shalt  }
.Lfunc_end0:
.L_simem_size_0:
called_computation.2_lowered:
.L_overlay_start_0:
0x88: {  	s2 =	sld [smem:$0x3FD9]  }
0x89: {  	s3 =	sld [smem:$0x3FFE];
	_ =	sdelay $0x1  }
0x8a: {  	s1 =	srdreg.scid  }
0x8b: {  	s0 =	sand.u32 $0x1, s1  }
0x8c: {  	s14 =	sshll.u32 s0, $0xA;
	s2 =	sadd.s32 s3, s2  }
0x8d: {  	s2 =	sadd.s32 s2, s14  }
0x8e: {  	[smem:$0x3FBA] =	sst s2  }
0x8f: {  	_ = 	snop  }
0x90: {  	s2 =	sld [smem:$0x3FD0];
	_ =	sdelay $0x2  }
0x91: {  	s15 =	simm.s32 $0xA;
	s4 =	simm.s32 $0x10  }
0x92: {  	[smem:s4], [sflag:s15] =	dma.local [hbm:s2], $0x1  }
0x93: {  	_ =	swait.eq [sflag:s15], $0x1  }
0x94: {  	[sflag:s15] =	ssyncset.done $0x0  }
0x95: {  	[sflag:s15] =	ssyncadd.s32 $0xFFFFFFFF  }
0x96: {  	s16 =	sld [smem:$0x11];
	(tm) =	ssettm $0x1  }
0x97: {  	s17 =	sld [smem:$0x3FFB];
	_ =	sdelay $0x3  }
0x98: {  	_ =	strace s17  }
0x99: {  	s3 =	sld [smem:$0x3FFC];
	_ =	sdelay $0x3  }
0x9a: {  	_ =	strace s3  }
0x9b: {  	s3 =	sld [smem:$0x3FFD];
	_ =	sdelay $0x3  }
0x9c: {  	_ =	strace s3  }
0x9d: {  	_ =	strace $0x8FFFFFFF  }
0x9e: {  	s18 =	sld [smem:$0x3FDB];
	_ =	sdelay $0x1  }
0x9f: {  	s19 =	simm.s32 $_scs_section_size  }
0xa0: {  	s5 =	simm.s32 $_size__tile_overlayer_lowered;
	s6 =	simm.s32 $_tile_overlayer_lowered  }
0xa1: {  	s22 =	simm.s32 $0x1BFF;
	s21 =	sshll.u32 s6, $0x1;
	s3 =	sadd.s32 s19, s18  }
0xa2: {  	s7 =	simm.s32 $0x0;
	s20 =	sshll.u32 s5, $0x1;
	s5 =	sadd.s32 s21, s3  }
0xa3: {  	[timem:s7], [sflag:s22] =	dma.local [hbm:s5], s20  }
0xa4: {  	_ =	swait.ge [sflag:s22], s20  }
0xa5: {  	s4 =	ssub.s32 $0x0, s20;
	[sflag:s22] =	ssyncset.done $0x0  }
0xa6: {  	[sflag:s22] =	ssyncadd.s32 s4;
	_ =	sdelay $0x1  }
0xa7: {  	s23 =	simm.s32 $0x1B8B  }
0xa8: {  	_ =	swait.ge [sflag:s23], $0x1  }
0xa9: {  	[sflag:s23] =	ssyncset.done $0x0  }
0xaa: {  	s25 =	simm.s32 $0x1B8E;
	s24 =	sld [smem:$0x3FFE];
	[sflag:s23] =	ssyncadd.s32 $0xFFFFFFFF  }
0xab: {  	s26 =	simm.s32 $execute0_lowered;
	[smem:$0x3FD2] =	sst s25  }
0xac: {  	s5 =	sshll.u32 s26, $0x1;
	_ =	strace $0x8000004C;
	[dreg:$0x1] =	wrdreg $0xFFFFFFFF  }
0xad: {  	s28 =	simm.s32 $_size_execute0_lowered;
	s3 =	sadd.s32 s3, s5;
	[dreg:$0x0] =	wrdreg $0x0  }
0xae: {  	s5 =	sshll.u32 s28, $0x1;
	[dreg:$0x2] =	wrdreg s3  }
0xaf: {  	[dreg:$0x3] =	wrdreg s5  }
0xb0: {  	[dreg:$0x4] =	wrdreg $0xC0  }
0xb1: {  	_ =	task [dreg:s7], $0x5FFFF  }
0xb2: {  	[dreg:$0x1] =	wrdreg $0xFFFFFFFF  }
0xb3: {  	[dreg:$0x0] =	wrdreg $0x60  }
0xb4: {  	[dreg:$0x2] =	wrdreg s16  }
0xb5: {  	[dreg:$0x3] =	wrdreg s24  }
0xb6: {  	[dreg:$0x4] =	wrdreg $0xA8000  }
0xb7: {  	[dreg:$0x5] =	wrdreg $0x9  }
0xb8: {  	_ =	task.clear_ibuf [dreg:s7], $0x6FFFF;
	_ =	strace $0x9000004C  }
0xb9: {  	s29 =	simm.s32 $0x9;
	_ =	strace $0x8000004E  }
0xba: {  	_ =	swait.ge [sflag:s29], $0x1  }
0xbb: {  	[sflag:s29] =	ssyncadd.s32 $0xFFFFFFFF  }
0xbc: {  	_ =	strace $0x9000004E  }
0xbd: {  	_ =	sfence  }
0xbe: {  	s30 =	sld [smem:$0x0];
	_ =	sdelay $0x2  }
0xbf: {  	s31 =	sshll.u32 s1, $0xD;
	s1 =	sshrl.u32 s1, $0x2  }
0xc0: {  	s3 =	sand.u32 $0x4000, s31;
	s1 =	sadd.s32 s1, s30  }
0xc1: {  	s0 =	sor.u32 s3, s0;
	s1 =	sshll.u32 s1, $0x11  }
0xc2: {  	s0 =	sor.u32 s1, s0  }
0xc3: {  	s0 =	sadd.s32 $0x8F2B, s0  }
0xc4: {  	[sflag:s0] =	ssyncadd.remote.s32 $0x1  }
0xc5: {  	_ =	sfence.sel $0xFFFF  }
0xc6: {  	[dreg:$0x0] =	wrdreg $0xFFFFFFFF;
	(pc) =	sbr.abs _section_cstart, $3  }
0xc7: {  	[dreg:$0x1] =	wrdreg $0xFFFFFFFF  }
0xc8: {  	_ =	task.clear_ibuf [dreg:s7], $0x2FFFF;
	_ =	strace $0x9FFFFFFF  }
0xc9: {  	(tm) =	ssettm $0x7FFFFFFF  }
tec
execute0_lowered:
.L_overlay_start_1:
0x0: {  	(tag) =	ssettag $0x1  }
0x1: {  	s1 =	rddreg [dreg:$0x0]  }
0x2: {  	s5 =	rddreg [dreg:$0x1]  }
0x3: {  	s2 =	rddreg [dreg:$0x2]  }
0x4: {  	s3 =	srdreg.scid;
	s0 =	rddreg [dreg:$0x3]  }
0x5: {  	s4 =	simm.s32 $0x0;
	s17 =	simm.s32 $0x2800;
	s18 =	simm.s32 $0x5  }
0x6: {  	s19 =	simm.s32 $0x3;
	s20 =	simm.s32 $0x4;
	s21 =	simm.s32 $0x80  }
0x7: {  	s22 =	simm.s32 $0x6800;
	s23 =	simm.s32 $0x1;
	s24 =	simm.s32 $0x2  }
0x8: {  	s25 =	simm.s32 $0x2700;
	s6 =	sand.u32 $0x1, s3;
	s3 =	stileid.u32  }
0x9: {  	s28 =	simm.s32 $0x0;
	[smem:$0x7FF] =	sst s4;
	s7 =	smul.u32 $0x13C000, s6  }
0xa: {  	s12 =	sadd.s32 $0x4A00, s5;
	s13 =	sadd.s32 $0xEA00, s5;
	s8 =	smul.u32 $0x13C00, s3  }
0xb: {  	s9 =	sshll.u32 s6, $0x4;
	_ =	strace $0x8000004D;
	s6 =	ssub.s32 $0x2, s6  }
0xc: {  	s29 =	smul.u32 $0x4F000, s3;
	s9 =	sor.u32 s3, s9;
	s30 =	sshrl.u32 s6, $0x1  }
0xd: {  	s7 =	sadd.s32 s8, s7;
	s26 =	smul.u32 $0x2800, s9;
	s15 =	ssub.s32 s6, s30  }
0xe: {  	s31 =	sshrl.u32 s29, $0x2;
	s7 =	sshrl.u32 s7, $0x3;
	s15 =	smax.u32 s15, $0x1  }
0xf: {  	s14 =	sadd.s32 s7, s5;
	s10 =	sshrl.u32 s26, $0x3;
	s7 =	sadd.s32 s31, s2  }
0x10: {  	s26 =	simm.s32 $0x2780;
	s5 =	sadd.s32 s12, s10;
	s6 =	sadd.s32 s13, s10  }
0x11: {  	s8 =	sadd.s32 $0x4000, s7;
	s9 =	sadd.s32 $0x8000, s7;
	s16 =	sadd.s32 $0x280, s10  }
0x12: {  	s10 =	sadd.s32 $0xC000, s7;
	s11 =	sadd.s32 $0x10000, s7;
	s14 =	sadd.s32 $0xB6A00, s14  }
0x13: {  	v0 =	vimm.f32 $0.0e+00;
	s12 =	sadd.s32 s12, s16;
	s13 =	sadd.s32 s13, s16;
	s16 =	simm.s32 $0x1400  }
.LBB2_1:
0x14: {  	[tilespmem:s4], [sflag:$0x3] =	stream.linear.gather [hbm4b:s5+s4], $0x1400, $0x38;
	[tilespmem:$0x1E400] =	vst v63  }
0x15: {  	s29 =	simm.s32 $0x0;
	s30 =	simm.s32 $0x200  }
0x16: {  	[tilespmem:s16], [sflag:$0x4] =	stream.linear.gather [hbm4b:s6+s4], $0x1400, $0x38;
	[tilespmem:$0x1E400] =	vst v63  }
.LBB2_2:
0x17: {  	p0 =	sne.s32 s30, $0xFE00;
	[tilespmem:s29+$0x2870] =	vst v0  }
0x18: {  	[tilespmem:s29+$0x2800] =	vst v0  }
0x19: {  	[tilespmem:s29+$0x2810] =	vst v0  }
.Ltmp0:
0x1a: {  	[tilespmem:s29+$0x2820] =	vst v0;
	(pc) =	sbr.rel @p0 .LBB2_2-.Ltmp0, $4  }
0x1b: {  	[tilespmem:s29+$0x2830] =	vst v0  }
0x1c: {  	[tilespmem:s29+$0x2840] =	vst v0  }
0x1d: {  	[tilespmem:s29+$0x2850] =	vst v0  }
0x1e: {  	[tilespmem:s29+$0x2860] =	vst v0;
	s29 =	sshra.s32 s30, $0x2;
	s30 =	sadd.s32 $0x200, s30  }
0x1f: {  	[tilespmem:s29+$0x2870] =	vst v0  }
0x20: {  	[tilespmem:s29+$0x2800] =	vst v0  }
0x21: {  	[tilespmem:s29+$0x2810] =	vst v0  }
0x22: {  	[tilespmem:s29+$0x2820] =	vst v0  }
0x23: {  	[tilespmem:s29+$0x2830] =	vst v0  }
0x24: {  	[tilespmem:s29+$0x2840] =	vst v0  }
0x25: {  	[tilespmem:s29+$0x2850] =	vst v0  }
0x26: {  	[tilespmem:s29+$0x2860] =	vst v0  }
0x27: {  	[spmem:s7] =	stream.linear.scatter [tilespmem:s17], [sflag:$0x5], $0x4000, $0x38;
	[tilespmem:$0x1E400] =	vst v63  }
0x28: {  	_ =	swait.ge [sflag:s18], $0x4000  }
0x29: {  	[sflag:s18] =	ssyncset.done $0x0  }
0x2a: {  	[sflag:s18] =	ssyncadd.s32 $0xFFFFC000  }
0x2b: {  	[spmem:s8] =	stream.linear.scatter [tilespmem:s17], [sflag:$0x5], $0x4000, $0x38;
	[tilespmem:$0x1E400] =	vst v63  }
0x2c: {  	_ =	swait.ge [sflag:s18], $0x4000  }
0x2d: {  	[sflag:s18] =	ssyncset.done $0x0  }
0x2e: {  	[sflag:s18] =	ssyncadd.s32 $0xFFFFC000  }
0x2f: {  	[spmem:s9] =	stream.linear.scatter [tilespmem:s17], [sflag:$0x5], $0x4000, $0x38;
	[tilespmem:$0x1E400] =	vst v63  }
0x30: {  	_ =	swait.ge [sflag:s18], $0x4000  }
0x31: {  	[sflag:s18] =	ssyncset.done $0x0  }
0x32: {  	[sflag:s18] =	ssyncadd.s32 $0xFFFFC000  }
0x33: {  	[spmem:s10] =	stream.linear.scatter [tilespmem:s17], [sflag:$0x5], $0x4000, $0x38;
	[tilespmem:$0x1E400] =	vst v63  }
0x34: {  	_ =	swait.ge [sflag:s18], $0x4000  }
0x35: {  	[sflag:s18] =	ssyncset.done $0x0  }
0x36: {  	[sflag:s18] =	ssyncadd.s32 $0xFFFFC000  }
0x37: {  	[spmem:s11] =	stream.linear.scatter [tilespmem:s17], [sflag:$0x5], $0x3C00, $0x38;
	[tilespmem:$0x1E400] =	vst v63  }
0x38: {  	_ =	swait.ge [sflag:s18], $0x3C00  }
0x39: {  	[sflag:s18] =	ssyncset.done $0x0  }
0x3a: {  	[sflag:s18] =	ssyncadd.s32 $0xFFFFC400  }
0x3b: {  	_ =	swait.ge [sflag:s19], $0x1400  }
0x3c: {  	[sflag:s19] =	ssyncset.done $0x0  }
0x3d: {  	[sflag:s19] =	ssyncadd.s32 $0xFFFFEC00  }
0x3e: {  	_ =	swait.ge [sflag:s20], $0x1400  }
0x3f: {  	[sflag:s20] =	ssyncset.done $0x0  }
0x40: {  	s29 =	simm.s32 $0x0;
	[sflag:s20] =	ssyncadd.s32 $0xFFFFEC00  }
0x41: {  	[tilespmem:s17], [sflag:$0x1] =	stream.indirect.gather [hbm4b:s1+s21], $0x80, s29, s21, $0xb8;
	[tilespmem:$0x1E400] =	vst v63  }
0x42: {  	_ = 	snop  }
0x43: {  	[tilespmem:s22], [sflag:$0x2] =	stream.indirect.gather [hbm4b:s1+s21], $0x80, s21, s21, $0xb8;
	[tilespmem:$0x1E400] =	vst v63  }
0x44: {  	[bflag:$0x0] =	sbarrier.arrive $0xFFFF  }
0x45: {  	_ =	swait.ge [sflag:s23], $0x4000  }
0x46: {  	[sflag:s23] =	ssyncset.done $0x0  }
0x47: {  	s29 =	simm.s32 $0x1400;
	[sflag:s23] =	ssyncadd.s32 $0xFFFFC000  }
0x48: {  	[spmem:s2] =	stream.indirect.scatter.add.f32 [tilespmem:s17], [sflag:$0x3], $0x80, s29, s21, $0xb8;
	[tilespmem:$0x1E400] =	vst v63  }
0x49: {  	_ =	swait.ge [sflag:s24], $0x4000  }
0x4a: {  	[sflag:s24] =	ssyncset.done $0x0  }
0x4b: {  	s29 =	simm.s32 $0x1480;
	[sflag:s24] =	ssyncadd.s32 $0xFFFFC000  }
0x4c: {  	[spmem:s2] =	stream.indirect.scatter.add.f32 [tilespmem:s22], [sflag:$0x4], $0x80, s29, s21, $0xb8;
	[tilespmem:$0x1E400] =	vst v63  }
0x4d: {  	_ =	swait.ge [sflag:s19], $0x4000  }
0x4e: {  	[sflag:s19] =	ssyncset.done $0x0  }
0x4f: {  	s29 =	simm.s32 $0x100;
	[sflag:s19] =	ssyncadd.s32 $0xFFFFC000  }
0x50: {  	[tilespmem:s17], [sflag:$0x1] =	stream.indirect.gather [hbm4b:s1+s21], $0x80, s29, s21, $0xb8;
	[tilespmem:$0x1E400] =	vst v63  }
0x51: {  	_ =	swait.ge [sflag:s20], $0x4000  }
0x52: {  	[sflag:s20] =	ssyncset.done $0x0  }
0x53: {  	s30 =	simm.s32 $0x180;
	s29 =	simm.s32 $0x400;
	[sflag:s20] =	ssyncadd.s32 $0xFFFFC000  }
.LBB2_4:
0x54: {  	[tilespmem:s22], [sflag:$0x2] =	stream.indirect.gather [hbm4b:s1+s21], $0x80, s30, s21, $0xb8;
	[tilespmem:$0x1E400] =	vst v63  }
0x55: {  	s30 =	smov.u32 s29  }
0x56: {  	p0 =	sne.s32 s29, $0x4800;
	s29 =	sadd.s32 $0x400, s29;
	_ =	swait.ge [sflag:s23], $0x4000  }
0x57: {  	s30 =	sshra.s32 s30, $0x2;
	[sflag:s23] =	ssyncset.done $0x0  }
0x58: {  	s31 =	sadd.s32 $0x1400, s30;
	[sflag:s23] =	ssyncadd.s32 $0xFFFFC000  }
0x59: {  	[spmem:s2] =	stream.indirect.scatter.add.f32 [tilespmem:s17], [sflag:$0x3], $0x80, s31, s21, $0xb8;
	[tilespmem:$0x1E400] =	vst v63  }
0x5a: {  	_ =	swait.ge [sflag:s24], $0x4000  }
0x5b: {  	[sflag:s24] =	ssyncset.done $0x0  }
0x5c: {  	s31 =	sadd.s32 $0x1480, s30;
	[sflag:s24] =	ssyncadd.s32 $0xFFFFC000  }
0x5d: {  	[spmem:s2] =	stream.indirect.scatter.add.f32 [tilespmem:s22], [sflag:$0x4], $0x80, s31, s21, $0xb8;
	[tilespmem:$0x1E400] =	vst v63  }
0x5e: {  	_ =	swait.ge [sflag:s19], $0x4000  }
0x5f: {  	[sflag:s19] =	ssyncset.done $0x0  }
.Ltmp1:
0x60: {  	s31 =	sadd.s32 $0x100, s30;
	[sflag:s19] =	ssyncadd.s32 $0xFFFFC000;
	(pc) =	sbr.rel @p0 .LBB2_4-.Ltmp1, $4  }
0x61: {  	[tilespmem:s17], [sflag:$0x1] =	stream.indirect.gather [hbm4b:s1+s21], $0x80, s31, s21, $0xb8;
	[tilespmem:$0x1E400] =	vst v63  }
0x62: {  	_ =	swait.ge [sflag:s20], $0x4000  }
0x63: {  	[sflag:s20] =	ssyncset.done $0x0  }
0x64: {  	s30 =	sadd.s32 $0x180, s30;
	[sflag:s20] =	ssyncadd.s32 $0xFFFFC000  }
0x65: {  	[tilespmem:s22], [sflag:$0x2] =	stream.indirect.gather [hbm4b:s1+s21], $0x80, s30, s21, $0xb8;
	[tilespmem:$0x1E400] =	vst v63  }
0x66: {  	_ =	swait.ge [sflag:s23], $0x4000  }
0x67: {  	[sflag:s23] =	ssyncset.done $0x0  }
0x68: {  	[sflag:s23] =	ssyncadd.s32 $0xFFFFC000  }
0x69: {  	[spmem:s2] =	stream.indirect.scatter.add.f32 [tilespmem:s17], [sflag:$0x5], $0x80, s25, s21, $0xb8;
	[tilespmem:$0x1E400] =	vst v63  }
0x6a: {  	_ =	swait.ge [sflag:s18], $0x4000  }
0x6b: {  	[sflag:s18] =	ssyncset.done $0x0  }
0x6c: {  	[sflag:s18] =	ssyncadd.s32 $0xFFFFC000  }
0x6d: {  	_ =	swait.ge [sflag:s24], $0x4000  }
0x6e: {  	[sflag:s24] =	ssyncset.done $0x0  }
0x6f: {  	[sflag:s24] =	ssyncadd.s32 $0xFFFFC000  }
0x70: {  	[spmem:s2] =	stream.indirect.scatter.add.f32 [tilespmem:s22], [sflag:$0x5], $0x80, s26, s21, $0xb8;
	[tilespmem:$0x1E400] =	vst v63  }
0x71: {  	_ =	swait.ge [sflag:s18], $0x4000  }
0x72: {  	[sflag:s18] =	ssyncset.done $0x0  }
0x73: {  	s29 =	simm.s32 $0x0;
	[sflag:s18] =	ssyncadd.s32 $0xFFFFC000  }
0x74: {  	[tilespmem:s29], [sflag:$0x5] =	stream.linear.gather [hbm4b:s12+s29], $0x1400, $0x38;
	[tilespmem:$0x1E400] =	vst v63  }
0x75: {  	_ =	swait.ge [sflag:s18], $0x1400  }
0x76: {  	[sflag:s18] =	ssyncset.done $0x0  }
0x77: {  	[sflag:s18] =	ssyncadd.s32 $0xFFFFEC00  }
0x78: {  	[tilespmem:s16], [sflag:$0x5] =	stream.linear.gather [hbm4b:s13+s29], $0x1400, $0x38;
	[tilespmem:$0x1E400] =	vst v63  }
0x79: {  	_ =	swait.ge [sflag:s18], $0x1400  }
0x7a: {  	[sflag:s18] =	ssyncset.done $0x0  }
0x7b: {  	[sflag:s18] =	ssyncadd.s32 $0xFFFFEC00  }
0x7c: {  	[tilespmem:s17], [sflag:$0x1] =	stream.indirect.gather [hbm4b:s1+s21], $0x80, s29, s21, $0xb8;
	[tilespmem:$0x1E400] =	vst v63  }
0x7d: {  	_ = 	snop  }
0x7e: {  	[tilespmem:s22], [sflag:$0x2] =	stream.indirect.gather [hbm4b:s1+s21], $0x80, s21, s21, $0xb8;
	[tilespmem:$0x1E400] =	vst v63  }
0x7f: {  	_ =	swait.ge [sflag:s23], $0x4000  }
0x80: {  	[sflag:s23] =	ssyncset.done $0x0  }
0x81: {  	s29 =	simm.s32 $0x1400;
	[sflag:s23] =	ssyncadd.s32 $0xFFFFC000  }
0x82: {  	[spmem:s2] =	stream.indirect.scatter.add.f32 [tilespmem:s17], [sflag:$0x3], $0x80, s29, s21, $0xb8;
	[tilespmem:$0x1E400] =	vst v63  }
0x83: {  	_ =	swait.ge [sflag:s24], $0x4000  }
0x84: {  	[sflag:s24] =	ssyncset.done $0x0  }
0x85: {  	s29 =	simm.s32 $0x1480;
	[sflag:s24] =	ssyncadd.s32 $0xFFFFC000  }
0x86: {  	[spmem:s2] =	stream.indirect.scatter.add.f32 [tilespmem:s22], [sflag:$0x4], $0x80, s29, s21, $0xb8;
	[tilespmem:$0x1E400] =	vst v63  }
0x87: {  	_ =	swait.ge [sflag:s19], $0x4000  }
0x88: {  	[sflag:s19] =	ssyncset.done $0x0  }
0x89: {  	s29 =	simm.s32 $0x100;
	[sflag:s19] =	ssyncadd.s32 $0xFFFFC000  }
0x8a: {  	[tilespmem:s17], [sflag:$0x1] =	stream.indirect.gather [hbm4b:s1+s21], $0x80, s29, s21, $0xb8;
	[tilespmem:$0x1E400] =	vst v63  }
0x8b: {  	_ =	swait.ge [sflag:s20], $0x4000  }
0x8c: {  	[sflag:s20] =	ssyncset.done $0x0  }
0x8d: {  	s30 =	simm.s32 $0x180;
	s29 =	simm.s32 $0x400;
	[sflag:s20] =	ssyncadd.s32 $0xFFFFC000  }
.LBB2_6:
0x8e: {  	[tilespmem:s22], [sflag:$0x2] =	stream.indirect.gather [hbm4b:s1+s21], $0x80, s30, s21, $0xb8;
	[tilespmem:$0x1E400] =	vst v63  }
0x8f: {  	s30 =	smov.u32 s29  }
0x90: {  	p0 =	sne.s32 s29, $0x4800;
	s29 =	sadd.s32 $0x400, s29;
	_ =	swait.ge [sflag:s23], $0x4000  }
0x91: {  	s30 =	sshra.s32 s30, $0x2;
	[sflag:s23] =	ssyncset.done $0x0  }
0x92: {  	s31 =	sadd.s32 $0x1400, s30;
	[sflag:s23] =	ssyncadd.s32 $0xFFFFC000  }
0x93: {  	[spmem:s2] =	stream.indirect.scatter.add.f32 [tilespmem:s17], [sflag:$0x3], $0x80, s31, s21, $0xb8;
	[tilespmem:$0x1E400] =	vst v63  }
0x94: {  	_ =	swait.ge [sflag:s24], $0x4000  }
0x95: {  	[sflag:s24] =	ssyncset.done $0x0  }
0x96: {  	s31 =	sadd.s32 $0x1480, s30;
	[sflag:s24] =	ssyncadd.s32 $0xFFFFC000  }
0x97: {  	[spmem:s2] =	stream.indirect.scatter.add.f32 [tilespmem:s22], [sflag:$0x4], $0x80, s31, s21, $0xb8;
	[tilespmem:$0x1E400] =	vst v63  }
0x98: {  	_ =	swait.ge [sflag:s19], $0x4000  }
0x99: {  	[sflag:s19] =	ssyncset.done $0x0  }
.Ltmp2:
0x9a: {  	s31 =	sadd.s32 $0x100, s30;
	[sflag:s19] =	ssyncadd.s32 $0xFFFFC000;
	(pc) =	sbr.rel @p0 .LBB2_6-.Ltmp2, $4  }
0x9b: {  	[tilespmem:s17], [sflag:$0x1] =	stream.indirect.gather [hbm4b:s1+s21], $0x80, s31, s21, $0xb8;
	[tilespmem:$0x1E400] =	vst v63  }
0x9c: {  	_ =	swait.ge [sflag:s20], $0x4000  }
0x9d: {  	[sflag:s20] =	ssyncset.done $0x0  }
0x9e: {  	s30 =	sadd.s32 $0x180, s30;
	[sflag:s20] =	ssyncadd.s32 $0xFFFFC000  }
0x9f: {  	[tilespmem:s22], [sflag:$0x2] =	stream.indirect.gather [hbm4b:s1+s21], $0x80, s30, s21, $0xb8;
	[tilespmem:$0x1E400] =	vst v63  }
0xa0: {  	_ =	swait.ge [sflag:s23], $0x4000  }
0xa1: {  	[sflag:s23] =	ssyncset.done $0x0  }
0xa2: {  	[sflag:s23] =	ssyncadd.s32 $0xFFFFC000  }
0xa3: {  	[spmem:s2] =	stream.indirect.scatter.add.f32 [tilespmem:s17], [sflag:$0x5], $0x80, s25, s21, $0xb8;
	[tilespmem:$0x1E400] =	vst v63  }
0xa4: {  	_ =	swait.ge [sflag:s18], $0x4000  }
0xa5: {  	[sflag:s18] =	ssyncset.done $0x0  }
0xa6: {  	[sflag:s18] =	ssyncadd.s32 $0xFFFFC000  }
0xa7: {  	_ =	swait.ge [sflag:s24], $0x4000  }
0xa8: {  	[sflag:s24] =	ssyncset.done $0x0  }
0xa9: {  	[sflag:s24] =	ssyncadd.s32 $0xFFFFC000  }
0xaa: {  	[spmem:s2] =	stream.indirect.scatter.add.f32 [tilespmem:s22], [sflag:$0x5], $0x80, s26, s21, $0xb8;
	[tilespmem:$0x1E400] =	vst v63  }
0xab: {  	_ =	swait.ge [sflag:s18], $0x4000  }
0xac: {  	s29 =	sshll.u32 s3, $0x6;
	s28 =	sadd.s32 $0x1, s28;
	[sflag:s18] =	ssyncset.done $0x0  }
0xad: {  	s31 =	sshrl.u32 s7, $0x3;
	p0 =	sne.s32 s28, s15;
	[sflag:s18] =	ssyncadd.s32 $0xFFFFC000  }
.Ltmp3:
0xae: {  	s29 =	sor.u32 $0x1C05, s29;
	[bflag:$0x0] =	sbarrier.arrive $0xFFFF;
	(pc) =	sbr.rel @p0 .LBB2_1-.Ltmp3, $4  }
0xaf: {  	[hbm:s14], [sflag:s29] =	dma.local [spmem:s31], $0x2780  }
0xb0: {  	_ =	swait.ge [sflag:s18], $0x2780  }
0xb1: {  	[sflag:s18] =	ssyncset.done $0x0  }
0xb2: {  	[sflag:s18] =	ssyncadd.s32 $0xFFFFD880  }
0xb3: {  	_ =	sfence.sel $0x180000  }
0xb4: {  	[bflag:$0x0] =	sbarrier.arrive $0xFFFF  }
0xb5: {  	p0 =	sne.s32 s3, $0x0;
	_ =	strace $0x9000004D  }
0xb6: {  	s0 =	sadd.s32 @!p0 $0x100000, s0;
	[bflag:$0x2] =	sbarrier.arrive $0xFFFF  }
0xb7: {  	[sflag:s0] =	ssyncadd.tile.s32 @!p0 $0x1;
	_ =	shalt  }
.Lfunc_end2:
_tile_overlayer_lowered:
.L_overlay_start_2:
0xb8: {  	(tag) =	ssettag $0x2  }
0xb9: {  	s0 =	rddreg [dreg:$0x0];
	s2 =	stileid.u32  }
0xba: {  	s1 =	rddreg [dreg:$0x1];
	p0 =	sne.s32 s2, $0x0  }
0xbb: {  	s3 =	rddreg [dreg:$0x2];
	[bflag:$0x3] =	sbarrier.arrive $0xFFFF;
	s2 =	simm.s32 @!p0 $0x1C05  }
0xbc: {  	[timem:s3], [sflag:s2] =	dma.local @!p0 [hbm:s0], s1  }
0xbd: {  	s0 =	simm.s32 @!p0 $0x5  }
0xbe: {  	_ =	swait.ge @!p0 [sflag:s0], s1  }
0xbf: {  	s1 =	ssub.s32 @!p0 $0x0, s1;
	[sflag:s0] =	ssyncset.done @!p0 $0x0  }
0xc0: {  	[sflag:s0] =	ssyncadd.s32 @!p0 s1  }
0xc1: {  	[bflag:$0x3] =	sbarrier.arrive $0xFFFF  }
0xc2: {  	_ =	shalt  }

// kernel: kernel.19.cloned.1.call-start
scs
__scs_entry_jumppad:
0x0: {  	(pc) =	sbr.rel $0x88, $3  }
0x1: {  	(tag) =	ssettag $0x0;
	lr =	simm.s32 $0x1  }
0x2: {  	[smem:$0x3F93] =	sst lr;
	_ =	strace $0xD0000000  }
0x3: {  	_ = 	snop  }
0x4: {  	_ = 	snop  }
0x5: {  	_ = 	snop  }
0x6: {  	_ = 	snop  }
0x7: {  	_ = 	snop  }
__scs_overlays_trampoline_lowered:
0x8: {  	[smem:$0x3FA2] =	sst s0  }
0x9: {  	[smem:$0x3FA3] =	sst s1  }
0xa: {  	[smem:$0x3FA4] =	sst s2  }
0xb: {  	[smem:$0x3FA5] =	sst s3  }
0xc: {  	[smem:$0x3FA6] =	sst s4  }
0xd: {  	[smem:$0x3FA7] =	sst s5  }
0xe: {  	[smem:$0x3FA8] =	sst s6  }
0xf: {  	[smem:$0x3FA9] =	sst s7  }
0x10: {  	[smem:$0x3FAA] =	sst s8  }
0x11: {  	[smem:$0x3FAB] =	sst s9;
	s0 =	simm.s32 @!p0 $0x0  }
0x12: {  	s1 =	sld [smem:$0x3F91];
	s0 =	simm.s32 @p0 $0x1  }
0x13: {  	[smem:$0x3FAC] =	sst s0;
	s0 =	simm.s32 @!p1 $0x0  }
0x14: {  	s2 =	sld [smem:$0x3F90];
	s0 =	simm.s32 @p1 $0x1  }
0x15: {  	[smem:$0x3FAD] =	sst s0;
	s0 =	simm.s32 @!p2 $0x0  }
0x16: {  	s3 =	sld [smem:$0x3FDB];
	s0 =	simm.s32 @p2 $0x1  }
0x17: {  	s4 =	simm.s32 $0x1BF5;
	[smem:$0x3FAF] =	sst s0  }
0x18: {  	s0 =	sld [smem:$0x3F92];
	_ =	swait.ge [sflag:s4], $0x0  }
0x19: {  	s7 =	sld [smem:$0x3F93]  }
0x1a: {  	s8 =	sadd.s32 $0xFFFFE003, lr  }
0x1b: {  	s9 =	sadd.s32 $0xFFFFFEF7, lr;
	s5 =	simm.s32 $0xFFFFFFFF;
	p2 =	slt.u32 s8, $0xFFFFF086  }
0x1c: {  	p1 =	slt.u32 s9, $0xF7A;
	s5 =	simm.s32 @!p2 $0x0  }
0x1d: {  	s5 =	simm.s32 @p1 $0x1;
	p0 =	seq.s32 s7, s2  }
0x1e: {  	s7 =	smul.u32 @!p0 $0xF7A, s2;
	p2 =	seq.s32 @!p0 s5, $0x0  }
0x1f: {  	s9 =	smul.u32 $0xF7A, s1;
	s8 =	simm.s32 @!p0 $0x1BF5;
	p2 =	por !p2, p0  }
0x20: {  	[sflag:s8] =	ssyncset.s32 @!p0 $0xFFFFF086;
	s6 =	sadd.s32 @!p0 s3, s7;
	s7 =	simm.s32 @!p0 $0x108  }
0x21: {  	s3 =	sadd.s32 s3, s9;
	s6 =	sadd.s32 @!p0 $0x88, s6;
	s7 =	simm.s32 @p2 $0x1082  }
0x22: {  	[simem:s7], [sflag:s8] =	dma.local @!p0 [hbm:s6], $0xF7A  }
0x23: {  	s9 =	sor.u32 $0xD0000000, s2;
	s6 =	simm.s32 $0x108;
	_ =	swait.ge @!p0 [sflag:s8], $0x0  }
0x24: {  	s3 =	sadd.s32 $0x88, s3;
	s6 =	simm.s32 @!p1 $0x1082;
	[sflag:s4] =	ssyncset.s32 $0xFFFFF086  }
0x25: {  	[simem:s6], [sflag:s4] =	dma.local [hbm:s3], $0xF7A  }
0x26: {  	[smem:$0x3F93] =	sst s1;
	(tag) =	ssettag s2;
	_ =	strace s9  }
0x27: {  	s1 =	sld [smem:$0x3FA3]  }
0x28: {  	s2 =	sld [smem:$0x3FA4]  }
0x29: {  	s4 =	sld [smem:$0x3FA6]  }
0x2a: {  	p0 =	seq.s32 s5, $0x0;
	s5 =	sld [smem:$0x3FA7]  }
0x2b: {  	s6 =	sld [smem:$0x3FA8]  }
0x2c: {  	s7 =	sld [smem:$0x3FA9]  }
0x2d: {  	s3 =	simm.s32 $0x108;
	s8 =	sld [smem:$0x3FAA]  }
0x2e: {  	s3 =	simm.s32 @!p0 $0x1082;
	s9 =	sld [smem:$0x3FAB]  }
0x2f: {  	lr =	sadd.s32 s0, s3;
	s0 =	sld [smem:$0x3FA2]  }
0x30: {  	s3 =	sld [smem:$0x3FA5]  }
0x31: {  	[smem:$0x3FAE] =	sst s10  }
0x32: {  	s10 =	sld [smem:$0x3FAC];
	_ =	sdelay $0x3  }
0x33: {  	p0 =	seq.s32 s10, $0x1;
	s10 =	sld [smem:$0x3FAE];
	_ =	sdelay $0x3  }
0x34: {  	[smem:$0x3FAE] =	sst s10  }
0x35: {  	s10 =	sld [smem:$0x3FAD];
	_ =	sdelay $0x3  }
0x36: {  	p1 =	seq.s32 s10, $0x1;
	s10 =	sld [smem:$0x3FAE];
	_ =	sdelay $0x3  }
0x37: {  	[smem:$0x3FAE] =	sst s10  }
0x38: {  	s10 =	sld [smem:$0x3FAF]  }
0x39: {  	_ = 	snop;
	(pc) =	sbr.ind lr, $3  }
0x3a: {  	_ = 	snop  }
0x3b: {  	_ = 	snop  }
0x3c: {  	p2 =	seq.s32 s10, $0x1;
	s10 =	sld [smem:$0x3FAE]  }
0x3d: {  	_ =	shalt  }
0x3e: {  	_ =	shalt  }
0x3f: {  	_ =	shalt  }
0x40: {  	_ =	shalt  }
0x41: {  	_ =	shalt  }
0x42: {  	_ =	shalt  }
0x43: {  	_ =	shalt  }
0x44: {  	_ =	shalt  }
0x45: {  	_ =	shalt  }
0x46: {  	_ =	shalt  }
0x47: {  	_ =	shalt  }
0x48: {  	_ =	shalt  }
0x49: {  	_ =	shalt  }
0x4a: {  	_ =	shalt  }
0x4b: {  	_ =	shalt  }
0x4c: {  	_ =	shalt  }
0x4d: {  	_ =	shalt  }
0x4e: {  	_ =	shalt  }
0x4f: {  	_ =	shalt  }
0x50: {  	_ =	shalt  }
0x51: {  	_ =	shalt  }
0x52: {  	_ =	shalt  }
0x53: {  	_ =	shalt  }
0x54: {  	_ =	shalt  }
0x55: {  	_ =	shalt  }
0x56: {  	_ =	shalt  }
0x57: {  	_ =	shalt  }
0x58: {  	_ =	shalt  }
0x59: {  	_ =	shalt  }
0x5a: {  	_ =	shalt  }
0x5b: {  	_ =	shalt  }
0x5c: {  	_ =	shalt  }
0x5d: {  	_ =	shalt  }
0x5e: {  	_ =	shalt  }
0x5f: {  	_ =	shalt  }
0x60: {  	_ =	shalt  }
0x61: {  	_ =	shalt  }
0x62: {  	_ =	shalt  }
0x63: {  	_ =	shalt  }
0x64: {  	_ =	shalt  }
0x65: {  	_ =	shalt  }
0x66: {  	_ =	shalt  }
0x67: {  	_ =	shalt  }
0x68: {  	_ =	shalt  }
0x69: {  	_ =	shalt  }
0x6a: {  	_ =	shalt  }
0x6b: {  	_ =	shalt  }
0x6c: {  	_ =	shalt  }
0x6d: {  	_ =	shalt  }
0x6e: {  	_ =	shalt  }
0x6f: {  	_ =	shalt  }
0x70: {  	_ =	shalt  }
0x71: {  	_ =	shalt  }
0x72: {  	_ =	shalt  }
0x73: {  	_ =	shalt  }
0x74: {  	_ =	shalt  }
0x75: {  	_ =	shalt  }
0x76: {  	_ =	shalt  }
0x77: {  	_ =	shalt  }
0x78: {  	_ =	shalt  }
0x79: {  	_ =	shalt  }
0x7a: {  	_ =	shalt  }
0x7b: {  	_ =	shalt  }
0x7c: {  	_ =	shalt  }
0x7d: {  	_ =	shalt  }
0x7e: {  	_ =	shalt  }
0x7f: {  	_ =	shalt  }
0x80: {  	_ =	shalt  }
0x81: {  	_ =	shalt  }
0x82: {  	_ =	shalt  }
0x83: {  	_ =	shalt  }
0x84: {  	_ =	shalt  }
0x85: {  	_ =	shalt  }
0x86: {  	_ =	shalt  }
0x87: {  	_ =	shalt  }
.Lfunc_end0:
.L_simem_size_0:
called_computation.3_lowered:
.L_overlay_start_0:
0x88: {  	s2 =	sld [smem:$0x3FD9]  }
0x89: {  	s3 =	sld [smem:$0x3FFE];
	_ =	sdelay $0x1  }
0x8a: {  	s1 =	srdreg.scid  }
0x8b: {  	s0 =	sand.u32 $0x1, s1  }
0x8c: {  	s14 =	sshll.u32 s0, $0xA;
	s2 =	sadd.s32 s3, s2  }
0x8d: {  	s2 =	sadd.s32 s2, s14  }
0x8e: {  	[smem:$0x3FBA] =	sst s2  }
0x8f: {  	_ = 	snop  }
0x90: {  	s2 =	sld [smem:$0x3FD0];
	_ =	sdelay $0x2  }
0x91: {  	s15 =	simm.s32 $0xA;
	s4 =	simm.s32 $0x10  }
0x92: {  	[smem:s4], [sflag:s15] =	dma.local [hbm:s2], $0x1  }
0x93: {  	_ =	swait.eq [sflag:s15], $0x1  }
0x94: {  	[sflag:s15] =	ssyncset.done $0x0  }
0x95: {  	[sflag:s15] =	ssyncadd.s32 $0xFFFFFFFF  }
0x96: {  	s16 =	sld [smem:$0x11];
	(tm) =	ssettm $0x1  }
0x97: {  	s17 =	sld [smem:$0x3FFB];
	_ =	sdelay $0x3  }
0x98: {  	_ =	strace s17  }
0x99: {  	s3 =	sld [smem:$0x3FFC];
	_ =	sdelay $0x3  }
0x9a: {  	_ =	strace s3  }
0x9b: {  	s3 =	sld [smem:$0x3FFD];
	_ =	sdelay $0x3  }
0x9c: {  	_ =	strace s3  }
0x9d: {  	_ =	strace $0x8FFFFFFF  }
0x9e: {  	s18 =	sld [smem:$0x3FDB];
	_ =	sdelay $0x1  }
0x9f: {  	s19 =	simm.s32 $_scs_section_size  }
0xa0: {  	s5 =	simm.s32 $_size__tile_overlayer_lowered;
	s6 =	simm.s32 $_tile_overlayer_lowered  }
0xa1: {  	s22 =	simm.s32 $0x1BFF;
	s21 =	sshll.u32 s6, $0x1;
	s3 =	sadd.s32 s19, s18  }
0xa2: {  	s7 =	simm.s32 $0x0;
	s20 =	sshll.u32 s5, $0x1;
	s5 =	sadd.s32 s21, s3  }
0xa3: {  	[timem:s7], [sflag:s22] =	dma.local [hbm:s5], s20  }
0xa4: {  	_ =	swait.ge [sflag:s22], s20  }
0xa5: {  	s4 =	ssub.s32 $0x0, s20;
	[sflag:s22] =	ssyncset.done $0x0  }
0xa6: {  	[sflag:s22] =	ssyncadd.s32 s4;
	_ =	sdelay $0x1  }
0xa7: {  	s23 =	simm.s32 $0x1B8B  }
0xa8: {  	_ =	swait.ge [sflag:s23], $0x1  }
0xa9: {  	[sflag:s23] =	ssyncset.done $0x0  }
0xaa: {  	s25 =	simm.s32 $0x1B8E;
	s24 =	sld [smem:$0x3FFE];
	[sflag:s23] =	ssyncadd.s32 $0xFFFFFFFF  }
0xab: {  	s26 =	simm.s32 $execute0_lowered;
	[smem:$0x3FD2] =	sst s25  }
0xac: {  	s5 =	sshll.u32 s26, $0x1;
	_ =	strace $0x8000004F;
	[dreg:$0x1] =	wrdreg $0xFFFFFFFF  }
0xad: {  	s28 =	simm.s32 $_size_execute0_lowered;
	s3 =	sadd.s32 s3, s5;
	[dreg:$0x0] =	wrdreg $0x0  }
0xae: {  	s5 =	sshll.u32 s28, $0x1;
	[dreg:$0x2] =	wrdreg s3  }
0xaf: {  	[dreg:$0x3] =	wrdreg s5  }
0xb0: {  	[dreg:$0x4] =	wrdreg $0xC0  }
0xb1: {  	_ =	task [dreg:s7], $0x5FFFF  }
0xb2: {  	[dreg:$0x1] =	wrdreg $0xFFFFFFFF  }
0xb3: {  	[dreg:$0x0] =	wrdreg $0x60  }
0xb4: {  	[dreg:$0x2] =	wrdreg s16  }
0xb5: {  	[dreg:$0x3] =	wrdreg s24  }
0xb6: {  	[dreg:$0x4] =	wrdreg $0xA8000  }
0xb7: {  	[dreg:$0x5] =	wrdreg $0x9  }
0xb8: {  	_ =	task.clear_ibuf [dreg:s7], $0x6FFFF;
	_ =	strace $0x9000004F  }
0xb9: {  	s29 =	simm.s32 $0x9;
	_ =	strace $0x80000051  }
0xba: {  	_ =	swait.ge [sflag:s29], $0x1  }
0xbb: {  	[sflag:s29] =	ssyncadd.s32 $0xFFFFFFFF  }
0xbc: {  	_ =	strace $0x90000051  }
0xbd: {  	_ =	sfence  }
0xbe: {  	s30 =	sld [smem:$0x0];
	_ =	sdelay $0x2  }
0xbf: {  	s31 =	sshll.u32 s1, $0xD;
	s1 =	sshrl.u32 s1, $0x2  }
0xc0: {  	s3 =	sand.u32 $0x4000, s31;
	s1 =	sadd.s32 s1, s30  }
0xc1: {  	s0 =	sor.u32 s3, s0;
	s1 =	sshll.u32 s1, $0x11  }
0xc2: {  	s0 =	sor.u32 s1, s0  }
0xc3: {  	s0 =	sadd.s32 $0x8F2B, s0  }
0xc4: {  	[sflag:s0] =	ssyncadd.remote.s32 $0x1  }
0xc5: {  	_ =	sfence.sel $0xFFFF  }
0xc6: {  	[dreg:$0x0] =	wrdreg $0xFFFFFFFF;
	(pc) =	sbr.abs _section_cstart, $3  }
0xc7: {  	[dreg:$0x1] =	wrdreg $0xFFFFFFFF  }
0xc8: {  	_ =	task.clear_ibuf [dreg:s7], $0x2FFFF;
	_ =	strace $0x9FFFFFFF  }
0xc9: {  	(tm) =	ssettm $0x7FFFFFFF  }
tec
execute0_lowered:
.L_overlay_start_1:
0x0: {  	(tag) =	ssettag $0x1  }
0x1: {  	s1 =	rddreg [dreg:$0x0]  }
0x2: {  	s5 =	rddreg [dreg:$0x1]  }
0x3: {  	s2 =	rddreg [dreg:$0x2]  }
0x4: {  	s3 =	srdreg.scid;
	s0 =	rddreg [dreg:$0x3]  }
0x5: {  	s4 =	simm.s32 $0x0;
	s17 =	simm.s32 $0x2800;
	s18 =	simm.s32 $0x5  }
0x6: {  	s19 =	simm.s32 $0x3;
	s20 =	simm.s32 $0x4;
	s21 =	simm.s32 $0x80  }
0x7: {  	s22 =	simm.s32 $0x6800;
	s23 =	simm.s32 $0x1;
	s24 =	simm.s32 $0x2  }
0x8: {  	s25 =	simm.s32 $0x2700;
	s6 =	sand.u32 $0x1, s3;
	s3 =	stileid.u32  }
0x9: {  	s28 =	simm.s32 $0x0;
	[smem:$0x7FF] =	sst s4;
	s7 =	smul.u32 $0x13C000, s6  }
0xa: {  	s12 =	sadd.s32 $0x4A00, s5;
	s13 =	sadd.s32 $0xEA00, s5;
	s8 =	smul.u32 $0x13C00, s3  }
0xb: {  	s9 =	sshll.u32 s6, $0x4;
	_ =	strace $0x80000050;
	s6 =	ssub.s32 $0x2, s6  }
0xc: {  	s29 =	smul.u32 $0x4F000, s3;
	s9 =	sor.u32 s3, s9;
	s30 =	sshrl.u32 s6, $0x1  }
0xd: {  	s7 =	sadd.s32 s8, s7;
	s26 =	smul.u32 $0x2800, s9;
	s15 =	ssub.s32 s6, s30  }
0xe: {  	s31 =	sshrl.u32 s29, $0x2;
	s7 =	sshrl.u32 s7, $0x3;
	s15 =	smax.u32 s15, $0x1  }
0xf: {  	s14 =	sadd.s32 s7, s5;
	s10 =	sshrl.u32 s26, $0x3;
	s7 =	sadd.s32 s31, s2  }
0x10: {  	s26 =	simm.s32 $0x2780;
	s5 =	sadd.s32 s12, s10;
	s6 =	sadd.s32 s13, s10  }
0x11: {  	s8 =	sadd.s32 $0x4000, s7;
	s9 =	sadd.s32 $0x8000, s7;
	s16 =	sadd.s32 $0x280, s10  }
0x12: {  	s10 =	sadd.s32 $0xC000, s7;
	s11 =	sadd.s32 $0x10000, s7;
	s14 =	sadd.s32 $0x18A00, s14  }
0x13: {  	v0 =	vimm.f32 $0.0e+00;
	s12 =	sadd.s32 s12, s16;
	s13 =	sadd.s32 s13, s16;
	s16 =	simm.s32 $0x1400  }
.LBB2_1:
0x14: {  	[tilespmem:s4], [sflag:$0x3] =	stream.linear.gather [hbm4b:s5+s4], $0x1400, $0x38;
	[tilespmem:$0x1E400] =	vst v63  }
0x15: {  	s29 =	simm.s32 $0x0;
	s30 =	simm.s32 $0x200  }
0x16: {  	[tilespmem:s16], [sflag:$0x4] =	stream.linear.gather [hbm4b:s6+s4], $0x1400, $0x38;
	[tilespmem:$0x1E400] =	vst v63  }
.LBB2_2:
0x17: {  	p0 =	sne.s32 s30, $0xFE00;
	[tilespmem:s29+$0x2870] =	vst v0  }
0x18: {  	[tilespmem:s29+$0x2800] =	vst v0  }
0x19: {  	[tilespmem:s29+$0x2810] =	vst v0  }
.Ltmp0:
0x1a: {  	[tilespmem:s29+$0x2820] =	vst v0;
	(pc) =	sbr.rel @p0 .LBB2_2-.Ltmp0, $4  }
0x1b: {  	[tilespmem:s29+$0x2830] =	vst v0  }
0x1c: {  	[tilespmem:s29+$0x2840] =	vst v0  }
0x1d: {  	[tilespmem:s29+$0x2850] =	vst v0  }
0x1e: {  	[tilespmem:s29+$0x2860] =	vst v0;
	s29 =	sshra.s32 s30, $0x2;
	s30 =	sadd.s32 $0x200, s30  }
0x1f: {  	[tilespmem:s29+$0x2870] =	vst v0  }
0x20: {  	[tilespmem:s29+$0x2800] =	vst v0  }
0x21: {  	[tilespmem:s29+$0x2810] =	vst v0  }
0x22: {  	[tilespmem:s29+$0x2820] =	vst v0  }
0x23: {  	[tilespmem:s29+$0x2830] =	vst v0  }
0x24: {  	[tilespmem:s29+$0x2840] =	vst v0  }
0x25: {  	[tilespmem:s29+$0x2850] =	vst v0  }
0x26: {  	[tilespmem:s29+$0x2860] =	vst v0  }
0x27: {  	[spmem:s7] =	stream.linear.scatter [tilespmem:s17], [sflag:$0x5], $0x4000, $0x38;
	[tilespmem:$0x1E400] =	vst v63  }
0x28: {  	_ =	swait.ge [sflag:s18], $0x4000  }
0x29: {  	[sflag:s18] =	ssyncset.done $0x0  }
0x2a: {  	[sflag:s18] =	ssyncadd.s32 $0xFFFFC000  }
0x2b: {  	[spmem:s8] =	stream.linear.scatter [tilespmem:s17], [sflag:$0x5], $0x4000, $0x38;
	[tilespmem:$0x1E400] =	vst v63  }
0x2c: {  	_ =	swait.ge [sflag:s18], $0x4000  }
0x2d: {  	[sflag:s18] =	ssyncset.done $0x0  }
0x2e: {  	[sflag:s18] =	ssyncadd.s32 $0xFFFFC000  }
0x2f: {  	[spmem:s9] =	stream.linear.scatter [tilespmem:s17], [sflag:$0x5], $0x4000, $0x38;
	[tilespmem:$0x1E400] =	vst v63  }
0x30: {  	_ =	swait.ge [sflag:s18], $0x4000  }
0x31: {  	[sflag:s18] =	ssyncset.done $0x0  }
0x32: {  	[sflag:s18] =	ssyncadd.s32 $0xFFFFC000  }
0x33: {  	[spmem:s10] =	stream.linear.scatter [tilespmem:s17], [sflag:$0x5], $0x4000, $0x38;
	[tilespmem:$0x1E400] =	vst v63  }
0x34: {  	_ =	swait.ge [sflag:s18], $0x4000  }
0x35: {  	[sflag:s18] =	ssyncset.done $0x0  }
0x36: {  	[sflag:s18] =	ssyncadd.s32 $0xFFFFC000  }
0x37: {  	[spmem:s11] =	stream.linear.scatter [tilespmem:s17], [sflag:$0x5], $0x3C00, $0x38;
	[tilespmem:$0x1E400] =	vst v63  }
0x38: {  	_ =	swait.ge [sflag:s18], $0x3C00  }
0x39: {  	[sflag:s18] =	ssyncset.done $0x0  }
0x3a: {  	[sflag:s18] =	ssyncadd.s32 $0xFFFFC400  }
0x3b: {  	_ =	swait.ge [sflag:s19], $0x1400  }
0x3c: {  	[sflag:s19] =	ssyncset.done $0x0  }
0x3d: {  	[sflag:s19] =	ssyncadd.s32 $0xFFFFEC00  }
0x3e: {  	_ =	swait.ge [sflag:s20], $0x1400  }
0x3f: {  	[sflag:s20] =	ssyncset.done $0x0  }
0x40: {  	s29 =	simm.s32 $0x0;
	[sflag:s20] =	ssyncadd.s32 $0xFFFFEC00  }
0x41: {  	[tilespmem:s17], [sflag:$0x1] =	stream.indirect.gather [hbm4b:s1+s21], $0x80, s29, s21, $0xb8;
	[tilespmem:$0x1E400] =	vst v63  }
0x42: {  	_ = 	snop  }
0x43: {  	[tilespmem:s22], [sflag:$0x2] =	stream.indirect.gather [hbm4b:s1+s21], $0x80, s21, s21, $0xb8;
	[tilespmem:$0x1E400] =	vst v63  }
0x44: {  	[bflag:$0x0] =	sbarrier.arrive $0xFFFF  }
0x45: {  	_ =	swait.ge [sflag:s23], $0x4000  }
0x46: {  	[sflag:s23] =	ssyncset.done $0x0  }
0x47: {  	s29 =	simm.s32 $0x1400;
	[sflag:s23] =	ssyncadd.s32 $0xFFFFC000  }
0x48: {  	[spmem:s2] =	stream.indirect.scatter.add.f32 [tilespmem:s17], [sflag:$0x3], $0x80, s29, s21, $0xb8;
	[tilespmem:$0x1E400] =	vst v63  }
0x49: {  	_ =	swait.ge [sflag:s24], $0x4000  }
0x4a: {  	[sflag:s24] =	ssyncset.done $0x0  }
0x4b: {  	s29 =	simm.s32 $0x1480;
	[sflag:s24] =	ssyncadd.s32 $0xFFFFC000  }
0x4c: {  	[spmem:s2] =	stream.indirect.scatter.add.f32 [tilespmem:s22], [sflag:$0x4], $0x80, s29, s21, $0xb8;
	[tilespmem:$0x1E400] =	vst v63  }
0x4d: {  	_ =	swait.ge [sflag:s19], $0x4000  }
0x4e: {  	[sflag:s19] =	ssyncset.done $0x0  }
0x4f: {  	s29 =	simm.s32 $0x100;
	[sflag:s19] =	ssyncadd.s32 $0xFFFFC000  }
0x50: {  	[tilespmem:s17], [sflag:$0x1] =	stream.indirect.gather [hbm4b:s1+s21], $0x80, s29, s21, $0xb8;
	[tilespmem:$0x1E400] =	vst v63  }
0x51: {  	_ =	swait.ge [sflag:s20], $0x4000  }
0x52: {  	[sflag:s20] =	ssyncset.done $0x0  }
0x53: {  	s30 =	simm.s32 $0x180;
	s29 =	simm.s32 $0x400;
	[sflag:s20] =	ssyncadd.s32 $0xFFFFC000  }
.LBB2_4:
0x54: {  	[tilespmem:s22], [sflag:$0x2] =	stream.indirect.gather [hbm4b:s1+s21], $0x80, s30, s21, $0xb8;
	[tilespmem:$0x1E400] =	vst v63  }
0x55: {  	s30 =	smov.u32 s29  }
0x56: {  	p0 =	sne.s32 s29, $0x4800;
	s29 =	sadd.s32 $0x400, s29;
	_ =	swait.ge [sflag:s23], $0x4000  }
0x57: {  	s30 =	sshra.s32 s30, $0x2;
	[sflag:s23] =	ssyncset.done $0x0  }
0x58: {  	s31 =	sadd.s32 $0x1400, s30;
	[sflag:s23] =	ssyncadd.s32 $0xFFFFC000  }
0x59: {  	[spmem:s2] =	stream.indirect.scatter.add.f32 [tilespmem:s17], [sflag:$0x3], $0x80, s31, s21, $0xb8;
	[tilespmem:$0x1E400] =	vst v63  }
0x5a: {  	_ =	swait.ge [sflag:s24], $0x4000  }
0x5b: {  	[sflag:s24] =	ssyncset.done $0x0  }
0x5c: {  	s31 =	sadd.s32 $0x1480, s30;
	[sflag:s24] =	ssyncadd.s32 $0xFFFFC000  }
0x5d: {  	[spmem:s2] =	stream.indirect.scatter.add.f32 [tilespmem:s22], [sflag:$0x4], $0x80, s31, s21, $0xb8;
	[tilespmem:$0x1E400] =	vst v63  }
0x5e: {  	_ =	swait.ge [sflag:s19], $0x4000  }
0x5f: {  	[sflag:s19] =	ssyncset.done $0x0  }
.Ltmp1:
0x60: {  	s31 =	sadd.s32 $0x100, s30;
	[sflag:s19] =	ssyncadd.s32 $0xFFFFC000;
	(pc) =	sbr.rel @p0 .LBB2_4-.Ltmp1, $4  }
0x61: {  	[tilespmem:s17], [sflag:$0x1] =	stream.indirect.gather [hbm4b:s1+s21], $0x80, s31, s21, $0xb8;
	[tilespmem:$0x1E400] =	vst v63  }
0x62: {  	_ =	swait.ge [sflag:s20], $0x4000  }
0x63: {  	[sflag:s20] =	ssyncset.done $0x0  }
0x64: {  	s30 =	sadd.s32 $0x180, s30;
	[sflag:s20] =	ssyncadd.s32 $0xFFFFC000  }
0x65: {  	[tilespmem:s22], [sflag:$0x2] =	stream.indirect.gather [hbm4b:s1+s21], $0x80, s30, s21, $0xb8;
	[tilespmem:$0x1E400] =	vst v63  }
0x66: {  	_ =	swait.ge [sflag:s23], $0x4000  }
0x67: {  	[sflag:s23] =	ssyncset.done $0x0  }
0x68: {  	[sflag:s23] =	ssyncadd.s32 $0xFFFFC000  }
0x69: {  	[spmem:s2] =	stream.indirect.scatter.add.f32 [tilespmem:s17], [sflag:$0x5], $0x80, s25, s21, $0xb8;
	[tilespmem:$0x1E400] =	vst v63  }
0x6a: {  	_ =	swait.ge [sflag:s18], $0x4000  }
0x6b: {  	[sflag:s18] =	ssyncset.done $0x0  }
0x6c: {  	[sflag:s18] =	ssyncadd.s32 $0xFFFFC000  }
0x6d: {  	_ =	swait.ge [sflag:s24], $0x4000  }
0x6e: {  	[sflag:s24] =	ssyncset.done $0x0  }
0x6f: {  	[sflag:s24] =	ssyncadd.s32 $0xFFFFC000  }
0x70: {  	[spmem:s2] =	stream.indirect.scatter.add.f32 [tilespmem:s22], [sflag:$0x5], $0x80, s26, s21, $0xb8;
	[tilespmem:$0x1E400] =	vst v63  }
0x71: {  	_ =	swait.ge [sflag:s18], $0x4000  }
0x72: {  	[sflag:s18] =	ssyncset.done $0x0  }
0x73: {  	s29 =	simm.s32 $0x0;
	[sflag:s18] =	ssyncadd.s32 $0xFFFFC000  }
0x74: {  	[tilespmem:s29], [sflag:$0x5] =	stream.linear.gather [hbm4b:s12+s29], $0x1400, $0x38;
	[tilespmem:$0x1E400] =	vst v63  }
0x75: {  	_ =	swait.ge [sflag:s18], $0x1400  }
0x76: {  	[sflag:s18] =	ssyncset.done $0x0  }
0x77: {  	[sflag:s18] =	ssyncadd.s32 $0xFFFFEC00  }
0x78: {  	[tilespmem:s16], [sflag:$0x5] =	stream.linear.gather [hbm4b:s13+s29], $0x1400, $0x38;
	[tilespmem:$0x1E400] =	vst v63  }
0x79: {  	_ =	swait.ge [sflag:s18], $0x1400  }
0x7a: {  	[sflag:s18] =	ssyncset.done $0x0  }
0x7b: {  	[sflag:s18] =	ssyncadd.s32 $0xFFFFEC00  }
0x7c: {  	[tilespmem:s17], [sflag:$0x1] =	stream.indirect.gather [hbm4b:s1+s21], $0x80, s29, s21, $0xb8;
	[tilespmem:$0x1E400] =	vst v63  }
0x7d: {  	_ = 	snop  }
0x7e: {  	[tilespmem:s22], [sflag:$0x2] =	stream.indirect.gather [hbm4b:s1+s21], $0x80, s21, s21, $0xb8;
	[tilespmem:$0x1E400] =	vst v63  }
0x7f: {  	_ =	swait.ge [sflag:s23], $0x4000  }
0x80: {  	[sflag:s23] =	ssyncset.done $0x0  }
0x81: {  	s29 =	simm.s32 $0x1400;
	[sflag:s23] =	ssyncadd.s32 $0xFFFFC000  }
0x82: {  	[spmem:s2] =	stream.indirect.scatter.add.f32 [tilespmem:s17], [sflag:$0x3], $0x80, s29, s21, $0xb8;
	[tilespmem:$0x1E400] =	vst v63  }
0x83: {  	_ =	swait.ge [sflag:s24], $0x4000  }
0x84: {  	[sflag:s24] =	ssyncset.done $0x0  }
0x85: {  	s29 =	simm.s32 $0x1480;
	[sflag:s24] =	ssyncadd.s32 $0xFFFFC000  }
0x86: {  	[spmem:s2] =	stream.indirect.scatter.add.f32 [tilespmem:s22], [sflag:$0x4], $0x80, s29, s21, $0xb8;
	[tilespmem:$0x1E400] =	vst v63  }
0x87: {  	_ =	swait.ge [sflag:s19], $0x4000  }
0x88: {  	[sflag:s19] =	ssyncset.done $0x0  }
0x89: {  	s29 =	simm.s32 $0x100;
	[sflag:s19] =	ssyncadd.s32 $0xFFFFC000  }
0x8a: {  	[tilespmem:s17], [sflag:$0x1] =	stream.indirect.gather [hbm4b:s1+s21], $0x80, s29, s21, $0xb8;
	[tilespmem:$0x1E400] =	vst v63  }
0x8b: {  	_ =	swait.ge [sflag:s20], $0x4000  }
0x8c: {  	[sflag:s20] =	ssyncset.done $0x0  }
0x8d: {  	s30 =	simm.s32 $0x180;
	s29 =	simm.s32 $0x400;
	[sflag:s20] =	ssyncadd.s32 $0xFFFFC000  }
.LBB2_6:
0x8e: {  	[tilespmem:s22], [sflag:$0x2] =	stream.indirect.gather [hbm4b:s1+s21], $0x80, s30, s21, $0xb8;
	[tilespmem:$0x1E400] =	vst v63  }
0x8f: {  	s30 =	smov.u32 s29  }
0x90: {  	p0 =	sne.s32 s29, $0x4800;
	s29 =	sadd.s32 $0x400, s29;
	_ =	swait.ge [sflag:s23], $0x4000  }
0x91: {  	s30 =	sshra.s32 s30, $0x2;
	[sflag:s23] =	ssyncset.done $0x0  }
0x92: {  	s31 =	sadd.s32 $0x1400, s30;
	[sflag:s23] =	ssyncadd.s32 $0xFFFFC000  }
0x93: {  	[spmem:s2] =	stream.indirect.scatter.add.f32 [tilespmem:s17], [sflag:$0x3], $0x80, s31, s21, $0xb8;
	[tilespmem:$0x1E400] =	vst v63  }
0x94: {  	_ =	swait.ge [sflag:s24], $0x4000  }
0x95: {  	[sflag:s24] =	ssyncset.done $0x0  }
0x96: {  	s31 =	sadd.s32 $0x1480, s30;
	[sflag:s24] =	ssyncadd.s32 $0xFFFFC000  }
0x97: {  	[spmem:s2] =	stream.indirect.scatter.add.f32 [tilespmem:s22], [sflag:$0x4], $0x80, s31, s21, $0xb8;
	[tilespmem:$0x1E400] =	vst v63  }
0x98: {  	_ =	swait.ge [sflag:s19], $0x4000  }
0x99: {  	[sflag:s19] =	ssyncset.done $0x0  }
.Ltmp2:
0x9a: {  	s31 =	sadd.s32 $0x100, s30;
	[sflag:s19] =	ssyncadd.s32 $0xFFFFC000;
	(pc) =	sbr.rel @p0 .LBB2_6-.Ltmp2, $4  }
0x9b: {  	[tilespmem:s17], [sflag:$0x1] =	stream.indirect.gather [hbm4b:s1+s21], $0x80, s31, s21, $0xb8;
	[tilespmem:$0x1E400] =	vst v63  }
0x9c: {  	_ =	swait.ge [sflag:s20], $0x4000  }
0x9d: {  	[sflag:s20] =	ssyncset.done $0x0  }
0x9e: {  	s30 =	sadd.s32 $0x180, s30;
	[sflag:s20] =	ssyncadd.s32 $0xFFFFC000  }
0x9f: {  	[tilespmem:s22], [sflag:$0x2] =	stream.indirect.gather [hbm4b:s1+s21], $0x80, s30, s21, $0xb8;
	[tilespmem:$0x1E400] =	vst v63  }
0xa0: {  	_ =	swait.ge [sflag:s23], $0x4000  }
0xa1: {  	[sflag:s23] =	ssyncset.done $0x0  }
0xa2: {  	[sflag:s23] =	ssyncadd.s32 $0xFFFFC000  }
0xa3: {  	[spmem:s2] =	stream.indirect.scatter.add.f32 [tilespmem:s17], [sflag:$0x5], $0x80, s25, s21, $0xb8;
	[tilespmem:$0x1E400] =	vst v63  }
0xa4: {  	_ =	swait.ge [sflag:s18], $0x4000  }
0xa5: {  	[sflag:s18] =	ssyncset.done $0x0  }
0xa6: {  	[sflag:s18] =	ssyncadd.s32 $0xFFFFC000  }
0xa7: {  	_ =	swait.ge [sflag:s24], $0x4000  }
0xa8: {  	[sflag:s24] =	ssyncset.done $0x0  }
0xa9: {  	[sflag:s24] =	ssyncadd.s32 $0xFFFFC000  }
0xaa: {  	[spmem:s2] =	stream.indirect.scatter.add.f32 [tilespmem:s22], [sflag:$0x5], $0x80, s26, s21, $0xb8;
	[tilespmem:$0x1E400] =	vst v63  }
0xab: {  	_ =	swait.ge [sflag:s18], $0x4000  }
0xac: {  	s29 =	sshll.u32 s3, $0x6;
	s28 =	sadd.s32 $0x1, s28;
	[sflag:s18] =	ssyncset.done $0x0  }
0xad: {  	s31 =	sshrl.u32 s7, $0x3;
	p0 =	sne.s32 s28, s15;
	[sflag:s18] =	ssyncadd.s32 $0xFFFFC000  }
.Ltmp3:
0xae: {  	s29 =	sor.u32 $0x1C05, s29;
	[bflag:$0x0] =	sbarrier.arrive $0xFFFF;
	(pc) =	sbr.rel @p0 .LBB2_1-.Ltmp3, $4  }
0xaf: {  	[hbm:s14], [sflag:s29] =	dma.local [spmem:s31], $0x2780  }
0xb0: {  	_ =	swait.ge [sflag:s18], $0x2780  }
0xb1: {  	[sflag:s18] =	ssyncset.done $0x0  }
0xb2: {  	[sflag:s18] =	ssyncadd.s32 $0xFFFFD880  }
0xb3: {  	_ =	sfence.sel $0x180000  }
0xb4: {  	[bflag:$0x0] =	sbarrier.arrive $0xFFFF  }
0xb5: {  	p0 =	sne.s32 s3, $0x0;
	_ =	strace $0x90000050  }
0xb6: {  	s0 =	sadd.s32 @!p0 $0x100000, s0;
	[bflag:$0x2] =	sbarrier.arrive $0xFFFF  }
0xb7: {  	[sflag:s0] =	ssyncadd.tile.s32 @!p0 $0x1;
	_ =	shalt  }
.Lfunc_end2:
_tile_overlayer_lowered:
.L_overlay_start_2:
0xb8: {  	(tag) =	ssettag $0x2  }
0xb9: {  	s0 =	rddreg [dreg:$0x0];
	s2 =	stileid.u32  }
0xba: {  	s1 =	rddreg [dreg:$0x1];
	p0 =	sne.s32 s2, $0x0  }
0xbb: {  	s3 =	rddreg [dreg:$0x2];
	[bflag:$0x3] =	sbarrier.arrive $0xFFFF;
	s2 =	simm.s32 @!p0 $0x1C05  }
0xbc: {  	[timem:s3], [sflag:s2] =	dma.local @!p0 [hbm:s0], s1  }
0xbd: {  	s0 =	simm.s32 @!p0 $0x5  }
0xbe: {  	_ =	swait.ge @!p0 [sflag:s0], s1  }
0xbf: {  	s1 =	ssub.s32 @!p0 $0x0, s1;
	[sflag:s0] =	ssyncset.done @!p0 $0x0  }
0xc0: {  	[sflag:s0] =	ssyncadd.s32 @!p0 s1  }
0xc1: {  	[bflag:$0x3] =	sbarrier.arrive $0xFFFF  }
0xc2: {  	_ =	shalt  }

</sc_bundles>
